<compile_context>
chip_gen: v7x
topology: tpu7x:2x2x1
jax: 0.10.2.dev20260603
libtpu: 0.0.44.dev20260713+nightly
codegen_flags: <defaults>
</compile_context>

<pallas_src>
import functools

import jax
import jax.numpy as jnp
from jax import lax
from jax.experimental import pallas as pl
from jax.experimental.pallas import tpu as pltpu
from jax.experimental.pallas import tpu_sc as plsc

_PH = 7
_PW = 7
_SCALE = 7.0
_L = 16
_NC = 2
_NS = 16


def _splat(v):
    return jnp.full((_L,), v, dtype=jnp.int32)


def _prep_taps(t, size):
    valid = (t >= -1.0) & (t <= float(size))
    t0 = jnp.minimum(jnp.maximum(t, 0.0), float(size))
    tl = t0.astype(jnp.int32)
    cond = tl >= size - 1
    lo = jnp.minimum(tl, size - 1)
    hi = jnp.where(cond, size - 1, tl + 1)
    frac = jnp.where(cond, 0.0, t0 - lo.astype(jnp.float32))
    vf = jnp.where(valid, 1.0, 0.0)
    return lo, hi, (1.0 - frac) * vf, frac * vf


@functools.lru_cache(maxsize=None)
def _make_sc_kernel(N, C, H, W):
    NPTS = _PH * _PW
    HW = H * W
    NWORK = _NC * _NS
    RPW = -(-N // NWORK)
    RPW += RPW % 2
    NGRP = -(-NPTS // _L)
    NP = N + _L

    mesh = plsc.VectorSubcoreMesh(core_axis_name="c", subcore_axis_name="s")

    assert N % 8 == 0 and C % 128 == 0
    NROWS = _PH * _PW * (N // 8) * (C // 128) * 8
    RPR = NPTS * (C // 128)
    PSTRIDE = (N // 8) * (C // 128) * 8

    @functools.partial(
        pl.kernel,
        out_type=jax.ShapeDtypeStruct((NROWS, 128), jnp.float32),
        mesh=mesh,
        scratch_types=[
            pltpu.VMEM((HW, C), jnp.float32),
            pltpu.VMEM((4, NP), jnp.float32),
            pltpu.VMEM((2, RPR, 128), jnp.float32),
            pltpu.VMEM((2, RPR), jnp.int32),
            pltpu.VMEM((4, _L), jnp.int32),
            pltpu.VMEM((4, _L), jnp.float32),
            pltpu.VMEM((NGRP * _L * 8,), jnp.int32),
            pltpu.SemaphoreType.DMA,
            pltpu.SemaphoreType.DMA,
        ],
        compiler_params=pltpu.CompilerParams(use_tc_tiling_on_sc=False,
                                             needs_layout_passes=False),
    )
    def sc_kernel(table_hbm, sw_hbm, sh_hbm, bw_hbm, bh_hbm, out_hbm, tbl_v,
                  s4, obuf, oidx, idx_s, w_s, rec_s, sem0, sem1):
        sems = (sem0, sem1)
        wid = lax.axis_index("s") * _NC + lax.axis_index("c")
        base = wid * RPW
        stage = [pltpu.async_copy(table_hbm, tbl_v, sem0)]
        for t, src in enumerate((sw_hbm, sh_hbm, bw_hbm, bh_hbm)):
            stage.append(pltpu.async_copy(src, s4.at[t, pl.ds(0, N)], sem1))
        for d in stage:
            d.wait()
        i16 = jnp.arange(_L, dtype=jnp.int32)
        f16 = i16.astype(jnp.float32)
        lane4 = jnp.minimum(i16, 3)

        def compute_roi(groi, slot):
            rv = plsc.load_gather(s4, [lane4, _splat(groi)])
            sw = jnp.full((_L,), rv[0], dtype=jnp.float32)
            sh = jnp.full((_L,), rv[1], dtype=jnp.float32)
            bw = jnp.full((_L,), rv[2], dtype=jnp.float32)
            bh = jnp.full((_L,), rv[3], dtype=jnp.float32)
            y = sh + (f16 + 0.5) * bh
            x = sw + (f16 + 0.5) * bw
            ylo, yhi, wyl, wyh = _prep_taps(y, H)
            xlo, xhi, wxl, wxh = _prep_taps(x, W)
            idx_s[0, :] = ylo * W
            idx_s[1, :] = yhi * W
            idx_s[2, :] = xlo
            idx_s[3, :] = xhi
            w_s[0, :] = wyl
            w_s[1, :] = wyh
            w_s[2, :] = wxl
            w_s[3, :] = wxh
            for g in range(NGRP):
                p = jnp.minimum(i16 + _L * g, NPTS - 1)
                ph = p // _PW
                pw = p % _PW
                gy = [plsc.load_gather(idx_s, [_splat(t), ph]) for t in (0, 1)]
                gx = [plsc.load_gather(idx_s, [_splat(t), pw]) for t in (2, 3)]
                wy = [plsc.load_gather(w_s, [_splat(t), ph]) for t in (0, 1)]
                wx = [plsc.load_gather(w_s, [_splat(t), pw]) for t in (2, 3)]
                i16_8 = i16 * 8
                for t, (a, b) in enumerate(((0, 0), (0, 1), (1, 0), (1, 1))):
                    plsc.store_scatter(rec_s, [i16_8 + (8 * _L * g + t)],
                                       gy[a] + gx[b])
                    plsc.store_scatter(rec_s, [i16_8 + (8 * _L * g + t + 4)],
                                       plsc.bitcast(wy[a] * wx[b], jnp.int32))

            base_n = (groi // 8) * ((C // 128) * 8) + groi % 8
            bn_v = _splat(base_n)
            for m in range(-(-RPR // _L)):
                r = i16 + _L * m
                val = (r >> 1) * PSTRIDE + (r & 1) * 8 + bn_v
                if _L * (m + 1) <= RPR:
                    oidx[slot, pl.ds(_L * m, _L)] = val
                else:
                    plsc.store_scatter(oidx, [_splat(slot), _L * m + i16],
                                       val, mask=i16 < (RPR - _L * m))

            @plsc.parallel_loop(0, NPTS, unroll=3)
            def pbody(p):
                rv = rec_s[pl.ds(p * 8, _L)]
                wv = plsc.bitcast(rv, jnp.float32)
                r0 = rv[0]
                r1 = rv[1]
                r2 = rv[2]
                r3 = rv[3]
                w0 = jnp.full((_L,), wv[4], dtype=jnp.float32)
                w1 = jnp.full((_L,), wv[5], dtype=jnp.float32)
                w2 = jnp.full((_L,), wv[6], dtype=jnp.float32)
                w3 = jnp.full((_L,), wv[7], dtype=jnp.float32)
                row2 = p * (C // 128)
                for k in range(C // _L):
                    ck = pl.ds(_L * k, _L)
                    acc = (w0 * tbl_v[r0, ck] + w1 * tbl_v[r1, ck]
                           + w2 * tbl_v[r2, ck] + w3 * tbl_v[r3, ck])
                    obuf[slot, row2 + k // 8, pl.ds((k % 8) * _L, _L)] = acc

        def pair_body(rr, _):
            for b in range(2):
                groi = jnp.minimum(base + 2 * rr + b, N - 1)

                @pl.when(rr > 0)
                def _wait():
                    pltpu.make_async_copy(obuf.at[b], out_hbm.at[oidx.at[b]],
                                          sems[b]).wait()

                compute_roi(groi, b)
                pltpu.async_copy(obuf.at[b], out_hbm.at[oidx.at[b]], sems[b])
            return 0

        lax.fori_loop(0, RPW // 2, pair_body, 0)
        for b in range(2):
            pltpu.make_async_copy(obuf.at[b], out_hbm.at[oidx.at[b]],
                                  sems[b]).wait()

    return sc_kernel


def kernel(features, rois):
    _, C, H, W = features.shape
    N = rois.shape[0]
    table = jnp.transpose(features.reshape(C, H * W))
    sw = rois[:, 1] * _SCALE
    sh = rois[:, 2] * _SCALE
    ew = rois[:, 3] * _SCALE
    eh = rois[:, 4] * _SCALE
    bw = jnp.maximum(ew - sw, 1.0) / _PW
    bh = jnp.maximum(eh - sh, 1.0) / _PH
    out = _make_sc_kernel(N, C, H, W)(table, sw, sh, bw, bh)
    out = out.reshape(_PH, _PW, N // 8, C // 128, 8, 128)
    out = jnp.transpose(out, (2, 4, 3, 5, 0, 1))
    return out.reshape(N, C, _PH, _PW)

# --- scband reference (transcript-rebuilt; emitter-appended) ---
"""Pipeline reference for scband-roi-align-py-torch-20066087207217 (READ-ONLY COPY).

The authoritative reference and input builder live on the scoring server;
editing this copy changes nothing except your own understanding.
"""

import jax, jax.numpy as jnp
import numpy as np

PH = 7
PW = 7
SCALE = 7.0

def setup_inputs(seed: int = 0):
    key = jax.random.key(seed)
    k1, k2 = jax.random.split(key)
    features = jax.random.normal(k1, (1, 256, 14, 14), dtype=jnp.float32)
    rois = jax.random.uniform(k2, (1000, 5), dtype=jnp.float32)
    return {"features": features, "rois": rois}

def _prep(t, size):
    valid = (t >= -1.0) & (t <= float(size))
    t0 = jnp.maximum(t, 0.0)
    tl = jnp.floor(t0)
    cond = tl >= size - 1
    tl = jnp.where(cond, size - 1.0, tl)
    teff = jnp.where(cond, size - 1.0, t0)
    frac = teff - tl
    low = tl.astype(jnp.int32)
    high = jnp.where(cond, size - 1, low + 1).astype(jnp.int32)
    return low, high, frac, valid

def _roi_align(features, rois, GH, GW):
    N, C, H, W = features.shape
    batch = rois[:, 0].astype(jnp.int32)
    sw = rois[:, 1] * SCALE
    sh = rois[:, 2] * SCALE
    ew = rois[:, 3] * SCALE
    eh = rois[:, 4] * SCALE
    roi_w = jnp.maximum(ew - sw, 1.0)
    roi_h = jnp.maximum(eh - sh, 1.0)
    bin_h = roi_h / PH
    bin_w = roi_w / PW
    grid_h = jnp.ceil(roi_h / PH)
    grid_w = jnp.ceil(roi_w / PW)
    iy = jnp.arange(GH, dtype=jnp.float32)
    ix = jnp.arange(GW, dtype=jnp.float32)
    ph = jnp.arange(PH, dtype=jnp.float32)
    pw = jnp.arange(PW, dtype=jnp.float32)
    y = sh[:, None, None] + ph[None, :, None] * bin_h[:, None, None] + (iy[None, None, :] + 0.5) * bin_h[:, None, None] / grid_h[:, None, None]
    x = sw[:, None, None] + pw[None, :, None] * bin_w[:, None, None] + (ix[None, None, :] + 0.5) * bin_w[:, None, None] / grid_w[:, None, None]
    my = iy[None, None, :] < grid_h[:, None, None]
    mx = ix[None, None, :] < grid_w[:, None, None]
    ylo, yhi, ly, vy = _prep(y, H)
    xlo, xhi, lx, vx = _prep(x, W)
    hy = 1.0 - ly
    hx = 1.0 - lx
    bcy = lambda a: a[:, :, None, :, None]
    bcx = lambda a: a[:, None, :, None, :]
    valid = bcy(vy & my) & bcx(vx & mx)
    B = batch[:, None, None, None, None]
    def g(yi, xi):
        return features[B, :, bcy(yi), bcx(xi)]
    acc = g(ylo, xlo) * (bcy(hy) * bcx(hx))[..., None]
    acc = acc + g(ylo, xhi) * (bcy(hy) * bcx(lx))[..., None]
    acc = acc + g(yhi, xlo) * (bcy(ly) * bcx(hx))[..., None]
    acc = acc + g(yhi, xhi) * (bcy(ly) * bcx(lx))[..., None]
    acc = jnp.where(valid[..., None], acc, 0.0)
    count = jnp.maximum(grid_h * grid_w, 1.0)
    out = acc.sum(axis=(3, 4)) / count[:, None, None, None]
    return jnp.transpose(out, (0, 3, 1, 2))

def _grids(rois):
    roi_w = jnp.maximum((rois[:, 3] - rois[:, 1]) * SCALE, 1.0)
    roi_h = jnp.maximum((rois[:, 4] - rois[:, 2]) * SCALE, 1.0)
    GH = int(np.ceil(SCALE / PH))
    GW = int(np.ceil(SCALE / PW))
    return max(GH, 1), max(GW, 1)

def reference(features, rois):
    GH, GW = _grids(rois)
    return _roi_align(features, rois, GH, GW)

if __name__ == "__main__":
    import jax
    _d = setup_inputs()
    print(jax.jit(kernel)(*tuple(_d.values())))

</pallas_src>

<mosaic_0001>
#map = affine_map<(d0, d1) -> (0, 0)>
#map1 = affine_map<(d0, d1) -> (0)>
module attributes {stable_mosaic.version = 14 : i64} {
  func.func @sc_kernel(%arg0: i32, %arg1: i32, %arg2: memref<196x256xf32, #tpu.memory_space<hbm>>, %arg3: memref<1000xf32, #tpu.memory_space<hbm>>, %arg4: memref<1000xf32, #tpu.memory_space<hbm>>, %arg5: memref<1000xf32, #tpu.memory_space<hbm>>, %arg6: memref<1000xf32, #tpu.memory_space<hbm>>, %arg7: memref<98000x128xf32, #tpu.memory_space<hbm>>, %arg8: memref<196x256xf32, #tpu.memory_space<vmem>>, %arg9: memref<4x1016xf32, #tpu.memory_space<vmem>>, %arg10: memref<2x98x128xf32, #tpu.memory_space<vmem>>, %arg11: memref<2x98xi32, #tpu.memory_space<vmem>>, %arg12: memref<4x16xi32, #tpu.memory_space<vmem>>, %arg13: memref<4x16xf32, #tpu.memory_space<vmem>>, %arg14: memref<512xi32, #tpu.memory_space<vmem>>, %arg15: memref<!tpu.dma_semaphore, #tpu.memory_space<semaphore_mem>>, %arg16: memref<!tpu.dma_semaphore, #tpu.memory_space<semaphore_mem>>) attributes {dimension_semantics = [#tpu.dimension_semantics<core_parallel>, #tpu.dimension_semantics<subcore_parallel>], iteration_bounds = array<i64: 2, 16>, scalar_prefetch = 0 : i64, scratch_operands = 9 : i64, tpu.core_type = #tpu.core_type<sc_vector_subcore>, window_params = [{transform_indices = #map}, {transform_indices = #map1}, {transform_indices = #map1}, {transform_indices = #map1}, {transform_indices = #map1}, {transform_indices = #map}]} {
    %mul3A = arith.constant 2 : i32
    %mul3A_0 = arith.muli %arg1, %mul3A : i32
    %add3A = arith.addi %mul3A_0, %arg0 : i32
    %mul3A_1 = arith.constant 32 : i32
    %mul3A_2 = arith.muli %add3A, %mul3A_1 : i32
    tpu.enqueue_dma source(%arg2 : memref<196x256xf32, #tpu.memory_space<hbm>>) target(%arg8 : memref<196x256xf32, #tpu.memory_space<vmem>>) target_semaphore(%arg15 : memref<!tpu.dma_semaphore, #tpu.memory_space<semaphore_mem>>)
    %dma_start3A = arith.constant 0 : i32
    %dma_start3A_3 = arith.constant 0 : i32
    %dma_start3A_4 = tpu.memref_slice %arg9[%dma_start3A, %dma_start3A_3] : memref<4x1016xf32, #tpu.memory_space<vmem>> -> memref<1x1000xf32, #tpu.memory_space<vmem>>
    %dma_start3A_5 = tpu.memref_squeeze %dma_start3A_4 : memref<1x1000xf32, #tpu.memory_space<vmem>> -> memref<1000xf32, #tpu.memory_space<vmem>>
    %dma_start3A_6 = arith.constant 0 : i32
    %dma_start3A_7 = tpu.memref_slice %arg9[%dma_start3A, %dma_start3A_6] : memref<4x1016xf32, #tpu.memory_space<vmem>> -> memref<1x1000xf32, #tpu.memory_space<vmem>>
    %dma_start3A_8 = tpu.memref_squeeze %dma_start3A_7 : memref<1x1000xf32, #tpu.memory_space<vmem>> -> memref<1000xf32, #tpu.memory_space<vmem>>
    tpu.enqueue_dma source(%arg3 : memref<1000xf32, #tpu.memory_space<hbm>>) target(%dma_start3A_8 : memref<1000xf32, #tpu.memory_space<vmem>>) target_semaphore(%arg16 : memref<!tpu.dma_semaphore, #tpu.memory_space<semaphore_mem>>)
    %dma_start3A_9 = arith.constant 1 : i32
    %dma_start3A_10 = arith.constant 0 : i32
    %dma_start3A_11 = tpu.memref_slice %arg9[%dma_start3A_9, %dma_start3A_10] : memref<4x1016xf32, #tpu.memory_space<vmem>> -> memref<1x1000xf32, #tpu.memory_space<vmem>>
    %dma_start3A_12 = tpu.memref_squeeze %dma_start3A_11 : memref<1x1000xf32, #tpu.memory_space<vmem>> -> memref<1000xf32, #tpu.memory_space<vmem>>
    %dma_start3A_13 = arith.constant 0 : i32
    %dma_start3A_14 = tpu.memref_slice %arg9[%dma_start3A_9, %dma_start3A_13] : memref<4x1016xf32, #tpu.memory_space<vmem>> -> memref<1x1000xf32, #tpu.memory_space<vmem>>
    %dma_start3A_15 = tpu.memref_squeeze %dma_start3A_14 : memref<1x1000xf32, #tpu.memory_space<vmem>> -> memref<1000xf32, #tpu.memory_space<vmem>>
    tpu.enqueue_dma source(%arg4 : memref<1000xf32, #tpu.memory_space<hbm>>) target(%dma_start3A_15 : memref<1000xf32, #tpu.memory_space<vmem>>) target_semaphore(%arg16 : memref<!tpu.dma_semaphore, #tpu.memory_space<semaphore_mem>>)
    %dma_start3A_16 = arith.constant 2 : i32
    %dma_start3A_17 = arith.constant 0 : i32
    %dma_start3A_18 = tpu.memref_slice %arg9[%dma_start3A_16, %dma_start3A_17] : memref<4x1016xf32, #tpu.memory_space<vmem>> -> memref<1x1000xf32, #tpu.memory_space<vmem>>
    %dma_start3A_19 = tpu.memref_squeeze %dma_start3A_18 : memref<1x1000xf32, #tpu.memory_space<vmem>> -> memref<1000xf32, #tpu.memory_space<vmem>>
    %dma_start3A_20 = arith.constant 0 : i32
    %dma_start3A_21 = tpu.memref_slice %arg9[%dma_start3A_16, %dma_start3A_20] : memref<4x1016xf32, #tpu.memory_space<vmem>> -> memref<1x1000xf32, #tpu.memory_space<vmem>>
    %dma_start3A_22 = tpu.memref_squeeze %dma_start3A_21 : memref<1x1000xf32, #tpu.memory_space<vmem>> -> memref<1000xf32, #tpu.memory_space<vmem>>
    tpu.enqueue_dma source(%arg5 : memref<1000xf32, #tpu.memory_space<hbm>>) target(%dma_start3A_22 : memref<1000xf32, #tpu.memory_space<vmem>>) target_semaphore(%arg16 : memref<!tpu.dma_semaphore, #tpu.memory_space<semaphore_mem>>)
    %dma_start3A_23 = arith.constant 3 : i32
    %dma_start3A_24 = arith.constant 0 : i32
    %dma_start3A_25 = tpu.memref_slice %arg9[%dma_start3A_23, %dma_start3A_24] : memref<4x1016xf32, #tpu.memory_space<vmem>> -> memref<1x1000xf32, #tpu.memory_space<vmem>>
    %dma_start3A_26 = tpu.memref_squeeze %dma_start3A_25 : memref<1x1000xf32, #tpu.memory_space<vmem>> -> memref<1000xf32, #tpu.memory_space<vmem>>
    %dma_start3A_27 = arith.constant 0 : i32
    %dma_start3A_28 = tpu.memref_slice %arg9[%dma_start3A_23, %dma_start3A_27] : memref<4x1016xf32, #tpu.memory_space<vmem>> -> memref<1x1000xf32, #tpu.memory_space<vmem>>
    %dma_start3A_29 = tpu.memref_squeeze %dma_start3A_28 : memref<1x1000xf32, #tpu.memory_space<vmem>> -> memref<1000xf32, #tpu.memory_space<vmem>>
    tpu.enqueue_dma source(%arg6 : memref<1000xf32, #tpu.memory_space<hbm>>) target(%dma_start3A_29 : memref<1000xf32, #tpu.memory_space<vmem>>) target_semaphore(%arg16 : memref<!tpu.dma_semaphore, #tpu.memory_space<semaphore_mem>>)
    tpu.wait_dma2 semaphore(%arg15 : memref<!tpu.dma_semaphore, #tpu.memory_space<semaphore_mem>>) src(%arg2 : memref<196x256xf32, #tpu.memory_space<hbm>>) dst(%arg8 : memref<196x256xf32, #tpu.memory_space<vmem>>)
    %dma_wait3A = arith.constant 0 : i32
    %dma_wait3A_30 = arith.constant 0 : i32
    %dma_wait3A_31 = tpu.memref_slice %arg9[%dma_wait3A, %dma_wait3A_30] : memref<4x1016xf32, #tpu.memory_space<vmem>> -> memref<1x1000xf32, #tpu.memory_space<vmem>>
    %dma_wait3A_32 = tpu.memref_squeeze %dma_wait3A_31 : memref<1x1000xf32, #tpu.memory_space<vmem>> -> memref<1000xf32, #tpu.memory_space<vmem>>
    %dma_wait3A_33 = arith.constant 0 : i32
    %dma_wait3A_34 = tpu.memref_slice %arg9[%dma_wait3A, %dma_wait3A_33] : memref<4x1016xf32, #tpu.memory_space<vmem>> -> memref<1x1000xf32, #tpu.memory_space<vmem>>
    %dma_wait3A_35 = tpu.memref_squeeze %dma_wait3A_34 : memref<1x1000xf32, #tpu.memory_space<vmem>> -> memref<1000xf32, #tpu.memory_space<vmem>>
    tpu.wait_dma2 semaphore(%arg16 : memref<!tpu.dma_semaphore, #tpu.memory_space<semaphore_mem>>) src(%arg3 : memref<1000xf32, #tpu.memory_space<hbm>>) dst(%dma_wait3A_35 : memref<1000xf32, #tpu.memory_space<vmem>>)
    %dma_wait3A_36 = arith.constant 1 : i32
    %dma_wait3A_37 = arith.constant 0 : i32
    %dma_wait3A_38 = tpu.memref_slice %arg9[%dma_wait3A_36, %dma_wait3A_37] : memref<4x1016xf32, #tpu.memory_space<vmem>> -> memref<1x1000xf32, #tpu.memory_space<vmem>>
    %dma_wait3A_39 = tpu.memref_squeeze %dma_wait3A_38 : memref<1x1000xf32, #tpu.memory_space<vmem>> -> memref<1000xf32, #tpu.memory_space<vmem>>
    %dma_wait3A_40 = arith.constant 0 : i32
    %dma_wait3A_41 = tpu.memref_slice %arg9[%dma_wait3A_36, %dma_wait3A_40] : memref<4x1016xf32, #tpu.memory_space<vmem>> -> memref<1x1000xf32, #tpu.memory_space<vmem>>
    %dma_wait3A_42 = tpu.memref_squeeze %dma_wait3A_41 : memref<1x1000xf32, #tpu.memory_space<vmem>> -> memref<1000xf32, #tpu.memory_space<vmem>>
    tpu.wait_dma2 semaphore(%arg16 : memref<!tpu.dma_semaphore, #tpu.memory_space<semaphore_mem>>) src(%arg4 : memref<1000xf32, #tpu.memory_space<hbm>>) dst(%dma_wait3A_42 : memref<1000xf32, #tpu.memory_space<vmem>>)
    %dma_wait3A_43 = arith.constant 2 : i32
    %dma_wait3A_44 = arith.constant 0 : i32
    %dma_wait3A_45 = tpu.memref_slice %arg9[%dma_wait3A_43, %dma_wait3A_44] : memref<4x1016xf32, #tpu.memory_space<vmem>> -> memref<1x1000xf32, #tpu.memory_space<vmem>>
    %dma_wait3A_46 = tpu.memref_squeeze %dma_wait3A_45 : memref<1x1000xf32, #tpu.memory_space<vmem>> -> memref<1000xf32, #tpu.memory_space<vmem>>
    %dma_wait3A_47 = arith.constant 0 : i32
    %dma_wait3A_48 = tpu.memref_slice %arg9[%dma_wait3A_43, %dma_wait3A_47] : memref<4x1016xf32, #tpu.memory_space<vmem>> -> memref<1x1000xf32, #tpu.memory_space<vmem>>
    %dma_wait3A_49 = tpu.memref_squeeze %dma_wait3A_48 : memref<1x1000xf32, #tpu.memory_space<vmem>> -> memref<1000xf32, #tpu.memory_space<vmem>>
    tpu.wait_dma2 semaphore(%arg16 : memref<!tpu.dma_semaphore, #tpu.memory_space<semaphore_mem>>) src(%arg5 : memref<1000xf32, #tpu.memory_space<hbm>>) dst(%dma_wait3A_49 : memref<1000xf32, #tpu.memory_space<vmem>>)
    %dma_wait3A_50 = arith.constant 3 : i32
    %dma_wait3A_51 = arith.constant 0 : i32
    %dma_wait3A_52 = tpu.memref_slice %arg9[%dma_wait3A_50, %dma_wait3A_51] : memref<4x1016xf32, #tpu.memory_space<vmem>> -> memref<1x1000xf32, #tpu.memory_space<vmem>>
    %dma_wait3A_53 = tpu.memref_squeeze %dma_wait3A_52 : memref<1x1000xf32, #tpu.memory_space<vmem>> -> memref<1000xf32, #tpu.memory_space<vmem>>
    %dma_wait3A_54 = arith.constant 0 : i32
    %dma_wait3A_55 = tpu.memref_slice %arg9[%dma_wait3A_50, %dma_wait3A_54] : memref<4x1016xf32, #tpu.memory_space<vmem>> -> memref<1x1000xf32, #tpu.memory_space<vmem>>
    %dma_wait3A_56 = tpu.memref_squeeze %dma_wait3A_55 : memref<1x1000xf32, #tpu.memory_space<vmem>> -> memref<1000xf32, #tpu.memory_space<vmem>>
    tpu.wait_dma2 semaphore(%arg16 : memref<!tpu.dma_semaphore, #tpu.memory_space<semaphore_mem>>) src(%arg6 : memref<1000xf32, #tpu.memory_space<hbm>>) dst(%dma_wait3A_56 : memref<1000xf32, #tpu.memory_space<vmem>>)
    %iota3A = tpu.iota {dimensions = array<i32: 0>} : vector<16xi32>
    %convert_element_type3A = arith.sitofp %iota3A : vector<16xi32> to vector<16xf32>
    %min3A = arith.constant 3 : i32
    %min3A_57 = vector.broadcast %min3A : i32 to vector<16xi32>
    %min3A_58 = arith.minsi %iota3A, %min3A_57 : vector<16xi32>
    %scan3A = arith.constant 0 : i32
    %scan3A_59 = arith.constant 0 : i32
    %scan3A_60 = arith.constant 16 : i32
    %scan3A_61 = arith.addi %scan3A_59, %scan3A_60 : i32
    %scan3A_62 = arith.constant 1 : i32
    %scan3A_63 = scf.for %scan3A_89 = %scan3A_59 to %scan3A_61 step %scan3A_62 iter_args(%scan3A_90 = %scan3A) -> (i32)  : i32 {
      %mul3A_91 = arith.constant 2 : i32
      %mul3A_92 = arith.muli %mul3A_91, %scan3A_89 : i32
      %add3A_93 = arith.addi %mul3A_2, %mul3A_92 : i32
      %add3A_94 = arith.constant 0 : i32
      %add3A_95 = arith.addi %add3A_93, %add3A_94 : i32
      %min3A_96 = arith.constant 999 : i32
      %min3A_97 = arith.minsi %add3A_95, %min3A_96 : i32
      %gt3A = arith.constant 0 : i32
      %gt3A_98 = arith.cmpi sgt, %scan3A_89, %gt3A : i32
      %convert_element_type3A_99 = arith.extui %gt3A_98 : i1 to i32
      %cond3A = arith.constant 0 : i32
      %cond3A_100 = arith.cmpi ne, %convert_element_type3A_99, %cond3A : i32
      scf.if %cond3A_100 {
        %dma_wait3A_1777 = arith.constant 0 : i32
        %dma_wait3A_1778 = arith.constant 0 : i32
        %dma_wait3A_1779 = arith.constant 0 : i32
        %dma_wait3A_1780 = arith.constant 0 : i32
        %dma_wait3A_1781 = tpu.memref_slice %arg10[%dma_wait3A_1777, %dma_wait3A_1779, %dma_wait3A_1780] : memref<2x98x128xf32, #tpu.memory_space<vmem>> -> memref<1x98x128xf32, #tpu.memory_space<vmem>>
        %dma_wait3A_1782 = tpu.memref_squeeze %dma_wait3A_1781 : memref<1x98x128xf32, #tpu.memory_space<vmem>> -> memref<98x128xf32, #tpu.memory_space<vmem>>
        %dma_wait3A_1783 = arith.constant 0 : i32
        %dma_wait3A_1784 = tpu.memref_slice %arg11[%dma_wait3A_1778, %dma_wait3A_1783] : memref<2x98xi32, #tpu.memory_space<vmem>> -> memref<1x98xi32, #tpu.memory_space<vmem>>
        %dma_wait3A_1785 = tpu.memref_squeeze %dma_wait3A_1784 : memref<1x98xi32, #tpu.memory_space<vmem>> -> memref<98xi32, #tpu.memory_space<vmem>>
        %dma_wait3A_1786 = arith.constant 0 : i32
        %dma_wait3A_1787 = arith.constant 0 : i32
        %dma_wait3A_1788 = tpu.memref_slice %arg7[%dma_wait3A_1786, %dma_wait3A_1787] : memref<98000x128xf32, #tpu.memory_space<hbm>> -> memref<98000x128xf32, #tpu.memory_space<hbm>>
        tpu.wait_indirect_dma semaphore(%arg15 : memref<!tpu.dma_semaphore, #tpu.memory_space<semaphore_mem>>) src(%dma_wait3A_1782 : memref<98x128xf32, #tpu.memory_space<vmem>>) dst(%dma_wait3A_1788 : memref<98000x128xf32, #tpu.memory_space<hbm>>)
      } else {
      }
      %broadcast_in_dim3A = vector.broadcast %min3A_97 : i32 to vector<16xi32>
      %gather3A = tpu.vector_load_idx %arg9[%min3A_58, %broadcast_in_dim3A] : memref<4x1016xf32, #tpu.memory_space<vmem>>[vector<16xi32>, vector<16xi32>], vector<16xf32>,
      %slice3A = vector.extract_strided_slice %gather3A {offsets = [0], sizes = [1], strides = [1]} : vector<16xf32> to vector<1xf32>
      %squeeze3A = vector.extract %slice3A[0] : f32 from vector<1xf32>
      %broadcast_in_dim3A_101 = vector.broadcast %squeeze3A : f32 to vector<16xf32>
      %slice3A_102 = vector.extract_strided_slice %gather3A {offsets = [1], sizes = [1], strides = [1]} : vector<16xf32> to vector<1xf32>
      %squeeze3A_103 = vector.extract %slice3A_102[0] : f32 from vector<1xf32>
      %broadcast_in_dim3A_104 = vector.broadcast %squeeze3A_103 : f32 to vector<16xf32>
      %slice3A_105 = vector.extract_strided_slice %gather3A {offsets = [2], sizes = [1], strides = [1]} : vector<16xf32> to vector<1xf32>
      %squeeze3A_106 = vector.extract %slice3A_105[0] : f32 from vector<1xf32>
      %broadcast_in_dim3A_107 = vector.broadcast %squeeze3A_106 : f32 to vector<16xf32>
      %slice3A_108 = vector.extract_strided_slice %gather3A {offsets = [3], sizes = [1], strides = [1]} : vector<16xf32> to vector<1xf32>
      %squeeze3A_109 = vector.extract %slice3A_108[0] : f32 from vector<1xf32>
      %broadcast_in_dim3A_110 = vector.broadcast %squeeze3A_109 : f32 to vector<16xf32>
      %add3A_111 = arith.constant 5.000000e-01 : f32
      %add3A_112 = vector.broadcast %add3A_111 : f32 to vector<16xf32>
      %add3A_113 = arith.addf %convert_element_type3A, %add3A_112 : vector<16xf32>
      %mul3A_114 = arith.mulf %add3A_113, %broadcast_in_dim3A_110 : vector<16xf32>
      %add3A_115 = arith.addf %broadcast_in_dim3A_104, %mul3A_114 : vector<16xf32>
      %add3A_116 = arith.constant 5.000000e-01 : f32
      %add3A_117 = vector.broadcast %add3A_116 : f32 to vector<16xf32>
      %add3A_118 = arith.addf %convert_element_type3A, %add3A_117 : vector<16xf32>
      %mul3A_119 = arith.mulf %add3A_118, %broadcast_in_dim3A_107 : vector<16xf32>
      %add3A_120 = arith.addf %broadcast_in_dim3A_101, %mul3A_119 : vector<16xf32>
      %ge3A = arith.constant -1.000000e+00 : f32
      %ge3A_121 = vector.broadcast %ge3A : f32 to vector<16xf32>
      %ge3A_122 = arith.cmpf oge, %add3A_115, %ge3A_121 : vector<16xf32>
      %le3A = arith.constant 1.400000e+01 : f32
      %le3A_123 = vector.broadcast %le3A : f32 to vector<16xf32>
      %le3A_124 = arith.cmpf ole, %add3A_115, %le3A_123 : vector<16xf32>
      %and3A = arith.andi %ge3A_122, %le3A_124 : vector<16xi1>
      %max3A = arith.constant 0.000000e+00 : f32
      %max3A_125 = vector.broadcast %max3A : f32 to vector<16xf32>
      %max3A_126 = arith.maximumf %add3A_115, %max3A_125 : vector<16xf32>
      %min3A_127 = arith.constant 1.400000e+01 : f32
      %min3A_128 = vector.broadcast %min3A_127 : f32 to vector<16xf32>
      %min3A_129 = arith.minimumf %max3A_126, %min3A_128 : vector<16xf32>
      %convert_element_type3A_130 = arith.fptosi %min3A_129 : vector<16xf32> to vector<16xi32>
      %ge3A_131 = arith.constant 13 : i32
      %ge3A_132 = vector.broadcast %ge3A_131 : i32 to vector<16xi32>
      %ge3A_133 = arith.cmpi sge, %convert_element_type3A_130, %ge3A_132 : vector<16xi32>
      %min3A_134 = arith.constant 13 : i32
      %min3A_135 = vector.broadcast %min3A_134 : i32 to vector<16xi32>
      %min3A_136 = arith.minsi %convert_element_type3A_130, %min3A_135 : vector<16xi32>
      %add3A_137 = arith.constant 1 : i32
      %add3A_138 = vector.broadcast %add3A_137 : i32 to vector<16xi32>
      %add3A_139 = arith.addi %convert_element_type3A_130, %add3A_138 : vector<16xi32>
      %jit3A = arith.constant 13 : i32
      %broadcast_in_dim3A_140 = vector.broadcast %jit3A : i32 to vector<16xi32>
      %select_n3A = arith.select %ge3A_133, %broadcast_in_dim3A_140, %add3A_139 : vector<16xi1>, vector<16xi32>
      %convert_element_type3A_141 = arith.sitofp %min3A_136 : vector<16xi32> to vector<16xf32>
      %sub3A = arith.subf %min3A_129, %convert_element_type3A_141 : vector<16xf32>
      %jit3A_142 = arith.constant 0.000000e+00 : f32
      %broadcast_in_dim3A_143 = vector.broadcast %jit3A_142 : f32 to vector<16xf32>
      %select_n3A_144 = arith.select %ge3A_133, %broadcast_in_dim3A_143, %sub3A : vector<16xi1>, vector<16xf32>
      %jit3A_145 = arith.constant 1.000000e+00 : f32
      %jit3A_146 = arith.constant 0.000000e+00 : f32
      %broadcast_in_dim3A_147 = vector.broadcast %jit3A_145 : f32 to vector<16xf32>
      %broadcast_in_dim3A_148 = vector.broadcast %jit3A_146 : f32 to vector<16xf32>
      %select_n3A_149 = arith.select %and3A, %broadcast_in_dim3A_147, %broadcast_in_dim3A_148 : vector<16xi1>, vector<16xf32>
      %sub3A_150 = arith.constant 1.000000e+00 : f32
      %sub3A_151 = vector.broadcast %sub3A_150 : f32 to vector<16xf32>
      %sub3A_152 = arith.subf %sub3A_151, %select_n3A_144 : vector<16xf32>
      %mul3A_153 = arith.mulf %sub3A_152, %select_n3A_149 : vector<16xf32>
      %mul3A_154 = arith.mulf %select_n3A_144, %select_n3A_149 : vector<16xf32>
      %ge3A_155 = arith.constant -1.000000e+00 : f32
      %ge3A_156 = vector.broadcast %ge3A_155 : f32 to vector<16xf32>
      %ge3A_157 = arith.cmpf oge, %add3A_120, %ge3A_156 : vector<16xf32>
      %le3A_158 = arith.constant 1.400000e+01 : f32
      %le3A_159 = vector.broadcast %le3A_158 : f32 to vector<16xf32>
      %le3A_160 = arith.cmpf ole, %add3A_120, %le3A_159 : vector<16xf32>
      %and3A_161 = arith.andi %ge3A_157, %le3A_160 : vector<16xi1>
      %max3A_162 = arith.constant 0.000000e+00 : f32
      %max3A_163 = vector.broadcast %max3A_162 : f32 to vector<16xf32>
      %max3A_164 = arith.maximumf %add3A_120, %max3A_163 : vector<16xf32>
      %min3A_165 = arith.constant 1.400000e+01 : f32
      %min3A_166 = vector.broadcast %min3A_165 : f32 to vector<16xf32>
      %min3A_167 = arith.minimumf %max3A_164, %min3A_166 : vector<16xf32>
      %convert_element_type3A_168 = arith.fptosi %min3A_167 : vector<16xf32> to vector<16xi32>
      %ge3A_169 = arith.constant 13 : i32
      %ge3A_170 = vector.broadcast %ge3A_169 : i32 to vector<16xi32>
      %ge3A_171 = arith.cmpi sge, %convert_element_type3A_168, %ge3A_170 : vector<16xi32>
      %min3A_172 = arith.constant 13 : i32
      %min3A_173 = vector.broadcast %min3A_172 : i32 to vector<16xi32>
      %min3A_174 = arith.minsi %convert_element_type3A_168, %min3A_173 : vector<16xi32>
      %add3A_175 = arith.constant 1 : i32
      %add3A_176 = vector.broadcast %add3A_175 : i32 to vector<16xi32>
      %add3A_177 = arith.addi %convert_element_type3A_168, %add3A_176 : vector<16xi32>
      %jit3A_178 = arith.constant 13 : i32
      %broadcast_in_dim3A_179 = vector.broadcast %jit3A_178 : i32 to vector<16xi32>
      %select_n3A_180 = arith.select %ge3A_171, %broadcast_in_dim3A_179, %add3A_177 : vector<16xi1>, vector<16xi32>
      %convert_element_type3A_181 = arith.sitofp %min3A_174 : vector<16xi32> to vector<16xf32>
      %sub3A_182 = arith.subf %min3A_167, %convert_element_type3A_181 : vector<16xf32>
      %jit3A_183 = arith.constant 0.000000e+00 : f32
      %broadcast_in_dim3A_184 = vector.broadcast %jit3A_183 : f32 to vector<16xf32>
      %select_n3A_185 = arith.select %ge3A_171, %broadcast_in_dim3A_184, %sub3A_182 : vector<16xi1>, vector<16xf32>
      %jit3A_186 = arith.constant 1.000000e+00 : f32
      %jit3A_187 = arith.constant 0.000000e+00 : f32
      %broadcast_in_dim3A_188 = vector.broadcast %jit3A_186 : f32 to vector<16xf32>
      %broadcast_in_dim3A_189 = vector.broadcast %jit3A_187 : f32 to vector<16xf32>
      %select_n3A_190 = arith.select %and3A_161, %broadcast_in_dim3A_188, %broadcast_in_dim3A_189 : vector<16xi1>, vector<16xf32>
      %sub3A_191 = arith.constant 1.000000e+00 : f32
      %sub3A_192 = vector.broadcast %sub3A_191 : f32 to vector<16xf32>
      %sub3A_193 = arith.subf %sub3A_192, %select_n3A_185 : vector<16xf32>
      %mul3A_194 = arith.mulf %sub3A_193, %select_n3A_190 : vector<16xf32>
      %mul3A_195 = arith.mulf %select_n3A_185, %select_n3A_190 : vector<16xf32>
      %mul3A_196 = arith.constant 14 : i32
      %mul3A_197 = vector.broadcast %mul3A_196 : i32 to vector<16xi32>
      %mul3A_198 = arith.muli %min3A_136, %mul3A_197 : vector<16xi32>
      %swap3A = arith.constant 0 : i32
      %swap3A_199 = arith.index_cast %swap3A : i32 to index
      %swap3A_200 = arith.constant 0 : index
      %swap3A_201 = tpu.vector_load %arg12[%swap3A_199, %swap3A_200] {strides = array<i32>} : memref<4x16xi32, #tpu.memory_space<vmem>>, vector<16xi32>,
      tpu.vector_store %arg12[%swap3A_199, %swap3A_200], %mul3A_198 {strides = array<i32>} : memref<4x16xi32, #tpu.memory_space<vmem>>, vector<16xi32>,
      %mul3A_202 = arith.constant 14 : i32
      %mul3A_203 = vector.broadcast %mul3A_202 : i32 to vector<16xi32>
      %mul3A_204 = arith.muli %select_n3A, %mul3A_203 : vector<16xi32>
      %swap3A_205 = arith.constant 1 : i32
      %swap3A_206 = arith.index_cast %swap3A_205 : i32 to index
      %swap3A_207 = arith.constant 0 : index
      %swap3A_208 = tpu.vector_load %arg12[%swap3A_206, %swap3A_207] {strides = array<i32>} : memref<4x16xi32, #tpu.memory_space<vmem>>, vector<16xi32>,
      tpu.vector_store %arg12[%swap3A_206, %swap3A_207], %mul3A_204 {strides = array<i32>} : memref<4x16xi32, #tpu.memory_space<vmem>>, vector<16xi32>,
      %swap3A_209 = arith.constant 2 : i32
      %swap3A_210 = arith.index_cast %swap3A_209 : i32 to index
      %swap3A_211 = arith.constant 0 : index
      %swap3A_212 = tpu.vector_load %arg12[%swap3A_210, %swap3A_211] {strides = array<i32>} : memref<4x16xi32, #tpu.memory_space<vmem>>, vector<16xi32>,
      tpu.vector_store %arg12[%swap3A_210, %swap3A_211], %min3A_174 {strides = array<i32>} : memref<4x16xi32, #tpu.memory_space<vmem>>, vector<16xi32>,
      %swap3A_213 = arith.constant 3 : i32
      %swap3A_214 = arith.index_cast %swap3A_213 : i32 to index
      %swap3A_215 = arith.constant 0 : index
      %swap3A_216 = tpu.vector_load %arg12[%swap3A_214, %swap3A_215] {strides = array<i32>} : memref<4x16xi32, #tpu.memory_space<vmem>>, vector<16xi32>,
      tpu.vector_store %arg12[%swap3A_214, %swap3A_215], %select_n3A_180 {strides = array<i32>} : memref<4x16xi32, #tpu.memory_space<vmem>>, vector<16xi32>,
      %swap3A_217 = arith.constant 0 : i32
      %swap3A_218 = arith.index_cast %swap3A_217 : i32 to index
      %swap3A_219 = arith.constant 0 : index
      %swap3A_220 = tpu.vector_load %arg13[%swap3A_218, %swap3A_219] {strides = array<i32>} : memref<4x16xf32, #tpu.memory_space<vmem>>, vector<16xf32>,
      tpu.vector_store %arg13[%swap3A_218, %swap3A_219], %mul3A_153 {strides = array<i32>} : memref<4x16xf32, #tpu.memory_space<vmem>>, vector<16xf32>,
      %swap3A_221 = arith.constant 1 : i32
      %swap3A_222 = arith.index_cast %swap3A_221 : i32 to index
      %swap3A_223 = arith.constant 0 : index
      %swap3A_224 = tpu.vector_load %arg13[%swap3A_222, %swap3A_223] {strides = array<i32>} : memref<4x16xf32, #tpu.memory_space<vmem>>, vector<16xf32>,
      tpu.vector_store %arg13[%swap3A_222, %swap3A_223], %mul3A_154 {strides = array<i32>} : memref<4x16xf32, #tpu.memory_space<vmem>>, vector<16xf32>,
      %swap3A_225 = arith.constant 2 : i32
      %swap3A_226 = arith.index_cast %swap3A_225 : i32 to index
      %swap3A_227 = arith.constant 0 : index
      %swap3A_228 = tpu.vector_load %arg13[%swap3A_226, %swap3A_227] {strides = array<i32>} : memref<4x16xf32, #tpu.memory_space<vmem>>, vector<16xf32>,
      tpu.vector_store %arg13[%swap3A_226, %swap3A_227], %mul3A_194 {strides = array<i32>} : memref<4x16xf32, #tpu.memory_space<vmem>>, vector<16xf32>,
      %swap3A_229 = arith.constant 3 : i32
      %swap3A_230 = arith.index_cast %swap3A_229 : i32 to index
      %swap3A_231 = arith.constant 0 : index
      %swap3A_232 = tpu.vector_load %arg13[%swap3A_230, %swap3A_231] {strides = array<i32>} : memref<4x16xf32, #tpu.memory_space<vmem>>, vector<16xf32>,
      tpu.vector_store %arg13[%swap3A_230, %swap3A_231], %mul3A_195 {strides = array<i32>} : memref<4x16xf32, #tpu.memory_space<vmem>>, vector<16xf32>,
      %add3A_233 = arith.constant 0 : i32
      %add3A_234 = vector.broadcast %add3A_233 : i32 to vector<16xi32>
      %add3A_235 = arith.addi %iota3A, %add3A_234 : vector<16xi32>
      %min3A_236 = arith.constant 48 : i32
      %min3A_237 = vector.broadcast %min3A_236 : i32 to vector<16xi32>
      %min3A_238 = arith.minsi %add3A_235, %min3A_237 : vector<16xi32>
      %jit3A_239 = arith.constant 7 : i32
      %div3A = vector.broadcast %jit3A_239 : i32 to vector<16xi32>
      %div3A_240 = arith.divsi %min3A_238, %div3A : vector<16xi32>
      %sign3A = arith.constant 0 : i32
      %sign3A_241 = vector.broadcast %sign3A : i32 to vector<16xi32>
      %sign3A_242 = arith.cmpi sgt, %min3A_238, %sign3A_241 : vector<16xi32>
      %sign3A_243 = arith.extui %sign3A_242 : vector<16xi1> to vector<16xi32>
      %sign3A_244 = arith.constant 0 : i32
      %sign3A_245 = vector.broadcast %sign3A_244 : i32 to vector<16xi32>
      %sign3A_246 = arith.cmpi slt, %min3A_238, %sign3A_245 : vector<16xi32>
      %sign3A_247 = arith.extui %sign3A_246 : vector<16xi1> to vector<16xi32>
      %sign3A_248 = arith.subi %sign3A_243, %sign3A_247 : vector<16xi32>
      %sign3A_249 = arith.constant 0 : i32
      %sign3A_250 = arith.cmpi sgt, %jit3A_239, %sign3A_249 : i32
      %sign3A_251 = arith.extui %sign3A_250 : i1 to i32
      %sign3A_252 = arith.constant 0 : i32
      %sign3A_253 = arith.cmpi slt, %jit3A_239, %sign3A_252 : i32
      %sign3A_254 = arith.extui %sign3A_253 : i1 to i32
      %sign3A_255 = arith.subi %sign3A_251, %sign3A_254 : i32
      %ne3A = vector.broadcast %sign3A_255 : i32 to vector<16xi32>
      %ne3A_256 = arith.cmpi ne, %sign3A_248, %ne3A : vector<16xi32>
      %rem3A = vector.broadcast %jit3A_239 : i32 to vector<16xi32>
      %rem3A_257 = arith.remsi %min3A_238, %rem3A : vector<16xi32>
      %ne3A_258 = arith.constant 0 : i32
      %ne3A_259 = vector.broadcast %ne3A_258 : i32 to vector<16xi32>
      %ne3A_260 = arith.cmpi ne, %rem3A_257, %ne3A_259 : vector<16xi32>
      %and3A_261 = arith.andi %ne3A_256, %ne3A_260 : vector<16xi1>
      %sub3A_262 = arith.constant 1 : i32
      %sub3A_263 = vector.broadcast %sub3A_262 : i32 to vector<16xi32>
      %sub3A_264 = arith.subi %div3A_240, %sub3A_263 : vector<16xi32>
      %select_n3A_265 = arith.select %and3A_261, %sub3A_264, %div3A_240 : vector<16xi1>, vector<16xi32>
      %jit3A_266 = arith.constant 7 : i32
      %eq3A = arith.constant 0 : i32
      %eq3A_267 = arith.cmpi eq, %jit3A_266, %eq3A : i32
      %jit3A_268 = arith.constant 1 : i32
      %select_n3A_269 = arith.select %eq3A_267, %jit3A_268, %jit3A_266 : i32
      %rem3A_270 = vector.broadcast %select_n3A_269 : i32 to vector<16xi32>
      %rem3A_271 = arith.remsi %min3A_238, %rem3A_270 : vector<16xi32>
      %ne3A_272 = arith.constant 0 : i32
      %ne3A_273 = vector.broadcast %ne3A_272 : i32 to vector<16xi32>
      %ne3A_274 = arith.cmpi ne, %rem3A_271, %ne3A_273 : vector<16xi32>
      %lt3A = arith.constant 0 : i32
      %lt3A_275 = vector.broadcast %lt3A : i32 to vector<16xi32>
      %lt3A_276 = arith.cmpi slt, %rem3A_271, %lt3A_275 : vector<16xi32>
      %lt3A_277 = arith.constant 0 : i32
      %lt3A_278 = arith.cmpi slt, %select_n3A_269, %lt3A_277 : i32
      %ne3A_279 = vector.broadcast %lt3A_278 : i1 to vector<16xi1>
      %ne3A_280 = vector.broadcast %ne3A_279 : vector<16xi1> to vector<16xi1>
      %ne3A_281 = arith.xori %lt3A_276, %ne3A_280 : vector<16xi1>
      %and3A_282 = arith.andi %ne3A_281, %ne3A_274 : vector<16xi1>
      %add3A_283 = vector.broadcast %select_n3A_269 : i32 to vector<16xi32>
      %add3A_284 = arith.addi %rem3A_271, %add3A_283 : vector<16xi32>
      %select_n3A_285 = arith.select %and3A_282, %add3A_284, %rem3A_271 : vector<16xi1>, vector<16xi32>
      %broadcast_in_dim3A_286 = arith.constant 0 : i32
      %broadcast_in_dim3A_287 = vector.broadcast %broadcast_in_dim3A_286 : i32 to vector<16xi32>
      %gather3A_288 = tpu.vector_load_idx %arg12[%broadcast_in_dim3A_287, %select_n3A_265] : memref<4x16xi32, #tpu.memory_space<vmem>>[vector<16xi32>, vector<16xi32>], vector<16xi32>,
      %broadcast_in_dim3A_289 = arith.constant 1 : i32
      %broadcast_in_dim3A_290 = vector.broadcast %broadcast_in_dim3A_289 : i32 to vector<16xi32>
      %gather3A_291 = tpu.vector_load_idx %arg12[%broadcast_in_dim3A_290, %select_n3A_265] : memref<4x16xi32, #tpu.memory_space<vmem>>[vector<16xi32>, vector<16xi32>], vector<16xi32>,
      %broadcast_in_dim3A_292 = arith.constant 2 : i32
      %broadcast_in_dim3A_293 = vector.broadcast %broadcast_in_dim3A_292 : i32 to vector<16xi32>
      %gather3A_294 = tpu.vector_load_idx %arg12[%broadcast_in_dim3A_293, %select_n3A_285] : memref<4x16xi32, #tpu.memory_space<vmem>>[vector<16xi32>, vector<16xi32>], vector<16xi32>,
      %broadcast_in_dim3A_295 = arith.constant 3 : i32
      %broadcast_in_dim3A_296 = vector.broadcast %broadcast_in_dim3A_295 : i32 to vector<16xi32>
      %gather3A_297 = tpu.vector_load_idx %arg12[%broadcast_in_dim3A_296, %select_n3A_285] : memref<4x16xi32, #tpu.memory_space<vmem>>[vector<16xi32>, vector<16xi32>], vector<16xi32>,
      %broadcast_in_dim3A_298 = arith.constant 0 : i32
      %broadcast_in_dim3A_299 = vector.broadcast %broadcast_in_dim3A_298 : i32 to vector<16xi32>
      %gather3A_300 = tpu.vector_load_idx %arg13[%broadcast_in_dim3A_299, %select_n3A_265] : memref<4x16xf32, #tpu.memory_space<vmem>>[vector<16xi32>, vector<16xi32>], vector<16xf32>,
      %broadcast_in_dim3A_301 = arith.constant 1 : i32
      %broadcast_in_dim3A_302 = vector.broadcast %broadcast_in_dim3A_301 : i32 to vector<16xi32>
      %gather3A_303 = tpu.vector_load_idx %arg13[%broadcast_in_dim3A_302, %select_n3A_265] : memref<4x16xf32, #tpu.memory_space<vmem>>[vector<16xi32>, vector<16xi32>], vector<16xf32>,
      %broadcast_in_dim3A_304 = arith.constant 2 : i32
      %broadcast_in_dim3A_305 = vector.broadcast %broadcast_in_dim3A_304 : i32 to vector<16xi32>
      %gather3A_306 = tpu.vector_load_idx %arg13[%broadcast_in_dim3A_305, %select_n3A_285] : memref<4x16xf32, #tpu.memory_space<vmem>>[vector<16xi32>, vector<16xi32>], vector<16xf32>,
      %broadcast_in_dim3A_307 = arith.constant 3 : i32
      %broadcast_in_dim3A_308 = vector.broadcast %broadcast_in_dim3A_307 : i32 to vector<16xi32>
      %gather3A_309 = tpu.vector_load_idx %arg13[%broadcast_in_dim3A_308, %select_n3A_285] : memref<4x16xf32, #tpu.memory_space<vmem>>[vector<16xi32>, vector<16xi32>], vector<16xf32>,
      %mul3A_310 = arith.constant 8 : i32
      %mul3A_311 = vector.broadcast %mul3A_310 : i32 to vector<16xi32>
      %mul3A_312 = arith.muli %iota3A, %mul3A_311 : vector<16xi32>
      %add3A_313 = arith.constant 0 : i32
      %add3A_314 = vector.broadcast %add3A_313 : i32 to vector<16xi32>
      %add3A_315 = arith.addi %mul3A_312, %add3A_314 : vector<16xi32>
      %add3A_316 = arith.addi %gather3A_288, %gather3A_294 : vector<16xi32>
      tpu.vector_store_idx %arg14[%add3A_315], %add3A_316 : memref<512xi32, #tpu.memory_space<vmem>>[vector<16xi32>], vector<16xi32>,
      %add3A_317 = arith.constant 4 : i32
      %add3A_318 = vector.broadcast %add3A_317 : i32 to vector<16xi32>
      %add3A_319 = arith.addi %mul3A_312, %add3A_318 : vector<16xi32>
      %mul3A_320 = arith.mulf %gather3A_300, %gather3A_306 : vector<16xf32>
      %bitcast3A = vector.bitcast %mul3A_320 : vector<16xf32> to vector<16xi32>
      tpu.vector_store_idx %arg14[%add3A_319], %bitcast3A : memref<512xi32, #tpu.memory_space<vmem>>[vector<16xi32>], vector<16xi32>,
      %add3A_321 = arith.constant 1 : i32
      %add3A_322 = vector.broadcast %add3A_321 : i32 to vector<16xi32>
      %add3A_323 = arith.addi %mul3A_312, %add3A_322 : vector<16xi32>
      %add3A_324 = arith.addi %gather3A_288, %gather3A_297 : vector<16xi32>
      tpu.vector_store_idx %arg14[%add3A_323], %add3A_324 : memref<512xi32, #tpu.memory_space<vmem>>[vector<16xi32>], vector<16xi32>,
      %add3A_325 = arith.constant 5 : i32
      %add3A_326 = vector.broadcast %add3A_325 : i32 to vector<16xi32>
      %add3A_327 = arith.addi %mul3A_312, %add3A_326 : vector<16xi32>
      %mul3A_328 = arith.mulf %gather3A_300, %gather3A_309 : vector<16xf32>
      %bitcast3A_329 = vector.bitcast %mul3A_328 : vector<16xf32> to vector<16xi32>
      tpu.vector_store_idx %arg14[%add3A_327], %bitcast3A_329 : memref<512xi32, #tpu.memory_space<vmem>>[vector<16xi32>], vector<16xi32>,
      %add3A_330 = arith.constant 2 : i32
      %add3A_331 = vector.broadcast %add3A_330 : i32 to vector<16xi32>
      %add3A_332 = arith.addi %mul3A_312, %add3A_331 : vector<16xi32>
      %add3A_333 = arith.addi %gather3A_291, %gather3A_294 : vector<16xi32>
      tpu.vector_store_idx %arg14[%add3A_332], %add3A_333 : memref<512xi32, #tpu.memory_space<vmem>>[vector<16xi32>], vector<16xi32>,
      %add3A_334 = arith.constant 6 : i32
      %add3A_335 = vector.broadcast %add3A_334 : i32 to vector<16xi32>
      %add3A_336 = arith.addi %mul3A_312, %add3A_335 : vector<16xi32>
      %mul3A_337 = arith.mulf %gather3A_303, %gather3A_306 : vector<16xf32>
      %bitcast3A_338 = vector.bitcast %mul3A_337 : vector<16xf32> to vector<16xi32>
      tpu.vector_store_idx %arg14[%add3A_336], %bitcast3A_338 : memref<512xi32, #tpu.memory_space<vmem>>[vector<16xi32>], vector<16xi32>,
      %add3A_339 = arith.constant 3 : i32
      %add3A_340 = vector.broadcast %add3A_339 : i32 to vector<16xi32>
      %add3A_341 = arith.addi %mul3A_312, %add3A_340 : vector<16xi32>
      %add3A_342 = arith.addi %gather3A_291, %gather3A_297 : vector<16xi32>
      tpu.vector_store_idx %arg14[%add3A_341], %add3A_342 : memref<512xi32, #tpu.memory_space<vmem>>[vector<16xi32>], vector<16xi32>,
      %add3A_343 = arith.constant 7 : i32
      %add3A_344 = vector.broadcast %add3A_343 : i32 to vector<16xi32>
      %add3A_345 = arith.addi %mul3A_312, %add3A_344 : vector<16xi32>
      %mul3A_346 = arith.mulf %gather3A_303, %gather3A_309 : vector<16xf32>
      %bitcast3A_347 = vector.bitcast %mul3A_346 : vector<16xf32> to vector<16xi32>
      tpu.vector_store_idx %arg14[%add3A_345], %bitcast3A_347 : memref<512xi32, #tpu.memory_space<vmem>>[vector<16xi32>], vector<16xi32>,
      %add3A_348 = arith.constant 16 : i32
      %add3A_349 = vector.broadcast %add3A_348 : i32 to vector<16xi32>
      %add3A_350 = arith.addi %iota3A, %add3A_349 : vector<16xi32>
      %min3A_351 = arith.constant 48 : i32
      %min3A_352 = vector.broadcast %min3A_351 : i32 to vector<16xi32>
      %min3A_353 = arith.minsi %add3A_350, %min3A_352 : vector<16xi32>
      %jit3A_354 = arith.constant 7 : i32
      %div3A_355 = vector.broadcast %jit3A_354 : i32 to vector<16xi32>
      %div3A_356 = arith.divsi %min3A_353, %div3A_355 : vector<16xi32>
      %sign3A_357 = arith.constant 0 : i32
      %sign3A_358 = vector.broadcast %sign3A_357 : i32 to vector<16xi32>
      %sign3A_359 = arith.cmpi sgt, %min3A_353, %sign3A_358 : vector<16xi32>
      %sign3A_360 = arith.extui %sign3A_359 : vector<16xi1> to vector<16xi32>
      %sign3A_361 = arith.constant 0 : i32
      %sign3A_362 = vector.broadcast %sign3A_361 : i32 to vector<16xi32>
      %sign3A_363 = arith.cmpi slt, %min3A_353, %sign3A_362 : vector<16xi32>
      %sign3A_364 = arith.extui %sign3A_363 : vector<16xi1> to vector<16xi32>
      %sign3A_365 = arith.subi %sign3A_360, %sign3A_364 : vector<16xi32>
      %sign3A_366 = arith.constant 0 : i32
      %sign3A_367 = arith.cmpi sgt, %jit3A_354, %sign3A_366 : i32
      %sign3A_368 = arith.extui %sign3A_367 : i1 to i32
      %sign3A_369 = arith.constant 0 : i32
      %sign3A_370 = arith.cmpi slt, %jit3A_354, %sign3A_369 : i32
      %sign3A_371 = arith.extui %sign3A_370 : i1 to i32
      %sign3A_372 = arith.subi %sign3A_368, %sign3A_371 : i32
      %ne3A_373 = vector.broadcast %sign3A_372 : i32 to vector<16xi32>
      %ne3A_374 = arith.cmpi ne, %sign3A_365, %ne3A_373 : vector<16xi32>
      %rem3A_375 = vector.broadcast %jit3A_354 : i32 to vector<16xi32>
      %rem3A_376 = arith.remsi %min3A_353, %rem3A_375 : vector<16xi32>
      %ne3A_377 = arith.constant 0 : i32
      %ne3A_378 = vector.broadcast %ne3A_377 : i32 to vector<16xi32>
      %ne3A_379 = arith.cmpi ne, %rem3A_376, %ne3A_378 : vector<16xi32>
      %and3A_380 = arith.andi %ne3A_374, %ne3A_379 : vector<16xi1>
      %sub3A_381 = arith.constant 1 : i32
      %sub3A_382 = vector.broadcast %sub3A_381 : i32 to vector<16xi32>
      %sub3A_383 = arith.subi %div3A_356, %sub3A_382 : vector<16xi32>
      %select_n3A_384 = arith.select %and3A_380, %sub3A_383, %div3A_356 : vector<16xi1>, vector<16xi32>
      %jit3A_385 = arith.constant 7 : i32
      %eq3A_386 = arith.constant 0 : i32
      %eq3A_387 = arith.cmpi eq, %jit3A_385, %eq3A_386 : i32
      %jit3A_388 = arith.constant 1 : i32
      %select_n3A_389 = arith.select %eq3A_387, %jit3A_388, %jit3A_385 : i32
      %rem3A_390 = vector.broadcast %select_n3A_389 : i32 to vector<16xi32>
      %rem3A_391 = arith.remsi %min3A_353, %rem3A_390 : vector<16xi32>
      %ne3A_392 = arith.constant 0 : i32
      %ne3A_393 = vector.broadcast %ne3A_392 : i32 to vector<16xi32>
      %ne3A_394 = arith.cmpi ne, %rem3A_391, %ne3A_393 : vector<16xi32>
      %lt3A_395 = arith.constant 0 : i32
      %lt3A_396 = vector.broadcast %lt3A_395 : i32 to vector<16xi32>
      %lt3A_397 = arith.cmpi slt, %rem3A_391, %lt3A_396 : vector<16xi32>
      %lt3A_398 = arith.constant 0 : i32
      %lt3A_399 = arith.cmpi slt, %select_n3A_389, %lt3A_398 : i32
      %ne3A_400 = vector.broadcast %lt3A_399 : i1 to vector<16xi1>
      %ne3A_401 = vector.broadcast %ne3A_400 : vector<16xi1> to vector<16xi1>
      %ne3A_402 = arith.xori %lt3A_397, %ne3A_401 : vector<16xi1>
      %and3A_403 = arith.andi %ne3A_402, %ne3A_394 : vector<16xi1>
      %add3A_404 = vector.broadcast %select_n3A_389 : i32 to vector<16xi32>
      %add3A_405 = arith.addi %rem3A_391, %add3A_404 : vector<16xi32>
      %select_n3A_406 = arith.select %and3A_403, %add3A_405, %rem3A_391 : vector<16xi1>, vector<16xi32>
      %broadcast_in_dim3A_407 = arith.constant 0 : i32
      %broadcast_in_dim3A_408 = vector.broadcast %broadcast_in_dim3A_407 : i32 to vector<16xi32>
      %gather3A_409 = tpu.vector_load_idx %arg12[%broadcast_in_dim3A_408, %select_n3A_384] : memref<4x16xi32, #tpu.memory_space<vmem>>[vector<16xi32>, vector<16xi32>], vector<16xi32>,
      %broadcast_in_dim3A_410 = arith.constant 1 : i32
      %broadcast_in_dim3A_411 = vector.broadcast %broadcast_in_dim3A_410 : i32 to vector<16xi32>
      %gather3A_412 = tpu.vector_load_idx %arg12[%broadcast_in_dim3A_411, %select_n3A_384] : memref<4x16xi32, #tpu.memory_space<vmem>>[vector<16xi32>, vector<16xi32>], vector<16xi32>,
      %broadcast_in_dim3A_413 = arith.constant 2 : i32
      %broadcast_in_dim3A_414 = vector.broadcast %broadcast_in_dim3A_413 : i32 to vector<16xi32>
      %gather3A_415 = tpu.vector_load_idx %arg12[%broadcast_in_dim3A_414, %select_n3A_406] : memref<4x16xi32, #tpu.memory_space<vmem>>[vector<16xi32>, vector<16xi32>], vector<16xi32>,
      %broadcast_in_dim3A_416 = arith.constant 3 : i32
      %broadcast_in_dim3A_417 = vector.broadcast %broadcast_in_dim3A_416 : i32 to vector<16xi32>
      %gather3A_418 = tpu.vector_load_idx %arg12[%broadcast_in_dim3A_417, %select_n3A_406] : memref<4x16xi32, #tpu.memory_space<vmem>>[vector<16xi32>, vector<16xi32>], vector<16xi32>,
      %broadcast_in_dim3A_419 = arith.constant 0 : i32
      %broadcast_in_dim3A_420 = vector.broadcast %broadcast_in_dim3A_419 : i32 to vector<16xi32>
      %gather3A_421 = tpu.vector_load_idx %arg13[%broadcast_in_dim3A_420, %select_n3A_384] : memref<4x16xf32, #tpu.memory_space<vmem>>[vector<16xi32>, vector<16xi32>], vector<16xf32>,
      %broadcast_in_dim3A_422 = arith.constant 1 : i32
      %broadcast_in_dim3A_423 = vector.broadcast %broadcast_in_dim3A_422 : i32 to vector<16xi32>
      %gather3A_424 = tpu.vector_load_idx %arg13[%broadcast_in_dim3A_423, %select_n3A_384] : memref<4x16xf32, #tpu.memory_space<vmem>>[vector<16xi32>, vector<16xi32>], vector<16xf32>,
      %broadcast_in_dim3A_425 = arith.constant 2 : i32
      %broadcast_in_dim3A_426 = vector.broadcast %broadcast_in_dim3A_425 : i32 to vector<16xi32>
      %gather3A_427 = tpu.vector_load_idx %arg13[%broadcast_in_dim3A_426, %select_n3A_406] : memref<4x16xf32, #tpu.memory_space<vmem>>[vector<16xi32>, vector<16xi32>], vector<16xf32>,
      %broadcast_in_dim3A_428 = arith.constant 3 : i32
      %broadcast_in_dim3A_429 = vector.broadcast %broadcast_in_dim3A_428 : i32 to vector<16xi32>
      %gather3A_430 = tpu.vector_load_idx %arg13[%broadcast_in_dim3A_429, %select_n3A_406] : memref<4x16xf32, #tpu.memory_space<vmem>>[vector<16xi32>, vector<16xi32>], vector<16xf32>,
      %mul3A_431 = arith.constant 8 : i32
      %mul3A_432 = vector.broadcast %mul3A_431 : i32 to vector<16xi32>
      %mul3A_433 = arith.muli %iota3A, %mul3A_432 : vector<16xi32>
      %add3A_434 = arith.constant 128 : i32
      %add3A_435 = vector.broadcast %add3A_434 : i32 to vector<16xi32>
      %add3A_436 = arith.addi %mul3A_433, %add3A_435 : vector<16xi32>
      %add3A_437 = arith.addi %gather3A_409, %gather3A_415 : vector<16xi32>
      tpu.vector_store_idx %arg14[%add3A_436], %add3A_437 : memref<512xi32, #tpu.memory_space<vmem>>[vector<16xi32>], vector<16xi32>,
      %add3A_438 = arith.constant 132 : i32
      %add3A_439 = vector.broadcast %add3A_438 : i32 to vector<16xi32>
      %add3A_440 = arith.addi %mul3A_433, %add3A_439 : vector<16xi32>
      %mul3A_441 = arith.mulf %gather3A_421, %gather3A_427 : vector<16xf32>
      %bitcast3A_442 = vector.bitcast %mul3A_441 : vector<16xf32> to vector<16xi32>
      tpu.vector_store_idx %arg14[%add3A_440], %bitcast3A_442 : memref<512xi32, #tpu.memory_space<vmem>>[vector<16xi32>], vector<16xi32>,
      %add3A_443 = arith.constant 129 : i32
      %add3A_444 = vector.broadcast %add3A_443 : i32 to vector<16xi32>
      %add3A_445 = arith.addi %mul3A_433, %add3A_444 : vector<16xi32>
      %add3A_446 = arith.addi %gather3A_409, %gather3A_418 : vector<16xi32>
      tpu.vector_store_idx %arg14[%add3A_445], %add3A_446 : memref<512xi32, #tpu.memory_space<vmem>>[vector<16xi32>], vector<16xi32>,
      %add3A_447 = arith.constant 133 : i32
      %add3A_448 = vector.broadcast %add3A_447 : i32 to vector<16xi32>
      %add3A_449 = arith.addi %mul3A_433, %add3A_448 : vector<16xi32>
      %mul3A_450 = arith.mulf %gather3A_421, %gather3A_430 : vector<16xf32>
      %bitcast3A_451 = vector.bitcast %mul3A_450 : vector<16xf32> to vector<16xi32>
      tpu.vector_store_idx %arg14[%add3A_449], %bitcast3A_451 : memref<512xi32, #tpu.memory_space<vmem>>[vector<16xi32>], vector<16xi32>,
      %add3A_452 = arith.constant 130 : i32
      %add3A_453 = vector.broadcast %add3A_452 : i32 to vector<16xi32>
      %add3A_454 = arith.addi %mul3A_433, %add3A_453 : vector<16xi32>
      %add3A_455 = arith.addi %gather3A_412, %gather3A_415 : vector<16xi32>
      tpu.vector_store_idx %arg14[%add3A_454], %add3A_455 : memref<512xi32, #tpu.memory_space<vmem>>[vector<16xi32>], vector<16xi32>,
      %add3A_456 = arith.constant 134 : i32
      %add3A_457 = vector.broadcast %add3A_456 : i32 to vector<16xi32>
      %add3A_458 = arith.addi %mul3A_433, %add3A_457 : vector<16xi32>
      %mul3A_459 = arith.mulf %gather3A_424, %gather3A_427 : vector<16xf32>
      %bitcast3A_460 = vector.bitcast %mul3A_459 : vector<16xf32> to vector<16xi32>
      tpu.vector_store_idx %arg14[%add3A_458], %bitcast3A_460 : memref<512xi32, #tpu.memory_space<vmem>>[vector<16xi32>], vector<16xi32>,
      %add3A_461 = arith.constant 131 : i32
      %add3A_462 = vector.broadcast %add3A_461 : i32 to vector<16xi32>
      %add3A_463 = arith.addi %mul3A_433, %add3A_462 : vector<16xi32>
      %add3A_464 = arith.addi %gather3A_412, %gather3A_418 : vector<16xi32>
      tpu.vector_store_idx %arg14[%add3A_463], %add3A_464 : memref<512xi32, #tpu.memory_space<vmem>>[vector<16xi32>], vector<16xi32>,
      %add3A_465 = arith.constant 135 : i32
      %add3A_466 = vector.broadcast %add3A_465 : i32 to vector<16xi32>
      %add3A_467 = arith.addi %mul3A_433, %add3A_466 : vector<16xi32>
      %mul3A_468 = arith.mulf %gather3A_424, %gather3A_430 : vector<16xf32>
      %bitcast3A_469 = vector.bitcast %mul3A_468 : vector<16xf32> to vector<16xi32>
      tpu.vector_store_idx %arg14[%add3A_467], %bitcast3A_469 : memref<512xi32, #tpu.memory_space<vmem>>[vector<16xi32>], vector<16xi32>,
      %add3A_470 = arith.constant 32 : i32
      %add3A_471 = vector.broadcast %add3A_470 : i32 to vector<16xi32>
      %add3A_472 = arith.addi %iota3A, %add3A_471 : vector<16xi32>
      %min3A_473 = arith.constant 48 : i32
      %min3A_474 = vector.broadcast %min3A_473 : i32 to vector<16xi32>
      %min3A_475 = arith.minsi %add3A_472, %min3A_474 : vector<16xi32>
      %jit3A_476 = arith.constant 7 : i32
      %div3A_477 = vector.broadcast %jit3A_476 : i32 to vector<16xi32>
      %div3A_478 = arith.divsi %min3A_475, %div3A_477 : vector<16xi32>
      %sign3A_479 = arith.constant 0 : i32
      %sign3A_480 = vector.broadcast %sign3A_479 : i32 to vector<16xi32>
      %sign3A_481 = arith.cmpi sgt, %min3A_475, %sign3A_480 : vector<16xi32>
      %sign3A_482 = arith.extui %sign3A_481 : vector<16xi1> to vector<16xi32>
      %sign3A_483 = arith.constant 0 : i32
      %sign3A_484 = vector.broadcast %sign3A_483 : i32 to vector<16xi32>
      %sign3A_485 = arith.cmpi slt, %min3A_475, %sign3A_484 : vector<16xi32>
      %sign3A_486 = arith.extui %sign3A_485 : vector<16xi1> to vector<16xi32>
      %sign3A_487 = arith.subi %sign3A_482, %sign3A_486 : vector<16xi32>
      %sign3A_488 = arith.constant 0 : i32
      %sign3A_489 = arith.cmpi sgt, %jit3A_476, %sign3A_488 : i32
      %sign3A_490 = arith.extui %sign3A_489 : i1 to i32
      %sign3A_491 = arith.constant 0 : i32
      %sign3A_492 = arith.cmpi slt, %jit3A_476, %sign3A_491 : i32
      %sign3A_493 = arith.extui %sign3A_492 : i1 to i32
      %sign3A_494 = arith.subi %sign3A_490, %sign3A_493 : i32
      %ne3A_495 = vector.broadcast %sign3A_494 : i32 to vector<16xi32>
      %ne3A_496 = arith.cmpi ne, %sign3A_487, %ne3A_495 : vector<16xi32>
      %rem3A_497 = vector.broadcast %jit3A_476 : i32 to vector<16xi32>
      %rem3A_498 = arith.remsi %min3A_475, %rem3A_497 : vector<16xi32>
      %ne3A_499 = arith.constant 0 : i32
      %ne3A_500 = vector.broadcast %ne3A_499 : i32 to vector<16xi32>
      %ne3A_501 = arith.cmpi ne, %rem3A_498, %ne3A_500 : vector<16xi32>
      %and3A_502 = arith.andi %ne3A_496, %ne3A_501 : vector<16xi1>
      %sub3A_503 = arith.constant 1 : i32
      %sub3A_504 = vector.broadcast %sub3A_503 : i32 to vector<16xi32>
      %sub3A_505 = arith.subi %div3A_478, %sub3A_504 : vector<16xi32>
      %select_n3A_506 = arith.select %and3A_502, %sub3A_505, %div3A_478 : vector<16xi1>, vector<16xi32>
      %jit3A_507 = arith.constant 7 : i32
      %eq3A_508 = arith.constant 0 : i32
      %eq3A_509 = arith.cmpi eq, %jit3A_507, %eq3A_508 : i32
      %jit3A_510 = arith.constant 1 : i32
      %select_n3A_511 = arith.select %eq3A_509, %jit3A_510, %jit3A_507 : i32
      %rem3A_512 = vector.broadcast %select_n3A_511 : i32 to vector<16xi32>
      %rem3A_513 = arith.remsi %min3A_475, %rem3A_512 : vector<16xi32>
      %ne3A_514 = arith.constant 0 : i32
      %ne3A_515 = vector.broadcast %ne3A_514 : i32 to vector<16xi32>
      %ne3A_516 = arith.cmpi ne, %rem3A_513, %ne3A_515 : vector<16xi32>
      %lt3A_517 = arith.constant 0 : i32
      %lt3A_518 = vector.broadcast %lt3A_517 : i32 to vector<16xi32>
      %lt3A_519 = arith.cmpi slt, %rem3A_513, %lt3A_518 : vector<16xi32>
      %lt3A_520 = arith.constant 0 : i32
      %lt3A_521 = arith.cmpi slt, %select_n3A_511, %lt3A_520 : i32
      %ne3A_522 = vector.broadcast %lt3A_521 : i1 to vector<16xi1>
      %ne3A_523 = vector.broadcast %ne3A_522 : vector<16xi1> to vector<16xi1>
      %ne3A_524 = arith.xori %lt3A_519, %ne3A_523 : vector<16xi1>
      %and3A_525 = arith.andi %ne3A_524, %ne3A_516 : vector<16xi1>
      %add3A_526 = vector.broadcast %select_n3A_511 : i32 to vector<16xi32>
      %add3A_527 = arith.addi %rem3A_513, %add3A_526 : vector<16xi32>
      %select_n3A_528 = arith.select %and3A_525, %add3A_527, %rem3A_513 : vector<16xi1>, vector<16xi32>
      %broadcast_in_dim3A_529 = arith.constant 0 : i32
      %broadcast_in_dim3A_530 = vector.broadcast %broadcast_in_dim3A_529 : i32 to vector<16xi32>
      %gather3A_531 = tpu.vector_load_idx %arg12[%broadcast_in_dim3A_530, %select_n3A_506] : memref<4x16xi32, #tpu.memory_space<vmem>>[vector<16xi32>, vector<16xi32>], vector<16xi32>,
      %broadcast_in_dim3A_532 = arith.constant 1 : i32
      %broadcast_in_dim3A_533 = vector.broadcast %broadcast_in_dim3A_532 : i32 to vector<16xi32>
      %gather3A_534 = tpu.vector_load_idx %arg12[%broadcast_in_dim3A_533, %select_n3A_506] : memref<4x16xi32, #tpu.memory_space<vmem>>[vector<16xi32>, vector<16xi32>], vector<16xi32>,
      %broadcast_in_dim3A_535 = arith.constant 2 : i32
      %broadcast_in_dim3A_536 = vector.broadcast %broadcast_in_dim3A_535 : i32 to vector<16xi32>
      %gather3A_537 = tpu.vector_load_idx %arg12[%broadcast_in_dim3A_536, %select_n3A_528] : memref<4x16xi32, #tpu.memory_space<vmem>>[vector<16xi32>, vector<16xi32>], vector<16xi32>,
      %broadcast_in_dim3A_538 = arith.constant 3 : i32
      %broadcast_in_dim3A_539 = vector.broadcast %broadcast_in_dim3A_538 : i32 to vector<16xi32>
      %gather3A_540 = tpu.vector_load_idx %arg12[%broadcast_in_dim3A_539, %select_n3A_528] : memref<4x16xi32, #tpu.memory_space<vmem>>[vector<16xi32>, vector<16xi32>], vector<16xi32>,
      %broadcast_in_dim3A_541 = arith.constant 0 : i32
      %broadcast_in_dim3A_542 = vector.broadcast %broadcast_in_dim3A_541 : i32 to vector<16xi32>
      %gather3A_543 = tpu.vector_load_idx %arg13[%broadcast_in_dim3A_542, %select_n3A_506] : memref<4x16xf32, #tpu.memory_space<vmem>>[vector<16xi32>, vector<16xi32>], vector<16xf32>,
      %broadcast_in_dim3A_544 = arith.constant 1 : i32
      %broadcast_in_dim3A_545 = vector.broadcast %broadcast_in_dim3A_544 : i32 to vector<16xi32>
      %gather3A_546 = tpu.vector_load_idx %arg13[%broadcast_in_dim3A_545, %select_n3A_506] : memref<4x16xf32, #tpu.memory_space<vmem>>[vector<16xi32>, vector<16xi32>], vector<16xf32>,
      %broadcast_in_dim3A_547 = arith.constant 2 : i32
      %broadcast_in_dim3A_548 = vector.broadcast %broadcast_in_dim3A_547 : i32 to vector<16xi32>
      %gather3A_549 = tpu.vector_load_idx %arg13[%broadcast_in_dim3A_548, %select_n3A_528] : memref<4x16xf32, #tpu.memory_space<vmem>>[vector<16xi32>, vector<16xi32>], vector<16xf32>,
      %broadcast_in_dim3A_550 = arith.constant 3 : i32
      %broadcast_in_dim3A_551 = vector.broadcast %broadcast_in_dim3A_550 : i32 to vector<16xi32>
      %gather3A_552 = tpu.vector_load_idx %arg13[%broadcast_in_dim3A_551, %select_n3A_528] : memref<4x16xf32, #tpu.memory_space<vmem>>[vector<16xi32>, vector<16xi32>], vector<16xf32>,
      %mul3A_553 = arith.constant 8 : i32
      %mul3A_554 = vector.broadcast %mul3A_553 : i32 to vector<16xi32>
      %mul3A_555 = arith.muli %iota3A, %mul3A_554 : vector<16xi32>
      %add3A_556 = arith.constant 256 : i32
      %add3A_557 = vector.broadcast %add3A_556 : i32 to vector<16xi32>
      %add3A_558 = arith.addi %mul3A_555, %add3A_557 : vector<16xi32>
      %add3A_559 = arith.addi %gather3A_531, %gather3A_537 : vector<16xi32>
      tpu.vector_store_idx %arg14[%add3A_558], %add3A_559 : memref<512xi32, #tpu.memory_space<vmem>>[vector<16xi32>], vector<16xi32>,
      %add3A_560 = arith.constant 260 : i32
      %add3A_561 = vector.broadcast %add3A_560 : i32 to vector<16xi32>
      %add3A_562 = arith.addi %mul3A_555, %add3A_561 : vector<16xi32>
      %mul3A_563 = arith.mulf %gather3A_543, %gather3A_549 : vector<16xf32>
      %bitcast3A_564 = vector.bitcast %mul3A_563 : vector<16xf32> to vector<16xi32>
      tpu.vector_store_idx %arg14[%add3A_562], %bitcast3A_564 : memref<512xi32, #tpu.memory_space<vmem>>[vector<16xi32>], vector<16xi32>,
      %add3A_565 = arith.constant 257 : i32
      %add3A_566 = vector.broadcast %add3A_565 : i32 to vector<16xi32>
      %add3A_567 = arith.addi %mul3A_555, %add3A_566 : vector<16xi32>
      %add3A_568 = arith.addi %gather3A_531, %gather3A_540 : vector<16xi32>
      tpu.vector_store_idx %arg14[%add3A_567], %add3A_568 : memref<512xi32, #tpu.memory_space<vmem>>[vector<16xi32>], vector<16xi32>,
      %add3A_569 = arith.constant 261 : i32
      %add3A_570 = vector.broadcast %add3A_569 : i32 to vector<16xi32>
      %add3A_571 = arith.addi %mul3A_555, %add3A_570 : vector<16xi32>
      %mul3A_572 = arith.mulf %gather3A_543, %gather3A_552 : vector<16xf32>
      %bitcast3A_573 = vector.bitcast %mul3A_572 : vector<16xf32> to vector<16xi32>
      tpu.vector_store_idx %arg14[%add3A_571], %bitcast3A_573 : memref<512xi32, #tpu.memory_space<vmem>>[vector<16xi32>], vector<16xi32>,
      %add3A_574 = arith.constant 258 : i32
      %add3A_575 = vector.broadcast %add3A_574 : i32 to vector<16xi32>
      %add3A_576 = arith.addi %mul3A_555, %add3A_575 : vector<16xi32>
      %add3A_577 = arith.addi %gather3A_534, %gather3A_537 : vector<16xi32>
      tpu.vector_store_idx %arg14[%add3A_576], %add3A_577 : memref<512xi32, #tpu.memory_space<vmem>>[vector<16xi32>], vector<16xi32>,
      %add3A_578 = arith.constant 262 : i32
      %add3A_579 = vector.broadcast %add3A_578 : i32 to vector<16xi32>
      %add3A_580 = arith.addi %mul3A_555, %add3A_579 : vector<16xi32>
      %mul3A_581 = arith.mulf %gather3A_546, %gather3A_549 : vector<16xf32>
      %bitcast3A_582 = vector.bitcast %mul3A_581 : vector<16xf32> to vector<16xi32>
      tpu.vector_store_idx %arg14[%add3A_580], %bitcast3A_582 : memref<512xi32, #tpu.memory_space<vmem>>[vector<16xi32>], vector<16xi32>,
      %add3A_583 = arith.constant 259 : i32
      %add3A_584 = vector.broadcast %add3A_583 : i32 to vector<16xi32>
      %add3A_585 = arith.addi %mul3A_555, %add3A_584 : vector<16xi32>
      %add3A_586 = arith.addi %gather3A_534, %gather3A_540 : vector<16xi32>
      tpu.vector_store_idx %arg14[%add3A_585], %add3A_586 : memref<512xi32, #tpu.memory_space<vmem>>[vector<16xi32>], vector<16xi32>,
      %add3A_587 = arith.constant 263 : i32
      %add3A_588 = vector.broadcast %add3A_587 : i32 to vector<16xi32>
      %add3A_589 = arith.addi %mul3A_555, %add3A_588 : vector<16xi32>
      %mul3A_590 = arith.mulf %gather3A_546, %gather3A_552 : vector<16xf32>
      %bitcast3A_591 = vector.bitcast %mul3A_590 : vector<16xf32> to vector<16xi32>
      tpu.vector_store_idx %arg14[%add3A_589], %bitcast3A_591 : memref<512xi32, #tpu.memory_space<vmem>>[vector<16xi32>], vector<16xi32>,
      %add3A_592 = arith.constant 48 : i32
      %add3A_593 = vector.broadcast %add3A_592 : i32 to vector<16xi32>
      %add3A_594 = arith.addi %iota3A, %add3A_593 : vector<16xi32>
      %min3A_595 = arith.constant 48 : i32
      %min3A_596 = vector.broadcast %min3A_595 : i32 to vector<16xi32>
      %min3A_597 = arith.minsi %add3A_594, %min3A_596 : vector<16xi32>
      %jit3A_598 = arith.constant 7 : i32
      %div3A_599 = vector.broadcast %jit3A_598 : i32 to vector<16xi32>
      %div3A_600 = arith.divsi %min3A_597, %div3A_599 : vector<16xi32>
      %sign3A_601 = arith.constant 0 : i32
      %sign3A_602 = vector.broadcast %sign3A_601 : i32 to vector<16xi32>
      %sign3A_603 = arith.cmpi sgt, %min3A_597, %sign3A_602 : vector<16xi32>
      %sign3A_604 = arith.extui %sign3A_603 : vector<16xi1> to vector<16xi32>
      %sign3A_605 = arith.constant 0 : i32
      %sign3A_606 = vector.broadcast %sign3A_605 : i32 to vector<16xi32>
      %sign3A_607 = arith.cmpi slt, %min3A_597, %sign3A_606 : vector<16xi32>
      %sign3A_608 = arith.extui %sign3A_607 : vector<16xi1> to vector<16xi32>
      %sign3A_609 = arith.subi %sign3A_604, %sign3A_608 : vector<16xi32>
      %sign3A_610 = arith.constant 0 : i32
      %sign3A_611 = arith.cmpi sgt, %jit3A_598, %sign3A_610 : i32
      %sign3A_612 = arith.extui %sign3A_611 : i1 to i32
      %sign3A_613 = arith.constant 0 : i32
      %sign3A_614 = arith.cmpi slt, %jit3A_598, %sign3A_613 : i32
      %sign3A_615 = arith.extui %sign3A_614 : i1 to i32
      %sign3A_616 = arith.subi %sign3A_612, %sign3A_615 : i32
      %ne3A_617 = vector.broadcast %sign3A_616 : i32 to vector<16xi32>
      %ne3A_618 = arith.cmpi ne, %sign3A_609, %ne3A_617 : vector<16xi32>
      %rem3A_619 = vector.broadcast %jit3A_598 : i32 to vector<16xi32>
      %rem3A_620 = arith.remsi %min3A_597, %rem3A_619 : vector<16xi32>
      %ne3A_621 = arith.constant 0 : i32
      %ne3A_622 = vector.broadcast %ne3A_621 : i32 to vector<16xi32>
      %ne3A_623 = arith.cmpi ne, %rem3A_620, %ne3A_622 : vector<16xi32>
      %and3A_624 = arith.andi %ne3A_618, %ne3A_623 : vector<16xi1>
      %sub3A_625 = arith.constant 1 : i32
      %sub3A_626 = vector.broadcast %sub3A_625 : i32 to vector<16xi32>
      %sub3A_627 = arith.subi %div3A_600, %sub3A_626 : vector<16xi32>
      %select_n3A_628 = arith.select %and3A_624, %sub3A_627, %div3A_600 : vector<16xi1>, vector<16xi32>
      %jit3A_629 = arith.constant 7 : i32
      %eq3A_630 = arith.constant 0 : i32
      %eq3A_631 = arith.cmpi eq, %jit3A_629, %eq3A_630 : i32
      %jit3A_632 = arith.constant 1 : i32
      %select_n3A_633 = arith.select %eq3A_631, %jit3A_632, %jit3A_629 : i32
      %rem3A_634 = vector.broadcast %select_n3A_633 : i32 to vector<16xi32>
      %rem3A_635 = arith.remsi %min3A_597, %rem3A_634 : vector<16xi32>
      %ne3A_636 = arith.constant 0 : i32
      %ne3A_637 = vector.broadcast %ne3A_636 : i32 to vector<16xi32>
      %ne3A_638 = arith.cmpi ne, %rem3A_635, %ne3A_637 : vector<16xi32>
      %lt3A_639 = arith.constant 0 : i32
      %lt3A_640 = vector.broadcast %lt3A_639 : i32 to vector<16xi32>
      %lt3A_641 = arith.cmpi slt, %rem3A_635, %lt3A_640 : vector<16xi32>
      %lt3A_642 = arith.constant 0 : i32
      %lt3A_643 = arith.cmpi slt, %select_n3A_633, %lt3A_642 : i32
      %ne3A_644 = vector.broadcast %lt3A_643 : i1 to vector<16xi1>
      %ne3A_645 = vector.broadcast %ne3A_644 : vector<16xi1> to vector<16xi1>
      %ne3A_646 = arith.xori %lt3A_641, %ne3A_645 : vector<16xi1>
      %and3A_647 = arith.andi %ne3A_646, %ne3A_638 : vector<16xi1>
      %add3A_648 = vector.broadcast %select_n3A_633 : i32 to vector<16xi32>
      %add3A_649 = arith.addi %rem3A_635, %add3A_648 : vector<16xi32>
      %select_n3A_650 = arith.select %and3A_647, %add3A_649, %rem3A_635 : vector<16xi1>, vector<16xi32>
      %broadcast_in_dim3A_651 = arith.constant 0 : i32
      %broadcast_in_dim3A_652 = vector.broadcast %broadcast_in_dim3A_651 : i32 to vector<16xi32>
      %gather3A_653 = tpu.vector_load_idx %arg12[%broadcast_in_dim3A_652, %select_n3A_628] : memref<4x16xi32, #tpu.memory_space<vmem>>[vector<16xi32>, vector<16xi32>], vector<16xi32>,
      %broadcast_in_dim3A_654 = arith.constant 1 : i32
      %broadcast_in_dim3A_655 = vector.broadcast %broadcast_in_dim3A_654 : i32 to vector<16xi32>
      %gather3A_656 = tpu.vector_load_idx %arg12[%broadcast_in_dim3A_655, %select_n3A_628] : memref<4x16xi32, #tpu.memory_space<vmem>>[vector<16xi32>, vector<16xi32>], vector<16xi32>,
      %broadcast_in_dim3A_657 = arith.constant 2 : i32
      %broadcast_in_dim3A_658 = vector.broadcast %broadcast_in_dim3A_657 : i32 to vector<16xi32>
      %gather3A_659 = tpu.vector_load_idx %arg12[%broadcast_in_dim3A_658, %select_n3A_650] : memref<4x16xi32, #tpu.memory_space<vmem>>[vector<16xi32>, vector<16xi32>], vector<16xi32>,
      %broadcast_in_dim3A_660 = arith.constant 3 : i32
      %broadcast_in_dim3A_661 = vector.broadcast %broadcast_in_dim3A_660 : i32 to vector<16xi32>
      %gather3A_662 = tpu.vector_load_idx %arg12[%broadcast_in_dim3A_661, %select_n3A_650] : memref<4x16xi32, #tpu.memory_space<vmem>>[vector<16xi32>, vector<16xi32>], vector<16xi32>,
      %broadcast_in_dim3A_663 = arith.constant 0 : i32
      %broadcast_in_dim3A_664 = vector.broadcast %broadcast_in_dim3A_663 : i32 to vector<16xi32>
      %gather3A_665 = tpu.vector_load_idx %arg13[%broadcast_in_dim3A_664, %select_n3A_628] : memref<4x16xf32, #tpu.memory_space<vmem>>[vector<16xi32>, vector<16xi32>], vector<16xf32>,
      %broadcast_in_dim3A_666 = arith.constant 1 : i32
      %broadcast_in_dim3A_667 = vector.broadcast %broadcast_in_dim3A_666 : i32 to vector<16xi32>
      %gather3A_668 = tpu.vector_load_idx %arg13[%broadcast_in_dim3A_667, %select_n3A_628] : memref<4x16xf32, #tpu.memory_space<vmem>>[vector<16xi32>, vector<16xi32>], vector<16xf32>,
      %broadcast_in_dim3A_669 = arith.constant 2 : i32
      %broadcast_in_dim3A_670 = vector.broadcast %broadcast_in_dim3A_669 : i32 to vector<16xi32>
      %gather3A_671 = tpu.vector_load_idx %arg13[%broadcast_in_dim3A_670, %select_n3A_650] : memref<4x16xf32, #tpu.memory_space<vmem>>[vector<16xi32>, vector<16xi32>], vector<16xf32>,
      %broadcast_in_dim3A_672 = arith.constant 3 : i32
      %broadcast_in_dim3A_673 = vector.broadcast %broadcast_in_dim3A_672 : i32 to vector<16xi32>
      %gather3A_674 = tpu.vector_load_idx %arg13[%broadcast_in_dim3A_673, %select_n3A_650] : memref<4x16xf32, #tpu.memory_space<vmem>>[vector<16xi32>, vector<16xi32>], vector<16xf32>,
      %mul3A_675 = arith.constant 8 : i32
      %mul3A_676 = vector.broadcast %mul3A_675 : i32 to vector<16xi32>
      %mul3A_677 = arith.muli %iota3A, %mul3A_676 : vector<16xi32>
      %add3A_678 = arith.constant 384 : i32
      %add3A_679 = vector.broadcast %add3A_678 : i32 to vector<16xi32>
      %add3A_680 = arith.addi %mul3A_677, %add3A_679 : vector<16xi32>
      %add3A_681 = arith.addi %gather3A_653, %gather3A_659 : vector<16xi32>
      tpu.vector_store_idx %arg14[%add3A_680], %add3A_681 : memref<512xi32, #tpu.memory_space<vmem>>[vector<16xi32>], vector<16xi32>,
      %add3A_682 = arith.constant 388 : i32
      %add3A_683 = vector.broadcast %add3A_682 : i32 to vector<16xi32>
      %add3A_684 = arith.addi %mul3A_677, %add3A_683 : vector<16xi32>
      %mul3A_685 = arith.mulf %gather3A_665, %gather3A_671 : vector<16xf32>
      %bitcast3A_686 = vector.bitcast %mul3A_685 : vector<16xf32> to vector<16xi32>
      tpu.vector_store_idx %arg14[%add3A_684], %bitcast3A_686 : memref<512xi32, #tpu.memory_space<vmem>>[vector<16xi32>], vector<16xi32>,
      %add3A_687 = arith.constant 385 : i32
      %add3A_688 = vector.broadcast %add3A_687 : i32 to vector<16xi32>
      %add3A_689 = arith.addi %mul3A_677, %add3A_688 : vector<16xi32>
      %add3A_690 = arith.addi %gather3A_653, %gather3A_662 : vector<16xi32>
      tpu.vector_store_idx %arg14[%add3A_689], %add3A_690 : memref<512xi32, #tpu.memory_space<vmem>>[vector<16xi32>], vector<16xi32>,
      %add3A_691 = arith.constant 389 : i32
      %add3A_692 = vector.broadcast %add3A_691 : i32 to vector<16xi32>
      %add3A_693 = arith.addi %mul3A_677, %add3A_692 : vector<16xi32>
      %mul3A_694 = arith.mulf %gather3A_665, %gather3A_674 : vector<16xf32>
      %bitcast3A_695 = vector.bitcast %mul3A_694 : vector<16xf32> to vector<16xi32>
      tpu.vector_store_idx %arg14[%add3A_693], %bitcast3A_695 : memref<512xi32, #tpu.memory_space<vmem>>[vector<16xi32>], vector<16xi32>,
      %add3A_696 = arith.constant 386 : i32
      %add3A_697 = vector.broadcast %add3A_696 : i32 to vector<16xi32>
      %add3A_698 = arith.addi %mul3A_677, %add3A_697 : vector<16xi32>
      %add3A_699 = arith.addi %gather3A_656, %gather3A_659 : vector<16xi32>
      tpu.vector_store_idx %arg14[%add3A_698], %add3A_699 : memref<512xi32, #tpu.memory_space<vmem>>[vector<16xi32>], vector<16xi32>,
      %add3A_700 = arith.constant 390 : i32
      %add3A_701 = vector.broadcast %add3A_700 : i32 to vector<16xi32>
      %add3A_702 = arith.addi %mul3A_677, %add3A_701 : vector<16xi32>
      %mul3A_703 = arith.mulf %gather3A_668, %gather3A_671 : vector<16xf32>
      %bitcast3A_704 = vector.bitcast %mul3A_703 : vector<16xf32> to vector<16xi32>
      tpu.vector_store_idx %arg14[%add3A_702], %bitcast3A_704 : memref<512xi32, #tpu.memory_space<vmem>>[vector<16xi32>], vector<16xi32>,
      %add3A_705 = arith.constant 387 : i32
      %add3A_706 = vector.broadcast %add3A_705 : i32 to vector<16xi32>
      %add3A_707 = arith.addi %mul3A_677, %add3A_706 : vector<16xi32>
      %add3A_708 = arith.addi %gather3A_656, %gather3A_662 : vector<16xi32>
      tpu.vector_store_idx %arg14[%add3A_707], %add3A_708 : memref<512xi32, #tpu.memory_space<vmem>>[vector<16xi32>], vector<16xi32>,
      %add3A_709 = arith.constant 391 : i32
      %add3A_710 = vector.broadcast %add3A_709 : i32 to vector<16xi32>
      %add3A_711 = arith.addi %mul3A_677, %add3A_710 : vector<16xi32>
      %mul3A_712 = arith.mulf %gather3A_668, %gather3A_674 : vector<16xf32>
      %bitcast3A_713 = vector.bitcast %mul3A_712 : vector<16xf32> to vector<16xi32>
      tpu.vector_store_idx %arg14[%add3A_711], %bitcast3A_713 : memref<512xi32, #tpu.memory_space<vmem>>[vector<16xi32>], vector<16xi32>,
      %jit3A_714 = arith.constant 8 : i32
      %div3A_715 = arith.divsi %min3A_97, %jit3A_714 : i32
      %sign3A_716 = arith.constant 0 : i32
      %sign3A_717 = arith.cmpi sgt, %min3A_97, %sign3A_716 : i32
      %sign3A_718 = arith.extui %sign3A_717 : i1 to i32
      %sign3A_719 = arith.constant 0 : i32
      %sign3A_720 = arith.cmpi slt, %min3A_97, %sign3A_719 : i32
      %sign3A_721 = arith.extui %sign3A_720 : i1 to i32
      %sign3A_722 = arith.subi %sign3A_718, %sign3A_721 : i32
      %sign3A_723 = arith.constant 0 : i32
      %sign3A_724 = arith.cmpi sgt, %jit3A_714, %sign3A_723 : i32
      %sign3A_725 = arith.extui %sign3A_724 : i1 to i32
      %sign3A_726 = arith.constant 0 : i32
      %sign3A_727 = arith.cmpi slt, %jit3A_714, %sign3A_726 : i32
      %sign3A_728 = arith.extui %sign3A_727 : i1 to i32
      %sign3A_729 = arith.subi %sign3A_725, %sign3A_728 : i32
      %ne3A_730 = arith.cmpi ne, %sign3A_722, %sign3A_729 : i32
      %rem3A_731 = arith.remsi %min3A_97, %jit3A_714 : i32
      %ne3A_732 = arith.constant 0 : i32
      %ne3A_733 = arith.cmpi ne, %rem3A_731, %ne3A_732 : i32
      %and3A_734 = arith.andi %ne3A_730, %ne3A_733 : i1
      %sub3A_735 = arith.constant 1 : i32
      %sub3A_736 = arith.subi %div3A_715, %sub3A_735 : i32
      %select_n3A_737 = arith.select %and3A_734, %sub3A_736, %div3A_715 : i32
      %mul3A_738 = arith.constant 16 : i32
      %mul3A_739 = arith.muli %select_n3A_737, %mul3A_738 : i32
      %jit3A_740 = arith.constant 8 : i32
      %eq3A_741 = arith.constant 0 : i32
      %eq3A_742 = arith.cmpi eq, %jit3A_740, %eq3A_741 : i32
      %jit3A_743 = arith.constant 1 : i32
      %select_n3A_744 = arith.select %eq3A_742, %jit3A_743, %jit3A_740 : i32
      %rem3A_745 = arith.remsi %min3A_97, %select_n3A_744 : i32
      %ne3A_746 = arith.constant 0 : i32
      %ne3A_747 = arith.cmpi ne, %rem3A_745, %ne3A_746 : i32
      %lt3A_748 = arith.constant 0 : i32
      %lt3A_749 = arith.cmpi slt, %rem3A_745, %lt3A_748 : i32
      %lt3A_750 = arith.constant 0 : i32
      %lt3A_751 = arith.cmpi slt, %select_n3A_744, %lt3A_750 : i32
      %ne3A_752 = arith.xori %lt3A_749, %lt3A_751 : i1
      %and3A_753 = arith.andi %ne3A_752, %ne3A_747 : i1
      %add3A_754 = arith.addi %rem3A_745, %select_n3A_744 : i32
      %select_n3A_755 = arith.select %and3A_753, %add3A_754, %rem3A_745 : i32
      %add3A_756 = arith.addi %mul3A_739, %select_n3A_755 : i32
      %broadcast_in_dim3A_757 = vector.broadcast %add3A_756 : i32 to vector<16xi32>
      %add3A_758 = arith.constant 0 : i32
      %add3A_759 = vector.broadcast %add3A_758 : i32 to vector<16xi32>
      %add3A_760 = arith.addi %iota3A, %add3A_759 : vector<16xi32>
      %shift_right_arithmetic3A = arith.constant 1 : i32
      %shift_right_arithmetic3A_761 = vector.broadcast %shift_right_arithmetic3A : i32 to vector<16xi32>
      %shift_right_arithmetic3A_762 = arith.shrsi %add3A_760, %shift_right_arithmetic3A_761 : vector<16xi32>
      %mul3A_763 = arith.constant 2000 : i32
      %mul3A_764 = vector.broadcast %mul3A_763 : i32 to vector<16xi32>
      %mul3A_765 = arith.muli %shift_right_arithmetic3A_762, %mul3A_764 : vector<16xi32>
      %and3A_766 = arith.constant 1 : i32
      %and3A_767 = vector.broadcast %and3A_766 : i32 to vector<16xi32>
      %and3A_768 = arith.andi %add3A_760, %and3A_767 : vector<16xi32>
      %mul3A_769 = arith.constant 8 : i32
      %mul3A_770 = vector.broadcast %mul3A_769 : i32 to vector<16xi32>
      %mul3A_771 = arith.muli %and3A_768, %mul3A_770 : vector<16xi32>
      %add3A_772 = arith.addi %mul3A_765, %mul3A_771 : vector<16xi32>
      %add3A_773 = arith.addi %add3A_772, %broadcast_in_dim3A_757 : vector<16xi32>
      %swap3A_774 = arith.constant 0 : i32
      %swap3A_775 = arith.index_cast %swap3A_774 : i32 to index
      %swap3A_776 = arith.constant 0 : index
      %swap3A_777 = tpu.vector_load %arg11[%swap3A_775, %swap3A_776] {strides = array<i32>} : memref<2x98xi32, #tpu.memory_space<vmem>>, vector<16xi32>,
      tpu.vector_store %arg11[%swap3A_775, %swap3A_776], %add3A_773 {strides = array<i32>} : memref<2x98xi32, #tpu.memory_space<vmem>>, vector<16xi32>,
      %add3A_778 = arith.constant 16 : i32
      %add3A_779 = vector.broadcast %add3A_778 : i32 to vector<16xi32>
      %add3A_780 = arith.addi %iota3A, %add3A_779 : vector<16xi32>
      %shift_right_arithmetic3A_781 = arith.constant 1 : i32
      %shift_right_arithmetic3A_782 = vector.broadcast %shift_right_arithmetic3A_781 : i32 to vector<16xi32>
      %shift_right_arithmetic3A_783 = arith.shrsi %add3A_780, %shift_right_arithmetic3A_782 : vector<16xi32>
      %mul3A_784 = arith.constant 2000 : i32
      %mul3A_785 = vector.broadcast %mul3A_784 : i32 to vector<16xi32>
      %mul3A_786 = arith.muli %shift_right_arithmetic3A_783, %mul3A_785 : vector<16xi32>
      %and3A_787 = arith.constant 1 : i32
      %and3A_788 = vector.broadcast %and3A_787 : i32 to vector<16xi32>
      %and3A_789 = arith.andi %add3A_780, %and3A_788 : vector<16xi32>
      %mul3A_790 = arith.constant 8 : i32
      %mul3A_791 = vector.broadcast %mul3A_790 : i32 to vector<16xi32>
      %mul3A_792 = arith.muli %and3A_789, %mul3A_791 : vector<16xi32>
      %add3A_793 = arith.addi %mul3A_786, %mul3A_792 : vector<16xi32>
      %add3A_794 = arith.addi %add3A_793, %broadcast_in_dim3A_757 : vector<16xi32>
      %swap3A_795 = arith.constant 0 : i32
      %swap3A_796 = arith.index_cast %swap3A_795 : i32 to index
      %swap3A_797 = arith.constant 16 : index
      %swap3A_798 = tpu.vector_load %arg11[%swap3A_796, %swap3A_797] {strides = array<i32>} : memref<2x98xi32, #tpu.memory_space<vmem>>, vector<16xi32>,
      tpu.vector_store %arg11[%swap3A_796, %swap3A_797], %add3A_794 {strides = array<i32>} : memref<2x98xi32, #tpu.memory_space<vmem>>, vector<16xi32>,
      %add3A_799 = arith.constant 32 : i32
      %add3A_800 = vector.broadcast %add3A_799 : i32 to vector<16xi32>
      %add3A_801 = arith.addi %iota3A, %add3A_800 : vector<16xi32>
      %shift_right_arithmetic3A_802 = arith.constant 1 : i32
      %shift_right_arithmetic3A_803 = vector.broadcast %shift_right_arithmetic3A_802 : i32 to vector<16xi32>
      %shift_right_arithmetic3A_804 = arith.shrsi %add3A_801, %shift_right_arithmetic3A_803 : vector<16xi32>
      %mul3A_805 = arith.constant 2000 : i32
      %mul3A_806 = vector.broadcast %mul3A_805 : i32 to vector<16xi32>
      %mul3A_807 = arith.muli %shift_right_arithmetic3A_804, %mul3A_806 : vector<16xi32>
      %and3A_808 = arith.constant 1 : i32
      %and3A_809 = vector.broadcast %and3A_808 : i32 to vector<16xi32>
      %and3A_810 = arith.andi %add3A_801, %and3A_809 : vector<16xi32>
      %mul3A_811 = arith.constant 8 : i32
      %mul3A_812 = vector.broadcast %mul3A_811 : i32 to vector<16xi32>
      %mul3A_813 = arith.muli %and3A_810, %mul3A_812 : vector<16xi32>
      %add3A_814 = arith.addi %mul3A_807, %mul3A_813 : vector<16xi32>
      %add3A_815 = arith.addi %add3A_814, %broadcast_in_dim3A_757 : vector<16xi32>
      %swap3A_816 = arith.constant 0 : i32
      %swap3A_817 = arith.index_cast %swap3A_816 : i32 to index
      %swap3A_818 = arith.constant 32 : index
      %swap3A_819 = tpu.vector_load %arg11[%swap3A_817, %swap3A_818] {strides = array<i32>} : memref<2x98xi32, #tpu.memory_space<vmem>>, vector<16xi32>,
      tpu.vector_store %arg11[%swap3A_817, %swap3A_818], %add3A_815 {strides = array<i32>} : memref<2x98xi32, #tpu.memory_space<vmem>>, vector<16xi32>,
      %add3A_820 = arith.constant 48 : i32
      %add3A_821 = vector.broadcast %add3A_820 : i32 to vector<16xi32>
      %add3A_822 = arith.addi %iota3A, %add3A_821 : vector<16xi32>
      %shift_right_arithmetic3A_823 = arith.constant 1 : i32
      %shift_right_arithmetic3A_824 = vector.broadcast %shift_right_arithmetic3A_823 : i32 to vector<16xi32>
      %shift_right_arithmetic3A_825 = arith.shrsi %add3A_822, %shift_right_arithmetic3A_824 : vector<16xi32>
      %mul3A_826 = arith.constant 2000 : i32
      %mul3A_827 = vector.broadcast %mul3A_826 : i32 to vector<16xi32>
      %mul3A_828 = arith.muli %shift_right_arithmetic3A_825, %mul3A_827 : vector<16xi32>
      %and3A_829 = arith.constant 1 : i32
      %and3A_830 = vector.broadcast %and3A_829 : i32 to vector<16xi32>
      %and3A_831 = arith.andi %add3A_822, %and3A_830 : vector<16xi32>
      %mul3A_832 = arith.constant 8 : i32
      %mul3A_833 = vector.broadcast %mul3A_832 : i32 to vector<16xi32>
      %mul3A_834 = arith.muli %and3A_831, %mul3A_833 : vector<16xi32>
      %add3A_835 = arith.addi %mul3A_828, %mul3A_834 : vector<16xi32>
      %add3A_836 = arith.addi %add3A_835, %broadcast_in_dim3A_757 : vector<16xi32>
      %swap3A_837 = arith.constant 0 : i32
      %swap3A_838 = arith.index_cast %swap3A_837 : i32 to index
      %swap3A_839 = arith.constant 48 : index
      %swap3A_840 = tpu.vector_load %arg11[%swap3A_838, %swap3A_839] {strides = array<i32>} : memref<2x98xi32, #tpu.memory_space<vmem>>, vector<16xi32>,
      tpu.vector_store %arg11[%swap3A_838, %swap3A_839], %add3A_836 {strides = array<i32>} : memref<2x98xi32, #tpu.memory_space<vmem>>, vector<16xi32>,
      %add3A_841 = arith.constant 64 : i32
      %add3A_842 = vector.broadcast %add3A_841 : i32 to vector<16xi32>
      %add3A_843 = arith.addi %iota3A, %add3A_842 : vector<16xi32>
      %shift_right_arithmetic3A_844 = arith.constant 1 : i32
      %shift_right_arithmetic3A_845 = vector.broadcast %shift_right_arithmetic3A_844 : i32 to vector<16xi32>
      %shift_right_arithmetic3A_846 = arith.shrsi %add3A_843, %shift_right_arithmetic3A_845 : vector<16xi32>
      %mul3A_847 = arith.constant 2000 : i32
      %mul3A_848 = vector.broadcast %mul3A_847 : i32 to vector<16xi32>
      %mul3A_849 = arith.muli %shift_right_arithmetic3A_846, %mul3A_848 : vector<16xi32>
      %and3A_850 = arith.constant 1 : i32
      %and3A_851 = vector.broadcast %and3A_850 : i32 to vector<16xi32>
      %and3A_852 = arith.andi %add3A_843, %and3A_851 : vector<16xi32>
      %mul3A_853 = arith.constant 8 : i32
      %mul3A_854 = vector.broadcast %mul3A_853 : i32 to vector<16xi32>
      %mul3A_855 = arith.muli %and3A_852, %mul3A_854 : vector<16xi32>
      %add3A_856 = arith.addi %mul3A_849, %mul3A_855 : vector<16xi32>
      %add3A_857 = arith.addi %add3A_856, %broadcast_in_dim3A_757 : vector<16xi32>
      %swap3A_858 = arith.constant 0 : i32
      %swap3A_859 = arith.index_cast %swap3A_858 : i32 to index
      %swap3A_860 = arith.constant 64 : index
      %swap3A_861 = tpu.vector_load %arg11[%swap3A_859, %swap3A_860] {strides = array<i32>} : memref<2x98xi32, #tpu.memory_space<vmem>>, vector<16xi32>,
      tpu.vector_store %arg11[%swap3A_859, %swap3A_860], %add3A_857 {strides = array<i32>} : memref<2x98xi32, #tpu.memory_space<vmem>>, vector<16xi32>,
      %add3A_862 = arith.constant 80 : i32
      %add3A_863 = vector.broadcast %add3A_862 : i32 to vector<16xi32>
      %add3A_864 = arith.addi %iota3A, %add3A_863 : vector<16xi32>
      %shift_right_arithmetic3A_865 = arith.constant 1 : i32
      %shift_right_arithmetic3A_866 = vector.broadcast %shift_right_arithmetic3A_865 : i32 to vector<16xi32>
      %shift_right_arithmetic3A_867 = arith.shrsi %add3A_864, %shift_right_arithmetic3A_866 : vector<16xi32>
      %mul3A_868 = arith.constant 2000 : i32
      %mul3A_869 = vector.broadcast %mul3A_868 : i32 to vector<16xi32>
      %mul3A_870 = arith.muli %shift_right_arithmetic3A_867, %mul3A_869 : vector<16xi32>
      %and3A_871 = arith.constant 1 : i32
      %and3A_872 = vector.broadcast %and3A_871 : i32 to vector<16xi32>
      %and3A_873 = arith.andi %add3A_864, %and3A_872 : vector<16xi32>
      %mul3A_874 = arith.constant 8 : i32
      %mul3A_875 = vector.broadcast %mul3A_874 : i32 to vector<16xi32>
      %mul3A_876 = arith.muli %and3A_873, %mul3A_875 : vector<16xi32>
      %add3A_877 = arith.addi %mul3A_870, %mul3A_876 : vector<16xi32>
      %add3A_878 = arith.addi %add3A_877, %broadcast_in_dim3A_757 : vector<16xi32>
      %swap3A_879 = arith.constant 0 : i32
      %swap3A_880 = arith.index_cast %swap3A_879 : i32 to index
      %swap3A_881 = arith.constant 80 : index
      %swap3A_882 = tpu.vector_load %arg11[%swap3A_880, %swap3A_881] {strides = array<i32>} : memref<2x98xi32, #tpu.memory_space<vmem>>, vector<16xi32>,
      tpu.vector_store %arg11[%swap3A_880, %swap3A_881], %add3A_878 {strides = array<i32>} : memref<2x98xi32, #tpu.memory_space<vmem>>, vector<16xi32>,
      %add3A_883 = arith.constant 96 : i32
      %add3A_884 = vector.broadcast %add3A_883 : i32 to vector<16xi32>
      %add3A_885 = arith.addi %iota3A, %add3A_884 : vector<16xi32>
      %shift_right_arithmetic3A_886 = arith.constant 1 : i32
      %shift_right_arithmetic3A_887 = vector.broadcast %shift_right_arithmetic3A_886 : i32 to vector<16xi32>
      %shift_right_arithmetic3A_888 = arith.shrsi %add3A_885, %shift_right_arithmetic3A_887 : vector<16xi32>
      %mul3A_889 = arith.constant 2000 : i32
      %mul3A_890 = vector.broadcast %mul3A_889 : i32 to vector<16xi32>
      %mul3A_891 = arith.muli %shift_right_arithmetic3A_888, %mul3A_890 : vector<16xi32>
      %and3A_892 = arith.constant 1 : i32
      %and3A_893 = vector.broadcast %and3A_892 : i32 to vector<16xi32>
      %and3A_894 = arith.andi %add3A_885, %and3A_893 : vector<16xi32>
      %mul3A_895 = arith.constant 8 : i32
      %mul3A_896 = vector.broadcast %mul3A_895 : i32 to vector<16xi32>
      %mul3A_897 = arith.muli %and3A_894, %mul3A_896 : vector<16xi32>
      %add3A_898 = arith.addi %mul3A_891, %mul3A_897 : vector<16xi32>
      %add3A_899 = arith.addi %add3A_898, %broadcast_in_dim3A_757 : vector<16xi32>
      %broadcast_in_dim3A_900 = arith.constant 0 : i32
      %broadcast_in_dim3A_901 = vector.broadcast %broadcast_in_dim3A_900 : i32 to vector<16xi32>
      %add3A_902 = arith.constant 96 : i32
      %add3A_903 = vector.broadcast %add3A_902 : i32 to vector<16xi32>
      %add3A_904 = arith.addi %add3A_903, %iota3A : vector<16xi32>
      %lt3A_905 = arith.constant 2 : i32
      %lt3A_906 = vector.broadcast %lt3A_905 : i32 to vector<16xi32>
      %lt3A_907 = arith.cmpi slt, %iota3A, %lt3A_906 : vector<16xi32>
      tpu.vector_store_idx %arg11[%broadcast_in_dim3A_901, %add3A_904], %add3A_899 masked %lt3A_907 : memref<2x98xi32, #tpu.memory_space<vmem>>[vector<16xi32>, vector<16xi32>], vector<16xi32>, vector<16xi1>
      %parallel_loop3A = arith.constant 0 : i32
      %parallel_loop3A_908 = arith.constant 49 : i32
      %parallel_loop3A_909 = arith.constant 1 : i32
      scf.for %parallel_loop3A_1777 = %parallel_loop3A to %parallel_loop3A_908 step %parallel_loop3A_909  : i32 {
        %parallel_loop3A_1778 = arith.constant 8 : i32
        %parallel_loop3A_1779 = arith.muli %parallel_loop3A_1777, %parallel_loop3A_1778 : i32
        %parallel_loop3A_1780 = arith.index_cast %parallel_loop3A_1779 : i32 to index
        %parallel_loop3A_1781 = tpu.vector_load %arg14[%parallel_loop3A_1780] {strides = array<i32>} : memref<512xi32, #tpu.memory_space<vmem>>, vector<16xi32>,
        %parallel_loop3A_1782 = vector.bitcast %parallel_loop3A_1781 : vector<16xi32> to vector<16xf32>
        %parallel_loop3A_1783 = vector.extract_strided_slice %parallel_loop3A_1781 {offsets = [0], sizes = [1], strides = [1]} : vector<16xi32> to vector<1xi32>
        %parallel_loop3A_1784 = vector.extract %parallel_loop3A_1783[0] : i32 from vector<1xi32>
        %parallel_loop3A_1785 = vector.extract_strided_slice %parallel_loop3A_1781 {offsets = [1], sizes = [1], strides = [1]} : vector<16xi32> to vector<1xi32>
        %parallel_loop3A_1786 = vector.extract %parallel_loop3A_1785[0] : i32 from vector<1xi32>
        %parallel_loop3A_1787 = vector.extract_strided_slice %parallel_loop3A_1781 {offsets = [2], sizes = [1], strides = [1]} : vector<16xi32> to vector<1xi32>
        %parallel_loop3A_1788 = vector.extract %parallel_loop3A_1787[0] : i32 from vector<1xi32>
        %parallel_loop3A_1789 = vector.extract_strided_slice %parallel_loop3A_1781 {offsets = [3], sizes = [1], strides = [1]} : vector<16xi32> to vector<1xi32>
        %parallel_loop3A_1790 = vector.extract %parallel_loop3A_1789[0] : i32 from vector<1xi32>
        %parallel_loop3A_1791 = vector.extract_strided_slice %parallel_loop3A_1782 {offsets = [4], sizes = [1], strides = [1]} : vector<16xf32> to vector<1xf32>
        %parallel_loop3A_1792 = vector.extract %parallel_loop3A_1791[0] : f32 from vector<1xf32>
        %parallel_loop3A_1793 = vector.broadcast %parallel_loop3A_1792 : f32 to vector<16xf32>
        %parallel_loop3A_1794 = vector.extract_strided_slice %parallel_loop3A_1782 {offsets = [5], sizes = [1], strides = [1]} : vector<16xf32> to vector<1xf32>
        %parallel_loop3A_1795 = vector.extract %parallel_loop3A_1794[0] : f32 from vector<1xf32>
        %parallel_loop3A_1796 = vector.broadcast %parallel_loop3A_1795 : f32 to vector<16xf32>
        %parallel_loop3A_1797 = vector.extract_strided_slice %parallel_loop3A_1782 {offsets = [6], sizes = [1], strides = [1]} : vector<16xf32> to vector<1xf32>
        %parallel_loop3A_1798 = vector.extract %parallel_loop3A_1797[0] : f32 from vector<1xf32>
        %parallel_loop3A_1799 = vector.broadcast %parallel_loop3A_1798 : f32 to vector<16xf32>
        %parallel_loop3A_1800 = vector.extract_strided_slice %parallel_loop3A_1782 {offsets = [7], sizes = [1], strides = [1]} : vector<16xf32> to vector<1xf32>
        %parallel_loop3A_1801 = vector.extract %parallel_loop3A_1800[0] : f32 from vector<1xf32>
        %parallel_loop3A_1802 = vector.broadcast %parallel_loop3A_1801 : f32 to vector<16xf32>
        %parallel_loop3A_1803 = arith.constant 2 : i32
        %parallel_loop3A_1804 = arith.muli %parallel_loop3A_1777, %parallel_loop3A_1803 : i32
        %parallel_loop3A_1805 = arith.index_cast %parallel_loop3A_1784 : i32 to index
        %parallel_loop3A_1806 = arith.constant 0 : index
        %parallel_loop3A_1807 = tpu.vector_load %arg8[%parallel_loop3A_1805, %parallel_loop3A_1806] {strides = array<i32>} : memref<196x256xf32, #tpu.memory_space<vmem>>, vector<16xf32>,
        %parallel_loop3A_1808 = arith.mulf %parallel_loop3A_1793, %parallel_loop3A_1807 : vector<16xf32>
        %parallel_loop3A_1809 = arith.index_cast %parallel_loop3A_1786 : i32 to index
        %parallel_loop3A_1810 = arith.constant 0 : index
        %parallel_loop3A_1811 = tpu.vector_load %arg8[%parallel_loop3A_1809, %parallel_loop3A_1810] {strides = array<i32>} : memref<196x256xf32, #tpu.memory_space<vmem>>, vector<16xf32>,
        %parallel_loop3A_1812 = arith.mulf %parallel_loop3A_1796, %parallel_loop3A_1811 : vector<16xf32>
        %parallel_loop3A_1813 = arith.addf %parallel_loop3A_1808, %parallel_loop3A_1812 : vector<16xf32>
        %parallel_loop3A_1814 = arith.index_cast %parallel_loop3A_1788 : i32 to index
        %parallel_loop3A_1815 = arith.constant 0 : index
        %parallel_loop3A_1816 = tpu.vector_load %arg8[%parallel_loop3A_1814, %parallel_loop3A_1815] {strides = array<i32>} : memref<196x256xf32, #tpu.memory_space<vmem>>, vector<16xf32>,
        %parallel_loop3A_1817 = arith.mulf %parallel_loop3A_1799, %parallel_loop3A_1816 : vector<16xf32>
        %parallel_loop3A_1818 = arith.addf %parallel_loop3A_1813, %parallel_loop3A_1817 : vector<16xf32>
        %parallel_loop3A_1819 = arith.index_cast %parallel_loop3A_1790 : i32 to index
        %parallel_loop3A_1820 = arith.constant 0 : index
        %parallel_loop3A_1821 = tpu.vector_load %arg8[%parallel_loop3A_1819, %parallel_loop3A_1820] {strides = array<i32>} : memref<196x256xf32, #tpu.memory_space<vmem>>, vector<16xf32>,
        %parallel_loop3A_1822 = arith.mulf %parallel_loop3A_1802, %parallel_loop3A_1821 : vector<16xf32>
        %parallel_loop3A_1823 = arith.addf %parallel_loop3A_1818, %parallel_loop3A_1822 : vector<16xf32>
        %parallel_loop3A_1824 = arith.constant 0 : i32
        %parallel_loop3A_1825 = arith.addi %parallel_loop3A_1804, %parallel_loop3A_1824 : i32
        %parallel_loop3A_1826 = arith.constant 0 : i32
        %parallel_loop3A_1827 = arith.index_cast %parallel_loop3A_1826 : i32 to index
        %parallel_loop3A_1828 = arith.index_cast %parallel_loop3A_1825 : i32 to index
        %parallel_loop3A_1829 = arith.constant 0 : index
        %parallel_loop3A_1830 = tpu.vector_load %arg10[%parallel_loop3A_1827, %parallel_loop3A_1828, %parallel_loop3A_1829] {strides = array<i32>} : memref<2x98x128xf32, #tpu.memory_space<vmem>>, vector<16xf32>,
        tpu.vector_store %arg10[%parallel_loop3A_1827, %parallel_loop3A_1828, %parallel_loop3A_1829], %parallel_loop3A_1823 {strides = array<i32>} : memref<2x98x128xf32, #tpu.memory_space<vmem>>, vector<16xf32>,
        %parallel_loop3A_1831 = arith.index_cast %parallel_loop3A_1784 : i32 to index
        %parallel_loop3A_1832 = arith.constant 16 : index
        %parallel_loop3A_1833 = tpu.vector_load %arg8[%parallel_loop3A_1831, %parallel_loop3A_1832] {strides = array<i32>} : memref<196x256xf32, #tpu.memory_space<vmem>>, vector<16xf32>,
        %parallel_loop3A_1834 = arith.mulf %parallel_loop3A_1793, %parallel_loop3A_1833 : vector<16xf32>
        %parallel_loop3A_1835 = arith.index_cast %parallel_loop3A_1786 : i32 to index
        %parallel_loop3A_1836 = arith.constant 16 : index
        %parallel_loop3A_1837 = tpu.vector_load %arg8[%parallel_loop3A_1835, %parallel_loop3A_1836] {strides = array<i32>} : memref<196x256xf32, #tpu.memory_space<vmem>>, vector<16xf32>,
        %parallel_loop3A_1838 = arith.mulf %parallel_loop3A_1796, %parallel_loop3A_1837 : vector<16xf32>
        %parallel_loop3A_1839 = arith.addf %parallel_loop3A_1834, %parallel_loop3A_1838 : vector<16xf32>
        %parallel_loop3A_1840 = arith.index_cast %parallel_loop3A_1788 : i32 to index
        %parallel_loop3A_1841 = arith.constant 16 : index
        %parallel_loop3A_1842 = tpu.vector_load %arg8[%parallel_loop3A_1840, %parallel_loop3A_1841] {strides = array<i32>} : memref<196x256xf32, #tpu.memory_space<vmem>>, vector<16xf32>,
        %parallel_loop3A_1843 = arith.mulf %parallel_loop3A_1799, %parallel_loop3A_1842 : vector<16xf32>
        %parallel_loop3A_1844 = arith.addf %parallel_loop3A_1839, %parallel_loop3A_1843 : vector<16xf32>
        %parallel_loop3A_1845 = arith.index_cast %parallel_loop3A_1790 : i32 to index
        %parallel_loop3A_1846 = arith.constant 16 : index
        %parallel_loop3A_1847 = tpu.vector_load %arg8[%parallel_loop3A_1845, %parallel_loop3A_1846] {strides = array<i32>} : memref<196x256xf32, #tpu.memory_space<vmem>>, vector<16xf32>,
        %parallel_loop3A_1848 = arith.mulf %parallel_loop3A_1802, %parallel_loop3A_1847 : vector<16xf32>
        %parallel_loop3A_1849 = arith.addf %parallel_loop3A_1844, %parallel_loop3A_1848 : vector<16xf32>
        %parallel_loop3A_1850 = arith.constant 0 : i32
        %parallel_loop3A_1851 = arith.addi %parallel_loop3A_1804, %parallel_loop3A_1850 : i32
        %parallel_loop3A_1852 = arith.constant 0 : i32
        %parallel_loop3A_1853 = arith.index_cast %parallel_loop3A_1852 : i32 to index
        %parallel_loop3A_1854 = arith.index_cast %parallel_loop3A_1851 : i32 to index
        %parallel_loop3A_1855 = arith.constant 16 : index
        %parallel_loop3A_1856 = tpu.vector_load %arg10[%parallel_loop3A_1853, %parallel_loop3A_1854, %parallel_loop3A_1855] {strides = array<i32>} : memref<2x98x128xf32, #tpu.memory_space<vmem>>, vector<16xf32>,
        tpu.vector_store %arg10[%parallel_loop3A_1853, %parallel_loop3A_1854, %parallel_loop3A_1855], %parallel_loop3A_1849 {strides = array<i32>} : memref<2x98x128xf32, #tpu.memory_space<vmem>>, vector<16xf32>,
        %parallel_loop3A_1857 = arith.index_cast %parallel_loop3A_1784 : i32 to index
        %parallel_loop3A_1858 = arith.constant 32 : index
        %parallel_loop3A_1859 = tpu.vector_load %arg8[%parallel_loop3A_1857, %parallel_loop3A_1858] {strides = array<i32>} : memref<196x256xf32, #tpu.memory_space<vmem>>, vector<16xf32>,
        %parallel_loop3A_1860 = arith.mulf %parallel_loop3A_1793, %parallel_loop3A_1859 : vector<16xf32>
        %parallel_loop3A_1861 = arith.index_cast %parallel_loop3A_1786 : i32 to index
        %parallel_loop3A_1862 = arith.constant 32 : index
        %parallel_loop3A_1863 = tpu.vector_load %arg8[%parallel_loop3A_1861, %parallel_loop3A_1862] {strides = array<i32>} : memref<196x256xf32, #tpu.memory_space<vmem>>, vector<16xf32>,
        %parallel_loop3A_1864 = arith.mulf %parallel_loop3A_1796, %parallel_loop3A_1863 : vector<16xf32>
        %parallel_loop3A_1865 = arith.addf %parallel_loop3A_1860, %parallel_loop3A_1864 : vector<16xf32>
        %parallel_loop3A_1866 = arith.index_cast %parallel_loop3A_1788 : i32 to index
        %parallel_loop3A_1867 = arith.constant 32 : index
        %parallel_loop3A_1868 = tpu.vector_load %arg8[%parallel_loop3A_1866, %parallel_loop3A_1867] {strides = array<i32>} : memref<196x256xf32, #tpu.memory_space<vmem>>, vector<16xf32>,
        %parallel_loop3A_1869 = arith.mulf %parallel_loop3A_1799, %parallel_loop3A_1868 : vector<16xf32>
        %parallel_loop3A_1870 = arith.addf %parallel_loop3A_1865, %parallel_loop3A_1869 : vector<16xf32>
        %parallel_loop3A_1871 = arith.index_cast %parallel_loop3A_1790 : i32 to index
        %parallel_loop3A_1872 = arith.constant 32 : index
        %parallel_loop3A_1873 = tpu.vector_load %arg8[%parallel_loop3A_1871, %parallel_loop3A_1872] {strides = array<i32>} : memref<196x256xf32, #tpu.memory_space<vmem>>, vector<16xf32>,
        %parallel_loop3A_1874 = arith.mulf %parallel_loop3A_1802, %parallel_loop3A_1873 : vector<16xf32>
        %parallel_loop3A_1875 = arith.addf %parallel_loop3A_1870, %parallel_loop3A_1874 : vector<16xf32>
        %parallel_loop3A_1876 = arith.constant 0 : i32
        %parallel_loop3A_1877 = arith.addi %parallel_loop3A_1804, %parallel_loop3A_1876 : i32
        %parallel_loop3A_1878 = arith.constant 0 : i32
        %parallel_loop3A_1879 = arith.index_cast %parallel_loop3A_1878 : i32 to index
        %parallel_loop3A_1880 = arith.index_cast %parallel_loop3A_1877 : i32 to index
        %parallel_loop3A_1881 = arith.constant 32 : index
        %parallel_loop3A_1882 = tpu.vector_load %arg10[%parallel_loop3A_1879, %parallel_loop3A_1880, %parallel_loop3A_1881] {strides = array<i32>} : memref<2x98x128xf32, #tpu.memory_space<vmem>>, vector<16xf32>,
        tpu.vector_store %arg10[%parallel_loop3A_1879, %parallel_loop3A_1880, %parallel_loop3A_1881], %parallel_loop3A_1875 {strides = array<i32>} : memref<2x98x128xf32, #tpu.memory_space<vmem>>, vector<16xf32>,
        %parallel_loop3A_1883 = arith.index_cast %parallel_loop3A_1784 : i32 to index
        %parallel_loop3A_1884 = arith.constant 48 : index
        %parallel_loop3A_1885 = tpu.vector_load %arg8[%parallel_loop3A_1883, %parallel_loop3A_1884] {strides = array<i32>} : memref<196x256xf32, #tpu.memory_space<vmem>>, vector<16xf32>,
        %parallel_loop3A_1886 = arith.mulf %parallel_loop3A_1793, %parallel_loop3A_1885 : vector<16xf32>
        %parallel_loop3A_1887 = arith.index_cast %parallel_loop3A_1786 : i32 to index
        %parallel_loop3A_1888 = arith.constant 48 : index
        %parallel_loop3A_1889 = tpu.vector_load %arg8[%parallel_loop3A_1887, %parallel_loop3A_1888] {strides = array<i32>} : memref<196x256xf32, #tpu.memory_space<vmem>>, vector<16xf32>,
        %parallel_loop3A_1890 = arith.mulf %parallel_loop3A_1796, %parallel_loop3A_1889 : vector<16xf32>
        %parallel_loop3A_1891 = arith.addf %parallel_loop3A_1886, %parallel_loop3A_1890 : vector<16xf32>
        %parallel_loop3A_1892 = arith.index_cast %parallel_loop3A_1788 : i32 to index
        %parallel_loop3A_1893 = arith.constant 48 : index
        %parallel_loop3A_1894 = tpu.vector_load %arg8[%parallel_loop3A_1892, %parallel_loop3A_1893] {strides = array<i32>} : memref<196x256xf32, #tpu.memory_space<vmem>>, vector<16xf32>,
        %parallel_loop3A_1895 = arith.mulf %parallel_loop3A_1799, %parallel_loop3A_1894 : vector<16xf32>
        %parallel_loop3A_1896 = arith.addf %parallel_loop3A_1891, %parallel_loop3A_1895 : vector<16xf32>
        %parallel_loop3A_1897 = arith.index_cast %parallel_loop3A_1790 : i32 to index
        %parallel_loop3A_1898 = arith.constant 48 : index
        %parallel_loop3A_1899 = tpu.vector_load %arg8[%parallel_loop3A_1897, %parallel_loop3A_1898] {strides = array<i32>} : memref<196x256xf32, #tpu.memory_space<vmem>>, vector<16xf32>,
        %parallel_loop3A_1900 = arith.mulf %parallel_loop3A_1802, %parallel_loop3A_1899 : vector<16xf32>
        %parallel_loop3A_1901 = arith.addf %parallel_loop3A_1896, %parallel_loop3A_1900 : vector<16xf32>
        %parallel_loop3A_1902 = arith.constant 0 : i32
        %parallel_loop3A_1903 = arith.addi %parallel_loop3A_1804, %parallel_loop3A_1902 : i32
        %parallel_loop3A_1904 = arith.constant 0 : i32
        %parallel_loop3A_1905 = arith.index_cast %parallel_loop3A_1904 : i32 to index
        %parallel_loop3A_1906 = arith.index_cast %parallel_loop3A_1903 : i32 to index
        %parallel_loop3A_1907 = arith.constant 48 : index
        %parallel_loop3A_1908 = tpu.vector_load %arg10[%parallel_loop3A_1905, %parallel_loop3A_1906, %parallel_loop3A_1907] {strides = array<i32>} : memref<2x98x128xf32, #tpu.memory_space<vmem>>, vector<16xf32>,
        tpu.vector_store %arg10[%parallel_loop3A_1905, %parallel_loop3A_1906, %parallel_loop3A_1907], %parallel_loop3A_1901 {strides = array<i32>} : memref<2x98x128xf32, #tpu.memory_space<vmem>>, vector<16xf32>,
        %parallel_loop3A_1909 = arith.index_cast %parallel_loop3A_1784 : i32 to index
        %parallel_loop3A_1910 = arith.constant 64 : index
        %parallel_loop3A_1911 = tpu.vector_load %arg8[%parallel_loop3A_1909, %parallel_loop3A_1910] {strides = array<i32>} : memref<196x256xf32, #tpu.memory_space<vmem>>, vector<16xf32>,
        %parallel_loop3A_1912 = arith.mulf %parallel_loop3A_1793, %parallel_loop3A_1911 : vector<16xf32>
        %parallel_loop3A_1913 = arith.index_cast %parallel_loop3A_1786 : i32 to index
        %parallel_loop3A_1914 = arith.constant 64 : index
        %parallel_loop3A_1915 = tpu.vector_load %arg8[%parallel_loop3A_1913, %parallel_loop3A_1914] {strides = array<i32>} : memref<196x256xf32, #tpu.memory_space<vmem>>, vector<16xf32>,
        %parallel_loop3A_1916 = arith.mulf %parallel_loop3A_1796, %parallel_loop3A_1915 : vector<16xf32>
        %parallel_loop3A_1917 = arith.addf %parallel_loop3A_1912, %parallel_loop3A_1916 : vector<16xf32>
        %parallel_loop3A_1918 = arith.index_cast %parallel_loop3A_1788 : i32 to index
        %parallel_loop3A_1919 = arith.constant 64 : index
        %parallel_loop3A_1920 = tpu.vector_load %arg8[%parallel_loop3A_1918, %parallel_loop3A_1919] {strides = array<i32>} : memref<196x256xf32, #tpu.memory_space<vmem>>, vector<16xf32>,
        %parallel_loop3A_1921 = arith.mulf %parallel_loop3A_1799, %parallel_loop3A_1920 : vector<16xf32>
        %parallel_loop3A_1922 = arith.addf %parallel_loop3A_1917, %parallel_loop3A_1921 : vector<16xf32>
        %parallel_loop3A_1923 = arith.index_cast %parallel_loop3A_1790 : i32 to index
        %parallel_loop3A_1924 = arith.constant 64 : index
        %parallel_loop3A_1925 = tpu.vector_load %arg8[%parallel_loop3A_1923, %parallel_loop3A_1924] {strides = array<i32>} : memref<196x256xf32, #tpu.memory_space<vmem>>, vector<16xf32>,
        %parallel_loop3A_1926 = arith.mulf %parallel_loop3A_1802, %parallel_loop3A_1925 : vector<16xf32>
        %parallel_loop3A_1927 = arith.addf %parallel_loop3A_1922, %parallel_loop3A_1926 : vector<16xf32>
        %parallel_loop3A_1928 = arith.constant 0 : i32
        %parallel_loop3A_1929 = arith.addi %parallel_loop3A_1804, %parallel_loop3A_1928 : i32
        %parallel_loop3A_1930 = arith.constant 0 : i32
        %parallel_loop3A_1931 = arith.index_cast %parallel_loop3A_1930 : i32 to index
        %parallel_loop3A_1932 = arith.index_cast %parallel_loop3A_1929 : i32 to index
        %parallel_loop3A_1933 = arith.constant 64 : index
        %parallel_loop3A_1934 = tpu.vector_load %arg10[%parallel_loop3A_1931, %parallel_loop3A_1932, %parallel_loop3A_1933] {strides = array<i32>} : memref<2x98x128xf32, #tpu.memory_space<vmem>>, vector<16xf32>,
        tpu.vector_store %arg10[%parallel_loop3A_1931, %parallel_loop3A_1932, %parallel_loop3A_1933], %parallel_loop3A_1927 {strides = array<i32>} : memref<2x98x128xf32, #tpu.memory_space<vmem>>, vector<16xf32>,
        %parallel_loop3A_1935 = arith.index_cast %parallel_loop3A_1784 : i32 to index
        %parallel_loop3A_1936 = arith.constant 80 : index
        %parallel_loop3A_1937 = tpu.vector_load %arg8[%parallel_loop3A_1935, %parallel_loop3A_1936] {strides = array<i32>} : memref<196x256xf32, #tpu.memory_space<vmem>>, vector<16xf32>,
        %parallel_loop3A_1938 = arith.mulf %parallel_loop3A_1793, %parallel_loop3A_1937 : vector<16xf32>
        %parallel_loop3A_1939 = arith.index_cast %parallel_loop3A_1786 : i32 to index
        %parallel_loop3A_1940 = arith.constant 80 : index
        %parallel_loop3A_1941 = tpu.vector_load %arg8[%parallel_loop3A_1939, %parallel_loop3A_1940] {strides = array<i32>} : memref<196x256xf32, #tpu.memory_space<vmem>>, vector<16xf32>,
        %parallel_loop3A_1942 = arith.mulf %parallel_loop3A_1796, %parallel_loop3A_1941 : vector<16xf32>
        %parallel_loop3A_1943 = arith.addf %parallel_loop3A_1938, %parallel_loop3A_1942 : vector<16xf32>
        %parallel_loop3A_1944 = arith.index_cast %parallel_loop3A_1788 : i32 to index
        %parallel_loop3A_1945 = arith.constant 80 : index
        %parallel_loop3A_1946 = tpu.vector_load %arg8[%parallel_loop3A_1944, %parallel_loop3A_1945] {strides = array<i32>} : memref<196x256xf32, #tpu.memory_space<vmem>>, vector<16xf32>,
        %parallel_loop3A_1947 = arith.mulf %parallel_loop3A_1799, %parallel_loop3A_1946 : vector<16xf32>
        %parallel_loop3A_1948 = arith.addf %parallel_loop3A_1943, %parallel_loop3A_1947 : vector<16xf32>
        %parallel_loop3A_1949 = arith.index_cast %parallel_loop3A_1790 : i32 to index
        %parallel_loop3A_1950 = arith.constant 80 : index
        %parallel_loop3A_1951 = tpu.vector_load %arg8[%parallel_loop3A_1949, %parallel_loop3A_1950] {strides = array<i32>} : memref<196x256xf32, #tpu.memory_space<vmem>>, vector<16xf32>,
        %parallel_loop3A_1952 = arith.mulf %parallel_loop3A_1802, %parallel_loop3A_1951 : vector<16xf32>
        %parallel_loop3A_1953 = arith.addf %parallel_loop3A_1948, %parallel_loop3A_1952 : vector<16xf32>
        %parallel_loop3A_1954 = arith.constant 0 : i32
        %parallel_loop3A_1955 = arith.addi %parallel_loop3A_1804, %parallel_loop3A_1954 : i32
        %parallel_loop3A_1956 = arith.constant 0 : i32
        %parallel_loop3A_1957 = arith.index_cast %parallel_loop3A_1956 : i32 to index
        %parallel_loop3A_1958 = arith.index_cast %parallel_loop3A_1955 : i32 to index
        %parallel_loop3A_1959 = arith.constant 80 : index
        %parallel_loop3A_1960 = tpu.vector_load %arg10[%parallel_loop3A_1957, %parallel_loop3A_1958, %parallel_loop3A_1959] {strides = array<i32>} : memref<2x98x128xf32, #tpu.memory_space<vmem>>, vector<16xf32>,
        tpu.vector_store %arg10[%parallel_loop3A_1957, %parallel_loop3A_1958, %parallel_loop3A_1959], %parallel_loop3A_1953 {strides = array<i32>} : memref<2x98x128xf32, #tpu.memory_space<vmem>>, vector<16xf32>,
        %parallel_loop3A_1961 = arith.index_cast %parallel_loop3A_1784 : i32 to index
        %parallel_loop3A_1962 = arith.constant 96 : index
        %parallel_loop3A_1963 = tpu.vector_load %arg8[%parallel_loop3A_1961, %parallel_loop3A_1962] {strides = array<i32>} : memref<196x256xf32, #tpu.memory_space<vmem>>, vector<16xf32>,
        %parallel_loop3A_1964 = arith.mulf %parallel_loop3A_1793, %parallel_loop3A_1963 : vector<16xf32>
        %parallel_loop3A_1965 = arith.index_cast %parallel_loop3A_1786 : i32 to index
        %parallel_loop3A_1966 = arith.constant 96 : index
        %parallel_loop3A_1967 = tpu.vector_load %arg8[%parallel_loop3A_1965, %parallel_loop3A_1966] {strides = array<i32>} : memref<196x256xf32, #tpu.memory_space<vmem>>, vector<16xf32>,
        %parallel_loop3A_1968 = arith.mulf %parallel_loop3A_1796, %parallel_loop3A_1967 : vector<16xf32>
        %parallel_loop3A_1969 = arith.addf %parallel_loop3A_1964, %parallel_loop3A_1968 : vector<16xf32>
        %parallel_loop3A_1970 = arith.index_cast %parallel_loop3A_1788 : i32 to index
        %parallel_loop3A_1971 = arith.constant 96 : index
        %parallel_loop3A_1972 = tpu.vector_load %arg8[%parallel_loop3A_1970, %parallel_loop3A_1971] {strides = array<i32>} : memref<196x256xf32, #tpu.memory_space<vmem>>, vector<16xf32>,
        %parallel_loop3A_1973 = arith.mulf %parallel_loop3A_1799, %parallel_loop3A_1972 : vector<16xf32>
        %parallel_loop3A_1974 = arith.addf %parallel_loop3A_1969, %parallel_loop3A_1973 : vector<16xf32>
        %parallel_loop3A_1975 = arith.index_cast %parallel_loop3A_1790 : i32 to index
        %parallel_loop3A_1976 = arith.constant 96 : index
        %parallel_loop3A_1977 = tpu.vector_load %arg8[%parallel_loop3A_1975, %parallel_loop3A_1976] {strides = array<i32>} : memref<196x256xf32, #tpu.memory_space<vmem>>, vector<16xf32>,
        %parallel_loop3A_1978 = arith.mulf %parallel_loop3A_1802, %parallel_loop3A_1977 : vector<16xf32>
        %parallel_loop3A_1979 = arith.addf %parallel_loop3A_1974, %parallel_loop3A_1978 : vector<16xf32>
        %parallel_loop3A_1980 = arith.constant 0 : i32
        %parallel_loop3A_1981 = arith.addi %parallel_loop3A_1804, %parallel_loop3A_1980 : i32
        %parallel_loop3A_1982 = arith.constant 0 : i32
        %parallel_loop3A_1983 = arith.index_cast %parallel_loop3A_1982 : i32 to index
        %parallel_loop3A_1984 = arith.index_cast %parallel_loop3A_1981 : i32 to index
        %parallel_loop3A_1985 = arith.constant 96 : index
        %parallel_loop3A_1986 = tpu.vector_load %arg10[%parallel_loop3A_1983, %parallel_loop3A_1984, %parallel_loop3A_1985] {strides = array<i32>} : memref<2x98x128xf32, #tpu.memory_space<vmem>>, vector<16xf32>,
        tpu.vector_store %arg10[%parallel_loop3A_1983, %parallel_loop3A_1984, %parallel_loop3A_1985], %parallel_loop3A_1979 {strides = array<i32>} : memref<2x98x128xf32, #tpu.memory_space<vmem>>, vector<16xf32>,
        %parallel_loop3A_1987 = arith.index_cast %parallel_loop3A_1784 : i32 to index
        %parallel_loop3A_1988 = arith.constant 112 : index
        %parallel_loop3A_1989 = tpu.vector_load %arg8[%parallel_loop3A_1987, %parallel_loop3A_1988] {strides = array<i32>} : memref<196x256xf32, #tpu.memory_space<vmem>>, vector<16xf32>,
        %parallel_loop3A_1990 = arith.mulf %parallel_loop3A_1793, %parallel_loop3A_1989 : vector<16xf32>
        %parallel_loop3A_1991 = arith.index_cast %parallel_loop3A_1786 : i32 to index
        %parallel_loop3A_1992 = arith.constant 112 : index
        %parallel_loop3A_1993 = tpu.vector_load %arg8[%parallel_loop3A_1991, %parallel_loop3A_1992] {strides = array<i32>} : memref<196x256xf32, #tpu.memory_space<vmem>>, vector<16xf32>,
        %parallel_loop3A_1994 = arith.mulf %parallel_loop3A_1796, %parallel_loop3A_1993 : vector<16xf32>
        %parallel_loop3A_1995 = arith.addf %parallel_loop3A_1990, %parallel_loop3A_1994 : vector<16xf32>
        %parallel_loop3A_1996 = arith.index_cast %parallel_loop3A_1788 : i32 to index
        %parallel_loop3A_1997 = arith.constant 112 : index
        %parallel_loop3A_1998 = tpu.vector_load %arg8[%parallel_loop3A_1996, %parallel_loop3A_1997] {strides = array<i32>} : memref<196x256xf32, #tpu.memory_space<vmem>>, vector<16xf32>,
        %parallel_loop3A_1999 = arith.mulf %parallel_loop3A_1799, %parallel_loop3A_1998 : vector<16xf32>
        %parallel_loop3A_2000 = arith.addf %parallel_loop3A_1995, %parallel_loop3A_1999 : vector<16xf32>
        %parallel_loop3A_2001 = arith.index_cast %parallel_loop3A_1790 : i32 to index
        %parallel_loop3A_2002 = arith.constant 112 : index
        %parallel_loop3A_2003 = tpu.vector_load %arg8[%parallel_loop3A_2001, %parallel_loop3A_2002] {strides = array<i32>} : memref<196x256xf32, #tpu.memory_space<vmem>>, vector<16xf32>,
        %parallel_loop3A_2004 = arith.mulf %parallel_loop3A_1802, %parallel_loop3A_2003 : vector<16xf32>
        %parallel_loop3A_2005 = arith.addf %parallel_loop3A_2000, %parallel_loop3A_2004 : vector<16xf32>
        %parallel_loop3A_2006 = arith.constant 0 : i32
        %parallel_loop3A_2007 = arith.addi %parallel_loop3A_1804, %parallel_loop3A_2006 : i32
        %parallel_loop3A_2008 = arith.constant 0 : i32
        %parallel_loop3A_2009 = arith.index_cast %parallel_loop3A_2008 : i32 to index
        %parallel_loop3A_2010 = arith.index_cast %parallel_loop3A_2007 : i32 to index
        %parallel_loop3A_2011 = arith.constant 112 : index
        %parallel_loop3A_2012 = tpu.vector_load %arg10[%parallel_loop3A_2009, %parallel_loop3A_2010, %parallel_loop3A_2011] {strides = array<i32>} : memref<2x98x128xf32, #tpu.memory_space<vmem>>, vector<16xf32>,
        tpu.vector_store %arg10[%parallel_loop3A_2009, %parallel_loop3A_2010, %parallel_loop3A_2011], %parallel_loop3A_2005 {strides = array<i32>} : memref<2x98x128xf32, #tpu.memory_space<vmem>>, vector<16xf32>,
        %parallel_loop3A_2013 = arith.index_cast %parallel_loop3A_1784 : i32 to index
        %parallel_loop3A_2014 = arith.constant 128 : index
        %parallel_loop3A_2015 = tpu.vector_load %arg8[%parallel_loop3A_2013, %parallel_loop3A_2014] {strides = array<i32>} : memref<196x256xf32, #tpu.memory_space<vmem>>, vector<16xf32>,
        %parallel_loop3A_2016 = arith.mulf %parallel_loop3A_1793, %parallel_loop3A_2015 : vector<16xf32>
        %parallel_loop3A_2017 = arith.index_cast %parallel_loop3A_1786 : i32 to index
        %parallel_loop3A_2018 = arith.constant 128 : index
        %parallel_loop3A_2019 = tpu.vector_load %arg8[%parallel_loop3A_2017, %parallel_loop3A_2018] {strides = array<i32>} : memref<196x256xf32, #tpu.memory_space<vmem>>, vector<16xf32>,
        %parallel_loop3A_2020 = arith.mulf %parallel_loop3A_1796, %parallel_loop3A_2019 : vector<16xf32>
        %parallel_loop3A_2021 = arith.addf %parallel_loop3A_2016, %parallel_loop3A_2020 : vector<16xf32>
        %parallel_loop3A_2022 = arith.index_cast %parallel_loop3A_1788 : i32 to index
        %parallel_loop3A_2023 = arith.constant 128 : index
        %parallel_loop3A_2024 = tpu.vector_load %arg8[%parallel_loop3A_2022, %parallel_loop3A_2023] {strides = array<i32>} : memref<196x256xf32, #tpu.memory_space<vmem>>, vector<16xf32>,
        %parallel_loop3A_2025 = arith.mulf %parallel_loop3A_1799, %parallel_loop3A_2024 : vector<16xf32>
        %parallel_loop3A_2026 = arith.addf %parallel_loop3A_2021, %parallel_loop3A_2025 : vector<16xf32>
        %parallel_loop3A_2027 = arith.index_cast %parallel_loop3A_1790 : i32 to index
        %parallel_loop3A_2028 = arith.constant 128 : index
        %parallel_loop3A_2029 = tpu.vector_load %arg8[%parallel_loop3A_2027, %parallel_loop3A_2028] {strides = array<i32>} : memref<196x256xf32, #tpu.memory_space<vmem>>, vector<16xf32>,
        %parallel_loop3A_2030 = arith.mulf %parallel_loop3A_1802, %parallel_loop3A_2029 : vector<16xf32>
        %parallel_loop3A_2031 = arith.addf %parallel_loop3A_2026, %parallel_loop3A_2030 : vector<16xf32>
        %parallel_loop3A_2032 = arith.constant 1 : i32
        %parallel_loop3A_2033 = arith.addi %parallel_loop3A_1804, %parallel_loop3A_2032 : i32
        %parallel_loop3A_2034 = arith.constant 0 : i32
        %parallel_loop3A_2035 = arith.index_cast %parallel_loop3A_2034 : i32 to index
        %parallel_loop3A_2036 = arith.index_cast %parallel_loop3A_2033 : i32 to index
        %parallel_loop3A_2037 = arith.constant 0 : index
        %parallel_loop3A_2038 = tpu.vector_load %arg10[%parallel_loop3A_2035, %parallel_loop3A_2036, %parallel_loop3A_2037] {strides = array<i32>} : memref<2x98x128xf32, #tpu.memory_space<vmem>>, vector<16xf32>,
        tpu.vector_store %arg10[%parallel_loop3A_2035, %parallel_loop3A_2036, %parallel_loop3A_2037], %parallel_loop3A_2031 {strides = array<i32>} : memref<2x98x128xf32, #tpu.memory_space<vmem>>, vector<16xf32>,
        %parallel_loop3A_2039 = arith.index_cast %parallel_loop3A_1784 : i32 to index
        %parallel_loop3A_2040 = arith.constant 144 : index
        %parallel_loop3A_2041 = tpu.vector_load %arg8[%parallel_loop3A_2039, %parallel_loop3A_2040] {strides = array<i32>} : memref<196x256xf32, #tpu.memory_space<vmem>>, vector<16xf32>,
        %parallel_loop3A_2042 = arith.mulf %parallel_loop3A_1793, %parallel_loop3A_2041 : vector<16xf32>
        %parallel_loop3A_2043 = arith.index_cast %parallel_loop3A_1786 : i32 to index
        %parallel_loop3A_2044 = arith.constant 144 : index
        %parallel_loop3A_2045 = tpu.vector_load %arg8[%parallel_loop3A_2043, %parallel_loop3A_2044] {strides = array<i32>} : memref<196x256xf32, #tpu.memory_space<vmem>>, vector<16xf32>,
        %parallel_loop3A_2046 = arith.mulf %parallel_loop3A_1796, %parallel_loop3A_2045 : vector<16xf32>
        %parallel_loop3A_2047 = arith.addf %parallel_loop3A_2042, %parallel_loop3A_2046 : vector<16xf32>
        %parallel_loop3A_2048 = arith.index_cast %parallel_loop3A_1788 : i32 to index
        %parallel_loop3A_2049 = arith.constant 144 : index
        %parallel_loop3A_2050 = tpu.vector_load %arg8[%parallel_loop3A_2048, %parallel_loop3A_2049] {strides = array<i32>} : memref<196x256xf32, #tpu.memory_space<vmem>>, vector<16xf32>,
        %parallel_loop3A_2051 = arith.mulf %parallel_loop3A_1799, %parallel_loop3A_2050 : vector<16xf32>
        %parallel_loop3A_2052 = arith.addf %parallel_loop3A_2047, %parallel_loop3A_2051 : vector<16xf32>
        %parallel_loop3A_2053 = arith.index_cast %parallel_loop3A_1790 : i32 to index
        %parallel_loop3A_2054 = arith.constant 144 : index
        %parallel_loop3A_2055 = tpu.vector_load %arg8[%parallel_loop3A_2053, %parallel_loop3A_2054] {strides = array<i32>} : memref<196x256xf32, #tpu.memory_space<vmem>>, vector<16xf32>,
        %parallel_loop3A_2056 = arith.mulf %parallel_loop3A_1802, %parallel_loop3A_2055 : vector<16xf32>
        %parallel_loop3A_2057 = arith.addf %parallel_loop3A_2052, %parallel_loop3A_2056 : vector<16xf32>
        %parallel_loop3A_2058 = arith.constant 1 : i32
        %parallel_loop3A_2059 = arith.addi %parallel_loop3A_1804, %parallel_loop3A_2058 : i32
        %parallel_loop3A_2060 = arith.constant 0 : i32
        %parallel_loop3A_2061 = arith.index_cast %parallel_loop3A_2060 : i32 to index
        %parallel_loop3A_2062 = arith.index_cast %parallel_loop3A_2059 : i32 to index
        %parallel_loop3A_2063 = arith.constant 16 : index
        %parallel_loop3A_2064 = tpu.vector_load %arg10[%parallel_loop3A_2061, %parallel_loop3A_2062, %parallel_loop3A_2063] {strides = array<i32>} : memref<2x98x128xf32, #tpu.memory_space<vmem>>, vector<16xf32>,
        tpu.vector_store %arg10[%parallel_loop3A_2061, %parallel_loop3A_2062, %parallel_loop3A_2063], %parallel_loop3A_2057 {strides = array<i32>} : memref<2x98x128xf32, #tpu.memory_space<vmem>>, vector<16xf32>,
        %parallel_loop3A_2065 = arith.index_cast %parallel_loop3A_1784 : i32 to index
        %parallel_loop3A_2066 = arith.constant 160 : index
        %parallel_loop3A_2067 = tpu.vector_load %arg8[%parallel_loop3A_2065, %parallel_loop3A_2066] {strides = array<i32>} : memref<196x256xf32, #tpu.memory_space<vmem>>, vector<16xf32>,
        %parallel_loop3A_2068 = arith.mulf %parallel_loop3A_1793, %parallel_loop3A_2067 : vector<16xf32>
        %parallel_loop3A_2069 = arith.index_cast %parallel_loop3A_1786 : i32 to index
        %parallel_loop3A_2070 = arith.constant 160 : index
        %parallel_loop3A_2071 = tpu.vector_load %arg8[%parallel_loop3A_2069, %parallel_loop3A_2070] {strides = array<i32>} : memref<196x256xf32, #tpu.memory_space<vmem>>, vector<16xf32>,
        %parallel_loop3A_2072 = arith.mulf %parallel_loop3A_1796, %parallel_loop3A_2071 : vector<16xf32>
        %parallel_loop3A_2073 = arith.addf %parallel_loop3A_2068, %parallel_loop3A_2072 : vector<16xf32>
        %parallel_loop3A_2074 = arith.index_cast %parallel_loop3A_1788 : i32 to index
        %parallel_loop3A_2075 = arith.constant 160 : index
        %parallel_loop3A_2076 = tpu.vector_load %arg8[%parallel_loop3A_2074, %parallel_loop3A_2075] {strides = array<i32>} : memref<196x256xf32, #tpu.memory_space<vmem>>, vector<16xf32>,
        %parallel_loop3A_2077 = arith.mulf %parallel_loop3A_1799, %parallel_loop3A_2076 : vector<16xf32>
        %parallel_loop3A_2078 = arith.addf %parallel_loop3A_2073, %parallel_loop3A_2077 : vector<16xf32>
        %parallel_loop3A_2079 = arith.index_cast %parallel_loop3A_1790 : i32 to index
        %parallel_loop3A_2080 = arith.constant 160 : index
        %parallel_loop3A_2081 = tpu.vector_load %arg8[%parallel_loop3A_2079, %parallel_loop3A_2080] {strides = array<i32>} : memref<196x256xf32, #tpu.memory_space<vmem>>, vector<16xf32>,
        %parallel_loop3A_2082 = arith.mulf %parallel_loop3A_1802, %parallel_loop3A_2081 : vector<16xf32>
        %parallel_loop3A_2083 = arith.addf %parallel_loop3A_2078, %parallel_loop3A_2082 : vector<16xf32>
        %parallel_loop3A_2084 = arith.constant 1 : i32
        %parallel_loop3A_2085 = arith.addi %parallel_loop3A_1804, %parallel_loop3A_2084 : i32
        %parallel_loop3A_2086 = arith.constant 0 : i32
        %parallel_loop3A_2087 = arith.index_cast %parallel_loop3A_2086 : i32 to index
        %parallel_loop3A_2088 = arith.index_cast %parallel_loop3A_2085 : i32 to index
        %parallel_loop3A_2089 = arith.constant 32 : index
        %parallel_loop3A_2090 = tpu.vector_load %arg10[%parallel_loop3A_2087, %parallel_loop3A_2088, %parallel_loop3A_2089] {strides = array<i32>} : memref<2x98x128xf32, #tpu.memory_space<vmem>>, vector<16xf32>,
        tpu.vector_store %arg10[%parallel_loop3A_2087, %parallel_loop3A_2088, %parallel_loop3A_2089], %parallel_loop3A_2083 {strides = array<i32>} : memref<2x98x128xf32, #tpu.memory_space<vmem>>, vector<16xf32>,
        %parallel_loop3A_2091 = arith.index_cast %parallel_loop3A_1784 : i32 to index
        %parallel_loop3A_2092 = arith.constant 176 : index
        %parallel_loop3A_2093 = tpu.vector_load %arg8[%parallel_loop3A_2091, %parallel_loop3A_2092] {strides = array<i32>} : memref<196x256xf32, #tpu.memory_space<vmem>>, vector<16xf32>,
        %parallel_loop3A_2094 = arith.mulf %parallel_loop3A_1793, %parallel_loop3A_2093 : vector<16xf32>
        %parallel_loop3A_2095 = arith.index_cast %parallel_loop3A_1786 : i32 to index
        %parallel_loop3A_2096 = arith.constant 176 : index
        %parallel_loop3A_2097 = tpu.vector_load %arg8[%parallel_loop3A_2095, %parallel_loop3A_2096] {strides = array<i32>} : memref<196x256xf32, #tpu.memory_space<vmem>>, vector<16xf32>,
        %parallel_loop3A_2098 = arith.mulf %parallel_loop3A_1796, %parallel_loop3A_2097 : vector<16xf32>
        %parallel_loop3A_2099 = arith.addf %parallel_loop3A_2094, %parallel_loop3A_2098 : vector<16xf32>
        %parallel_loop3A_2100 = arith.index_cast %parallel_loop3A_1788 : i32 to index
        %parallel_loop3A_2101 = arith.constant 176 : index
        %parallel_loop3A_2102 = tpu.vector_load %arg8[%parallel_loop3A_2100, %parallel_loop3A_2101] {strides = array<i32>} : memref<196x256xf32, #tpu.memory_space<vmem>>, vector<16xf32>,
        %parallel_loop3A_2103 = arith.mulf %parallel_loop3A_1799, %parallel_loop3A_2102 : vector<16xf32>
        %parallel_loop3A_2104 = arith.addf %parallel_loop3A_2099, %parallel_loop3A_2103 : vector<16xf32>
        %parallel_loop3A_2105 = arith.index_cast %parallel_loop3A_1790 : i32 to index
        %parallel_loop3A_2106 = arith.constant 176 : index
        %parallel_loop3A_2107 = tpu.vector_load %arg8[%parallel_loop3A_2105, %parallel_loop3A_2106] {strides = array<i32>} : memref<196x256xf32, #tpu.memory_space<vmem>>, vector<16xf32>,
        %parallel_loop3A_2108 = arith.mulf %parallel_loop3A_1802, %parallel_loop3A_2107 : vector<16xf32>
        %parallel_loop3A_2109 = arith.addf %parallel_loop3A_2104, %parallel_loop3A_2108 : vector<16xf32>
        %parallel_loop3A_2110 = arith.constant 1 : i32
        %parallel_loop3A_2111 = arith.addi %parallel_loop3A_1804, %parallel_loop3A_2110 : i32
        %parallel_loop3A_2112 = arith.constant 0 : i32
        %parallel_loop3A_2113 = arith.index_cast %parallel_loop3A_2112 : i32 to index
        %parallel_loop3A_2114 = arith.index_cast %parallel_loop3A_2111 : i32 to index
        %parallel_loop3A_2115 = arith.constant 48 : index
        %parallel_loop3A_2116 = tpu.vector_load %arg10[%parallel_loop3A_2113, %parallel_loop3A_2114, %parallel_loop3A_2115] {strides = array<i32>} : memref<2x98x128xf32, #tpu.memory_space<vmem>>, vector<16xf32>,
        tpu.vector_store %arg10[%parallel_loop3A_2113, %parallel_loop3A_2114, %parallel_loop3A_2115], %parallel_loop3A_2109 {strides = array<i32>} : memref<2x98x128xf32, #tpu.memory_space<vmem>>, vector<16xf32>,
        %parallel_loop3A_2117 = arith.index_cast %parallel_loop3A_1784 : i32 to index
        %parallel_loop3A_2118 = arith.constant 192 : index
        %parallel_loop3A_2119 = tpu.vector_load %arg8[%parallel_loop3A_2117, %parallel_loop3A_2118] {strides = array<i32>} : memref<196x256xf32, #tpu.memory_space<vmem>>, vector<16xf32>,
        %parallel_loop3A_2120 = arith.mulf %parallel_loop3A_1793, %parallel_loop3A_2119 : vector<16xf32>
        %parallel_loop3A_2121 = arith.index_cast %parallel_loop3A_1786 : i32 to index
        %parallel_loop3A_2122 = arith.constant 192 : index
        %parallel_loop3A_2123 = tpu.vector_load %arg8[%parallel_loop3A_2121, %parallel_loop3A_2122] {strides = array<i32>} : memref<196x256xf32, #tpu.memory_space<vmem>>, vector<16xf32>,
        %parallel_loop3A_2124 = arith.mulf %parallel_loop3A_1796, %parallel_loop3A_2123 : vector<16xf32>
        %parallel_loop3A_2125 = arith.addf %parallel_loop3A_2120, %parallel_loop3A_2124 : vector<16xf32>
        %parallel_loop3A_2126 = arith.index_cast %parallel_loop3A_1788 : i32 to index
        %parallel_loop3A_2127 = arith.constant 192 : index
        %parallel_loop3A_2128 = tpu.vector_load %arg8[%parallel_loop3A_2126, %parallel_loop3A_2127] {strides = array<i32>} : memref<196x256xf32, #tpu.memory_space<vmem>>, vector<16xf32>,
        %parallel_loop3A_2129 = arith.mulf %parallel_loop3A_1799, %parallel_loop3A_2128 : vector<16xf32>
        %parallel_loop3A_2130 = arith.addf %parallel_loop3A_2125, %parallel_loop3A_2129 : vector<16xf32>
        %parallel_loop3A_2131 = arith.index_cast %parallel_loop3A_1790 : i32 to index
        %parallel_loop3A_2132 = arith.constant 192 : index
        %parallel_loop3A_2133 = tpu.vector_load %arg8[%parallel_loop3A_2131, %parallel_loop3A_2132] {strides = array<i32>} : memref<196x256xf32, #tpu.memory_space<vmem>>, vector<16xf32>,
        %parallel_loop3A_2134 = arith.mulf %parallel_loop3A_1802, %parallel_loop3A_2133 : vector<16xf32>
        %parallel_loop3A_2135 = arith.addf %parallel_loop3A_2130, %parallel_loop3A_2134 : vector<16xf32>
        %parallel_loop3A_2136 = arith.constant 1 : i32
        %parallel_loop3A_2137 = arith.addi %parallel_loop3A_1804, %parallel_loop3A_2136 : i32
        %parallel_loop3A_2138 = arith.constant 0 : i32
        %parallel_loop3A_2139 = arith.index_cast %parallel_loop3A_2138 : i32 to index
        %parallel_loop3A_2140 = arith.index_cast %parallel_loop3A_2137 : i32 to index
        %parallel_loop3A_2141 = arith.constant 64 : index
        %parallel_loop3A_2142 = tpu.vector_load %arg10[%parallel_loop3A_2139, %parallel_loop3A_2140, %parallel_loop3A_2141] {strides = array<i32>} : memref<2x98x128xf32, #tpu.memory_space<vmem>>, vector<16xf32>,
        tpu.vector_store %arg10[%parallel_loop3A_2139, %parallel_loop3A_2140, %parallel_loop3A_2141], %parallel_loop3A_2135 {strides = array<i32>} : memref<2x98x128xf32, #tpu.memory_space<vmem>>, vector<16xf32>,
        %parallel_loop3A_2143 = arith.index_cast %parallel_loop3A_1784 : i32 to index
        %parallel_loop3A_2144 = arith.constant 208 : index
        %parallel_loop3A_2145 = tpu.vector_load %arg8[%parallel_loop3A_2143, %parallel_loop3A_2144] {strides = array<i32>} : memref<196x256xf32, #tpu.memory_space<vmem>>, vector<16xf32>,
        %parallel_loop3A_2146 = arith.mulf %parallel_loop3A_1793, %parallel_loop3A_2145 : vector<16xf32>
        %parallel_loop3A_2147 = arith.index_cast %parallel_loop3A_1786 : i32 to index
        %parallel_loop3A_2148 = arith.constant 208 : index
        %parallel_loop3A_2149 = tpu.vector_load %arg8[%parallel_loop3A_2147, %parallel_loop3A_2148] {strides = array<i32>} : memref<196x256xf32, #tpu.memory_space<vmem>>, vector<16xf32>,
        %parallel_loop3A_2150 = arith.mulf %parallel_loop3A_1796, %parallel_loop3A_2149 : vector<16xf32>
        %parallel_loop3A_2151 = arith.addf %parallel_loop3A_2146, %parallel_loop3A_2150 : vector<16xf32>
        %parallel_loop3A_2152 = arith.index_cast %parallel_loop3A_1788 : i32 to index
        %parallel_loop3A_2153 = arith.constant 208 : index
        %parallel_loop3A_2154 = tpu.vector_load %arg8[%parallel_loop3A_2152, %parallel_loop3A_2153] {strides = array<i32>} : memref<196x256xf32, #tpu.memory_space<vmem>>, vector<16xf32>,
        %parallel_loop3A_2155 = arith.mulf %parallel_loop3A_1799, %parallel_loop3A_2154 : vector<16xf32>
        %parallel_loop3A_2156 = arith.addf %parallel_loop3A_2151, %parallel_loop3A_2155 : vector<16xf32>
        %parallel_loop3A_2157 = arith.index_cast %parallel_loop3A_1790 : i32 to index
        %parallel_loop3A_2158 = arith.constant 208 : index
        %parallel_loop3A_2159 = tpu.vector_load %arg8[%parallel_loop3A_2157, %parallel_loop3A_2158] {strides = array<i32>} : memref<196x256xf32, #tpu.memory_space<vmem>>, vector<16xf32>,
        %parallel_loop3A_2160 = arith.mulf %parallel_loop3A_1802, %parallel_loop3A_2159 : vector<16xf32>
        %parallel_loop3A_2161 = arith.addf %parallel_loop3A_2156, %parallel_loop3A_2160 : vector<16xf32>
        %parallel_loop3A_2162 = arith.constant 1 : i32
        %parallel_loop3A_2163 = arith.addi %parallel_loop3A_1804, %parallel_loop3A_2162 : i32
        %parallel_loop3A_2164 = arith.constant 0 : i32
        %parallel_loop3A_2165 = arith.index_cast %parallel_loop3A_2164 : i32 to index
        %parallel_loop3A_2166 = arith.index_cast %parallel_loop3A_2163 : i32 to index
        %parallel_loop3A_2167 = arith.constant 80 : index
        %parallel_loop3A_2168 = tpu.vector_load %arg10[%parallel_loop3A_2165, %parallel_loop3A_2166, %parallel_loop3A_2167] {strides = array<i32>} : memref<2x98x128xf32, #tpu.memory_space<vmem>>, vector<16xf32>,
        tpu.vector_store %arg10[%parallel_loop3A_2165, %parallel_loop3A_2166, %parallel_loop3A_2167], %parallel_loop3A_2161 {strides = array<i32>} : memref<2x98x128xf32, #tpu.memory_space<vmem>>, vector<16xf32>,
        %parallel_loop3A_2169 = arith.index_cast %parallel_loop3A_1784 : i32 to index
        %parallel_loop3A_2170 = arith.constant 224 : index
        %parallel_loop3A_2171 = tpu.vector_load %arg8[%parallel_loop3A_2169, %parallel_loop3A_2170] {strides = array<i32>} : memref<196x256xf32, #tpu.memory_space<vmem>>, vector<16xf32>,
        %parallel_loop3A_2172 = arith.mulf %parallel_loop3A_1793, %parallel_loop3A_2171 : vector<16xf32>
        %parallel_loop3A_2173 = arith.index_cast %parallel_loop3A_1786 : i32 to index
        %parallel_loop3A_2174 = arith.constant 224 : index
        %parallel_loop3A_2175 = tpu.vector_load %arg8[%parallel_loop3A_2173, %parallel_loop3A_2174] {strides = array<i32>} : memref<196x256xf32, #tpu.memory_space<vmem>>, vector<16xf32>,
        %parallel_loop3A_2176 = arith.mulf %parallel_loop3A_1796, %parallel_loop3A_2175 : vector<16xf32>
        %parallel_loop3A_2177 = arith.addf %parallel_loop3A_2172, %parallel_loop3A_2176 : vector<16xf32>
        %parallel_loop3A_2178 = arith.index_cast %parallel_loop3A_1788 : i32 to index
        %parallel_loop3A_2179 = arith.constant 224 : index
        %parallel_loop3A_2180 = tpu.vector_load %arg8[%parallel_loop3A_2178, %parallel_loop3A_2179] {strides = array<i32>} : memref<196x256xf32, #tpu.memory_space<vmem>>, vector<16xf32>,
        %parallel_loop3A_2181 = arith.mulf %parallel_loop3A_1799, %parallel_loop3A_2180 : vector<16xf32>
        %parallel_loop3A_2182 = arith.addf %parallel_loop3A_2177, %parallel_loop3A_2181 : vector<16xf32>
        %parallel_loop3A_2183 = arith.index_cast %parallel_loop3A_1790 : i32 to index
        %parallel_loop3A_2184 = arith.constant 224 : index
        %parallel_loop3A_2185 = tpu.vector_load %arg8[%parallel_loop3A_2183, %parallel_loop3A_2184] {strides = array<i32>} : memref<196x256xf32, #tpu.memory_space<vmem>>, vector<16xf32>,
        %parallel_loop3A_2186 = arith.mulf %parallel_loop3A_1802, %parallel_loop3A_2185 : vector<16xf32>
        %parallel_loop3A_2187 = arith.addf %parallel_loop3A_2182, %parallel_loop3A_2186 : vector<16xf32>
        %parallel_loop3A_2188 = arith.constant 1 : i32
        %parallel_loop3A_2189 = arith.addi %parallel_loop3A_1804, %parallel_loop3A_2188 : i32
        %parallel_loop3A_2190 = arith.constant 0 : i32
        %parallel_loop3A_2191 = arith.index_cast %parallel_loop3A_2190 : i32 to index
        %parallel_loop3A_2192 = arith.index_cast %parallel_loop3A_2189 : i32 to index
        %parallel_loop3A_2193 = arith.constant 96 : index
        %parallel_loop3A_2194 = tpu.vector_load %arg10[%parallel_loop3A_2191, %parallel_loop3A_2192, %parallel_loop3A_2193] {strides = array<i32>} : memref<2x98x128xf32, #tpu.memory_space<vmem>>, vector<16xf32>,
        tpu.vector_store %arg10[%parallel_loop3A_2191, %parallel_loop3A_2192, %parallel_loop3A_2193], %parallel_loop3A_2187 {strides = array<i32>} : memref<2x98x128xf32, #tpu.memory_space<vmem>>, vector<16xf32>,
        %parallel_loop3A_2195 = arith.index_cast %parallel_loop3A_1784 : i32 to index
        %parallel_loop3A_2196 = arith.constant 240 : index
        %parallel_loop3A_2197 = tpu.vector_load %arg8[%parallel_loop3A_2195, %parallel_loop3A_2196] {strides = array<i32>} : memref<196x256xf32, #tpu.memory_space<vmem>>, vector<16xf32>,
        %parallel_loop3A_2198 = arith.mulf %parallel_loop3A_1793, %parallel_loop3A_2197 : vector<16xf32>
        %parallel_loop3A_2199 = arith.index_cast %parallel_loop3A_1786 : i32 to index
        %parallel_loop3A_2200 = arith.constant 240 : index
        %parallel_loop3A_2201 = tpu.vector_load %arg8[%parallel_loop3A_2199, %parallel_loop3A_2200] {strides = array<i32>} : memref<196x256xf32, #tpu.memory_space<vmem>>, vector<16xf32>,
        %parallel_loop3A_2202 = arith.mulf %parallel_loop3A_1796, %parallel_loop3A_2201 : vector<16xf32>
        %parallel_loop3A_2203 = arith.addf %parallel_loop3A_2198, %parallel_loop3A_2202 : vector<16xf32>
        %parallel_loop3A_2204 = arith.index_cast %parallel_loop3A_1788 : i32 to index
        %parallel_loop3A_2205 = arith.constant 240 : index
        %parallel_loop3A_2206 = tpu.vector_load %arg8[%parallel_loop3A_2204, %parallel_loop3A_2205] {strides = array<i32>} : memref<196x256xf32, #tpu.memory_space<vmem>>, vector<16xf32>,
        %parallel_loop3A_2207 = arith.mulf %parallel_loop3A_1799, %parallel_loop3A_2206 : vector<16xf32>
        %parallel_loop3A_2208 = arith.addf %parallel_loop3A_2203, %parallel_loop3A_2207 : vector<16xf32>
        %parallel_loop3A_2209 = arith.index_cast %parallel_loop3A_1790 : i32 to index
        %parallel_loop3A_2210 = arith.constant 240 : index
        %parallel_loop3A_2211 = tpu.vector_load %arg8[%parallel_loop3A_2209, %parallel_loop3A_2210] {strides = array<i32>} : memref<196x256xf32, #tpu.memory_space<vmem>>, vector<16xf32>,
        %parallel_loop3A_2212 = arith.mulf %parallel_loop3A_1802, %parallel_loop3A_2211 : vector<16xf32>
        %parallel_loop3A_2213 = arith.addf %parallel_loop3A_2208, %parallel_loop3A_2212 : vector<16xf32>
        %parallel_loop3A_2214 = arith.constant 1 : i32
        %parallel_loop3A_2215 = arith.addi %parallel_loop3A_1804, %parallel_loop3A_2214 : i32
        %parallel_loop3A_2216 = arith.constant 0 : i32
        %parallel_loop3A_2217 = arith.index_cast %parallel_loop3A_2216 : i32 to index
        %parallel_loop3A_2218 = arith.index_cast %parallel_loop3A_2215 : i32 to index
        %parallel_loop3A_2219 = arith.constant 112 : index
        %parallel_loop3A_2220 = tpu.vector_load %arg10[%parallel_loop3A_2217, %parallel_loop3A_2218, %parallel_loop3A_2219] {strides = array<i32>} : memref<2x98x128xf32, #tpu.memory_space<vmem>>, vector<16xf32>,
        tpu.vector_store %arg10[%parallel_loop3A_2217, %parallel_loop3A_2218, %parallel_loop3A_2219], %parallel_loop3A_2213 {strides = array<i32>} : memref<2x98x128xf32, #tpu.memory_space<vmem>>, vector<16xf32>,
      } {sc.loop_unroll_factor = 3 : i64, sc.parallel_access}
      %dma_start3A_910 = arith.constant 0 : i32
      %dma_start3A_911 = arith.constant 0 : i32
      %dma_start3A_912 = arith.constant 0 : i32
      %dma_start3A_913 = arith.constant 0 : i32
      %dma_start3A_914 = tpu.memref_slice %arg10[%dma_start3A_910, %dma_start3A_912, %dma_start3A_913] : memref<2x98x128xf32, #tpu.memory_space<vmem>> -> memref<1x98x128xf32, #tpu.memory_space<vmem>>
      %dma_start3A_915 = tpu.memref_squeeze %dma_start3A_914 : memref<1x98x128xf32, #tpu.memory_space<vmem>> -> memref<98x128xf32, #tpu.memory_space<vmem>>
      %dma_start3A_916 = arith.constant 0 : i32
      %dma_start3A_917 = tpu.memref_slice %arg11[%dma_start3A_911, %dma_start3A_916] : memref<2x98xi32, #tpu.memory_space<vmem>> -> memref<1x98xi32, #tpu.memory_space<vmem>>
      %dma_start3A_918 = tpu.memref_squeeze %dma_start3A_917 : memref<1x98xi32, #tpu.memory_space<vmem>> -> memref<98xi32, #tpu.memory_space<vmem>>
      %dma_start3A_919 = arith.constant 0 : i32
      %dma_start3A_920 = arith.constant 0 : i32
      %dma_start3A_921 = tpu.memref_slice %arg7[%dma_start3A_919, %dma_start3A_920] : memref<98000x128xf32, #tpu.memory_space<hbm>> -> memref<98000x128xf32, #tpu.memory_space<hbm>>
      tpu.enqueue_indirect_dma source(%dma_start3A_915 : memref<98x128xf32, #tpu.memory_space<vmem>>) target(%dma_start3A_921 : memref<98000x128xf32, #tpu.memory_space<hbm>>) offsets(%dma_start3A_918 : memref<98xi32, #tpu.memory_space<vmem>>) semaphore(%arg15 : memref<!tpu.dma_semaphore, #tpu.memory_space<semaphore_mem>>)
      %mul3A_922 = arith.constant 2 : i32
      %mul3A_923 = arith.muli %mul3A_922, %scan3A_89 : i32
      %add3A_924 = arith.addi %mul3A_2, %mul3A_923 : i32
      %add3A_925 = arith.constant 1 : i32
      %add3A_926 = arith.addi %add3A_924, %add3A_925 : i32
      %min3A_927 = arith.constant 999 : i32
      %min3A_928 = arith.minsi %add3A_926, %min3A_927 : i32
      %gt3A_929 = arith.constant 0 : i32
      %gt3A_930 = arith.cmpi sgt, %scan3A_89, %gt3A_929 : i32
      %convert_element_type3A_931 = arith.extui %gt3A_930 : i1 to i32
      %cond3A_932 = arith.constant 0 : i32
      %cond3A_933 = arith.cmpi ne, %convert_element_type3A_931, %cond3A_932 : i32
      scf.if %cond3A_933 {
        %dma_wait3A_1777 = arith.constant 1 : i32
        %dma_wait3A_1778 = arith.constant 1 : i32
        %dma_wait3A_1779 = arith.constant 0 : i32
        %dma_wait3A_1780 = arith.constant 0 : i32
        %dma_wait3A_1781 = tpu.memref_slice %arg10[%dma_wait3A_1777, %dma_wait3A_1779, %dma_wait3A_1780] : memref<2x98x128xf32, #tpu.memory_space<vmem>> -> memref<1x98x128xf32, #tpu.memory_space<vmem>>
        %dma_wait3A_1782 = tpu.memref_squeeze %dma_wait3A_1781 : memref<1x98x128xf32, #tpu.memory_space<vmem>> -> memref<98x128xf32, #tpu.memory_space<vmem>>
        %dma_wait3A_1783 = arith.constant 0 : i32
        %dma_wait3A_1784 = tpu.memref_slice %arg11[%dma_wait3A_1778, %dma_wait3A_1783] : memref<2x98xi32, #tpu.memory_space<vmem>> -> memref<1x98xi32, #tpu.memory_space<vmem>>
        %dma_wait3A_1785 = tpu.memref_squeeze %dma_wait3A_1784 : memref<1x98xi32, #tpu.memory_space<vmem>> -> memref<98xi32, #tpu.memory_space<vmem>>
        %dma_wait3A_1786 = arith.constant 0 : i32
        %dma_wait3A_1787 = arith.constant 0 : i32
        %dma_wait3A_1788 = tpu.memref_slice %arg7[%dma_wait3A_1786, %dma_wait3A_1787] : memref<98000x128xf32, #tpu.memory_space<hbm>> -> memref<98000x128xf32, #tpu.memory_space<hbm>>
        tpu.wait_indirect_dma semaphore(%arg16 : memref<!tpu.dma_semaphore, #tpu.memory_space<semaphore_mem>>) src(%dma_wait3A_1782 : memref<98x128xf32, #tpu.memory_space<vmem>>) dst(%dma_wait3A_1788 : memref<98000x128xf32, #tpu.memory_space<hbm>>)
      } else {
      }
      %broadcast_in_dim3A_934 = vector.broadcast %min3A_928 : i32 to vector<16xi32>
      %gather3A_935 = tpu.vector_load_idx %arg9[%min3A_58, %broadcast_in_dim3A_934] : memref<4x1016xf32, #tpu.memory_space<vmem>>[vector<16xi32>, vector<16xi32>], vector<16xf32>,
      %slice3A_936 = vector.extract_strided_slice %gather3A_935 {offsets = [0], sizes = [1], strides = [1]} : vector<16xf32> to vector<1xf32>
      %squeeze3A_937 = vector.extract %slice3A_936[0] : f32 from vector<1xf32>
      %broadcast_in_dim3A_938 = vector.broadcast %squeeze3A_937 : f32 to vector<16xf32>
      %slice3A_939 = vector.extract_strided_slice %gather3A_935 {offsets = [1], sizes = [1], strides = [1]} : vector<16xf32> to vector<1xf32>
      %squeeze3A_940 = vector.extract %slice3A_939[0] : f32 from vector<1xf32>
      %broadcast_in_dim3A_941 = vector.broadcast %squeeze3A_940 : f32 to vector<16xf32>
      %slice3A_942 = vector.extract_strided_slice %gather3A_935 {offsets = [2], sizes = [1], strides = [1]} : vector<16xf32> to vector<1xf32>
      %squeeze3A_943 = vector.extract %slice3A_942[0] : f32 from vector<1xf32>
      %broadcast_in_dim3A_944 = vector.broadcast %squeeze3A_943 : f32 to vector<16xf32>
      %slice3A_945 = vector.extract_strided_slice %gather3A_935 {offsets = [3], sizes = [1], strides = [1]} : vector<16xf32> to vector<1xf32>
      %squeeze3A_946 = vector.extract %slice3A_945[0] : f32 from vector<1xf32>
      %broadcast_in_dim3A_947 = vector.broadcast %squeeze3A_946 : f32 to vector<16xf32>
      %add3A_948 = arith.constant 5.000000e-01 : f32
      %add3A_949 = vector.broadcast %add3A_948 : f32 to vector<16xf32>
      %add3A_950 = arith.addf %convert_element_type3A, %add3A_949 : vector<16xf32>
      %mul3A_951 = arith.mulf %add3A_950, %broadcast_in_dim3A_947 : vector<16xf32>
      %add3A_952 = arith.addf %broadcast_in_dim3A_941, %mul3A_951 : vector<16xf32>
      %add3A_953 = arith.constant 5.000000e-01 : f32
      %add3A_954 = vector.broadcast %add3A_953 : f32 to vector<16xf32>
      %add3A_955 = arith.addf %convert_element_type3A, %add3A_954 : vector<16xf32>
      %mul3A_956 = arith.mulf %add3A_955, %broadcast_in_dim3A_944 : vector<16xf32>
      %add3A_957 = arith.addf %broadcast_in_dim3A_938, %mul3A_956 : vector<16xf32>
      %ge3A_958 = arith.constant -1.000000e+00 : f32
      %ge3A_959 = vector.broadcast %ge3A_958 : f32 to vector<16xf32>
      %ge3A_960 = arith.cmpf oge, %add3A_952, %ge3A_959 : vector<16xf32>
      %le3A_961 = arith.constant 1.400000e+01 : f32
      %le3A_962 = vector.broadcast %le3A_961 : f32 to vector<16xf32>
      %le3A_963 = arith.cmpf ole, %add3A_952, %le3A_962 : vector<16xf32>
      %and3A_964 = arith.andi %ge3A_960, %le3A_963 : vector<16xi1>
      %max3A_965 = arith.constant 0.000000e+00 : f32
      %max3A_966 = vector.broadcast %max3A_965 : f32 to vector<16xf32>
      %max3A_967 = arith.maximumf %add3A_952, %max3A_966 : vector<16xf32>
      %min3A_968 = arith.constant 1.400000e+01 : f32
      %min3A_969 = vector.broadcast %min3A_968 : f32 to vector<16xf32>
      %min3A_970 = arith.minimumf %max3A_967, %min3A_969 : vector<16xf32>
      %convert_element_type3A_971 = arith.fptosi %min3A_970 : vector<16xf32> to vector<16xi32>
      %ge3A_972 = arith.constant 13 : i32
      %ge3A_973 = vector.broadcast %ge3A_972 : i32 to vector<16xi32>
      %ge3A_974 = arith.cmpi sge, %convert_element_type3A_971, %ge3A_973 : vector<16xi32>
      %min3A_975 = arith.constant 13 : i32
      %min3A_976 = vector.broadcast %min3A_975 : i32 to vector<16xi32>
      %min3A_977 = arith.minsi %convert_element_type3A_971, %min3A_976 : vector<16xi32>
      %add3A_978 = arith.constant 1 : i32
      %add3A_979 = vector.broadcast %add3A_978 : i32 to vector<16xi32>
      %add3A_980 = arith.addi %convert_element_type3A_971, %add3A_979 : vector<16xi32>
      %jit3A_981 = arith.constant 13 : i32
      %broadcast_in_dim3A_982 = vector.broadcast %jit3A_981 : i32 to vector<16xi32>
      %select_n3A_983 = arith.select %ge3A_974, %broadcast_in_dim3A_982, %add3A_980 : vector<16xi1>, vector<16xi32>
      %convert_element_type3A_984 = arith.sitofp %min3A_977 : vector<16xi32> to vector<16xf32>
      %sub3A_985 = arith.subf %min3A_970, %convert_element_type3A_984 : vector<16xf32>
      %jit3A_986 = arith.constant 0.000000e+00 : f32
      %broadcast_in_dim3A_987 = vector.broadcast %jit3A_986 : f32 to vector<16xf32>
      %select_n3A_988 = arith.select %ge3A_974, %broadcast_in_dim3A_987, %sub3A_985 : vector<16xi1>, vector<16xf32>
      %jit3A_989 = arith.constant 1.000000e+00 : f32
      %jit3A_990 = arith.constant 0.000000e+00 : f32
      %broadcast_in_dim3A_991 = vector.broadcast %jit3A_989 : f32 to vector<16xf32>
      %broadcast_in_dim3A_992 = vector.broadcast %jit3A_990 : f32 to vector<16xf32>
      %select_n3A_993 = arith.select %and3A_964, %broadcast_in_dim3A_991, %broadcast_in_dim3A_992 : vector<16xi1>, vector<16xf32>
      %sub3A_994 = arith.constant 1.000000e+00 : f32
      %sub3A_995 = vector.broadcast %sub3A_994 : f32 to vector<16xf32>
      %sub3A_996 = arith.subf %sub3A_995, %select_n3A_988 : vector<16xf32>
      %mul3A_997 = arith.mulf %sub3A_996, %select_n3A_993 : vector<16xf32>
      %mul3A_998 = arith.mulf %select_n3A_988, %select_n3A_993 : vector<16xf32>
      %ge3A_999 = arith.constant -1.000000e+00 : f32
      %ge3A_1000 = vector.broadcast %ge3A_999 : f32 to vector<16xf32>
      %ge3A_1001 = arith.cmpf oge, %add3A_957, %ge3A_1000 : vector<16xf32>
      %le3A_1002 = arith.constant 1.400000e+01 : f32
      %le3A_1003 = vector.broadcast %le3A_1002 : f32 to vector<16xf32>
      %le3A_1004 = arith.cmpf ole, %add3A_957, %le3A_1003 : vector<16xf32>
      %and3A_1005 = arith.andi %ge3A_1001, %le3A_1004 : vector<16xi1>
      %max3A_1006 = arith.constant 0.000000e+00 : f32
      %max3A_1007 = vector.broadcast %max3A_1006 : f32 to vector<16xf32>
      %max3A_1008 = arith.maximumf %add3A_957, %max3A_1007 : vector<16xf32>
      %min3A_1009 = arith.constant 1.400000e+01 : f32
      %min3A_1010 = vector.broadcast %min3A_1009 : f32 to vector<16xf32>
      %min3A_1011 = arith.minimumf %max3A_1008, %min3A_1010 : vector<16xf32>
      %convert_element_type3A_1012 = arith.fptosi %min3A_1011 : vector<16xf32> to vector<16xi32>
      %ge3A_1013 = arith.constant 13 : i32
      %ge3A_1014 = vector.broadcast %ge3A_1013 : i32 to vector<16xi32>
      %ge3A_1015 = arith.cmpi sge, %convert_element_type3A_1012, %ge3A_1014 : vector<16xi32>
      %min3A_1016 = arith.constant 13 : i32
      %min3A_1017 = vector.broadcast %min3A_1016 : i32 to vector<16xi32>
      %min3A_1018 = arith.minsi %convert_element_type3A_1012, %min3A_1017 : vector<16xi32>
      %add3A_1019 = arith.constant 1 : i32
      %add3A_1020 = vector.broadcast %add3A_1019 : i32 to vector<16xi32>
      %add3A_1021 = arith.addi %convert_element_type3A_1012, %add3A_1020 : vector<16xi32>
      %jit3A_1022 = arith.constant 13 : i32
      %broadcast_in_dim3A_1023 = vector.broadcast %jit3A_1022 : i32 to vector<16xi32>
      %select_n3A_1024 = arith.select %ge3A_1015, %broadcast_in_dim3A_1023, %add3A_1021 : vector<16xi1>, vector<16xi32>
      %convert_element_type3A_1025 = arith.sitofp %min3A_1018 : vector<16xi32> to vector<16xf32>
      %sub3A_1026 = arith.subf %min3A_1011, %convert_element_type3A_1025 : vector<16xf32>
      %jit3A_1027 = arith.constant 0.000000e+00 : f32
      %broadcast_in_dim3A_1028 = vector.broadcast %jit3A_1027 : f32 to vector<16xf32>
      %select_n3A_1029 = arith.select %ge3A_1015, %broadcast_in_dim3A_1028, %sub3A_1026 : vector<16xi1>, vector<16xf32>
      %jit3A_1030 = arith.constant 1.000000e+00 : f32
      %jit3A_1031 = arith.constant 0.000000e+00 : f32
      %broadcast_in_dim3A_1032 = vector.broadcast %jit3A_1030 : f32 to vector<16xf32>
      %broadcast_in_dim3A_1033 = vector.broadcast %jit3A_1031 : f32 to vector<16xf32>
      %select_n3A_1034 = arith.select %and3A_1005, %broadcast_in_dim3A_1032, %broadcast_in_dim3A_1033 : vector<16xi1>, vector<16xf32>
      %sub3A_1035 = arith.constant 1.000000e+00 : f32
      %sub3A_1036 = vector.broadcast %sub3A_1035 : f32 to vector<16xf32>
      %sub3A_1037 = arith.subf %sub3A_1036, %select_n3A_1029 : vector<16xf32>
      %mul3A_1038 = arith.mulf %sub3A_1037, %select_n3A_1034 : vector<16xf32>
      %mul3A_1039 = arith.mulf %select_n3A_1029, %select_n3A_1034 : vector<16xf32>
      %mul3A_1040 = arith.constant 14 : i32
      %mul3A_1041 = vector.broadcast %mul3A_1040 : i32 to vector<16xi32>
      %mul3A_1042 = arith.muli %min3A_977, %mul3A_1041 : vector<16xi32>
      %swap3A_1043 = arith.constant 0 : i32
      %swap3A_1044 = arith.index_cast %swap3A_1043 : i32 to index
      %swap3A_1045 = arith.constant 0 : index
      %swap3A_1046 = tpu.vector_load %arg12[%swap3A_1044, %swap3A_1045] {strides = array<i32>} : memref<4x16xi32, #tpu.memory_space<vmem>>, vector<16xi32>,
      tpu.vector_store %arg12[%swap3A_1044, %swap3A_1045], %mul3A_1042 {strides = array<i32>} : memref<4x16xi32, #tpu.memory_space<vmem>>, vector<16xi32>,
      %mul3A_1047 = arith.constant 14 : i32
      %mul3A_1048 = vector.broadcast %mul3A_1047 : i32 to vector<16xi32>
      %mul3A_1049 = arith.muli %select_n3A_983, %mul3A_1048 : vector<16xi32>
      %swap3A_1050 = arith.constant 1 : i32
      %swap3A_1051 = arith.index_cast %swap3A_1050 : i32 to index
      %swap3A_1052 = arith.constant 0 : index
      %swap3A_1053 = tpu.vector_load %arg12[%swap3A_1051, %swap3A_1052] {strides = array<i32>} : memref<4x16xi32, #tpu.memory_space<vmem>>, vector<16xi32>,
      tpu.vector_store %arg12[%swap3A_1051, %swap3A_1052], %mul3A_1049 {strides = array<i32>} : memref<4x16xi32, #tpu.memory_space<vmem>>, vector<16xi32>,
      %swap3A_1054 = arith.constant 2 : i32
      %swap3A_1055 = arith.index_cast %swap3A_1054 : i32 to index
      %swap3A_1056 = arith.constant 0 : index
      %swap3A_1057 = tpu.vector_load %arg12[%swap3A_1055, %swap3A_1056] {strides = array<i32>} : memref<4x16xi32, #tpu.memory_space<vmem>>, vector<16xi32>,
      tpu.vector_store %arg12[%swap3A_1055, %swap3A_1056], %min3A_1018 {strides = array<i32>} : memref<4x16xi32, #tpu.memory_space<vmem>>, vector<16xi32>,
      %swap3A_1058 = arith.constant 3 : i32
      %swap3A_1059 = arith.index_cast %swap3A_1058 : i32 to index
      %swap3A_1060 = arith.constant 0 : index
      %swap3A_1061 = tpu.vector_load %arg12[%swap3A_1059, %swap3A_1060] {strides = array<i32>} : memref<4x16xi32, #tpu.memory_space<vmem>>, vector<16xi32>,
      tpu.vector_store %arg12[%swap3A_1059, %swap3A_1060], %select_n3A_1024 {strides = array<i32>} : memref<4x16xi32, #tpu.memory_space<vmem>>, vector<16xi32>,
      %swap3A_1062 = arith.constant 0 : i32
      %swap3A_1063 = arith.index_cast %swap3A_1062 : i32 to index
      %swap3A_1064 = arith.constant 0 : index
      %swap3A_1065 = tpu.vector_load %arg13[%swap3A_1063, %swap3A_1064] {strides = array<i32>} : memref<4x16xf32, #tpu.memory_space<vmem>>, vector<16xf32>,
      tpu.vector_store %arg13[%swap3A_1063, %swap3A_1064], %mul3A_997 {strides = array<i32>} : memref<4x16xf32, #tpu.memory_space<vmem>>, vector<16xf32>,
      %swap3A_1066 = arith.constant 1 : i32
      %swap3A_1067 = arith.index_cast %swap3A_1066 : i32 to index
      %swap3A_1068 = arith.constant 0 : index
      %swap3A_1069 = tpu.vector_load %arg13[%swap3A_1067, %swap3A_1068] {strides = array<i32>} : memref<4x16xf32, #tpu.memory_space<vmem>>, vector<16xf32>,
      tpu.vector_store %arg13[%swap3A_1067, %swap3A_1068], %mul3A_998 {strides = array<i32>} : memref<4x16xf32, #tpu.memory_space<vmem>>, vector<16xf32>,
      %swap3A_1070 = arith.constant 2 : i32
      %swap3A_1071 = arith.index_cast %swap3A_1070 : i32 to index
      %swap3A_1072 = arith.constant 0 : index
      %swap3A_1073 = tpu.vector_load %arg13[%swap3A_1071, %swap3A_1072] {strides = array<i32>} : memref<4x16xf32, #tpu.memory_space<vmem>>, vector<16xf32>,
      tpu.vector_store %arg13[%swap3A_1071, %swap3A_1072], %mul3A_1038 {strides = array<i32>} : memref<4x16xf32, #tpu.memory_space<vmem>>, vector<16xf32>,
      %swap3A_1074 = arith.constant 3 : i32
      %swap3A_1075 = arith.index_cast %swap3A_1074 : i32 to index
      %swap3A_1076 = arith.constant 0 : index
      %swap3A_1077 = tpu.vector_load %arg13[%swap3A_1075, %swap3A_1076] {strides = array<i32>} : memref<4x16xf32, #tpu.memory_space<vmem>>, vector<16xf32>,
      tpu.vector_store %arg13[%swap3A_1075, %swap3A_1076], %mul3A_1039 {strides = array<i32>} : memref<4x16xf32, #tpu.memory_space<vmem>>, vector<16xf32>,
      %add3A_1078 = arith.constant 0 : i32
      %add3A_1079 = vector.broadcast %add3A_1078 : i32 to vector<16xi32>
      %add3A_1080 = arith.addi %iota3A, %add3A_1079 : vector<16xi32>
      %min3A_1081 = arith.constant 48 : i32
      %min3A_1082 = vector.broadcast %min3A_1081 : i32 to vector<16xi32>
      %min3A_1083 = arith.minsi %add3A_1080, %min3A_1082 : vector<16xi32>
      %jit3A_1084 = arith.constant 7 : i32
      %div3A_1085 = vector.broadcast %jit3A_1084 : i32 to vector<16xi32>
      %div3A_1086 = arith.divsi %min3A_1083, %div3A_1085 : vector<16xi32>
      %sign3A_1087 = arith.constant 0 : i32
      %sign3A_1088 = vector.broadcast %sign3A_1087 : i32 to vector<16xi32>
      %sign3A_1089 = arith.cmpi sgt, %min3A_1083, %sign3A_1088 : vector<16xi32>
      %sign3A_1090 = arith.extui %sign3A_1089 : vector<16xi1> to vector<16xi32>
      %sign3A_1091 = arith.constant 0 : i32
      %sign3A_1092 = vector.broadcast %sign3A_1091 : i32 to vector<16xi32>
      %sign3A_1093 = arith.cmpi slt, %min3A_1083, %sign3A_1092 : vector<16xi32>
      %sign3A_1094 = arith.extui %sign3A_1093 : vector<16xi1> to vector<16xi32>
      %sign3A_1095 = arith.subi %sign3A_1090, %sign3A_1094 : vector<16xi32>
      %sign3A_1096 = arith.constant 0 : i32
      %sign3A_1097 = arith.cmpi sgt, %jit3A_1084, %sign3A_1096 : i32
      %sign3A_1098 = arith.extui %sign3A_1097 : i1 to i32
      %sign3A_1099 = arith.constant 0 : i32
      %sign3A_1100 = arith.cmpi slt, %jit3A_1084, %sign3A_1099 : i32
      %sign3A_1101 = arith.extui %sign3A_1100 : i1 to i32
      %sign3A_1102 = arith.subi %sign3A_1098, %sign3A_1101 : i32
      %ne3A_1103 = vector.broadcast %sign3A_1102 : i32 to vector<16xi32>
      %ne3A_1104 = arith.cmpi ne, %sign3A_1095, %ne3A_1103 : vector<16xi32>
      %rem3A_1105 = vector.broadcast %jit3A_1084 : i32 to vector<16xi32>
      %rem3A_1106 = arith.remsi %min3A_1083, %rem3A_1105 : vector<16xi32>
      %ne3A_1107 = arith.constant 0 : i32
      %ne3A_1108 = vector.broadcast %ne3A_1107 : i32 to vector<16xi32>
      %ne3A_1109 = arith.cmpi ne, %rem3A_1106, %ne3A_1108 : vector<16xi32>
      %and3A_1110 = arith.andi %ne3A_1104, %ne3A_1109 : vector<16xi1>
      %sub3A_1111 = arith.constant 1 : i32
      %sub3A_1112 = vector.broadcast %sub3A_1111 : i32 to vector<16xi32>
      %sub3A_1113 = arith.subi %div3A_1086, %sub3A_1112 : vector<16xi32>
      %select_n3A_1114 = arith.select %and3A_1110, %sub3A_1113, %div3A_1086 : vector<16xi1>, vector<16xi32>
      %jit3A_1115 = arith.constant 7 : i32
      %eq3A_1116 = arith.constant 0 : i32
      %eq3A_1117 = arith.cmpi eq, %jit3A_1115, %eq3A_1116 : i32
      %jit3A_1118 = arith.constant 1 : i32
      %select_n3A_1119 = arith.select %eq3A_1117, %jit3A_1118, %jit3A_1115 : i32
      %rem3A_1120 = vector.broadcast %select_n3A_1119 : i32 to vector<16xi32>
      %rem3A_1121 = arith.remsi %min3A_1083, %rem3A_1120 : vector<16xi32>
      %ne3A_1122 = arith.constant 0 : i32
      %ne3A_1123 = vector.broadcast %ne3A_1122 : i32 to vector<16xi32>
      %ne3A_1124 = arith.cmpi ne, %rem3A_1121, %ne3A_1123 : vector<16xi32>
      %lt3A_1125 = arith.constant 0 : i32
      %lt3A_1126 = vector.broadcast %lt3A_1125 : i32 to vector<16xi32>
      %lt3A_1127 = arith.cmpi slt, %rem3A_1121, %lt3A_1126 : vector<16xi32>
      %lt3A_1128 = arith.constant 0 : i32
      %lt3A_1129 = arith.cmpi slt, %select_n3A_1119, %lt3A_1128 : i32
      %ne3A_1130 = vector.broadcast %lt3A_1129 : i1 to vector<16xi1>
      %ne3A_1131 = vector.broadcast %ne3A_1130 : vector<16xi1> to vector<16xi1>
      %ne3A_1132 = arith.xori %lt3A_1127, %ne3A_1131 : vector<16xi1>
      %and3A_1133 = arith.andi %ne3A_1132, %ne3A_1124 : vector<16xi1>
      %add3A_1134 = vector.broadcast %select_n3A_1119 : i32 to vector<16xi32>
      %add3A_1135 = arith.addi %rem3A_1121, %add3A_1134 : vector<16xi32>
      %select_n3A_1136 = arith.select %and3A_1133, %add3A_1135, %rem3A_1121 : vector<16xi1>, vector<16xi32>
      %broadcast_in_dim3A_1137 = arith.constant 0 : i32
      %broadcast_in_dim3A_1138 = vector.broadcast %broadcast_in_dim3A_1137 : i32 to vector<16xi32>
      %gather3A_1139 = tpu.vector_load_idx %arg12[%broadcast_in_dim3A_1138, %select_n3A_1114] : memref<4x16xi32, #tpu.memory_space<vmem>>[vector<16xi32>, vector<16xi32>], vector<16xi32>,
      %broadcast_in_dim3A_1140 = arith.constant 1 : i32
      %broadcast_in_dim3A_1141 = vector.broadcast %broadcast_in_dim3A_1140 : i32 to vector<16xi32>
      %gather3A_1142 = tpu.vector_load_idx %arg12[%broadcast_in_dim3A_1141, %select_n3A_1114] : memref<4x16xi32, #tpu.memory_space<vmem>>[vector<16xi32>, vector<16xi32>], vector<16xi32>,
      %broadcast_in_dim3A_1143 = arith.constant 2 : i32
      %broadcast_in_dim3A_1144 = vector.broadcast %broadcast_in_dim3A_1143 : i32 to vector<16xi32>
      %gather3A_1145 = tpu.vector_load_idx %arg12[%broadcast_in_dim3A_1144, %select_n3A_1136] : memref<4x16xi32, #tpu.memory_space<vmem>>[vector<16xi32>, vector<16xi32>], vector<16xi32>,
      %broadcast_in_dim3A_1146 = arith.constant 3 : i32
      %broadcast_in_dim3A_1147 = vector.broadcast %broadcast_in_dim3A_1146 : i32 to vector<16xi32>
      %gather3A_1148 = tpu.vector_load_idx %arg12[%broadcast_in_dim3A_1147, %select_n3A_1136] : memref<4x16xi32, #tpu.memory_space<vmem>>[vector<16xi32>, vector<16xi32>], vector<16xi32>,
      %broadcast_in_dim3A_1149 = arith.constant 0 : i32
      %broadcast_in_dim3A_1150 = vector.broadcast %broadcast_in_dim3A_1149 : i32 to vector<16xi32>
      %gather3A_1151 = tpu.vector_load_idx %arg13[%broadcast_in_dim3A_1150, %select_n3A_1114] : memref<4x16xf32, #tpu.memory_space<vmem>>[vector<16xi32>, vector<16xi32>], vector<16xf32>,
      %broadcast_in_dim3A_1152 = arith.constant 1 : i32
      %broadcast_in_dim3A_1153 = vector.broadcast %broadcast_in_dim3A_1152 : i32 to vector<16xi32>
      %gather3A_1154 = tpu.vector_load_idx %arg13[%broadcast_in_dim3A_1153, %select_n3A_1114] : memref<4x16xf32, #tpu.memory_space<vmem>>[vector<16xi32>, vector<16xi32>], vector<16xf32>,
      %broadcast_in_dim3A_1155 = arith.constant 2 : i32
      %broadcast_in_dim3A_1156 = vector.broadcast %broadcast_in_dim3A_1155 : i32 to vector<16xi32>
      %gather3A_1157 = tpu.vector_load_idx %arg13[%broadcast_in_dim3A_1156, %select_n3A_1136] : memref<4x16xf32, #tpu.memory_space<vmem>>[vector<16xi32>, vector<16xi32>], vector<16xf32>,
      %broadcast_in_dim3A_1158 = arith.constant 3 : i32
      %broadcast_in_dim3A_1159 = vector.broadcast %broadcast_in_dim3A_1158 : i32 to vector<16xi32>
      %gather3A_1160 = tpu.vector_load_idx %arg13[%broadcast_in_dim3A_1159, %select_n3A_1136] : memref<4x16xf32, #tpu.memory_space<vmem>>[vector<16xi32>, vector<16xi32>], vector<16xf32>,
      %mul3A_1161 = arith.constant 8 : i32
      %mul3A_1162 = vector.broadcast %mul3A_1161 : i32 to vector<16xi32>
      %mul3A_1163 = arith.muli %iota3A, %mul3A_1162 : vector<16xi32>
      %add3A_1164 = arith.constant 0 : i32
      %add3A_1165 = vector.broadcast %add3A_1164 : i32 to vector<16xi32>
      %add3A_1166 = arith.addi %mul3A_1163, %add3A_1165 : vector<16xi32>
      %add3A_1167 = arith.addi %gather3A_1139, %gather3A_1145 : vector<16xi32>
      tpu.vector_store_idx %arg14[%add3A_1166], %add3A_1167 : memref<512xi32, #tpu.memory_space<vmem>>[vector<16xi32>], vector<16xi32>,
      %add3A_1168 = arith.constant 4 : i32
      %add3A_1169 = vector.broadcast %add3A_1168 : i32 to vector<16xi32>
      %add3A_1170 = arith.addi %mul3A_1163, %add3A_1169 : vector<16xi32>
      %mul3A_1171 = arith.mulf %gather3A_1151, %gather3A_1157 : vector<16xf32>
      %bitcast3A_1172 = vector.bitcast %mul3A_1171 : vector<16xf32> to vector<16xi32>
      tpu.vector_store_idx %arg14[%add3A_1170], %bitcast3A_1172 : memref<512xi32, #tpu.memory_space<vmem>>[vector<16xi32>], vector<16xi32>,
      %add3A_1173 = arith.constant 1 : i32
      %add3A_1174 = vector.broadcast %add3A_1173 : i32 to vector<16xi32>
      %add3A_1175 = arith.addi %mul3A_1163, %add3A_1174 : vector<16xi32>
      %add3A_1176 = arith.addi %gather3A_1139, %gather3A_1148 : vector<16xi32>
      tpu.vector_store_idx %arg14[%add3A_1175], %add3A_1176 : memref<512xi32, #tpu.memory_space<vmem>>[vector<16xi32>], vector<16xi32>,
      %add3A_1177 = arith.constant 5 : i32
      %add3A_1178 = vector.broadcast %add3A_1177 : i32 to vector<16xi32>
      %add3A_1179 = arith.addi %mul3A_1163, %add3A_1178 : vector<16xi32>
      %mul3A_1180 = arith.mulf %gather3A_1151, %gather3A_1160 : vector<16xf32>
      %bitcast3A_1181 = vector.bitcast %mul3A_1180 : vector<16xf32> to vector<16xi32>
      tpu.vector_store_idx %arg14[%add3A_1179], %bitcast3A_1181 : memref<512xi32, #tpu.memory_space<vmem>>[vector<16xi32>], vector<16xi32>,
      %add3A_1182 = arith.constant 2 : i32
      %add3A_1183 = vector.broadcast %add3A_1182 : i32 to vector<16xi32>
      %add3A_1184 = arith.addi %mul3A_1163, %add3A_1183 : vector<16xi32>
      %add3A_1185 = arith.addi %gather3A_1142, %gather3A_1145 : vector<16xi32>
      tpu.vector_store_idx %arg14[%add3A_1184], %add3A_1185 : memref<512xi32, #tpu.memory_space<vmem>>[vector<16xi32>], vector<16xi32>,
      %add3A_1186 = arith.constant 6 : i32
      %add3A_1187 = vector.broadcast %add3A_1186 : i32 to vector<16xi32>
      %add3A_1188 = arith.addi %mul3A_1163, %add3A_1187 : vector<16xi32>
      %mul3A_1189 = arith.mulf %gather3A_1154, %gather3A_1157 : vector<16xf32>
      %bitcast3A_1190 = vector.bitcast %mul3A_1189 : vector<16xf32> to vector<16xi32>
      tpu.vector_store_idx %arg14[%add3A_1188], %bitcast3A_1190 : memref<512xi32, #tpu.memory_space<vmem>>[vector<16xi32>], vector<16xi32>,
      %add3A_1191 = arith.constant 3 : i32
      %add3A_1192 = vector.broadcast %add3A_1191 : i32 to vector<16xi32>
      %add3A_1193 = arith.addi %mul3A_1163, %add3A_1192 : vector<16xi32>
      %add3A_1194 = arith.addi %gather3A_1142, %gather3A_1148 : vector<16xi32>
      tpu.vector_store_idx %arg14[%add3A_1193], %add3A_1194 : memref<512xi32, #tpu.memory_space<vmem>>[vector<16xi32>], vector<16xi32>,
      %add3A_1195 = arith.constant 7 : i32
      %add3A_1196 = vector.broadcast %add3A_1195 : i32 to vector<16xi32>
      %add3A_1197 = arith.addi %mul3A_1163, %add3A_1196 : vector<16xi32>
      %mul3A_1198 = arith.mulf %gather3A_1154, %gather3A_1160 : vector<16xf32>
      %bitcast3A_1199 = vector.bitcast %mul3A_1198 : vector<16xf32> to vector<16xi32>
      tpu.vector_store_idx %arg14[%add3A_1197], %bitcast3A_1199 : memref<512xi32, #tpu.memory_space<vmem>>[vector<16xi32>], vector<16xi32>,
      %add3A_1200 = arith.constant 16 : i32
      %add3A_1201 = vector.broadcast %add3A_1200 : i32 to vector<16xi32>
      %add3A_1202 = arith.addi %iota3A, %add3A_1201 : vector<16xi32>
      %min3A_1203 = arith.constant 48 : i32
      %min3A_1204 = vector.broadcast %min3A_1203 : i32 to vector<16xi32>
      %min3A_1205 = arith.minsi %add3A_1202, %min3A_1204 : vector<16xi32>
      %jit3A_1206 = arith.constant 7 : i32
      %div3A_1207 = vector.broadcast %jit3A_1206 : i32 to vector<16xi32>
      %div3A_1208 = arith.divsi %min3A_1205, %div3A_1207 : vector<16xi32>
      %sign3A_1209 = arith.constant 0 : i32
      %sign3A_1210 = vector.broadcast %sign3A_1209 : i32 to vector<16xi32>
      %sign3A_1211 = arith.cmpi sgt, %min3A_1205, %sign3A_1210 : vector<16xi32>
      %sign3A_1212 = arith.extui %sign3A_1211 : vector<16xi1> to vector<16xi32>
      %sign3A_1213 = arith.constant 0 : i32
      %sign3A_1214 = vector.broadcast %sign3A_1213 : i32 to vector<16xi32>
      %sign3A_1215 = arith.cmpi slt, %min3A_1205, %sign3A_1214 : vector<16xi32>
      %sign3A_1216 = arith.extui %sign3A_1215 : vector<16xi1> to vector<16xi32>
      %sign3A_1217 = arith.subi %sign3A_1212, %sign3A_1216 : vector<16xi32>
      %sign3A_1218 = arith.constant 0 : i32
      %sign3A_1219 = arith.cmpi sgt, %jit3A_1206, %sign3A_1218 : i32
      %sign3A_1220 = arith.extui %sign3A_1219 : i1 to i32
      %sign3A_1221 = arith.constant 0 : i32
      %sign3A_1222 = arith.cmpi slt, %jit3A_1206, %sign3A_1221 : i32
      %sign3A_1223 = arith.extui %sign3A_1222 : i1 to i32
      %sign3A_1224 = arith.subi %sign3A_1220, %sign3A_1223 : i32
      %ne3A_1225 = vector.broadcast %sign3A_1224 : i32 to vector<16xi32>
      %ne3A_1226 = arith.cmpi ne, %sign3A_1217, %ne3A_1225 : vector<16xi32>
      %rem3A_1227 = vector.broadcast %jit3A_1206 : i32 to vector<16xi32>
      %rem3A_1228 = arith.remsi %min3A_1205, %rem3A_1227 : vector<16xi32>
      %ne3A_1229 = arith.constant 0 : i32
      %ne3A_1230 = vector.broadcast %ne3A_1229 : i32 to vector<16xi32>
      %ne3A_1231 = arith.cmpi ne, %rem3A_1228, %ne3A_1230 : vector<16xi32>
      %and3A_1232 = arith.andi %ne3A_1226, %ne3A_1231 : vector<16xi1>
      %sub3A_1233 = arith.constant 1 : i32
      %sub3A_1234 = vector.broadcast %sub3A_1233 : i32 to vector<16xi32>
      %sub3A_1235 = arith.subi %div3A_1208, %sub3A_1234 : vector<16xi32>
      %select_n3A_1236 = arith.select %and3A_1232, %sub3A_1235, %div3A_1208 : vector<16xi1>, vector<16xi32>
      %jit3A_1237 = arith.constant 7 : i32
      %eq3A_1238 = arith.constant 0 : i32
      %eq3A_1239 = arith.cmpi eq, %jit3A_1237, %eq3A_1238 : i32
      %jit3A_1240 = arith.constant 1 : i32
      %select_n3A_1241 = arith.select %eq3A_1239, %jit3A_1240, %jit3A_1237 : i32
      %rem3A_1242 = vector.broadcast %select_n3A_1241 : i32 to vector<16xi32>
      %rem3A_1243 = arith.remsi %min3A_1205, %rem3A_1242 : vector<16xi32>
      %ne3A_1244 = arith.constant 0 : i32
      %ne3A_1245 = vector.broadcast %ne3A_1244 : i32 to vector<16xi32>
      %ne3A_1246 = arith.cmpi ne, %rem3A_1243, %ne3A_1245 : vector<16xi32>
      %lt3A_1247 = arith.constant 0 : i32
      %lt3A_1248 = vector.broadcast %lt3A_1247 : i32 to vector<16xi32>
      %lt3A_1249 = arith.cmpi slt, %rem3A_1243, %lt3A_1248 : vector<16xi32>
      %lt3A_1250 = arith.constant 0 : i32
      %lt3A_1251 = arith.cmpi slt, %select_n3A_1241, %lt3A_1250 : i32
      %ne3A_1252 = vector.broadcast %lt3A_1251 : i1 to vector<16xi1>
      %ne3A_1253 = vector.broadcast %ne3A_1252 : vector<16xi1> to vector<16xi1>
      %ne3A_1254 = arith.xori %lt3A_1249, %ne3A_1253 : vector<16xi1>
      %and3A_1255 = arith.andi %ne3A_1254, %ne3A_1246 : vector<16xi1>
      %add3A_1256 = vector.broadcast %select_n3A_1241 : i32 to vector<16xi32>
      %add3A_1257 = arith.addi %rem3A_1243, %add3A_1256 : vector<16xi32>
      %select_n3A_1258 = arith.select %and3A_1255, %add3A_1257, %rem3A_1243 : vector<16xi1>, vector<16xi32>
      %broadcast_in_dim3A_1259 = arith.constant 0 : i32
      %broadcast_in_dim3A_1260 = vector.broadcast %broadcast_in_dim3A_1259 : i32 to vector<16xi32>
      %gather3A_1261 = tpu.vector_load_idx %arg12[%broadcast_in_dim3A_1260, %select_n3A_1236] : memref<4x16xi32, #tpu.memory_space<vmem>>[vector<16xi32>, vector<16xi32>], vector<16xi32>,
      %broadcast_in_dim3A_1262 = arith.constant 1 : i32
      %broadcast_in_dim3A_1263 = vector.broadcast %broadcast_in_dim3A_1262 : i32 to vector<16xi32>
      %gather3A_1264 = tpu.vector_load_idx %arg12[%broadcast_in_dim3A_1263, %select_n3A_1236] : memref<4x16xi32, #tpu.memory_space<vmem>>[vector<16xi32>, vector<16xi32>], vector<16xi32>,
      %broadcast_in_dim3A_1265 = arith.constant 2 : i32
      %broadcast_in_dim3A_1266 = vector.broadcast %broadcast_in_dim3A_1265 : i32 to vector<16xi32>
      %gather3A_1267 = tpu.vector_load_idx %arg12[%broadcast_in_dim3A_1266, %select_n3A_1258] : memref<4x16xi32, #tpu.memory_space<vmem>>[vector<16xi32>, vector<16xi32>], vector<16xi32>,
      %broadcast_in_dim3A_1268 = arith.constant 3 : i32
      %broadcast_in_dim3A_1269 = vector.broadcast %broadcast_in_dim3A_1268 : i32 to vector<16xi32>
      %gather3A_1270 = tpu.vector_load_idx %arg12[%broadcast_in_dim3A_1269, %select_n3A_1258] : memref<4x16xi32, #tpu.memory_space<vmem>>[vector<16xi32>, vector<16xi32>], vector<16xi32>,
      %broadcast_in_dim3A_1271 = arith.constant 0 : i32
      %broadcast_in_dim3A_1272 = vector.broadcast %broadcast_in_dim3A_1271 : i32 to vector<16xi32>
      %gather3A_1273 = tpu.vector_load_idx %arg13[%broadcast_in_dim3A_1272, %select_n3A_1236] : memref<4x16xf32, #tpu.memory_space<vmem>>[vector<16xi32>, vector<16xi32>], vector<16xf32>,
      %broadcast_in_dim3A_1274 = arith.constant 1 : i32
      %broadcast_in_dim3A_1275 = vector.broadcast %broadcast_in_dim3A_1274 : i32 to vector<16xi32>
      %gather3A_1276 = tpu.vector_load_idx %arg13[%broadcast_in_dim3A_1275, %select_n3A_1236] : memref<4x16xf32, #tpu.memory_space<vmem>>[vector<16xi32>, vector<16xi32>], vector<16xf32>,
      %broadcast_in_dim3A_1277 = arith.constant 2 : i32
      %broadcast_in_dim3A_1278 = vector.broadcast %broadcast_in_dim3A_1277 : i32 to vector<16xi32>
      %gather3A_1279 = tpu.vector_load_idx %arg13[%broadcast_in_dim3A_1278, %select_n3A_1258] : memref<4x16xf32, #tpu.memory_space<vmem>>[vector<16xi32>, vector<16xi32>], vector<16xf32>,
      %broadcast_in_dim3A_1280 = arith.constant 3 : i32
      %broadcast_in_dim3A_1281 = vector.broadcast %broadcast_in_dim3A_1280 : i32 to vector<16xi32>
      %gather3A_1282 = tpu.vector_load_idx %arg13[%broadcast_in_dim3A_1281, %select_n3A_1258] : memref<4x16xf32, #tpu.memory_space<vmem>>[vector<16xi32>, vector<16xi32>], vector<16xf32>,
      %mul3A_1283 = arith.constant 8 : i32
      %mul3A_1284 = vector.broadcast %mul3A_1283 : i32 to vector<16xi32>
      %mul3A_1285 = arith.muli %iota3A, %mul3A_1284 : vector<16xi32>
      %add3A_1286 = arith.constant 128 : i32
      %add3A_1287 = vector.broadcast %add3A_1286 : i32 to vector<16xi32>
      %add3A_1288 = arith.addi %mul3A_1285, %add3A_1287 : vector<16xi32>
      %add3A_1289 = arith.addi %gather3A_1261, %gather3A_1267 : vector<16xi32>
      tpu.vector_store_idx %arg14[%add3A_1288], %add3A_1289 : memref<512xi32, #tpu.memory_space<vmem>>[vector<16xi32>], vector<16xi32>,
      %add3A_1290 = arith.constant 132 : i32
      %add3A_1291 = vector.broadcast %add3A_1290 : i32 to vector<16xi32>
      %add3A_1292 = arith.addi %mul3A_1285, %add3A_1291 : vector<16xi32>
      %mul3A_1293 = arith.mulf %gather3A_1273, %gather3A_1279 : vector<16xf32>
      %bitcast3A_1294 = vector.bitcast %mul3A_1293 : vector<16xf32> to vector<16xi32>
      tpu.vector_store_idx %arg14[%add3A_1292], %bitcast3A_1294 : memref<512xi32, #tpu.memory_space<vmem>>[vector<16xi32>], vector<16xi32>,
      %add3A_1295 = arith.constant 129 : i32
      %add3A_1296 = vector.broadcast %add3A_1295 : i32 to vector<16xi32>
      %add3A_1297 = arith.addi %mul3A_1285, %add3A_1296 : vector<16xi32>
      %add3A_1298 = arith.addi %gather3A_1261, %gather3A_1270 : vector<16xi32>
      tpu.vector_store_idx %arg14[%add3A_1297], %add3A_1298 : memref<512xi32, #tpu.memory_space<vmem>>[vector<16xi32>], vector<16xi32>,
      %add3A_1299 = arith.constant 133 : i32
      %add3A_1300 = vector.broadcast %add3A_1299 : i32 to vector<16xi32>
      %add3A_1301 = arith.addi %mul3A_1285, %add3A_1300 : vector<16xi32>
      %mul3A_1302 = arith.mulf %gather3A_1273, %gather3A_1282 : vector<16xf32>
      %bitcast3A_1303 = vector.bitcast %mul3A_1302 : vector<16xf32> to vector<16xi32>
      tpu.vector_store_idx %arg14[%add3A_1301], %bitcast3A_1303 : memref<512xi32, #tpu.memory_space<vmem>>[vector<16xi32>], vector<16xi32>,
      %add3A_1304 = arith.constant 130 : i32
      %add3A_1305 = vector.broadcast %add3A_1304 : i32 to vector<16xi32>
      %add3A_1306 = arith.addi %mul3A_1285, %add3A_1305 : vector<16xi32>
      %add3A_1307 = arith.addi %gather3A_1264, %gather3A_1267 : vector<16xi32>
      tpu.vector_store_idx %arg14[%add3A_1306], %add3A_1307 : memref<512xi32, #tpu.memory_space<vmem>>[vector<16xi32>], vector<16xi32>,
      %add3A_1308 = arith.constant 134 : i32
      %add3A_1309 = vector.broadcast %add3A_1308 : i32 to vector<16xi32>
      %add3A_1310 = arith.addi %mul3A_1285, %add3A_1309 : vector<16xi32>
      %mul3A_1311 = arith.mulf %gather3A_1276, %gather3A_1279 : vector<16xf32>
      %bitcast3A_1312 = vector.bitcast %mul3A_1311 : vector<16xf32> to vector<16xi32>
      tpu.vector_store_idx %arg14[%add3A_1310], %bitcast3A_1312 : memref<512xi32, #tpu.memory_space<vmem>>[vector<16xi32>], vector<16xi32>,
      %add3A_1313 = arith.constant 131 : i32
      %add3A_1314 = vector.broadcast %add3A_1313 : i32 to vector<16xi32>
      %add3A_1315 = arith.addi %mul3A_1285, %add3A_1314 : vector<16xi32>
      %add3A_1316 = arith.addi %gather3A_1264, %gather3A_1270 : vector<16xi32>
      tpu.vector_store_idx %arg14[%add3A_1315], %add3A_1316 : memref<512xi32, #tpu.memory_space<vmem>>[vector<16xi32>], vector<16xi32>,
      %add3A_1317 = arith.constant 135 : i32
      %add3A_1318 = vector.broadcast %add3A_1317 : i32 to vector<16xi32>
      %add3A_1319 = arith.addi %mul3A_1285, %add3A_1318 : vector<16xi32>
      %mul3A_1320 = arith.mulf %gather3A_1276, %gather3A_1282 : vector<16xf32>
      %bitcast3A_1321 = vector.bitcast %mul3A_1320 : vector<16xf32> to vector<16xi32>
      tpu.vector_store_idx %arg14[%add3A_1319], %bitcast3A_1321 : memref<512xi32, #tpu.memory_space<vmem>>[vector<16xi32>], vector<16xi32>,
      %add3A_1322 = arith.constant 32 : i32
      %add3A_1323 = vector.broadcast %add3A_1322 : i32 to vector<16xi32>
      %add3A_1324 = arith.addi %iota3A, %add3A_1323 : vector<16xi32>
      %min3A_1325 = arith.constant 48 : i32
      %min3A_1326 = vector.broadcast %min3A_1325 : i32 to vector<16xi32>
      %min3A_1327 = arith.minsi %add3A_1324, %min3A_1326 : vector<16xi32>
      %jit3A_1328 = arith.constant 7 : i32
      %div3A_1329 = vector.broadcast %jit3A_1328 : i32 to vector<16xi32>
      %div3A_1330 = arith.divsi %min3A_1327, %div3A_1329 : vector<16xi32>
      %sign3A_1331 = arith.constant 0 : i32
      %sign3A_1332 = vector.broadcast %sign3A_1331 : i32 to vector<16xi32>
      %sign3A_1333 = arith.cmpi sgt, %min3A_1327, %sign3A_1332 : vector<16xi32>
      %sign3A_1334 = arith.extui %sign3A_1333 : vector<16xi1> to vector<16xi32>
      %sign3A_1335 = arith.constant 0 : i32
      %sign3A_1336 = vector.broadcast %sign3A_1335 : i32 to vector<16xi32>
      %sign3A_1337 = arith.cmpi slt, %min3A_1327, %sign3A_1336 : vector<16xi32>
      %sign3A_1338 = arith.extui %sign3A_1337 : vector<16xi1> to vector<16xi32>
      %sign3A_1339 = arith.subi %sign3A_1334, %sign3A_1338 : vector<16xi32>
      %sign3A_1340 = arith.constant 0 : i32
      %sign3A_1341 = arith.cmpi sgt, %jit3A_1328, %sign3A_1340 : i32
      %sign3A_1342 = arith.extui %sign3A_1341 : i1 to i32
      %sign3A_1343 = arith.constant 0 : i32
      %sign3A_1344 = arith.cmpi slt, %jit3A_1328, %sign3A_1343 : i32
      %sign3A_1345 = arith.extui %sign3A_1344 : i1 to i32
      %sign3A_1346 = arith.subi %sign3A_1342, %sign3A_1345 : i32
      %ne3A_1347 = vector.broadcast %sign3A_1346 : i32 to vector<16xi32>
      %ne3A_1348 = arith.cmpi ne, %sign3A_1339, %ne3A_1347 : vector<16xi32>
      %rem3A_1349 = vector.broadcast %jit3A_1328 : i32 to vector<16xi32>
      %rem3A_1350 = arith.remsi %min3A_1327, %rem3A_1349 : vector<16xi32>
      %ne3A_1351 = arith.constant 0 : i32
      %ne3A_1352 = vector.broadcast %ne3A_1351 : i32 to vector<16xi32>
      %ne3A_1353 = arith.cmpi ne, %rem3A_1350, %ne3A_1352 : vector<16xi32>
      %and3A_1354 = arith.andi %ne3A_1348, %ne3A_1353 : vector<16xi1>
      %sub3A_1355 = arith.constant 1 : i32
      %sub3A_1356 = vector.broadcast %sub3A_1355 : i32 to vector<16xi32>
      %sub3A_1357 = arith.subi %div3A_1330, %sub3A_1356 : vector<16xi32>
      %select_n3A_1358 = arith.select %and3A_1354, %sub3A_1357, %div3A_1330 : vector<16xi1>, vector<16xi32>
      %jit3A_1359 = arith.constant 7 : i32
      %eq3A_1360 = arith.constant 0 : i32
      %eq3A_1361 = arith.cmpi eq, %jit3A_1359, %eq3A_1360 : i32
      %jit3A_1362 = arith.constant 1 : i32
      %select_n3A_1363 = arith.select %eq3A_1361, %jit3A_1362, %jit3A_1359 : i32
      %rem3A_1364 = vector.broadcast %select_n3A_1363 : i32 to vector<16xi32>
      %rem3A_1365 = arith.remsi %min3A_1327, %rem3A_1364 : vector<16xi32>
      %ne3A_1366 = arith.constant 0 : i32
      %ne3A_1367 = vector.broadcast %ne3A_1366 : i32 to vector<16xi32>
      %ne3A_1368 = arith.cmpi ne, %rem3A_1365, %ne3A_1367 : vector<16xi32>
      %lt3A_1369 = arith.constant 0 : i32
      %lt3A_1370 = vector.broadcast %lt3A_1369 : i32 to vector<16xi32>
      %lt3A_1371 = arith.cmpi slt, %rem3A_1365, %lt3A_1370 : vector<16xi32>
      %lt3A_1372 = arith.constant 0 : i32
      %lt3A_1373 = arith.cmpi slt, %select_n3A_1363, %lt3A_1372 : i32
      %ne3A_1374 = vector.broadcast %lt3A_1373 : i1 to vector<16xi1>
      %ne3A_1375 = vector.broadcast %ne3A_1374 : vector<16xi1> to vector<16xi1>
      %ne3A_1376 = arith.xori %lt3A_1371, %ne3A_1375 : vector<16xi1>
      %and3A_1377 = arith.andi %ne3A_1376, %ne3A_1368 : vector<16xi1>
      %add3A_1378 = vector.broadcast %select_n3A_1363 : i32 to vector<16xi32>
      %add3A_1379 = arith.addi %rem3A_1365, %add3A_1378 : vector<16xi32>
      %select_n3A_1380 = arith.select %and3A_1377, %add3A_1379, %rem3A_1365 : vector<16xi1>, vector<16xi32>
      %broadcast_in_dim3A_1381 = arith.constant 0 : i32
      %broadcast_in_dim3A_1382 = vector.broadcast %broadcast_in_dim3A_1381 : i32 to vector<16xi32>
      %gather3A_1383 = tpu.vector_load_idx %arg12[%broadcast_in_dim3A_1382, %select_n3A_1358] : memref<4x16xi32, #tpu.memory_space<vmem>>[vector<16xi32>, vector<16xi32>], vector<16xi32>,
      %broadcast_in_dim3A_1384 = arith.constant 1 : i32
      %broadcast_in_dim3A_1385 = vector.broadcast %broadcast_in_dim3A_1384 : i32 to vector<16xi32>
      %gather3A_1386 = tpu.vector_load_idx %arg12[%broadcast_in_dim3A_1385, %select_n3A_1358] : memref<4x16xi32, #tpu.memory_space<vmem>>[vector<16xi32>, vector<16xi32>], vector<16xi32>,
      %broadcast_in_dim3A_1387 = arith.constant 2 : i32
      %broadcast_in_dim3A_1388 = vector.broadcast %broadcast_in_dim3A_1387 : i32 to vector<16xi32>
      %gather3A_1389 = tpu.vector_load_idx %arg12[%broadcast_in_dim3A_1388, %select_n3A_1380] : memref<4x16xi32, #tpu.memory_space<vmem>>[vector<16xi32>, vector<16xi32>], vector<16xi32>,
      %broadcast_in_dim3A_1390 = arith.constant 3 : i32
      %broadcast_in_dim3A_1391 = vector.broadcast %broadcast_in_dim3A_1390 : i32 to vector<16xi32>
      %gather3A_1392 = tpu.vector_load_idx %arg12[%broadcast_in_dim3A_1391, %select_n3A_1380] : memref<4x16xi32, #tpu.memory_space<vmem>>[vector<16xi32>, vector<16xi32>], vector<16xi32>,
      %broadcast_in_dim3A_1393 = arith.constant 0 : i32
      %broadcast_in_dim3A_1394 = vector.broadcast %broadcast_in_dim3A_1393 : i32 to vector<16xi32>
      %gather3A_1395 = tpu.vector_load_idx %arg13[%broadcast_in_dim3A_1394, %select_n3A_1358] : memref<4x16xf32, #tpu.memory_space<vmem>>[vector<16xi32>, vector<16xi32>], vector<16xf32>,
      %broadcast_in_dim3A_1396 = arith.constant 1 : i32
      %broadcast_in_dim3A_1397 = vector.broadcast %broadcast_in_dim3A_1396 : i32 to vector<16xi32>
      %gather3A_1398 = tpu.vector_load_idx %arg13[%broadcast_in_dim3A_1397, %select_n3A_1358] : memref<4x16xf32, #tpu.memory_space<vmem>>[vector<16xi32>, vector<16xi32>], vector<16xf32>,
      %broadcast_in_dim3A_1399 = arith.constant 2 : i32
      %broadcast_in_dim3A_1400 = vector.broadcast %broadcast_in_dim3A_1399 : i32 to vector<16xi32>
      %gather3A_1401 = tpu.vector_load_idx %arg13[%broadcast_in_dim3A_1400, %select_n3A_1380] : memref<4x16xf32, #tpu.memory_space<vmem>>[vector<16xi32>, vector<16xi32>], vector<16xf32>,
      %broadcast_in_dim3A_1402 = arith.constant 3 : i32
      %broadcast_in_dim3A_1403 = vector.broadcast %broadcast_in_dim3A_1402 : i32 to vector<16xi32>
      %gather3A_1404 = tpu.vector_load_idx %arg13[%broadcast_in_dim3A_1403, %select_n3A_1380] : memref<4x16xf32, #tpu.memory_space<vmem>>[vector<16xi32>, vector<16xi32>], vector<16xf32>,
      %mul3A_1405 = arith.constant 8 : i32
      %mul3A_1406 = vector.broadcast %mul3A_1405 : i32 to vector<16xi32>
      %mul3A_1407 = arith.muli %iota3A, %mul3A_1406 : vector<16xi32>
      %add3A_1408 = arith.constant 256 : i32
      %add3A_1409 = vector.broadcast %add3A_1408 : i32 to vector<16xi32>
      %add3A_1410 = arith.addi %mul3A_1407, %add3A_1409 : vector<16xi32>
      %add3A_1411 = arith.addi %gather3A_1383, %gather3A_1389 : vector<16xi32>
      tpu.vector_store_idx %arg14[%add3A_1410], %add3A_1411 : memref<512xi32, #tpu.memory_space<vmem>>[vector<16xi32>], vector<16xi32>,
      %add3A_1412 = arith.constant 260 : i32
      %add3A_1413 = vector.broadcast %add3A_1412 : i32 to vector<16xi32>
      %add3A_1414 = arith.addi %mul3A_1407, %add3A_1413 : vector<16xi32>
      %mul3A_1415 = arith.mulf %gather3A_1395, %gather3A_1401 : vector<16xf32>
      %bitcast3A_1416 = vector.bitcast %mul3A_1415 : vector<16xf32> to vector<16xi32>
      tpu.vector_store_idx %arg14[%add3A_1414], %bitcast3A_1416 : memref<512xi32, #tpu.memory_space<vmem>>[vector<16xi32>], vector<16xi32>,
      %add3A_1417 = arith.constant 257 : i32
      %add3A_1418 = vector.broadcast %add3A_1417 : i32 to vector<16xi32>
      %add3A_1419 = arith.addi %mul3A_1407, %add3A_1418 : vector<16xi32>
      %add3A_1420 = arith.addi %gather3A_1383, %gather3A_1392 : vector<16xi32>
      tpu.vector_store_idx %arg14[%add3A_1419], %add3A_1420 : memref<512xi32, #tpu.memory_space<vmem>>[vector<16xi32>], vector<16xi32>,
      %add3A_1421 = arith.constant 261 : i32
      %add3A_1422 = vector.broadcast %add3A_1421 : i32 to vector<16xi32>
      %add3A_1423 = arith.addi %mul3A_1407, %add3A_1422 : vector<16xi32>
      %mul3A_1424 = arith.mulf %gather3A_1395, %gather3A_1404 : vector<16xf32>
      %bitcast3A_1425 = vector.bitcast %mul3A_1424 : vector<16xf32> to vector<16xi32>
      tpu.vector_store_idx %arg14[%add3A_1423], %bitcast3A_1425 : memref<512xi32, #tpu.memory_space<vmem>>[vector<16xi32>], vector<16xi32>,
      %add3A_1426 = arith.constant 258 : i32
      %add3A_1427 = vector.broadcast %add3A_1426 : i32 to vector<16xi32>
      %add3A_1428 = arith.addi %mul3A_1407, %add3A_1427 : vector<16xi32>
      %add3A_1429 = arith.addi %gather3A_1386, %gather3A_1389 : vector<16xi32>
      tpu.vector_store_idx %arg14[%add3A_1428], %add3A_1429 : memref<512xi32, #tpu.memory_space<vmem>>[vector<16xi32>], vector<16xi32>,
      %add3A_1430 = arith.constant 262 : i32
      %add3A_1431 = vector.broadcast %add3A_1430 : i32 to vector<16xi32>
      %add3A_1432 = arith.addi %mul3A_1407, %add3A_1431 : vector<16xi32>
      %mul3A_1433 = arith.mulf %gather3A_1398, %gather3A_1401 : vector<16xf32>
      %bitcast3A_1434 = vector.bitcast %mul3A_1433 : vector<16xf32> to vector<16xi32>
      tpu.vector_store_idx %arg14[%add3A_1432], %bitcast3A_1434 : memref<512xi32, #tpu.memory_space<vmem>>[vector<16xi32>], vector<16xi32>,
      %add3A_1435 = arith.constant 259 : i32
      %add3A_1436 = vector.broadcast %add3A_1435 : i32 to vector<16xi32>
      %add3A_1437 = arith.addi %mul3A_1407, %add3A_1436 : vector<16xi32>
      %add3A_1438 = arith.addi %gather3A_1386, %gather3A_1392 : vector<16xi32>
      tpu.vector_store_idx %arg14[%add3A_1437], %add3A_1438 : memref<512xi32, #tpu.memory_space<vmem>>[vector<16xi32>], vector<16xi32>,
      %add3A_1439 = arith.constant 263 : i32
      %add3A_1440 = vector.broadcast %add3A_1439 : i32 to vector<16xi32>
      %add3A_1441 = arith.addi %mul3A_1407, %add3A_1440 : vector<16xi32>
      %mul3A_1442 = arith.mulf %gather3A_1398, %gather3A_1404 : vector<16xf32>
      %bitcast3A_1443 = vector.bitcast %mul3A_1442 : vector<16xf32> to vector<16xi32>
      tpu.vector_store_idx %arg14[%add3A_1441], %bitcast3A_1443 : memref<512xi32, #tpu.memory_space<vmem>>[vector<16xi32>], vector<16xi32>,
      %add3A_1444 = arith.constant 48 : i32
      %add3A_1445 = vector.broadcast %add3A_1444 : i32 to vector<16xi32>
      %add3A_1446 = arith.addi %iota3A, %add3A_1445 : vector<16xi32>
      %min3A_1447 = arith.constant 48 : i32
      %min3A_1448 = vector.broadcast %min3A_1447 : i32 to vector<16xi32>
      %min3A_1449 = arith.minsi %add3A_1446, %min3A_1448 : vector<16xi32>
      %jit3A_1450 = arith.constant 7 : i32
      %div3A_1451 = vector.broadcast %jit3A_1450 : i32 to vector<16xi32>
      %div3A_1452 = arith.divsi %min3A_1449, %div3A_1451 : vector<16xi32>
      %sign3A_1453 = arith.constant 0 : i32
      %sign3A_1454 = vector.broadcast %sign3A_1453 : i32 to vector<16xi32>
      %sign3A_1455 = arith.cmpi sgt, %min3A_1449, %sign3A_1454 : vector<16xi32>
      %sign3A_1456 = arith.extui %sign3A_1455 : vector<16xi1> to vector<16xi32>
      %sign3A_1457 = arith.constant 0 : i32
      %sign3A_1458 = vector.broadcast %sign3A_1457 : i32 to vector<16xi32>
      %sign3A_1459 = arith.cmpi slt, %min3A_1449, %sign3A_1458 : vector<16xi32>
      %sign3A_1460 = arith.extui %sign3A_1459 : vector<16xi1> to vector<16xi32>
      %sign3A_1461 = arith.subi %sign3A_1456, %sign3A_1460 : vector<16xi32>
      %sign3A_1462 = arith.constant 0 : i32
      %sign3A_1463 = arith.cmpi sgt, %jit3A_1450, %sign3A_1462 : i32
      %sign3A_1464 = arith.extui %sign3A_1463 : i1 to i32
      %sign3A_1465 = arith.constant 0 : i32
      %sign3A_1466 = arith.cmpi slt, %jit3A_1450, %sign3A_1465 : i32
      %sign3A_1467 = arith.extui %sign3A_1466 : i1 to i32
      %sign3A_1468 = arith.subi %sign3A_1464, %sign3A_1467 : i32
      %ne3A_1469 = vector.broadcast %sign3A_1468 : i32 to vector<16xi32>
      %ne3A_1470 = arith.cmpi ne, %sign3A_1461, %ne3A_1469 : vector<16xi32>
      %rem3A_1471 = vector.broadcast %jit3A_1450 : i32 to vector<16xi32>
      %rem3A_1472 = arith.remsi %min3A_1449, %rem3A_1471 : vector<16xi32>
      %ne3A_1473 = arith.constant 0 : i32
      %ne3A_1474 = vector.broadcast %ne3A_1473 : i32 to vector<16xi32>
      %ne3A_1475 = arith.cmpi ne, %rem3A_1472, %ne3A_1474 : vector<16xi32>
      %and3A_1476 = arith.andi %ne3A_1470, %ne3A_1475 : vector<16xi1>
      %sub3A_1477 = arith.constant 1 : i32
      %sub3A_1478 = vector.broadcast %sub3A_1477 : i32 to vector<16xi32>
      %sub3A_1479 = arith.subi %div3A_1452, %sub3A_1478 : vector<16xi32>
      %select_n3A_1480 = arith.select %and3A_1476, %sub3A_1479, %div3A_1452 : vector<16xi1>, vector<16xi32>
      %jit3A_1481 = arith.constant 7 : i32
      %eq3A_1482 = arith.constant 0 : i32
      %eq3A_1483 = arith.cmpi eq, %jit3A_1481, %eq3A_1482 : i32
      %jit3A_1484 = arith.constant 1 : i32
      %select_n3A_1485 = arith.select %eq3A_1483, %jit3A_1484, %jit3A_1481 : i32
      %rem3A_1486 = vector.broadcast %select_n3A_1485 : i32 to vector<16xi32>
      %rem3A_1487 = arith.remsi %min3A_1449, %rem3A_1486 : vector<16xi32>
      %ne3A_1488 = arith.constant 0 : i32
      %ne3A_1489 = vector.broadcast %ne3A_1488 : i32 to vector<16xi32>
      %ne3A_1490 = arith.cmpi ne, %rem3A_1487, %ne3A_1489 : vector<16xi32>
      %lt3A_1491 = arith.constant 0 : i32
      %lt3A_1492 = vector.broadcast %lt3A_1491 : i32 to vector<16xi32>
      %lt3A_1493 = arith.cmpi slt, %rem3A_1487, %lt3A_1492 : vector<16xi32>
      %lt3A_1494 = arith.constant 0 : i32
      %lt3A_1495 = arith.cmpi slt, %select_n3A_1485, %lt3A_1494 : i32
      %ne3A_1496 = vector.broadcast %lt3A_1495 : i1 to vector<16xi1>
      %ne3A_1497 = vector.broadcast %ne3A_1496 : vector<16xi1> to vector<16xi1>
      %ne3A_1498 = arith.xori %lt3A_1493, %ne3A_1497 : vector<16xi1>
      %and3A_1499 = arith.andi %ne3A_1498, %ne3A_1490 : vector<16xi1>
      %add3A_1500 = vector.broadcast %select_n3A_1485 : i32 to vector<16xi32>
      %add3A_1501 = arith.addi %rem3A_1487, %add3A_1500 : vector<16xi32>
      %select_n3A_1502 = arith.select %and3A_1499, %add3A_1501, %rem3A_1487 : vector<16xi1>, vector<16xi32>
      %broadcast_in_dim3A_1503 = arith.constant 0 : i32
      %broadcast_in_dim3A_1504 = vector.broadcast %broadcast_in_dim3A_1503 : i32 to vector<16xi32>
      %gather3A_1505 = tpu.vector_load_idx %arg12[%broadcast_in_dim3A_1504, %select_n3A_1480] : memref<4x16xi32, #tpu.memory_space<vmem>>[vector<16xi32>, vector<16xi32>], vector<16xi32>,
      %broadcast_in_dim3A_1506 = arith.constant 1 : i32
      %broadcast_in_dim3A_1507 = vector.broadcast %broadcast_in_dim3A_1506 : i32 to vector<16xi32>
      %gather3A_1508 = tpu.vector_load_idx %arg12[%broadcast_in_dim3A_1507, %select_n3A_1480] : memref<4x16xi32, #tpu.memory_space<vmem>>[vector<16xi32>, vector<16xi32>], vector<16xi32>,
      %broadcast_in_dim3A_1509 = arith.constant 2 : i32
      %broadcast_in_dim3A_1510 = vector.broadcast %broadcast_in_dim3A_1509 : i32 to vector<16xi32>
      %gather3A_1511 = tpu.vector_load_idx %arg12[%broadcast_in_dim3A_1510, %select_n3A_1502] : memref<4x16xi32, #tpu.memory_space<vmem>>[vector<16xi32>, vector<16xi32>], vector<16xi32>,
      %broadcast_in_dim3A_1512 = arith.constant 3 : i32
      %broadcast_in_dim3A_1513 = vector.broadcast %broadcast_in_dim3A_1512 : i32 to vector<16xi32>
      %gather3A_1514 = tpu.vector_load_idx %arg12[%broadcast_in_dim3A_1513, %select_n3A_1502] : memref<4x16xi32, #tpu.memory_space<vmem>>[vector<16xi32>, vector<16xi32>], vector<16xi32>,
      %broadcast_in_dim3A_1515 = arith.constant 0 : i32
      %broadcast_in_dim3A_1516 = vector.broadcast %broadcast_in_dim3A_1515 : i32 to vector<16xi32>
      %gather3A_1517 = tpu.vector_load_idx %arg13[%broadcast_in_dim3A_1516, %select_n3A_1480] : memref<4x16xf32, #tpu.memory_space<vmem>>[vector<16xi32>, vector<16xi32>], vector<16xf32>,
      %broadcast_in_dim3A_1518 = arith.constant 1 : i32
      %broadcast_in_dim3A_1519 = vector.broadcast %broadcast_in_dim3A_1518 : i32 to vector<16xi32>
      %gather3A_1520 = tpu.vector_load_idx %arg13[%broadcast_in_dim3A_1519, %select_n3A_1480] : memref<4x16xf32, #tpu.memory_space<vmem>>[vector<16xi32>, vector<16xi32>], vector<16xf32>,
      %broadcast_in_dim3A_1521 = arith.constant 2 : i32
      %broadcast_in_dim3A_1522 = vector.broadcast %broadcast_in_dim3A_1521 : i32 to vector<16xi32>
      %gather3A_1523 = tpu.vector_load_idx %arg13[%broadcast_in_dim3A_1522, %select_n3A_1502] : memref<4x16xf32, #tpu.memory_space<vmem>>[vector<16xi32>, vector<16xi32>], vector<16xf32>,
      %broadcast_in_dim3A_1524 = arith.constant 3 : i32
      %broadcast_in_dim3A_1525 = vector.broadcast %broadcast_in_dim3A_1524 : i32 to vector<16xi32>
      %gather3A_1526 = tpu.vector_load_idx %arg13[%broadcast_in_dim3A_1525, %select_n3A_1502] : memref<4x16xf32, #tpu.memory_space<vmem>>[vector<16xi32>, vector<16xi32>], vector<16xf32>,
      %mul3A_1527 = arith.constant 8 : i32
      %mul3A_1528 = vector.broadcast %mul3A_1527 : i32 to vector<16xi32>
      %mul3A_1529 = arith.muli %iota3A, %mul3A_1528 : vector<16xi32>
      %add3A_1530 = arith.constant 384 : i32
      %add3A_1531 = vector.broadcast %add3A_1530 : i32 to vector<16xi32>
      %add3A_1532 = arith.addi %mul3A_1529, %add3A_1531 : vector<16xi32>
      %add3A_1533 = arith.addi %gather3A_1505, %gather3A_1511 : vector<16xi32>
      tpu.vector_store_idx %arg14[%add3A_1532], %add3A_1533 : memref<512xi32, #tpu.memory_space<vmem>>[vector<16xi32>], vector<16xi32>,
      %add3A_1534 = arith.constant 388 : i32
      %add3A_1535 = vector.broadcast %add3A_1534 : i32 to vector<16xi32>
      %add3A_1536 = arith.addi %mul3A_1529, %add3A_1535 : vector<16xi32>
      %mul3A_1537 = arith.mulf %gather3A_1517, %gather3A_1523 : vector<16xf32>
      %bitcast3A_1538 = vector.bitcast %mul3A_1537 : vector<16xf32> to vector<16xi32>
      tpu.vector_store_idx %arg14[%add3A_1536], %bitcast3A_1538 : memref<512xi32, #tpu.memory_space<vmem>>[vector<16xi32>], vector<16xi32>,
      %add3A_1539 = arith.constant 385 : i32
      %add3A_1540 = vector.broadcast %add3A_1539 : i32 to vector<16xi32>
      %add3A_1541 = arith.addi %mul3A_1529, %add3A_1540 : vector<16xi32>
      %add3A_1542 = arith.addi %gather3A_1505, %gather3A_1514 : vector<16xi32>
      tpu.vector_store_idx %arg14[%add3A_1541], %add3A_1542 : memref<512xi32, #tpu.memory_space<vmem>>[vector<16xi32>], vector<16xi32>,
      %add3A_1543 = arith.constant 389 : i32
      %add3A_1544 = vector.broadcast %add3A_1543 : i32 to vector<16xi32>
      %add3A_1545 = arith.addi %mul3A_1529, %add3A_1544 : vector<16xi32>
      %mul3A_1546 = arith.mulf %gather3A_1517, %gather3A_1526 : vector<16xf32>
      %bitcast3A_1547 = vector.bitcast %mul3A_1546 : vector<16xf32> to vector<16xi32>
      tpu.vector_store_idx %arg14[%add3A_1545], %bitcast3A_1547 : memref<512xi32, #tpu.memory_space<vmem>>[vector<16xi32>], vector<16xi32>,
      %add3A_1548 = arith.constant 386 : i32
      %add3A_1549 = vector.broadcast %add3A_1548 : i32 to vector<16xi32>
      %add3A_1550 = arith.addi %mul3A_1529, %add3A_1549 : vector<16xi32>
      %add3A_1551 = arith.addi %gather3A_1508, %gather3A_1511 : vector<16xi32>
      tpu.vector_store_idx %arg14[%add3A_1550], %add3A_1551 : memref<512xi32, #tpu.memory_space<vmem>>[vector<16xi32>], vector<16xi32>,
      %add3A_1552 = arith.constant 390 : i32
      %add3A_1553 = vector.broadcast %add3A_1552 : i32 to vector<16xi32>
      %add3A_1554 = arith.addi %mul3A_1529, %add3A_1553 : vector<16xi32>
      %mul3A_1555 = arith.mulf %gather3A_1520, %gather3A_1523 : vector<16xf32>
      %bitcast3A_1556 = vector.bitcast %mul3A_1555 : vector<16xf32> to vector<16xi32>
      tpu.vector_store_idx %arg14[%add3A_1554], %bitcast3A_1556 : memref<512xi32, #tpu.memory_space<vmem>>[vector<16xi32>], vector<16xi32>,
      %add3A_1557 = arith.constant 387 : i32
      %add3A_1558 = vector.broadcast %add3A_1557 : i32 to vector<16xi32>
      %add3A_1559 = arith.addi %mul3A_1529, %add3A_1558 : vector<16xi32>
      %add3A_1560 = arith.addi %gather3A_1508, %gather3A_1514 : vector<16xi32>
      tpu.vector_store_idx %arg14[%add3A_1559], %add3A_1560 : memref<512xi32, #tpu.memory_space<vmem>>[vector<16xi32>], vector<16xi32>,
      %add3A_1561 = arith.constant 391 : i32
      %add3A_1562 = vector.broadcast %add3A_1561 : i32 to vector<16xi32>
      %add3A_1563 = arith.addi %mul3A_1529, %add3A_1562 : vector<16xi32>
      %mul3A_1564 = arith.mulf %gather3A_1520, %gather3A_1526 : vector<16xf32>
      %bitcast3A_1565 = vector.bitcast %mul3A_1564 : vector<16xf32> to vector<16xi32>
      tpu.vector_store_idx %arg14[%add3A_1563], %bitcast3A_1565 : memref<512xi32, #tpu.memory_space<vmem>>[vector<16xi32>], vector<16xi32>,
      %jit3A_1566 = arith.constant 8 : i32
      %div3A_1567 = arith.divsi %min3A_928, %jit3A_1566 : i32
      %sign3A_1568 = arith.constant 0 : i32
      %sign3A_1569 = arith.cmpi sgt, %min3A_928, %sign3A_1568 : i32
      %sign3A_1570 = arith.extui %sign3A_1569 : i1 to i32
      %sign3A_1571 = arith.constant 0 : i32
      %sign3A_1572 = arith.cmpi slt, %min3A_928, %sign3A_1571 : i32
      %sign3A_1573 = arith.extui %sign3A_1572 : i1 to i32
      %sign3A_1574 = arith.subi %sign3A_1570, %sign3A_1573 : i32
      %sign3A_1575 = arith.constant 0 : i32
      %sign3A_1576 = arith.cmpi sgt, %jit3A_1566, %sign3A_1575 : i32
      %sign3A_1577 = arith.extui %sign3A_1576 : i1 to i32
      %sign3A_1578 = arith.constant 0 : i32
      %sign3A_1579 = arith.cmpi slt, %jit3A_1566, %sign3A_1578 : i32
      %sign3A_1580 = arith.extui %sign3A_1579 : i1 to i32
      %sign3A_1581 = arith.subi %sign3A_1577, %sign3A_1580 : i32
      %ne3A_1582 = arith.cmpi ne, %sign3A_1574, %sign3A_1581 : i32
      %rem3A_1583 = arith.remsi %min3A_928, %jit3A_1566 : i32
      %ne3A_1584 = arith.constant 0 : i32
      %ne3A_1585 = arith.cmpi ne, %rem3A_1583, %ne3A_1584 : i32
      %and3A_1586 = arith.andi %ne3A_1582, %ne3A_1585 : i1
      %sub3A_1587 = arith.constant 1 : i32
      %sub3A_1588 = arith.subi %div3A_1567, %sub3A_1587 : i32
      %select_n3A_1589 = arith.select %and3A_1586, %sub3A_1588, %div3A_1567 : i32
      %mul3A_1590 = arith.constant 16 : i32
      %mul3A_1591 = arith.muli %select_n3A_1589, %mul3A_1590 : i32
      %jit3A_1592 = arith.constant 8 : i32
      %eq3A_1593 = arith.constant 0 : i32
      %eq3A_1594 = arith.cmpi eq, %jit3A_1592, %eq3A_1593 : i32
      %jit3A_1595 = arith.constant 1 : i32
      %select_n3A_1596 = arith.select %eq3A_1594, %jit3A_1595, %jit3A_1592 : i32
      %rem3A_1597 = arith.remsi %min3A_928, %select_n3A_1596 : i32
      %ne3A_1598 = arith.constant 0 : i32
      %ne3A_1599 = arith.cmpi ne, %rem3A_1597, %ne3A_1598 : i32
      %lt3A_1600 = arith.constant 0 : i32
      %lt3A_1601 = arith.cmpi slt, %rem3A_1597, %lt3A_1600 : i32
      %lt3A_1602 = arith.constant 0 : i32
      %lt3A_1603 = arith.cmpi slt, %select_n3A_1596, %lt3A_1602 : i32
      %ne3A_1604 = arith.xori %lt3A_1601, %lt3A_1603 : i1
      %and3A_1605 = arith.andi %ne3A_1604, %ne3A_1599 : i1
      %add3A_1606 = arith.addi %rem3A_1597, %select_n3A_1596 : i32
      %select_n3A_1607 = arith.select %and3A_1605, %add3A_1606, %rem3A_1597 : i32
      %add3A_1608 = arith.addi %mul3A_1591, %select_n3A_1607 : i32
      %broadcast_in_dim3A_1609 = vector.broadcast %add3A_1608 : i32 to vector<16xi32>
      %add3A_1610 = arith.constant 0 : i32
      %add3A_1611 = vector.broadcast %add3A_1610 : i32 to vector<16xi32>
      %add3A_1612 = arith.addi %iota3A, %add3A_1611 : vector<16xi32>
      %shift_right_arithmetic3A_1613 = arith.constant 1 : i32
      %shift_right_arithmetic3A_1614 = vector.broadcast %shift_right_arithmetic3A_1613 : i32 to vector<16xi32>
      %shift_right_arithmetic3A_1615 = arith.shrsi %add3A_1612, %shift_right_arithmetic3A_1614 : vector<16xi32>
      %mul3A_1616 = arith.constant 2000 : i32
      %mul3A_1617 = vector.broadcast %mul3A_1616 : i32 to vector<16xi32>
      %mul3A_1618 = arith.muli %shift_right_arithmetic3A_1615, %mul3A_1617 : vector<16xi32>
      %and3A_1619 = arith.constant 1 : i32
      %and3A_1620 = vector.broadcast %and3A_1619 : i32 to vector<16xi32>
      %and3A_1621 = arith.andi %add3A_1612, %and3A_1620 : vector<16xi32>
      %mul3A_1622 = arith.constant 8 : i32
      %mul3A_1623 = vector.broadcast %mul3A_1622 : i32 to vector<16xi32>
      %mul3A_1624 = arith.muli %and3A_1621, %mul3A_1623 : vector<16xi32>
      %add3A_1625 = arith.addi %mul3A_1618, %mul3A_1624 : vector<16xi32>
      %add3A_1626 = arith.addi %add3A_1625, %broadcast_in_dim3A_1609 : vector<16xi32>
      %swap3A_1627 = arith.constant 1 : i32
      %swap3A_1628 = arith.index_cast %swap3A_1627 : i32 to index
      %swap3A_1629 = arith.constant 0 : index
      %swap3A_1630 = tpu.vector_load %arg11[%swap3A_1628, %swap3A_1629] {strides = array<i32>} : memref<2x98xi32, #tpu.memory_space<vmem>>, vector<16xi32>,
      tpu.vector_store %arg11[%swap3A_1628, %swap3A_1629], %add3A_1626 {strides = array<i32>} : memref<2x98xi32, #tpu.memory_space<vmem>>, vector<16xi32>,
      %add3A_1631 = arith.constant 16 : i32
      %add3A_1632 = vector.broadcast %add3A_1631 : i32 to vector<16xi32>
      %add3A_1633 = arith.addi %iota3A, %add3A_1632 : vector<16xi32>
      %shift_right_arithmetic3A_1634 = arith.constant 1 : i32
      %shift_right_arithmetic3A_1635 = vector.broadcast %shift_right_arithmetic3A_1634 : i32 to vector<16xi32>
      %shift_right_arithmetic3A_1636 = arith.shrsi %add3A_1633, %shift_right_arithmetic3A_1635 : vector<16xi32>
      %mul3A_1637 = arith.constant 2000 : i32
      %mul3A_1638 = vector.broadcast %mul3A_1637 : i32 to vector<16xi32>
      %mul3A_1639 = arith.muli %shift_right_arithmetic3A_1636, %mul3A_1638 : vector<16xi32>
      %and3A_1640 = arith.constant 1 : i32
      %and3A_1641 = vector.broadcast %and3A_1640 : i32 to vector<16xi32>
      %and3A_1642 = arith.andi %add3A_1633, %and3A_1641 : vector<16xi32>
      %mul3A_1643 = arith.constant 8 : i32
      %mul3A_1644 = vector.broadcast %mul3A_1643 : i32 to vector<16xi32>
      %mul3A_1645 = arith.muli %and3A_1642, %mul3A_1644 : vector<16xi32>
      %add3A_1646 = arith.addi %mul3A_1639, %mul3A_1645 : vector<16xi32>
      %add3A_1647 = arith.addi %add3A_1646, %broadcast_in_dim3A_1609 : vector<16xi32>
      %swap3A_1648 = arith.constant 1 : i32
      %swap3A_1649 = arith.index_cast %swap3A_1648 : i32 to index
      %swap3A_1650 = arith.constant 16 : index
      %swap3A_1651 = tpu.vector_load %arg11[%swap3A_1649, %swap3A_1650] {strides = array<i32>} : memref<2x98xi32, #tpu.memory_space<vmem>>, vector<16xi32>,
      tpu.vector_store %arg11[%swap3A_1649, %swap3A_1650], %add3A_1647 {strides = array<i32>} : memref<2x98xi32, #tpu.memory_space<vmem>>, vector<16xi32>,
      %add3A_1652 = arith.constant 32 : i32
      %add3A_1653 = vector.broadcast %add3A_1652 : i32 to vector<16xi32>
      %add3A_1654 = arith.addi %iota3A, %add3A_1653 : vector<16xi32>
      %shift_right_arithmetic3A_1655 = arith.constant 1 : i32
      %shift_right_arithmetic3A_1656 = vector.broadcast %shift_right_arithmetic3A_1655 : i32 to vector<16xi32>
      %shift_right_arithmetic3A_1657 = arith.shrsi %add3A_1654, %shift_right_arithmetic3A_1656 : vector<16xi32>
      %mul3A_1658 = arith.constant 2000 : i32
      %mul3A_1659 = vector.broadcast %mul3A_1658 : i32 to vector<16xi32>
      %mul3A_1660 = arith.muli %shift_right_arithmetic3A_1657, %mul3A_1659 : vector<16xi32>
      %and3A_1661 = arith.constant 1 : i32
      %and3A_1662 = vector.broadcast %and3A_1661 : i32 to vector<16xi32>
      %and3A_1663 = arith.andi %add3A_1654, %and3A_1662 : vector<16xi32>
      %mul3A_1664 = arith.constant 8 : i32
      %mul3A_1665 = vector.broadcast %mul3A_1664 : i32 to vector<16xi32>
      %mul3A_1666 = arith.muli %and3A_1663, %mul3A_1665 : vector<16xi32>
      %add3A_1667 = arith.addi %mul3A_1660, %mul3A_1666 : vector<16xi32>
      %add3A_1668 = arith.addi %add3A_1667, %broadcast_in_dim3A_1609 : vector<16xi32>
      %swap3A_1669 = arith.constant 1 : i32
      %swap3A_1670 = arith.index_cast %swap3A_1669 : i32 to index
      %swap3A_1671 = arith.constant 32 : index
      %swap3A_1672 = tpu.vector_load %arg11[%swap3A_1670, %swap3A_1671] {strides = array<i32>} : memref<2x98xi32, #tpu.memory_space<vmem>>, vector<16xi32>,
      tpu.vector_store %arg11[%swap3A_1670, %swap3A_1671], %add3A_1668 {strides = array<i32>} : memref<2x98xi32, #tpu.memory_space<vmem>>, vector<16xi32>,
      %add3A_1673 = arith.constant 48 : i32
      %add3A_1674 = vector.broadcast %add3A_1673 : i32 to vector<16xi32>
      %add3A_1675 = arith.addi %iota3A, %add3A_1674 : vector<16xi32>
      %shift_right_arithmetic3A_1676 = arith.constant 1 : i32
      %shift_right_arithmetic3A_1677 = vector.broadcast %shift_right_arithmetic3A_1676 : i32 to vector<16xi32>
      %shift_right_arithmetic3A_1678 = arith.shrsi %add3A_1675, %shift_right_arithmetic3A_1677 : vector<16xi32>
      %mul3A_1679 = arith.constant 2000 : i32
      %mul3A_1680 = vector.broadcast %mul3A_1679 : i32 to vector<16xi32>
      %mul3A_1681 = arith.muli %shift_right_arithmetic3A_1678, %mul3A_1680 : vector<16xi32>
      %and3A_1682 = arith.constant 1 : i32
      %and3A_1683 = vector.broadcast %and3A_1682 : i32 to vector<16xi32>
      %and3A_1684 = arith.andi %add3A_1675, %and3A_1683 : vector<16xi32>
      %mul3A_1685 = arith.constant 8 : i32
      %mul3A_1686 = vector.broadcast %mul3A_1685 : i32 to vector<16xi32>
      %mul3A_1687 = arith.muli %and3A_1684, %mul3A_1686 : vector<16xi32>
      %add3A_1688 = arith.addi %mul3A_1681, %mul3A_1687 : vector<16xi32>
      %add3A_1689 = arith.addi %add3A_1688, %broadcast_in_dim3A_1609 : vector<16xi32>
      %swap3A_1690 = arith.constant 1 : i32
      %swap3A_1691 = arith.index_cast %swap3A_1690 : i32 to index
      %swap3A_1692 = arith.constant 48 : index
      %swap3A_1693 = tpu.vector_load %arg11[%swap3A_1691, %swap3A_1692] {strides = array<i32>} : memref<2x98xi32, #tpu.memory_space<vmem>>, vector<16xi32>,
      tpu.vector_store %arg11[%swap3A_1691, %swap3A_1692], %add3A_1689 {strides = array<i32>} : memref<2x98xi32, #tpu.memory_space<vmem>>, vector<16xi32>,
      %add3A_1694 = arith.constant 64 : i32
      %add3A_1695 = vector.broadcast %add3A_1694 : i32 to vector<16xi32>
      %add3A_1696 = arith.addi %iota3A, %add3A_1695 : vector<16xi32>
      %shift_right_arithmetic3A_1697 = arith.constant 1 : i32
      %shift_right_arithmetic3A_1698 = vector.broadcast %shift_right_arithmetic3A_1697 : i32 to vector<16xi32>
      %shift_right_arithmetic3A_1699 = arith.shrsi %add3A_1696, %shift_right_arithmetic3A_1698 : vector<16xi32>
      %mul3A_1700 = arith.constant 2000 : i32
      %mul3A_1701 = vector.broadcast %mul3A_1700 : i32 to vector<16xi32>
      %mul3A_1702 = arith.muli %shift_right_arithmetic3A_1699, %mul3A_1701 : vector<16xi32>
      %and3A_1703 = arith.constant 1 : i32
      %and3A_1704 = vector.broadcast %and3A_1703 : i32 to vector<16xi32>
      %and3A_1705 = arith.andi %add3A_1696, %and3A_1704 : vector<16xi32>
      %mul3A_1706 = arith.constant 8 : i32
      %mul3A_1707 = vector.broadcast %mul3A_1706 : i32 to vector<16xi32>
      %mul3A_1708 = arith.muli %and3A_1705, %mul3A_1707 : vector<16xi32>
      %add3A_1709 = arith.addi %mul3A_1702, %mul3A_1708 : vector<16xi32>
      %add3A_1710 = arith.addi %add3A_1709, %broadcast_in_dim3A_1609 : vector<16xi32>
      %swap3A_1711 = arith.constant 1 : i32
      %swap3A_1712 = arith.index_cast %swap3A_1711 : i32 to index
      %swap3A_1713 = arith.constant 64 : index
      %swap3A_1714 = tpu.vector_load %arg11[%swap3A_1712, %swap3A_1713] {strides = array<i32>} : memref<2x98xi32, #tpu.memory_space<vmem>>, vector<16xi32>,
      tpu.vector_store %arg11[%swap3A_1712, %swap3A_1713], %add3A_1710 {strides = array<i32>} : memref<2x98xi32, #tpu.memory_space<vmem>>, vector<16xi32>,
      %add3A_1715 = arith.constant 80 : i32
      %add3A_1716 = vector.broadcast %add3A_1715 : i32 to vector<16xi32>
      %add3A_1717 = arith.addi %iota3A, %add3A_1716 : vector<16xi32>
      %shift_right_arithmetic3A_1718 = arith.constant 1 : i32
      %shift_right_arithmetic3A_1719 = vector.broadcast %shift_right_arithmetic3A_1718 : i32 to vector<16xi32>
      %shift_right_arithmetic3A_1720 = arith.shrsi %add3A_1717, %shift_right_arithmetic3A_1719 : vector<16xi32>
      %mul3A_1721 = arith.constant 2000 : i32
      %mul3A_1722 = vector.broadcast %mul3A_1721 : i32 to vector<16xi32>
      %mul3A_1723 = arith.muli %shift_right_arithmetic3A_1720, %mul3A_1722 : vector<16xi32>
      %and3A_1724 = arith.constant 1 : i32
      %and3A_1725 = vector.broadcast %and3A_1724 : i32 to vector<16xi32>
      %and3A_1726 = arith.andi %add3A_1717, %and3A_1725 : vector<16xi32>
      %mul3A_1727 = arith.constant 8 : i32
      %mul3A_1728 = vector.broadcast %mul3A_1727 : i32 to vector<16xi32>
      %mul3A_1729 = arith.muli %and3A_1726, %mul3A_1728 : vector<16xi32>
      %add3A_1730 = arith.addi %mul3A_1723, %mul3A_1729 : vector<16xi32>
      %add3A_1731 = arith.addi %add3A_1730, %broadcast_in_dim3A_1609 : vector<16xi32>
      %swap3A_1732 = arith.constant 1 : i32
      %swap3A_1733 = arith.index_cast %swap3A_1732 : i32 to index
      %swap3A_1734 = arith.constant 80 : index
      %swap3A_1735 = tpu.vector_load %arg11[%swap3A_1733, %swap3A_1734] {strides = array<i32>} : memref<2x98xi32, #tpu.memory_space<vmem>>, vector<16xi32>,
      tpu.vector_store %arg11[%swap3A_1733, %swap3A_1734], %add3A_1731 {strides = array<i32>} : memref<2x98xi32, #tpu.memory_space<vmem>>, vector<16xi32>,
      %add3A_1736 = arith.constant 96 : i32
      %add3A_1737 = vector.broadcast %add3A_1736 : i32 to vector<16xi32>
      %add3A_1738 = arith.addi %iota3A, %add3A_1737 : vector<16xi32>
      %shift_right_arithmetic3A_1739 = arith.constant 1 : i32
      %shift_right_arithmetic3A_1740 = vector.broadcast %shift_right_arithmetic3A_1739 : i32 to vector<16xi32>
      %shift_right_arithmetic3A_1741 = arith.shrsi %add3A_1738, %shift_right_arithmetic3A_1740 : vector<16xi32>
      %mul3A_1742 = arith.constant 2000 : i32
      %mul3A_1743 = vector.broadcast %mul3A_1742 : i32 to vector<16xi32>
      %mul3A_1744 = arith.muli %shift_right_arithmetic3A_1741, %mul3A_1743 : vector<16xi32>
      %and3A_1745 = arith.constant 1 : i32
      %and3A_1746 = vector.broadcast %and3A_1745 : i32 to vector<16xi32>
      %and3A_1747 = arith.andi %add3A_1738, %and3A_1746 : vector<16xi32>
      %mul3A_1748 = arith.constant 8 : i32
      %mul3A_1749 = vector.broadcast %mul3A_1748 : i32 to vector<16xi32>
      %mul3A_1750 = arith.muli %and3A_1747, %mul3A_1749 : vector<16xi32>
      %add3A_1751 = arith.addi %mul3A_1744, %mul3A_1750 : vector<16xi32>
      %add3A_1752 = arith.addi %add3A_1751, %broadcast_in_dim3A_1609 : vector<16xi32>
      %broadcast_in_dim3A_1753 = arith.constant 1 : i32
      %broadcast_in_dim3A_1754 = vector.broadcast %broadcast_in_dim3A_1753 : i32 to vector<16xi32>
      %add3A_1755 = arith.constant 96 : i32
      %add3A_1756 = vector.broadcast %add3A_1755 : i32 to vector<16xi32>
      %add3A_1757 = arith.addi %add3A_1756, %iota3A : vector<16xi32>
      %lt3A_1758 = arith.constant 2 : i32
      %lt3A_1759 = vector.broadcast %lt3A_1758 : i32 to vector<16xi32>
      %lt3A_1760 = arith.cmpi slt, %iota3A, %lt3A_1759 : vector<16xi32>
      tpu.vector_store_idx %arg11[%broadcast_in_dim3A_1754, %add3A_1757], %add3A_1752 masked %lt3A_1760 : memref<2x98xi32, #tpu.memory_space<vmem>>[vector<16xi32>, vector<16xi32>], vector<16xi32>, vector<16xi1>
      %parallel_loop3A_1761 = arith.constant 0 : i32
      %parallel_loop3A_1762 = arith.constant 49 : i32
      %parallel_loop3A_1763 = arith.constant 1 : i32
      scf.for %parallel_loop3A_1777 = %parallel_loop3A_1761 to %parallel_loop3A_1762 step %parallel_loop3A_1763  : i32 {
        %parallel_loop3A_1778 = arith.constant 8 : i32
        %parallel_loop3A_1779 = arith.muli %parallel_loop3A_1777, %parallel_loop3A_1778 : i32
        %parallel_loop3A_1780 = arith.index_cast %parallel_loop3A_1779 : i32 to index
        %parallel_loop3A_1781 = tpu.vector_load %arg14[%parallel_loop3A_1780] {strides = array<i32>} : memref<512xi32, #tpu.memory_space<vmem>>, vector<16xi32>,
        %parallel_loop3A_1782 = vector.bitcast %parallel_loop3A_1781 : vector<16xi32> to vector<16xf32>
        %parallel_loop3A_1783 = vector.extract_strided_slice %parallel_loop3A_1781 {offsets = [0], sizes = [1], strides = [1]} : vector<16xi32> to vector<1xi32>
        %parallel_loop3A_1784 = vector.extract %parallel_loop3A_1783[0] : i32 from vector<1xi32>
        %parallel_loop3A_1785 = vector.extract_strided_slice %parallel_loop3A_1781 {offsets = [1], sizes = [1], strides = [1]} : vector<16xi32> to vector<1xi32>
        %parallel_loop3A_1786 = vector.extract %parallel_loop3A_1785[0] : i32 from vector<1xi32>
        %parallel_loop3A_1787 = vector.extract_strided_slice %parallel_loop3A_1781 {offsets = [2], sizes = [1], strides = [1]} : vector<16xi32> to vector<1xi32>
        %parallel_loop3A_1788 = vector.extract %parallel_loop3A_1787[0] : i32 from vector<1xi32>
        %parallel_loop3A_1789 = vector.extract_strided_slice %parallel_loop3A_1781 {offsets = [3], sizes = [1], strides = [1]} : vector<16xi32> to vector<1xi32>
        %parallel_loop3A_1790 = vector.extract %parallel_loop3A_1789[0] : i32 from vector<1xi32>
        %parallel_loop3A_1791 = vector.extract_strided_slice %parallel_loop3A_1782 {offsets = [4], sizes = [1], strides = [1]} : vector<16xf32> to vector<1xf32>
        %parallel_loop3A_1792 = vector.extract %parallel_loop3A_1791[0] : f32 from vector<1xf32>
        %parallel_loop3A_1793 = vector.broadcast %parallel_loop3A_1792 : f32 to vector<16xf32>
        %parallel_loop3A_1794 = vector.extract_strided_slice %parallel_loop3A_1782 {offsets = [5], sizes = [1], strides = [1]} : vector<16xf32> to vector<1xf32>
        %parallel_loop3A_1795 = vector.extract %parallel_loop3A_1794[0] : f32 from vector<1xf32>
        %parallel_loop3A_1796 = vector.broadcast %parallel_loop3A_1795 : f32 to vector<16xf32>
        %parallel_loop3A_1797 = vector.extract_strided_slice %parallel_loop3A_1782 {offsets = [6], sizes = [1], strides = [1]} : vector<16xf32> to vector<1xf32>
        %parallel_loop3A_1798 = vector.extract %parallel_loop3A_1797[0] : f32 from vector<1xf32>
        %parallel_loop3A_1799 = vector.broadcast %parallel_loop3A_1798 : f32 to vector<16xf32>
        %parallel_loop3A_1800 = vector.extract_strided_slice %parallel_loop3A_1782 {offsets = [7], sizes = [1], strides = [1]} : vector<16xf32> to vector<1xf32>
        %parallel_loop3A_1801 = vector.extract %parallel_loop3A_1800[0] : f32 from vector<1xf32>
        %parallel_loop3A_1802 = vector.broadcast %parallel_loop3A_1801 : f32 to vector<16xf32>
        %parallel_loop3A_1803 = arith.constant 2 : i32
        %parallel_loop3A_1804 = arith.muli %parallel_loop3A_1777, %parallel_loop3A_1803 : i32
        %parallel_loop3A_1805 = arith.index_cast %parallel_loop3A_1784 : i32 to index
        %parallel_loop3A_1806 = arith.constant 0 : index
        %parallel_loop3A_1807 = tpu.vector_load %arg8[%parallel_loop3A_1805, %parallel_loop3A_1806] {strides = array<i32>} : memref<196x256xf32, #tpu.memory_space<vmem>>, vector<16xf32>,
        %parallel_loop3A_1808 = arith.mulf %parallel_loop3A_1793, %parallel_loop3A_1807 : vector<16xf32>
        %parallel_loop3A_1809 = arith.index_cast %parallel_loop3A_1786 : i32 to index
        %parallel_loop3A_1810 = arith.constant 0 : index
        %parallel_loop3A_1811 = tpu.vector_load %arg8[%parallel_loop3A_1809, %parallel_loop3A_1810] {strides = array<i32>} : memref<196x256xf32, #tpu.memory_space<vmem>>, vector<16xf32>,
        %parallel_loop3A_1812 = arith.mulf %parallel_loop3A_1796, %parallel_loop3A_1811 : vector<16xf32>
        %parallel_loop3A_1813 = arith.addf %parallel_loop3A_1808, %parallel_loop3A_1812 : vector<16xf32>
        %parallel_loop3A_1814 = arith.index_cast %parallel_loop3A_1788 : i32 to index
        %parallel_loop3A_1815 = arith.constant 0 : index
        %parallel_loop3A_1816 = tpu.vector_load %arg8[%parallel_loop3A_1814, %parallel_loop3A_1815] {strides = array<i32>} : memref<196x256xf32, #tpu.memory_space<vmem>>, vector<16xf32>,
        %parallel_loop3A_1817 = arith.mulf %parallel_loop3A_1799, %parallel_loop3A_1816 : vector<16xf32>
        %parallel_loop3A_1818 = arith.addf %parallel_loop3A_1813, %parallel_loop3A_1817 : vector<16xf32>
        %parallel_loop3A_1819 = arith.index_cast %parallel_loop3A_1790 : i32 to index
        %parallel_loop3A_1820 = arith.constant 0 : index
        %parallel_loop3A_1821 = tpu.vector_load %arg8[%parallel_loop3A_1819, %parallel_loop3A_1820] {strides = array<i32>} : memref<196x256xf32, #tpu.memory_space<vmem>>, vector<16xf32>,
        %parallel_loop3A_1822 = arith.mulf %parallel_loop3A_1802, %parallel_loop3A_1821 : vector<16xf32>
        %parallel_loop3A_1823 = arith.addf %parallel_loop3A_1818, %parallel_loop3A_1822 : vector<16xf32>
        %parallel_loop3A_1824 = arith.constant 0 : i32
        %parallel_loop3A_1825 = arith.addi %parallel_loop3A_1804, %parallel_loop3A_1824 : i32
        %parallel_loop3A_1826 = arith.constant 1 : i32
        %parallel_loop3A_1827 = arith.index_cast %parallel_loop3A_1826 : i32 to index
        %parallel_loop3A_1828 = arith.index_cast %parallel_loop3A_1825 : i32 to index
        %parallel_loop3A_1829 = arith.constant 0 : index
        %parallel_loop3A_1830 = tpu.vector_load %arg10[%parallel_loop3A_1827, %parallel_loop3A_1828, %parallel_loop3A_1829] {strides = array<i32>} : memref<2x98x128xf32, #tpu.memory_space<vmem>>, vector<16xf32>,
        tpu.vector_store %arg10[%parallel_loop3A_1827, %parallel_loop3A_1828, %parallel_loop3A_1829], %parallel_loop3A_1823 {strides = array<i32>} : memref<2x98x128xf32, #tpu.memory_space<vmem>>, vector<16xf32>,
        %parallel_loop3A_1831 = arith.index_cast %parallel_loop3A_1784 : i32 to index
        %parallel_loop3A_1832 = arith.constant 16 : index
        %parallel_loop3A_1833 = tpu.vector_load %arg8[%parallel_loop3A_1831, %parallel_loop3A_1832] {strides = array<i32>} : memref<196x256xf32, #tpu.memory_space<vmem>>, vector<16xf32>,
        %parallel_loop3A_1834 = arith.mulf %parallel_loop3A_1793, %parallel_loop3A_1833 : vector<16xf32>
        %parallel_loop3A_1835 = arith.index_cast %parallel_loop3A_1786 : i32 to index
        %parallel_loop3A_1836 = arith.constant 16 : index
        %parallel_loop3A_1837 = tpu.vector_load %arg8[%parallel_loop3A_1835, %parallel_loop3A_1836] {strides = array<i32>} : memref<196x256xf32, #tpu.memory_space<vmem>>, vector<16xf32>,
        %parallel_loop3A_1838 = arith.mulf %parallel_loop3A_1796, %parallel_loop3A_1837 : vector<16xf32>
        %parallel_loop3A_1839 = arith.addf %parallel_loop3A_1834, %parallel_loop3A_1838 : vector<16xf32>
        %parallel_loop3A_1840 = arith.index_cast %parallel_loop3A_1788 : i32 to index
        %parallel_loop3A_1841 = arith.constant 16 : index
        %parallel_loop3A_1842 = tpu.vector_load %arg8[%parallel_loop3A_1840, %parallel_loop3A_1841] {strides = array<i32>} : memref<196x256xf32, #tpu.memory_space<vmem>>, vector<16xf32>,
        %parallel_loop3A_1843 = arith.mulf %parallel_loop3A_1799, %parallel_loop3A_1842 : vector<16xf32>
        %parallel_loop3A_1844 = arith.addf %parallel_loop3A_1839, %parallel_loop3A_1843 : vector<16xf32>
        %parallel_loop3A_1845 = arith.index_cast %parallel_loop3A_1790 : i32 to index
        %parallel_loop3A_1846 = arith.constant 16 : index
        %parallel_loop3A_1847 = tpu.vector_load %arg8[%parallel_loop3A_1845, %parallel_loop3A_1846] {strides = array<i32>} : memref<196x256xf32, #tpu.memory_space<vmem>>, vector<16xf32>,
        %parallel_loop3A_1848 = arith.mulf %parallel_loop3A_1802, %parallel_loop3A_1847 : vector<16xf32>
        %parallel_loop3A_1849 = arith.addf %parallel_loop3A_1844, %parallel_loop3A_1848 : vector<16xf32>
        %parallel_loop3A_1850 = arith.constant 0 : i32
        %parallel_loop3A_1851 = arith.addi %parallel_loop3A_1804, %parallel_loop3A_1850 : i32
        %parallel_loop3A_1852 = arith.constant 1 : i32
        %parallel_loop3A_1853 = arith.index_cast %parallel_loop3A_1852 : i32 to index
        %parallel_loop3A_1854 = arith.index_cast %parallel_loop3A_1851 : i32 to index
        %parallel_loop3A_1855 = arith.constant 16 : index
        %parallel_loop3A_1856 = tpu.vector_load %arg10[%parallel_loop3A_1853, %parallel_loop3A_1854, %parallel_loop3A_1855] {strides = array<i32>} : memref<2x98x128xf32, #tpu.memory_space<vmem>>, vector<16xf32>,
        tpu.vector_store %arg10[%parallel_loop3A_1853, %parallel_loop3A_1854, %parallel_loop3A_1855], %parallel_loop3A_1849 {strides = array<i32>} : memref<2x98x128xf32, #tpu.memory_space<vmem>>, vector<16xf32>,
        %parallel_loop3A_1857 = arith.index_cast %parallel_loop3A_1784 : i32 to index
        %parallel_loop3A_1858 = arith.constant 32 : index
        %parallel_loop3A_1859 = tpu.vector_load %arg8[%parallel_loop3A_1857, %parallel_loop3A_1858] {strides = array<i32>} : memref<196x256xf32, #tpu.memory_space<vmem>>, vector<16xf32>,
        %parallel_loop3A_1860 = arith.mulf %parallel_loop3A_1793, %parallel_loop3A_1859 : vector<16xf32>
        %parallel_loop3A_1861 = arith.index_cast %parallel_loop3A_1786 : i32 to index
        %parallel_loop3A_1862 = arith.constant 32 : index
        %parallel_loop3A_1863 = tpu.vector_load %arg8[%parallel_loop3A_1861, %parallel_loop3A_1862] {strides = array<i32>} : memref<196x256xf32, #tpu.memory_space<vmem>>, vector<16xf32>,
        %parallel_loop3A_1864 = arith.mulf %parallel_loop3A_1796, %parallel_loop3A_1863 : vector<16xf32>
        %parallel_loop3A_1865 = arith.addf %parallel_loop3A_1860, %parallel_loop3A_1864 : vector<16xf32>
        %parallel_loop3A_1866 = arith.index_cast %parallel_loop3A_1788 : i32 to index
        %parallel_loop3A_1867 = arith.constant 32 : index
        %parallel_loop3A_1868 = tpu.vector_load %arg8[%parallel_loop3A_1866, %parallel_loop3A_1867] {strides = array<i32>} : memref<196x256xf32, #tpu.memory_space<vmem>>, vector<16xf32>,
        %parallel_loop3A_1869 = arith.mulf %parallel_loop3A_1799, %parallel_loop3A_1868 : vector<16xf32>
        %parallel_loop3A_1870 = arith.addf %parallel_loop3A_1865, %parallel_loop3A_1869 : vector<16xf32>
        %parallel_loop3A_1871 = arith.index_cast %parallel_loop3A_1790 : i32 to index
        %parallel_loop3A_1872 = arith.constant 32 : index
        %parallel_loop3A_1873 = tpu.vector_load %arg8[%parallel_loop3A_1871, %parallel_loop3A_1872] {strides = array<i32>} : memref<196x256xf32, #tpu.memory_space<vmem>>, vector<16xf32>,
        %parallel_loop3A_1874 = arith.mulf %parallel_loop3A_1802, %parallel_loop3A_1873 : vector<16xf32>
        %parallel_loop3A_1875 = arith.addf %parallel_loop3A_1870, %parallel_loop3A_1874 : vector<16xf32>
        %parallel_loop3A_1876 = arith.constant 0 : i32
        %parallel_loop3A_1877 = arith.addi %parallel_loop3A_1804, %parallel_loop3A_1876 : i32
        %parallel_loop3A_1878 = arith.constant 1 : i32
        %parallel_loop3A_1879 = arith.index_cast %parallel_loop3A_1878 : i32 to index
        %parallel_loop3A_1880 = arith.index_cast %parallel_loop3A_1877 : i32 to index
        %parallel_loop3A_1881 = arith.constant 32 : index
        %parallel_loop3A_1882 = tpu.vector_load %arg10[%parallel_loop3A_1879, %parallel_loop3A_1880, %parallel_loop3A_1881] {strides = array<i32>} : memref<2x98x128xf32, #tpu.memory_space<vmem>>, vector<16xf32>,
        tpu.vector_store %arg10[%parallel_loop3A_1879, %parallel_loop3A_1880, %parallel_loop3A_1881], %parallel_loop3A_1875 {strides = array<i32>} : memref<2x98x128xf32, #tpu.memory_space<vmem>>, vector<16xf32>,
        %parallel_loop3A_1883 = arith.index_cast %parallel_loop3A_1784 : i32 to index
        %parallel_loop3A_1884 = arith.constant 48 : index
        %parallel_loop3A_1885 = tpu.vector_load %arg8[%parallel_loop3A_1883, %parallel_loop3A_1884] {strides = array<i32>} : memref<196x256xf32, #tpu.memory_space<vmem>>, vector<16xf32>,
        %parallel_loop3A_1886 = arith.mulf %parallel_loop3A_1793, %parallel_loop3A_1885 : vector<16xf32>
        %parallel_loop3A_1887 = arith.index_cast %parallel_loop3A_1786 : i32 to index
        %parallel_loop3A_1888 = arith.constant 48 : index
        %parallel_loop3A_1889 = tpu.vector_load %arg8[%parallel_loop3A_1887, %parallel_loop3A_1888] {strides = array<i32>} : memref<196x256xf32, #tpu.memory_space<vmem>>, vector<16xf32>,
        %parallel_loop3A_1890 = arith.mulf %parallel_loop3A_1796, %parallel_loop3A_1889 : vector<16xf32>
        %parallel_loop3A_1891 = arith.addf %parallel_loop3A_1886, %parallel_loop3A_1890 : vector<16xf32>
        %parallel_loop3A_1892 = arith.index_cast %parallel_loop3A_1788 : i32 to index
        %parallel_loop3A_1893 = arith.constant 48 : index
        %parallel_loop3A_1894 = tpu.vector_load %arg8[%parallel_loop3A_1892, %parallel_loop3A_1893] {strides = array<i32>} : memref<196x256xf32, #tpu.memory_space<vmem>>, vector<16xf32>,
        %parallel_loop3A_1895 = arith.mulf %parallel_loop3A_1799, %parallel_loop3A_1894 : vector<16xf32>
        %parallel_loop3A_1896 = arith.addf %parallel_loop3A_1891, %parallel_loop3A_1895 : vector<16xf32>
        %parallel_loop3A_1897 = arith.index_cast %parallel_loop3A_1790 : i32 to index
        %parallel_loop3A_1898 = arith.constant 48 : index
        %parallel_loop3A_1899 = tpu.vector_load %arg8[%parallel_loop3A_1897, %parallel_loop3A_1898] {strides = array<i32>} : memref<196x256xf32, #tpu.memory_space<vmem>>, vector<16xf32>,
        %parallel_loop3A_1900 = arith.mulf %parallel_loop3A_1802, %parallel_loop3A_1899 : vector<16xf32>
        %parallel_loop3A_1901 = arith.addf %parallel_loop3A_1896, %parallel_loop3A_1900 : vector<16xf32>
        %parallel_loop3A_1902 = arith.constant 0 : i32
        %parallel_loop3A_1903 = arith.addi %parallel_loop3A_1804, %parallel_loop3A_1902 : i32
        %parallel_loop3A_1904 = arith.constant 1 : i32
        %parallel_loop3A_1905 = arith.index_cast %parallel_loop3A_1904 : i32 to index
        %parallel_loop3A_1906 = arith.index_cast %parallel_loop3A_1903 : i32 to index
        %parallel_loop3A_1907 = arith.constant 48 : index
        %parallel_loop3A_1908 = tpu.vector_load %arg10[%parallel_loop3A_1905, %parallel_loop3A_1906, %parallel_loop3A_1907] {strides = array<i32>} : memref<2x98x128xf32, #tpu.memory_space<vmem>>, vector<16xf32>,
        tpu.vector_store %arg10[%parallel_loop3A_1905, %parallel_loop3A_1906, %parallel_loop3A_1907], %parallel_loop3A_1901 {strides = array<i32>} : memref<2x98x128xf32, #tpu.memory_space<vmem>>, vector<16xf32>,
        %parallel_loop3A_1909 = arith.index_cast %parallel_loop3A_1784 : i32 to index
        %parallel_loop3A_1910 = arith.constant 64 : index
        %parallel_loop3A_1911 = tpu.vector_load %arg8[%parallel_loop3A_1909, %parallel_loop3A_1910] {strides = array<i32>} : memref<196x256xf32, #tpu.memory_space<vmem>>, vector<16xf32>,
        %parallel_loop3A_1912 = arith.mulf %parallel_loop3A_1793, %parallel_loop3A_1911 : vector<16xf32>
        %parallel_loop3A_1913 = arith.index_cast %parallel_loop3A_1786 : i32 to index
        %parallel_loop3A_1914 = arith.constant 64 : index
        %parallel_loop3A_1915 = tpu.vector_load %arg8[%parallel_loop3A_1913, %parallel_loop3A_1914] {strides = array<i32>} : memref<196x256xf32, #tpu.memory_space<vmem>>, vector<16xf32>,
        %parallel_loop3A_1916 = arith.mulf %parallel_loop3A_1796, %parallel_loop3A_1915 : vector<16xf32>
        %parallel_loop3A_1917 = arith.addf %parallel_loop3A_1912, %parallel_loop3A_1916 : vector<16xf32>
        %parallel_loop3A_1918 = arith.index_cast %parallel_loop3A_1788 : i32 to index
        %parallel_loop3A_1919 = arith.constant 64 : index
        %parallel_loop3A_1920 = tpu.vector_load %arg8[%parallel_loop3A_1918, %parallel_loop3A_1919] {strides = array<i32>} : memref<196x256xf32, #tpu.memory_space<vmem>>, vector<16xf32>,
        %parallel_loop3A_1921 = arith.mulf %parallel_loop3A_1799, %parallel_loop3A_1920 : vector<16xf32>
        %parallel_loop3A_1922 = arith.addf %parallel_loop3A_1917, %parallel_loop3A_1921 : vector<16xf32>
        %parallel_loop3A_1923 = arith.index_cast %parallel_loop3A_1790 : i32 to index
        %parallel_loop3A_1924 = arith.constant 64 : index
        %parallel_loop3A_1925 = tpu.vector_load %arg8[%parallel_loop3A_1923, %parallel_loop3A_1924] {strides = array<i32>} : memref<196x256xf32, #tpu.memory_space<vmem>>, vector<16xf32>,
        %parallel_loop3A_1926 = arith.mulf %parallel_loop3A_1802, %parallel_loop3A_1925 : vector<16xf32>
        %parallel_loop3A_1927 = arith.addf %parallel_loop3A_1922, %parallel_loop3A_1926 : vector<16xf32>
        %parallel_loop3A_1928 = arith.constant 0 : i32
        %parallel_loop3A_1929 = arith.addi %parallel_loop3A_1804, %parallel_loop3A_1928 : i32
        %parallel_loop3A_1930 = arith.constant 1 : i32
        %parallel_loop3A_1931 = arith.index_cast %parallel_loop3A_1930 : i32 to index
        %parallel_loop3A_1932 = arith.index_cast %parallel_loop3A_1929 : i32 to index
        %parallel_loop3A_1933 = arith.constant 64 : index
        %parallel_loop3A_1934 = tpu.vector_load %arg10[%parallel_loop3A_1931, %parallel_loop3A_1932, %parallel_loop3A_1933] {strides = array<i32>} : memref<2x98x128xf32, #tpu.memory_space<vmem>>, vector<16xf32>,
        tpu.vector_store %arg10[%parallel_loop3A_1931, %parallel_loop3A_1932, %parallel_loop3A_1933], %parallel_loop3A_1927 {strides = array<i32>} : memref<2x98x128xf32, #tpu.memory_space<vmem>>, vector<16xf32>,
        %parallel_loop3A_1935 = arith.index_cast %parallel_loop3A_1784 : i32 to index
        %parallel_loop3A_1936 = arith.constant 80 : index
        %parallel_loop3A_1937 = tpu.vector_load %arg8[%parallel_loop3A_1935, %parallel_loop3A_1936] {strides = array<i32>} : memref<196x256xf32, #tpu.memory_space<vmem>>, vector<16xf32>,
        %parallel_loop3A_1938 = arith.mulf %parallel_loop3A_1793, %parallel_loop3A_1937 : vector<16xf32>
        %parallel_loop3A_1939 = arith.index_cast %parallel_loop3A_1786 : i32 to index
        %parallel_loop3A_1940 = arith.constant 80 : index
        %parallel_loop3A_1941 = tpu.vector_load %arg8[%parallel_loop3A_1939, %parallel_loop3A_1940] {strides = array<i32>} : memref<196x256xf32, #tpu.memory_space<vmem>>, vector<16xf32>,
        %parallel_loop3A_1942 = arith.mulf %parallel_loop3A_1796, %parallel_loop3A_1941 : vector<16xf32>
        %parallel_loop3A_1943 = arith.addf %parallel_loop3A_1938, %parallel_loop3A_1942 : vector<16xf32>
        %parallel_loop3A_1944 = arith.index_cast %parallel_loop3A_1788 : i32 to index
        %parallel_loop3A_1945 = arith.constant 80 : index
        %parallel_loop3A_1946 = tpu.vector_load %arg8[%parallel_loop3A_1944, %parallel_loop3A_1945] {strides = array<i32>} : memref<196x256xf32, #tpu.memory_space<vmem>>, vector<16xf32>,
        %parallel_loop3A_1947 = arith.mulf %parallel_loop3A_1799, %parallel_loop3A_1946 : vector<16xf32>
        %parallel_loop3A_1948 = arith.addf %parallel_loop3A_1943, %parallel_loop3A_1947 : vector<16xf32>
        %parallel_loop3A_1949 = arith.index_cast %parallel_loop3A_1790 : i32 to index
        %parallel_loop3A_1950 = arith.constant 80 : index
        %parallel_loop3A_1951 = tpu.vector_load %arg8[%parallel_loop3A_1949, %parallel_loop3A_1950] {strides = array<i32>} : memref<196x256xf32, #tpu.memory_space<vmem>>, vector<16xf32>,
        %parallel_loop3A_1952 = arith.mulf %parallel_loop3A_1802, %parallel_loop3A_1951 : vector<16xf32>
        %parallel_loop3A_1953 = arith.addf %parallel_loop3A_1948, %parallel_loop3A_1952 : vector<16xf32>
        %parallel_loop3A_1954 = arith.constant 0 : i32
        %parallel_loop3A_1955 = arith.addi %parallel_loop3A_1804, %parallel_loop3A_1954 : i32
        %parallel_loop3A_1956 = arith.constant 1 : i32
        %parallel_loop3A_1957 = arith.index_cast %parallel_loop3A_1956 : i32 to index
        %parallel_loop3A_1958 = arith.index_cast %parallel_loop3A_1955 : i32 to index
        %parallel_loop3A_1959 = arith.constant 80 : index
        %parallel_loop3A_1960 = tpu.vector_load %arg10[%parallel_loop3A_1957, %parallel_loop3A_1958, %parallel_loop3A_1959] {strides = array<i32>} : memref<2x98x128xf32, #tpu.memory_space<vmem>>, vector<16xf32>,
        tpu.vector_store %arg10[%parallel_loop3A_1957, %parallel_loop3A_1958, %parallel_loop3A_1959], %parallel_loop3A_1953 {strides = array<i32>} : memref<2x98x128xf32, #tpu.memory_space<vmem>>, vector<16xf32>,
        %parallel_loop3A_1961 = arith.index_cast %parallel_loop3A_1784 : i32 to index
        %parallel_loop3A_1962 = arith.constant 96 : index
        %parallel_loop3A_1963 = tpu.vector_load %arg8[%parallel_loop3A_1961, %parallel_loop3A_1962] {strides = array<i32>} : memref<196x256xf32, #tpu.memory_space<vmem>>, vector<16xf32>,
        %parallel_loop3A_1964 = arith.mulf %parallel_loop3A_1793, %parallel_loop3A_1963 : vector<16xf32>
        %parallel_loop3A_1965 = arith.index_cast %parallel_loop3A_1786 : i32 to index
        %parallel_loop3A_1966 = arith.constant 96 : index
        %parallel_loop3A_1967 = tpu.vector_load %arg8[%parallel_loop3A_1965, %parallel_loop3A_1966] {strides = array<i32>} : memref<196x256xf32, #tpu.memory_space<vmem>>, vector<16xf32>,
        %parallel_loop3A_1968 = arith.mulf %parallel_loop3A_1796, %parallel_loop3A_1967 : vector<16xf32>
        %parallel_loop3A_1969 = arith.addf %parallel_loop3A_1964, %parallel_loop3A_1968 : vector<16xf32>
        %parallel_loop3A_1970 = arith.index_cast %parallel_loop3A_1788 : i32 to index
        %parallel_loop3A_1971 = arith.constant 96 : index
        %parallel_loop3A_1972 = tpu.vector_load %arg8[%parallel_loop3A_1970, %parallel_loop3A_1971] {strides = array<i32>} : memref<196x256xf32, #tpu.memory_space<vmem>>, vector<16xf32>,
        %parallel_loop3A_1973 = arith.mulf %parallel_loop3A_1799, %parallel_loop3A_1972 : vector<16xf32>
        %parallel_loop3A_1974 = arith.addf %parallel_loop3A_1969, %parallel_loop3A_1973 : vector<16xf32>
        %parallel_loop3A_1975 = arith.index_cast %parallel_loop3A_1790 : i32 to index
        %parallel_loop3A_1976 = arith.constant 96 : index
        %parallel_loop3A_1977 = tpu.vector_load %arg8[%parallel_loop3A_1975, %parallel_loop3A_1976] {strides = array<i32>} : memref<196x256xf32, #tpu.memory_space<vmem>>, vector<16xf32>,
        %parallel_loop3A_1978 = arith.mulf %parallel_loop3A_1802, %parallel_loop3A_1977 : vector<16xf32>
        %parallel_loop3A_1979 = arith.addf %parallel_loop3A_1974, %parallel_loop3A_1978 : vector<16xf32>
        %parallel_loop3A_1980 = arith.constant 0 : i32
        %parallel_loop3A_1981 = arith.addi %parallel_loop3A_1804, %parallel_loop3A_1980 : i32
        %parallel_loop3A_1982 = arith.constant 1 : i32
        %parallel_loop3A_1983 = arith.index_cast %parallel_loop3A_1982 : i32 to index
        %parallel_loop3A_1984 = arith.index_cast %parallel_loop3A_1981 : i32 to index
        %parallel_loop3A_1985 = arith.constant 96 : index
        %parallel_loop3A_1986 = tpu.vector_load %arg10[%parallel_loop3A_1983, %parallel_loop3A_1984, %parallel_loop3A_1985] {strides = array<i32>} : memref<2x98x128xf32, #tpu.memory_space<vmem>>, vector<16xf32>,
        tpu.vector_store %arg10[%parallel_loop3A_1983, %parallel_loop3A_1984, %parallel_loop3A_1985], %parallel_loop3A_1979 {strides = array<i32>} : memref<2x98x128xf32, #tpu.memory_space<vmem>>, vector<16xf32>,
        %parallel_loop3A_1987 = arith.index_cast %parallel_loop3A_1784 : i32 to index
        %parallel_loop3A_1988 = arith.constant 112 : index
        %parallel_loop3A_1989 = tpu.vector_load %arg8[%parallel_loop3A_1987, %parallel_loop3A_1988] {strides = array<i32>} : memref<196x256xf32, #tpu.memory_space<vmem>>, vector<16xf32>,
        %parallel_loop3A_1990 = arith.mulf %parallel_loop3A_1793, %parallel_loop3A_1989 : vector<16xf32>
        %parallel_loop3A_1991 = arith.index_cast %parallel_loop3A_1786 : i32 to index
        %parallel_loop3A_1992 = arith.constant 112 : index
        %parallel_loop3A_1993 = tpu.vector_load %arg8[%parallel_loop3A_1991, %parallel_loop3A_1992] {strides = array<i32>} : memref<196x256xf32, #tpu.memory_space<vmem>>, vector<16xf32>,
        %parallel_loop3A_1994 = arith.mulf %parallel_loop3A_1796, %parallel_loop3A_1993 : vector<16xf32>
        %parallel_loop3A_1995 = arith.addf %parallel_loop3A_1990, %parallel_loop3A_1994 : vector<16xf32>
        %parallel_loop3A_1996 = arith.index_cast %parallel_loop3A_1788 : i32 to index
        %parallel_loop3A_1997 = arith.constant 112 : index
        %parallel_loop3A_1998 = tpu.vector_load %arg8[%parallel_loop3A_1996, %parallel_loop3A_1997] {strides = array<i32>} : memref<196x256xf32, #tpu.memory_space<vmem>>, vector<16xf32>,
        %parallel_loop3A_1999 = arith.mulf %parallel_loop3A_1799, %parallel_loop3A_1998 : vector<16xf32>
        %parallel_loop3A_2000 = arith.addf %parallel_loop3A_1995, %parallel_loop3A_1999 : vector<16xf32>
        %parallel_loop3A_2001 = arith.index_cast %parallel_loop3A_1790 : i32 to index
        %parallel_loop3A_2002 = arith.constant 112 : index
        %parallel_loop3A_2003 = tpu.vector_load %arg8[%parallel_loop3A_2001, %parallel_loop3A_2002] {strides = array<i32>} : memref<196x256xf32, #tpu.memory_space<vmem>>, vector<16xf32>,
        %parallel_loop3A_2004 = arith.mulf %parallel_loop3A_1802, %parallel_loop3A_2003 : vector<16xf32>
        %parallel_loop3A_2005 = arith.addf %parallel_loop3A_2000, %parallel_loop3A_2004 : vector<16xf32>
        %parallel_loop3A_2006 = arith.constant 0 : i32
        %parallel_loop3A_2007 = arith.addi %parallel_loop3A_1804, %parallel_loop3A_2006 : i32
        %parallel_loop3A_2008 = arith.constant 1 : i32
        %parallel_loop3A_2009 = arith.index_cast %parallel_loop3A_2008 : i32 to index
        %parallel_loop3A_2010 = arith.index_cast %parallel_loop3A_2007 : i32 to index
        %parallel_loop3A_2011 = arith.constant 112 : index
        %parallel_loop3A_2012 = tpu.vector_load %arg10[%parallel_loop3A_2009, %parallel_loop3A_2010, %parallel_loop3A_2011] {strides = array<i32>} : memref<2x98x128xf32, #tpu.memory_space<vmem>>, vector<16xf32>,
        tpu.vector_store %arg10[%parallel_loop3A_2009, %parallel_loop3A_2010, %parallel_loop3A_2011], %parallel_loop3A_2005 {strides = array<i32>} : memref<2x98x128xf32, #tpu.memory_space<vmem>>, vector<16xf32>,
        %parallel_loop3A_2013 = arith.index_cast %parallel_loop3A_1784 : i32 to index
        %parallel_loop3A_2014 = arith.constant 128 : index
        %parallel_loop3A_2015 = tpu.vector_load %arg8[%parallel_loop3A_2013, %parallel_loop3A_2014] {strides = array<i32>} : memref<196x256xf32, #tpu.memory_space<vmem>>, vector<16xf32>,
        %parallel_loop3A_2016 = arith.mulf %parallel_loop3A_1793, %parallel_loop3A_2015 : vector<16xf32>
        %parallel_loop3A_2017 = arith.index_cast %parallel_loop3A_1786 : i32 to index
        %parallel_loop3A_2018 = arith.constant 128 : index
        %parallel_loop3A_2019 = tpu.vector_load %arg8[%parallel_loop3A_2017, %parallel_loop3A_2018] {strides = array<i32>} : memref<196x256xf32, #tpu.memory_space<vmem>>, vector<16xf32>,
        %parallel_loop3A_2020 = arith.mulf %parallel_loop3A_1796, %parallel_loop3A_2019 : vector<16xf32>
        %parallel_loop3A_2021 = arith.addf %parallel_loop3A_2016, %parallel_loop3A_2020 : vector<16xf32>
        %parallel_loop3A_2022 = arith.index_cast %parallel_loop3A_1788 : i32 to index
        %parallel_loop3A_2023 = arith.constant 128 : index
        %parallel_loop3A_2024 = tpu.vector_load %arg8[%parallel_loop3A_2022, %parallel_loop3A_2023] {strides = array<i32>} : memref<196x256xf32, #tpu.memory_space<vmem>>, vector<16xf32>,
        %parallel_loop3A_2025 = arith.mulf %parallel_loop3A_1799, %parallel_loop3A_2024 : vector<16xf32>
        %parallel_loop3A_2026 = arith.addf %parallel_loop3A_2021, %parallel_loop3A_2025 : vector<16xf32>
        %parallel_loop3A_2027 = arith.index_cast %parallel_loop3A_1790 : i32 to index
        %parallel_loop3A_2028 = arith.constant 128 : index
        %parallel_loop3A_2029 = tpu.vector_load %arg8[%parallel_loop3A_2027, %parallel_loop3A_2028] {strides = array<i32>} : memref<196x256xf32, #tpu.memory_space<vmem>>, vector<16xf32>,
        %parallel_loop3A_2030 = arith.mulf %parallel_loop3A_1802, %parallel_loop3A_2029 : vector<16xf32>
        %parallel_loop3A_2031 = arith.addf %parallel_loop3A_2026, %parallel_loop3A_2030 : vector<16xf32>
        %parallel_loop3A_2032 = arith.constant 1 : i32
        %parallel_loop3A_2033 = arith.addi %parallel_loop3A_1804, %parallel_loop3A_2032 : i32
        %parallel_loop3A_2034 = arith.constant 1 : i32
        %parallel_loop3A_2035 = arith.index_cast %parallel_loop3A_2034 : i32 to index
        %parallel_loop3A_2036 = arith.index_cast %parallel_loop3A_2033 : i32 to index
        %parallel_loop3A_2037 = arith.constant 0 : index
        %parallel_loop3A_2038 = tpu.vector_load %arg10[%parallel_loop3A_2035, %parallel_loop3A_2036, %parallel_loop3A_2037] {strides = array<i32>} : memref<2x98x128xf32, #tpu.memory_space<vmem>>, vector<16xf32>,
        tpu.vector_store %arg10[%parallel_loop3A_2035, %parallel_loop3A_2036, %parallel_loop3A_2037], %parallel_loop3A_2031 {strides = array<i32>} : memref<2x98x128xf32, #tpu.memory_space<vmem>>, vector<16xf32>,
        %parallel_loop3A_2039 = arith.index_cast %parallel_loop3A_1784 : i32 to index
        %parallel_loop3A_2040 = arith.constant 144 : index
        %parallel_loop3A_2041 = tpu.vector_load %arg8[%parallel_loop3A_2039, %parallel_loop3A_2040] {strides = array<i32>} : memref<196x256xf32, #tpu.memory_space<vmem>>, vector<16xf32>,
        %parallel_loop3A_2042 = arith.mulf %parallel_loop3A_1793, %parallel_loop3A_2041 : vector<16xf32>
        %parallel_loop3A_2043 = arith.index_cast %parallel_loop3A_1786 : i32 to index
        %parallel_loop3A_2044 = arith.constant 144 : index
        %parallel_loop3A_2045 = tpu.vector_load %arg8[%parallel_loop3A_2043, %parallel_loop3A_2044] {strides = array<i32>} : memref<196x256xf32, #tpu.memory_space<vmem>>, vector<16xf32>,
        %parallel_loop3A_2046 = arith.mulf %parallel_loop3A_1796, %parallel_loop3A_2045 : vector<16xf32>
        %parallel_loop3A_2047 = arith.addf %parallel_loop3A_2042, %parallel_loop3A_2046 : vector<16xf32>
        %parallel_loop3A_2048 = arith.index_cast %parallel_loop3A_1788 : i32 to index
        %parallel_loop3A_2049 = arith.constant 144 : index
        %parallel_loop3A_2050 = tpu.vector_load %arg8[%parallel_loop3A_2048, %parallel_loop3A_2049] {strides = array<i32>} : memref<196x256xf32, #tpu.memory_space<vmem>>, vector<16xf32>,
        %parallel_loop3A_2051 = arith.mulf %parallel_loop3A_1799, %parallel_loop3A_2050 : vector<16xf32>
        %parallel_loop3A_2052 = arith.addf %parallel_loop3A_2047, %parallel_loop3A_2051 : vector<16xf32>
        %parallel_loop3A_2053 = arith.index_cast %parallel_loop3A_1790 : i32 to index
        %parallel_loop3A_2054 = arith.constant 144 : index
        %parallel_loop3A_2055 = tpu.vector_load %arg8[%parallel_loop3A_2053, %parallel_loop3A_2054] {strides = array<i32>} : memref<196x256xf32, #tpu.memory_space<vmem>>, vector<16xf32>,
        %parallel_loop3A_2056 = arith.mulf %parallel_loop3A_1802, %parallel_loop3A_2055 : vector<16xf32>
        %parallel_loop3A_2057 = arith.addf %parallel_loop3A_2052, %parallel_loop3A_2056 : vector<16xf32>
        %parallel_loop3A_2058 = arith.constant 1 : i32
        %parallel_loop3A_2059 = arith.addi %parallel_loop3A_1804, %parallel_loop3A_2058 : i32
        %parallel_loop3A_2060 = arith.constant 1 : i32
        %parallel_loop3A_2061 = arith.index_cast %parallel_loop3A_2060 : i32 to index
        %parallel_loop3A_2062 = arith.index_cast %parallel_loop3A_2059 : i32 to index
        %parallel_loop3A_2063 = arith.constant 16 : index
        %parallel_loop3A_2064 = tpu.vector_load %arg10[%parallel_loop3A_2061, %parallel_loop3A_2062, %parallel_loop3A_2063] {strides = array<i32>} : memref<2x98x128xf32, #tpu.memory_space<vmem>>, vector<16xf32>,
        tpu.vector_store %arg10[%parallel_loop3A_2061, %parallel_loop3A_2062, %parallel_loop3A_2063], %parallel_loop3A_2057 {strides = array<i32>} : memref<2x98x128xf32, #tpu.memory_space<vmem>>, vector<16xf32>,
        %parallel_loop3A_2065 = arith.index_cast %parallel_loop3A_1784 : i32 to index
        %parallel_loop3A_2066 = arith.constant 160 : index
        %parallel_loop3A_2067 = tpu.vector_load %arg8[%parallel_loop3A_2065, %parallel_loop3A_2066] {strides = array<i32>} : memref<196x256xf32, #tpu.memory_space<vmem>>, vector<16xf32>,
        %parallel_loop3A_2068 = arith.mulf %parallel_loop3A_1793, %parallel_loop3A_2067 : vector<16xf32>
        %parallel_loop3A_2069 = arith.index_cast %parallel_loop3A_1786 : i32 to index
        %parallel_loop3A_2070 = arith.constant 160 : index
        %parallel_loop3A_2071 = tpu.vector_load %arg8[%parallel_loop3A_2069, %parallel_loop3A_2070] {strides = array<i32>} : memref<196x256xf32, #tpu.memory_space<vmem>>, vector<16xf32>,
        %parallel_loop3A_2072 = arith.mulf %parallel_loop3A_1796, %parallel_loop3A_2071 : vector<16xf32>
        %parallel_loop3A_2073 = arith.addf %parallel_loop3A_2068, %parallel_loop3A_2072 : vector<16xf32>
        %parallel_loop3A_2074 = arith.index_cast %parallel_loop3A_1788 : i32 to index
        %parallel_loop3A_2075 = arith.constant 160 : index
        %parallel_loop3A_2076 = tpu.vector_load %arg8[%parallel_loop3A_2074, %parallel_loop3A_2075] {strides = array<i32>} : memref<196x256xf32, #tpu.memory_space<vmem>>, vector<16xf32>,
        %parallel_loop3A_2077 = arith.mulf %parallel_loop3A_1799, %parallel_loop3A_2076 : vector<16xf32>
        %parallel_loop3A_2078 = arith.addf %parallel_loop3A_2073, %parallel_loop3A_2077 : vector<16xf32>
        %parallel_loop3A_2079 = arith.index_cast %parallel_loop3A_1790 : i32 to index
        %parallel_loop3A_2080 = arith.constant 160 : index
        %parallel_loop3A_2081 = tpu.vector_load %arg8[%parallel_loop3A_2079, %parallel_loop3A_2080] {strides = array<i32>} : memref<196x256xf32, #tpu.memory_space<vmem>>, vector<16xf32>,
        %parallel_loop3A_2082 = arith.mulf %parallel_loop3A_1802, %parallel_loop3A_2081 : vector<16xf32>
        %parallel_loop3A_2083 = arith.addf %parallel_loop3A_2078, %parallel_loop3A_2082 : vector<16xf32>
        %parallel_loop3A_2084 = arith.constant 1 : i32
        %parallel_loop3A_2085 = arith.addi %parallel_loop3A_1804, %parallel_loop3A_2084 : i32
        %parallel_loop3A_2086 = arith.constant 1 : i32
        %parallel_loop3A_2087 = arith.index_cast %parallel_loop3A_2086 : i32 to index
        %parallel_loop3A_2088 = arith.index_cast %parallel_loop3A_2085 : i32 to index
        %parallel_loop3A_2089 = arith.constant 32 : index
        %parallel_loop3A_2090 = tpu.vector_load %arg10[%parallel_loop3A_2087, %parallel_loop3A_2088, %parallel_loop3A_2089] {strides = array<i32>} : memref<2x98x128xf32, #tpu.memory_space<vmem>>, vector<16xf32>,
        tpu.vector_store %arg10[%parallel_loop3A_2087, %parallel_loop3A_2088, %parallel_loop3A_2089], %parallel_loop3A_2083 {strides = array<i32>} : memref<2x98x128xf32, #tpu.memory_space<vmem>>, vector<16xf32>,
        %parallel_loop3A_2091 = arith.index_cast %parallel_loop3A_1784 : i32 to index
        %parallel_loop3A_2092 = arith.constant 176 : index
        %parallel_loop3A_2093 = tpu.vector_load %arg8[%parallel_loop3A_2091, %parallel_loop3A_2092] {strides = array<i32>} : memref<196x256xf32, #tpu.memory_space<vmem>>, vector<16xf32>,
        %parallel_loop3A_2094 = arith.mulf %parallel_loop3A_1793, %parallel_loop3A_2093 : vector<16xf32>
        %parallel_loop3A_2095 = arith.index_cast %parallel_loop3A_1786 : i32 to index
        %parallel_loop3A_2096 = arith.constant 176 : index
        %parallel_loop3A_2097 = tpu.vector_load %arg8[%parallel_loop3A_2095, %parallel_loop3A_2096] {strides = array<i32>} : memref<196x256xf32, #tpu.memory_space<vmem>>, vector<16xf32>,
        %parallel_loop3A_2098 = arith.mulf %parallel_loop3A_1796, %parallel_loop3A_2097 : vector<16xf32>
        %parallel_loop3A_2099 = arith.addf %parallel_loop3A_2094, %parallel_loop3A_2098 : vector<16xf32>
        %parallel_loop3A_2100 = arith.index_cast %parallel_loop3A_1788 : i32 to index
        %parallel_loop3A_2101 = arith.constant 176 : index
        %parallel_loop3A_2102 = tpu.vector_load %arg8[%parallel_loop3A_2100, %parallel_loop3A_2101] {strides = array<i32>} : memref<196x256xf32, #tpu.memory_space<vmem>>, vector<16xf32>,
        %parallel_loop3A_2103 = arith.mulf %parallel_loop3A_1799, %parallel_loop3A_2102 : vector<16xf32>
        %parallel_loop3A_2104 = arith.addf %parallel_loop3A_2099, %parallel_loop3A_2103 : vector<16xf32>
        %parallel_loop3A_2105 = arith.index_cast %parallel_loop3A_1790 : i32 to index
        %parallel_loop3A_2106 = arith.constant 176 : index
        %parallel_loop3A_2107 = tpu.vector_load %arg8[%parallel_loop3A_2105, %parallel_loop3A_2106] {strides = array<i32>} : memref<196x256xf32, #tpu.memory_space<vmem>>, vector<16xf32>,
        %parallel_loop3A_2108 = arith.mulf %parallel_loop3A_1802, %parallel_loop3A_2107 : vector<16xf32>
        %parallel_loop3A_2109 = arith.addf %parallel_loop3A_2104, %parallel_loop3A_2108 : vector<16xf32>
        %parallel_loop3A_2110 = arith.constant 1 : i32
        %parallel_loop3A_2111 = arith.addi %parallel_loop3A_1804, %parallel_loop3A_2110 : i32
        %parallel_loop3A_2112 = arith.constant 1 : i32
        %parallel_loop3A_2113 = arith.index_cast %parallel_loop3A_2112 : i32 to index
        %parallel_loop3A_2114 = arith.index_cast %parallel_loop3A_2111 : i32 to index
        %parallel_loop3A_2115 = arith.constant 48 : index
        %parallel_loop3A_2116 = tpu.vector_load %arg10[%parallel_loop3A_2113, %parallel_loop3A_2114, %parallel_loop3A_2115] {strides = array<i32>} : memref<2x98x128xf32, #tpu.memory_space<vmem>>, vector<16xf32>,
        tpu.vector_store %arg10[%parallel_loop3A_2113, %parallel_loop3A_2114, %parallel_loop3A_2115], %parallel_loop3A_2109 {strides = array<i32>} : memref<2x98x128xf32, #tpu.memory_space<vmem>>, vector<16xf32>,
        %parallel_loop3A_2117 = arith.index_cast %parallel_loop3A_1784 : i32 to index
        %parallel_loop3A_2118 = arith.constant 192 : index
        %parallel_loop3A_2119 = tpu.vector_load %arg8[%parallel_loop3A_2117, %parallel_loop3A_2118] {strides = array<i32>} : memref<196x256xf32, #tpu.memory_space<vmem>>, vector<16xf32>,
        %parallel_loop3A_2120 = arith.mulf %parallel_loop3A_1793, %parallel_loop3A_2119 : vector<16xf32>
        %parallel_loop3A_2121 = arith.index_cast %parallel_loop3A_1786 : i32 to index
        %parallel_loop3A_2122 = arith.constant 192 : index
        %parallel_loop3A_2123 = tpu.vector_load %arg8[%parallel_loop3A_2121, %parallel_loop3A_2122] {strides = array<i32>} : memref<196x256xf32, #tpu.memory_space<vmem>>, vector<16xf32>,
        %parallel_loop3A_2124 = arith.mulf %parallel_loop3A_1796, %parallel_loop3A_2123 : vector<16xf32>
        %parallel_loop3A_2125 = arith.addf %parallel_loop3A_2120, %parallel_loop3A_2124 : vector<16xf32>
        %parallel_loop3A_2126 = arith.index_cast %parallel_loop3A_1788 : i32 to index
        %parallel_loop3A_2127 = arith.constant 192 : index
        %parallel_loop3A_2128 = tpu.vector_load %arg8[%parallel_loop3A_2126, %parallel_loop3A_2127] {strides = array<i32>} : memref<196x256xf32, #tpu.memory_space<vmem>>, vector<16xf32>,
        %parallel_loop3A_2129 = arith.mulf %parallel_loop3A_1799, %parallel_loop3A_2128 : vector<16xf32>
        %parallel_loop3A_2130 = arith.addf %parallel_loop3A_2125, %parallel_loop3A_2129 : vector<16xf32>
        %parallel_loop3A_2131 = arith.index_cast %parallel_loop3A_1790 : i32 to index
        %parallel_loop3A_2132 = arith.constant 192 : index
        %parallel_loop3A_2133 = tpu.vector_load %arg8[%parallel_loop3A_2131, %parallel_loop3A_2132] {strides = array<i32>} : memref<196x256xf32, #tpu.memory_space<vmem>>, vector<16xf32>,
        %parallel_loop3A_2134 = arith.mulf %parallel_loop3A_1802, %parallel_loop3A_2133 : vector<16xf32>
        %parallel_loop3A_2135 = arith.addf %parallel_loop3A_2130, %parallel_loop3A_2134 : vector<16xf32>
        %parallel_loop3A_2136 = arith.constant 1 : i32
        %parallel_loop3A_2137 = arith.addi %parallel_loop3A_1804, %parallel_loop3A_2136 : i32
        %parallel_loop3A_2138 = arith.constant 1 : i32
        %parallel_loop3A_2139 = arith.index_cast %parallel_loop3A_2138 : i32 to index
        %parallel_loop3A_2140 = arith.index_cast %parallel_loop3A_2137 : i32 to index
        %parallel_loop3A_2141 = arith.constant 64 : index
        %parallel_loop3A_2142 = tpu.vector_load %arg10[%parallel_loop3A_2139, %parallel_loop3A_2140, %parallel_loop3A_2141] {strides = array<i32>} : memref<2x98x128xf32, #tpu.memory_space<vmem>>, vector<16xf32>,
        tpu.vector_store %arg10[%parallel_loop3A_2139, %parallel_loop3A_2140, %parallel_loop3A_2141], %parallel_loop3A_2135 {strides = array<i32>} : memref<2x98x128xf32, #tpu.memory_space<vmem>>, vector<16xf32>,
        %parallel_loop3A_2143 = arith.index_cast %parallel_loop3A_1784 : i32 to index
        %parallel_loop3A_2144 = arith.constant 208 : index
        %parallel_loop3A_2145 = tpu.vector_load %arg8[%parallel_loop3A_2143, %parallel_loop3A_2144] {strides = array<i32>} : memref<196x256xf32, #tpu.memory_space<vmem>>, vector<16xf32>,
        %parallel_loop3A_2146 = arith.mulf %parallel_loop3A_1793, %parallel_loop3A_2145 : vector<16xf32>
        %parallel_loop3A_2147 = arith.index_cast %parallel_loop3A_1786 : i32 to index
        %parallel_loop3A_2148 = arith.constant 208 : index
        %parallel_loop3A_2149 = tpu.vector_load %arg8[%parallel_loop3A_2147, %parallel_loop3A_2148] {strides = array<i32>} : memref<196x256xf32, #tpu.memory_space<vmem>>, vector<16xf32>,
        %parallel_loop3A_2150 = arith.mulf %parallel_loop3A_1796, %parallel_loop3A_2149 : vector<16xf32>
        %parallel_loop3A_2151 = arith.addf %parallel_loop3A_2146, %parallel_loop3A_2150 : vector<16xf32>
        %parallel_loop3A_2152 = arith.index_cast %parallel_loop3A_1788 : i32 to index
        %parallel_loop3A_2153 = arith.constant 208 : index
        %parallel_loop3A_2154 = tpu.vector_load %arg8[%parallel_loop3A_2152, %parallel_loop3A_2153] {strides = array<i32>} : memref<196x256xf32, #tpu.memory_space<vmem>>, vector<16xf32>,
        %parallel_loop3A_2155 = arith.mulf %parallel_loop3A_1799, %parallel_loop3A_2154 : vector<16xf32>
        %parallel_loop3A_2156 = arith.addf %parallel_loop3A_2151, %parallel_loop3A_2155 : vector<16xf32>
        %parallel_loop3A_2157 = arith.index_cast %parallel_loop3A_1790 : i32 to index
        %parallel_loop3A_2158 = arith.constant 208 : index
        %parallel_loop3A_2159 = tpu.vector_load %arg8[%parallel_loop3A_2157, %parallel_loop3A_2158] {strides = array<i32>} : memref<196x256xf32, #tpu.memory_space<vmem>>, vector<16xf32>,
        %parallel_loop3A_2160 = arith.mulf %parallel_loop3A_1802, %parallel_loop3A_2159 : vector<16xf32>
        %parallel_loop3A_2161 = arith.addf %parallel_loop3A_2156, %parallel_loop3A_2160 : vector<16xf32>
        %parallel_loop3A_2162 = arith.constant 1 : i32
        %parallel_loop3A_2163 = arith.addi %parallel_loop3A_1804, %parallel_loop3A_2162 : i32
        %parallel_loop3A_2164 = arith.constant 1 : i32
        %parallel_loop3A_2165 = arith.index_cast %parallel_loop3A_2164 : i32 to index
        %parallel_loop3A_2166 = arith.index_cast %parallel_loop3A_2163 : i32 to index
        %parallel_loop3A_2167 = arith.constant 80 : index
        %parallel_loop3A_2168 = tpu.vector_load %arg10[%parallel_loop3A_2165, %parallel_loop3A_2166, %parallel_loop3A_2167] {strides = array<i32>} : memref<2x98x128xf32, #tpu.memory_space<vmem>>, vector<16xf32>,
        tpu.vector_store %arg10[%parallel_loop3A_2165, %parallel_loop3A_2166, %parallel_loop3A_2167], %parallel_loop3A_2161 {strides = array<i32>} : memref<2x98x128xf32, #tpu.memory_space<vmem>>, vector<16xf32>,
        %parallel_loop3A_2169 = arith.index_cast %parallel_loop3A_1784 : i32 to index
        %parallel_loop3A_2170 = arith.constant 224 : index
        %parallel_loop3A_2171 = tpu.vector_load %arg8[%parallel_loop3A_2169, %parallel_loop3A_2170] {strides = array<i32>} : memref<196x256xf32, #tpu.memory_space<vmem>>, vector<16xf32>,
        %parallel_loop3A_2172 = arith.mulf %parallel_loop3A_1793, %parallel_loop3A_2171 : vector<16xf32>
        %parallel_loop3A_2173 = arith.index_cast %parallel_loop3A_1786 : i32 to index
        %parallel_loop3A_2174 = arith.constant 224 : index
        %parallel_loop3A_2175 = tpu.vector_load %arg8[%parallel_loop3A_2173, %parallel_loop3A_2174] {strides = array<i32>} : memref<196x256xf32, #tpu.memory_space<vmem>>, vector<16xf32>,
        %parallel_loop3A_2176 = arith.mulf %parallel_loop3A_1796, %parallel_loop3A_2175 : vector<16xf32>
        %parallel_loop3A_2177 = arith.addf %parallel_loop3A_2172, %parallel_loop3A_2176 : vector<16xf32>
        %parallel_loop3A_2178 = arith.index_cast %parallel_loop3A_1788 : i32 to index
        %parallel_loop3A_2179 = arith.constant 224 : index
        %parallel_loop3A_2180 = tpu.vector_load %arg8[%parallel_loop3A_2178, %parallel_loop3A_2179] {strides = array<i32>} : memref<196x256xf32, #tpu.memory_space<vmem>>, vector<16xf32>,
        %parallel_loop3A_2181 = arith.mulf %parallel_loop3A_1799, %parallel_loop3A_2180 : vector<16xf32>
        %parallel_loop3A_2182 = arith.addf %parallel_loop3A_2177, %parallel_loop3A_2181 : vector<16xf32>
        %parallel_loop3A_2183 = arith.index_cast %parallel_loop3A_1790 : i32 to index
        %parallel_loop3A_2184 = arith.constant 224 : index
        %parallel_loop3A_2185 = tpu.vector_load %arg8[%parallel_loop3A_2183, %parallel_loop3A_2184] {strides = array<i32>} : memref<196x256xf32, #tpu.memory_space<vmem>>, vector<16xf32>,
        %parallel_loop3A_2186 = arith.mulf %parallel_loop3A_1802, %parallel_loop3A_2185 : vector<16xf32>
        %parallel_loop3A_2187 = arith.addf %parallel_loop3A_2182, %parallel_loop3A_2186 : vector<16xf32>
        %parallel_loop3A_2188 = arith.constant 1 : i32
        %parallel_loop3A_2189 = arith.addi %parallel_loop3A_1804, %parallel_loop3A_2188 : i32
        %parallel_loop3A_2190 = arith.constant 1 : i32
        %parallel_loop3A_2191 = arith.index_cast %parallel_loop3A_2190 : i32 to index
        %parallel_loop3A_2192 = arith.index_cast %parallel_loop3A_2189 : i32 to index
        %parallel_loop3A_2193 = arith.constant 96 : index
        %parallel_loop3A_2194 = tpu.vector_load %arg10[%parallel_loop3A_2191, %parallel_loop3A_2192, %parallel_loop3A_2193] {strides = array<i32>} : memref<2x98x128xf32, #tpu.memory_space<vmem>>, vector<16xf32>,
        tpu.vector_store %arg10[%parallel_loop3A_2191, %parallel_loop3A_2192, %parallel_loop3A_2193], %parallel_loop3A_2187 {strides = array<i32>} : memref<2x98x128xf32, #tpu.memory_space<vmem>>, vector<16xf32>,
        %parallel_loop3A_2195 = arith.index_cast %parallel_loop3A_1784 : i32 to index
        %parallel_loop3A_2196 = arith.constant 240 : index
        %parallel_loop3A_2197 = tpu.vector_load %arg8[%parallel_loop3A_2195, %parallel_loop3A_2196] {strides = array<i32>} : memref<196x256xf32, #tpu.memory_space<vmem>>, vector<16xf32>,
        %parallel_loop3A_2198 = arith.mulf %parallel_loop3A_1793, %parallel_loop3A_2197 : vector<16xf32>
        %parallel_loop3A_2199 = arith.index_cast %parallel_loop3A_1786 : i32 to index
        %parallel_loop3A_2200 = arith.constant 240 : index
        %parallel_loop3A_2201 = tpu.vector_load %arg8[%parallel_loop3A_2199, %parallel_loop3A_2200] {strides = array<i32>} : memref<196x256xf32, #tpu.memory_space<vmem>>, vector<16xf32>,
        %parallel_loop3A_2202 = arith.mulf %parallel_loop3A_1796, %parallel_loop3A_2201 : vector<16xf32>
        %parallel_loop3A_2203 = arith.addf %parallel_loop3A_2198, %parallel_loop3A_2202 : vector<16xf32>
        %parallel_loop3A_2204 = arith.index_cast %parallel_loop3A_1788 : i32 to index
        %parallel_loop3A_2205 = arith.constant 240 : index
        %parallel_loop3A_2206 = tpu.vector_load %arg8[%parallel_loop3A_2204, %parallel_loop3A_2205] {strides = array<i32>} : memref<196x256xf32, #tpu.memory_space<vmem>>, vector<16xf32>,
        %parallel_loop3A_2207 = arith.mulf %parallel_loop3A_1799, %parallel_loop3A_2206 : vector<16xf32>
        %parallel_loop3A_2208 = arith.addf %parallel_loop3A_2203, %parallel_loop3A_2207 : vector<16xf32>
        %parallel_loop3A_2209 = arith.index_cast %parallel_loop3A_1790 : i32 to index
        %parallel_loop3A_2210 = arith.constant 240 : index
        %parallel_loop3A_2211 = tpu.vector_load %arg8[%parallel_loop3A_2209, %parallel_loop3A_2210] {strides = array<i32>} : memref<196x256xf32, #tpu.memory_space<vmem>>, vector<16xf32>,
        %parallel_loop3A_2212 = arith.mulf %parallel_loop3A_1802, %parallel_loop3A_2211 : vector<16xf32>
        %parallel_loop3A_2213 = arith.addf %parallel_loop3A_2208, %parallel_loop3A_2212 : vector<16xf32>
        %parallel_loop3A_2214 = arith.constant 1 : i32
        %parallel_loop3A_2215 = arith.addi %parallel_loop3A_1804, %parallel_loop3A_2214 : i32
        %parallel_loop3A_2216 = arith.constant 1 : i32
        %parallel_loop3A_2217 = arith.index_cast %parallel_loop3A_2216 : i32 to index
        %parallel_loop3A_2218 = arith.index_cast %parallel_loop3A_2215 : i32 to index
        %parallel_loop3A_2219 = arith.constant 112 : index
        %parallel_loop3A_2220 = tpu.vector_load %arg10[%parallel_loop3A_2217, %parallel_loop3A_2218, %parallel_loop3A_2219] {strides = array<i32>} : memref<2x98x128xf32, #tpu.memory_space<vmem>>, vector<16xf32>,
        tpu.vector_store %arg10[%parallel_loop3A_2217, %parallel_loop3A_2218, %parallel_loop3A_2219], %parallel_loop3A_2213 {strides = array<i32>} : memref<2x98x128xf32, #tpu.memory_space<vmem>>, vector<16xf32>,
      } {sc.loop_unroll_factor = 3 : i64, sc.parallel_access}
      %dma_start3A_1764 = arith.constant 1 : i32
      %dma_start3A_1765 = arith.constant 1 : i32
      %dma_start3A_1766 = arith.constant 0 : i32
      %dma_start3A_1767 = arith.constant 0 : i32
      %dma_start3A_1768 = tpu.memref_slice %arg10[%dma_start3A_1764, %dma_start3A_1766, %dma_start3A_1767] : memref<2x98x128xf32, #tpu.memory_space<vmem>> -> memref<1x98x128xf32, #tpu.memory_space<vmem>>
      %dma_start3A_1769 = tpu.memref_squeeze %dma_start3A_1768 : memref<1x98x128xf32, #tpu.memory_space<vmem>> -> memref<98x128xf32, #tpu.memory_space<vmem>>
      %dma_start3A_1770 = arith.constant 0 : i32
      %dma_start3A_1771 = tpu.memref_slice %arg11[%dma_start3A_1765, %dma_start3A_1770] : memref<2x98xi32, #tpu.memory_space<vmem>> -> memref<1x98xi32, #tpu.memory_space<vmem>>
      %dma_start3A_1772 = tpu.memref_squeeze %dma_start3A_1771 : memref<1x98xi32, #tpu.memory_space<vmem>> -> memref<98xi32, #tpu.memory_space<vmem>>
      %dma_start3A_1773 = arith.constant 0 : i32
      %dma_start3A_1774 = arith.constant 0 : i32
      %dma_start3A_1775 = tpu.memref_slice %arg7[%dma_start3A_1773, %dma_start3A_1774] : memref<98000x128xf32, #tpu.memory_space<hbm>> -> memref<98000x128xf32, #tpu.memory_space<hbm>>
      tpu.enqueue_indirect_dma source(%dma_start3A_1769 : memref<98x128xf32, #tpu.memory_space<vmem>>) target(%dma_start3A_1775 : memref<98000x128xf32, #tpu.memory_space<hbm>>) offsets(%dma_start3A_1772 : memref<98xi32, #tpu.memory_space<vmem>>) semaphore(%arg16 : memref<!tpu.dma_semaphore, #tpu.memory_space<semaphore_mem>>)
      %scan3A_1776 = arith.constant 0 : i32
      scf.yield %scan3A_1776 : i32
    }
    %scan3A_64 = arith.constant 16 : i32
    %dma_wait3A_65 = arith.constant 0 : i32
    %dma_wait3A_66 = arith.constant 0 : i32
    %dma_wait3A_67 = arith.constant 0 : i32
    %dma_wait3A_68 = arith.constant 0 : i32
    %dma_wait3A_69 = tpu.memref_slice %arg10[%dma_wait3A_65, %dma_wait3A_67, %dma_wait3A_68] : memref<2x98x128xf32, #tpu.memory_space<vmem>> -> memref<1x98x128xf32, #tpu.memory_space<vmem>>
    %dma_wait3A_70 = tpu.memref_squeeze %dma_wait3A_69 : memref<1x98x128xf32, #tpu.memory_space<vmem>> -> memref<98x128xf32, #tpu.memory_space<vmem>>
    %dma_wait3A_71 = arith.constant 0 : i32
    %dma_wait3A_72 = tpu.memref_slice %arg11[%dma_wait3A_66, %dma_wait3A_71] : memref<2x98xi32, #tpu.memory_space<vmem>> -> memref<1x98xi32, #tpu.memory_space<vmem>>
    %dma_wait3A_73 = tpu.memref_squeeze %dma_wait3A_72 : memref<1x98xi32, #tpu.memory_space<vmem>> -> memref<98xi32, #tpu.memory_space<vmem>>
    %dma_wait3A_74 = arith.constant 0 : i32
    %dma_wait3A_75 = arith.constant 0 : i32
    %dma_wait3A_76 = tpu.memref_slice %arg7[%dma_wait3A_74, %dma_wait3A_75] : memref<98000x128xf32, #tpu.memory_space<hbm>> -> memref<98000x128xf32, #tpu.memory_space<hbm>>
    tpu.wait_indirect_dma semaphore(%arg15 : memref<!tpu.dma_semaphore, #tpu.memory_space<semaphore_mem>>) src(%dma_wait3A_70 : memref<98x128xf32, #tpu.memory_space<vmem>>) dst(%dma_wait3A_76 : memref<98000x128xf32, #tpu.memory_space<hbm>>)
    %dma_wait3A_77 = arith.constant 1 : i32
    %dma_wait3A_78 = arith.constant 1 : i32
    %dma_wait3A_79 = arith.constant 0 : i32
    %dma_wait3A_80 = arith.constant 0 : i32
    %dma_wait3A_81 = tpu.memref_slice %arg10[%dma_wait3A_77, %dma_wait3A_79, %dma_wait3A_80] : memref<2x98x128xf32, #tpu.memory_space<vmem>> -> memref<1x98x128xf32, #tpu.memory_space<vmem>>
    %dma_wait3A_82 = tpu.memref_squeeze %dma_wait3A_81 : memref<1x98x128xf32, #tpu.memory_space<vmem>> -> memref<98x128xf32, #tpu.memory_space<vmem>>
    %dma_wait3A_83 = arith.constant 0 : i32
    %dma_wait3A_84 = tpu.memref_slice %arg11[%dma_wait3A_78, %dma_wait3A_83] : memref<2x98xi32, #tpu.memory_space<vmem>> -> memref<1x98xi32, #tpu.memory_space<vmem>>
    %dma_wait3A_85 = tpu.memref_squeeze %dma_wait3A_84 : memref<1x98xi32, #tpu.memory_space<vmem>> -> memref<98xi32, #tpu.memory_space<vmem>>
    %dma_wait3A_86 = arith.constant 0 : i32
    %dma_wait3A_87 = arith.constant 0 : i32
    %dma_wait3A_88 = tpu.memref_slice %arg7[%dma_wait3A_86, %dma_wait3A_87] : memref<98000x128xf32, #tpu.memory_space<hbm>> -> memref<98000x128xf32, #tpu.memory_space<hbm>>
    tpu.wait_indirect_dma semaphore(%arg16 : memref<!tpu.dma_semaphore, #tpu.memory_space<semaphore_mem>>) src(%dma_wait3A_82 : memref<98x128xf32, #tpu.memory_space<vmem>>) dst(%dma_wait3A_88 : memref<98000x128xf32, #tpu.memory_space<hbm>>)
    return
  }
}

</mosaic_0001>

<sc_bundles>
// kernel: kernel.3.cloned.1.call-start
scs
__scs_entry_jumppad:
0x0: {  	(pc) =	sbr.rel $0x88, $3  }
0x1: {  	(tag) =	ssettag $0x0;
	lr =	simm.s32 $0x1  }
0x2: {  	[smem:$0x3F9F] =	sst lr;
	_ =	strace $0xD0000000  }
0x3: {  	_ = 	snop  }
0x4: {  	_ = 	snop  }
0x5: {  	_ = 	snop  }
0x6: {  	_ = 	snop  }
0x7: {  	_ = 	snop  }
__scs_overlays_trampoline_lowered:
0x8: {  	[smem:$0x3FAE] =	sst s0  }
0x9: {  	[smem:$0x3FAF] =	sst s1  }
0xa: {  	[smem:$0x3FB0] =	sst s2  }
0xb: {  	[smem:$0x3FB1] =	sst s3  }
0xc: {  	[smem:$0x3FB2] =	sst s4  }
0xd: {  	[smem:$0x3FB3] =	sst s5  }
0xe: {  	[smem:$0x3FB4] =	sst s6  }
0xf: {  	[smem:$0x3FB5] =	sst s7  }
0x10: {  	[smem:$0x3FB6] =	sst s8  }
0x11: {  	[smem:$0x3FB7] =	sst s9;
	s0 =	simm.s32 @!p0 $0x0  }
0x12: {  	s1 =	sld [smem:$0x3F9D];
	s0 =	simm.s32 @p0 $0x1  }
0x13: {  	[smem:$0x3FB8] =	sst s0;
	s0 =	simm.s32 @!p1 $0x0  }
0x14: {  	s2 =	sld [smem:$0x3F9C];
	s0 =	simm.s32 @p1 $0x1  }
0x15: {  	[smem:$0x3FB9] =	sst s0;
	s0 =	simm.s32 @!p2 $0x0  }
0x16: {  	s3 =	sld [smem:$0x3FDB];
	s0 =	simm.s32 @p2 $0x1  }
0x17: {  	s4 =	simm.s32 $0x1BF5;
	[smem:$0x3FBB] =	sst s0  }
0x18: {  	s0 =	sld [smem:$0x3F9E];
	_ =	swait.ge [sflag:s4], $0x0  }
0x19: {  	s7 =	sld [smem:$0x3F9F]  }
0x1a: {  	s8 =	sadd.s32 $0xFFFFE003, lr  }
0x1b: {  	s9 =	sadd.s32 $0xFFFFFEF7, lr;
	s5 =	simm.s32 $0xFFFFFFFF;
	p2 =	slt.u32 s8, $0xFFFFF086  }
0x1c: {  	p1 =	slt.u32 s9, $0xF7A;
	s5 =	simm.s32 @!p2 $0x0  }
0x1d: {  	s5 =	simm.s32 @p1 $0x1;
	p0 =	seq.s32 s7, s2  }
0x1e: {  	s7 =	smul.u32 @!p0 $0xF7A, s2;
	p2 =	seq.s32 @!p0 s5, $0x0  }
0x1f: {  	s9 =	smul.u32 $0xF7A, s1;
	s8 =	simm.s32 @!p0 $0x1BF5;
	p2 =	por !p2, p0  }
0x20: {  	[sflag:s8] =	ssyncset.s32 @!p0 $0xFFFFF086;
	s6 =	sadd.s32 @!p0 s3, s7;
	s7 =	simm.s32 @!p0 $0x108  }
0x21: {  	s3 =	sadd.s32 s3, s9;
	s6 =	sadd.s32 @!p0 $0x88, s6;
	s7 =	simm.s32 @p2 $0x1082  }
0x22: {  	[simem:s7], [sflag:s8] =	dma.local @!p0 [hbm:s6], $0xF7A  }
0x23: {  	s9 =	sor.u32 $0xD0000000, s2;
	s6 =	simm.s32 $0x108;
	_ =	swait.ge @!p0 [sflag:s8], $0x0  }
0x24: {  	s3 =	sadd.s32 $0x88, s3;
	s6 =	simm.s32 @!p1 $0x1082;
	[sflag:s4] =	ssyncset.s32 $0xFFFFF086  }
0x25: {  	[simem:s6], [sflag:s4] =	dma.local [hbm:s3], $0xF7A  }
0x26: {  	[smem:$0x3F9F] =	sst s1;
	(tag) =	ssettag s2;
	_ =	strace s9  }
0x27: {  	s1 =	sld [smem:$0x3FAF]  }
0x28: {  	s2 =	sld [smem:$0x3FB0]  }
0x29: {  	s4 =	sld [smem:$0x3FB2]  }
0x2a: {  	p0 =	seq.s32 s5, $0x0;
	s5 =	sld [smem:$0x3FB3]  }
0x2b: {  	s6 =	sld [smem:$0x3FB4]  }
0x2c: {  	s7 =	sld [smem:$0x3FB5]  }
0x2d: {  	s3 =	simm.s32 $0x108;
	s8 =	sld [smem:$0x3FB6]  }
0x2e: {  	s3 =	simm.s32 @!p0 $0x1082;
	s9 =	sld [smem:$0x3FB7]  }
0x2f: {  	lr =	sadd.s32 s0, s3;
	s0 =	sld [smem:$0x3FAE]  }
0x30: {  	s3 =	sld [smem:$0x3FB1]  }
0x31: {  	[smem:$0x3FBA] =	sst s10  }
0x32: {  	s10 =	sld [smem:$0x3FB8];
	_ =	sdelay $0x3  }
0x33: {  	p0 =	seq.s32 s10, $0x1;
	s10 =	sld [smem:$0x3FBA];
	_ =	sdelay $0x3  }
0x34: {  	[smem:$0x3FBA] =	sst s10  }
0x35: {  	s10 =	sld [smem:$0x3FB9];
	_ =	sdelay $0x3  }
0x36: {  	p1 =	seq.s32 s10, $0x1;
	s10 =	sld [smem:$0x3FBA];
	_ =	sdelay $0x3  }
0x37: {  	[smem:$0x3FBA] =	sst s10  }
0x38: {  	s10 =	sld [smem:$0x3FBB]  }
0x39: {  	_ = 	snop;
	(pc) =	sbr.ind lr, $3  }
0x3a: {  	_ = 	snop  }
0x3b: {  	_ = 	snop  }
0x3c: {  	p2 =	seq.s32 s10, $0x1;
	s10 =	sld [smem:$0x3FBA]  }
0x3d: {  	_ =	shalt  }
0x3e: {  	_ =	shalt  }
0x3f: {  	_ =	shalt  }
0x40: {  	_ =	shalt  }
0x41: {  	_ =	shalt  }
0x42: {  	_ =	shalt  }
0x43: {  	_ =	shalt  }
0x44: {  	_ =	shalt  }
0x45: {  	_ =	shalt  }
0x46: {  	_ =	shalt  }
0x47: {  	_ =	shalt  }
0x48: {  	_ =	shalt  }
0x49: {  	_ =	shalt  }
0x4a: {  	_ =	shalt  }
0x4b: {  	_ =	shalt  }
0x4c: {  	_ =	shalt  }
0x4d: {  	_ =	shalt  }
0x4e: {  	_ =	shalt  }
0x4f: {  	_ =	shalt  }
0x50: {  	_ =	shalt  }
0x51: {  	_ =	shalt  }
0x52: {  	_ =	shalt  }
0x53: {  	_ =	shalt  }
0x54: {  	_ =	shalt  }
0x55: {  	_ =	shalt  }
0x56: {  	_ =	shalt  }
0x57: {  	_ =	shalt  }
0x58: {  	_ =	shalt  }
0x59: {  	_ =	shalt  }
0x5a: {  	_ =	shalt  }
0x5b: {  	_ =	shalt  }
0x5c: {  	_ =	shalt  }
0x5d: {  	_ =	shalt  }
0x5e: {  	_ =	shalt  }
0x5f: {  	_ =	shalt  }
0x60: {  	_ =	shalt  }
0x61: {  	_ =	shalt  }
0x62: {  	_ =	shalt  }
0x63: {  	_ =	shalt  }
0x64: {  	_ =	shalt  }
0x65: {  	_ =	shalt  }
0x66: {  	_ =	shalt  }
0x67: {  	_ =	shalt  }
0x68: {  	_ =	shalt  }
0x69: {  	_ =	shalt  }
0x6a: {  	_ =	shalt  }
0x6b: {  	_ =	shalt  }
0x6c: {  	_ =	shalt  }
0x6d: {  	_ =	shalt  }
0x6e: {  	_ =	shalt  }
0x6f: {  	_ =	shalt  }
0x70: {  	_ =	shalt  }
0x71: {  	_ =	shalt  }
0x72: {  	_ =	shalt  }
0x73: {  	_ =	shalt  }
0x74: {  	_ =	shalt  }
0x75: {  	_ =	shalt  }
0x76: {  	_ =	shalt  }
0x77: {  	_ =	shalt  }
0x78: {  	_ =	shalt  }
0x79: {  	_ =	shalt  }
0x7a: {  	_ =	shalt  }
0x7b: {  	_ =	shalt  }
0x7c: {  	_ =	shalt  }
0x7d: {  	_ =	shalt  }
0x7e: {  	_ =	shalt  }
0x7f: {  	_ =	shalt  }
0x80: {  	_ =	shalt  }
0x81: {  	_ =	shalt  }
0x82: {  	_ =	shalt  }
0x83: {  	_ =	shalt  }
0x84: {  	_ =	shalt  }
0x85: {  	_ =	shalt  }
0x86: {  	_ =	shalt  }
0x87: {  	_ =	shalt  }
.Lfunc_end0:
.L_simem_size_0:
called_computation_lowered:
.L_overlay_start_0:
0x88: {  	s2 =	sld [smem:$0x3FD9]  }
0x89: {  	s3 =	sld [smem:$0x3FFE];
	_ =	sdelay $0x1  }
0x8a: {  	s1 =	srdreg.scid  }
0x8b: {  	s0 =	sand.u32 $0x1, s1  }
0x8c: {  	s17 =	sshll.u32 s0, $0xA;
	s2 =	sadd.s32 s3, s2  }
0x8d: {  	s2 =	sadd.s32 s2, s17  }
0x8e: {  	[smem:$0x3FC6] =	sst s2  }
0x8f: {  	_ = 	snop  }
0x90: {  	s2 =	sld [smem:$0x3FD0];
	(tm) =	ssettm $0x1  }
0x91: {  	s18 =	sld [smem:$0x3FFB];
	_ =	sdelay $0x3  }
0x92: {  	_ =	strace s18  }
0x93: {  	s3 =	sld [smem:$0x3FFC];
	_ =	sdelay $0x3  }
0x94: {  	_ =	strace s3  }
0x95: {  	s3 =	sld [smem:$0x3FFD];
	_ =	sdelay $0x3  }
0x96: {  	_ =	strace s3  }
0x97: {  	_ =	strace $0x8FFFFFFF  }
0x98: {  	s19 =	sld [smem:$0x3FDB];
	_ =	sdelay $0x1  }
0x99: {  	s4 =	simm.s32 $_scs_section_size  }
0x9a: {  	s5 =	simm.s32 $_size__tile_overlayer_lowered;
	s6 =	simm.s32 $_tile_overlayer_lowered  }
0x9b: {  	s22 =	simm.s32 $0x1BFF;
	s21 =	sshll.u32 s6, $0x1;
	s3 =	sadd.s32 s4, s19  }
0x9c: {  	s7 =	simm.s32 $0x0;
	s20 =	sshll.u32 s5, $0x1;
	s5 =	sadd.s32 s21, s3  }
0x9d: {  	[timem:s7], [sflag:s22] =	dma.local [hbm:s5], s20  }
0x9e: {  	_ =	swait.ge [sflag:s22], s20  }
0x9f: {  	s4 =	ssub.s32 $0x0, s20;
	[sflag:s22] =	ssyncset.done $0x0  }
0xa0: {  	[sflag:s22] =	ssyncadd.s32 s4;
	_ =	sdelay $0x1  }
0xa1: {  	s23 =	simm.s32 $0x1B8B  }
0xa2: {  	_ =	swait.ge [sflag:s23], $0x1  }
0xa3: {  	[sflag:s23] =	ssyncset.done $0x0  }
0xa4: {  	s25 =	simm.s32 $0x1B8E;
	s24 =	sld [smem:$0x3FFE];
	[sflag:s23] =	ssyncadd.s32 $0xFFFFFFFF  }
0xa5: {  	s26 =	simm.s32 $execute0_lowered;
	[smem:$0x3FD2] =	sst s25  }
0xa6: {  	s5 =	sshll.u32 s26, $0x1;
	_ =	strace $0x80000046;
	[dreg:$0x1] =	wrdreg $0xFFFFFFFF  }
0xa7: {  	s28 =	simm.s32 $_size_execute0_lowered;
	s3 =	sadd.s32 s3, s5;
	[dreg:$0x0] =	wrdreg $0x0  }
0xa8: {  	s5 =	sshll.u32 s28, $0x1;
	[dreg:$0x2] =	wrdreg s3  }
0xa9: {  	[dreg:$0x3] =	wrdreg s5  }
0xaa: {  	[dreg:$0x4] =	wrdreg $0xC0  }
0xab: {  	_ =	task [dreg:s7], $0x5FFFF  }
0xac: {  	[dreg:$0x1] =	wrdreg $0xFFFFFFFF  }
0xad: {  	[dreg:$0x0] =	wrdreg $0x60  }
0xae: {  	[dreg:$0x2] =	wrdreg s24  }
0xaf: {  	[dreg:$0x3] =	wrdreg s2  }
0xb0: {  	[dreg:$0x4] =	wrdreg $0x9  }
0xb1: {  	_ =	task.clear_ibuf [dreg:s7], $0x5FFFF;
	_ =	strace $0x90000046  }
0xb2: {  	s29 =	simm.s32 $0x9;
	_ =	strace $0x80000048  }
0xb3: {  	_ =	swait.ge [sflag:s29], $0x1  }
0xb4: {  	[sflag:s29] =	ssyncadd.s32 $0xFFFFFFFF  }
0xb5: {  	_ =	strace $0x90000048  }
0xb6: {  	_ =	sfence  }
0xb7: {  	s30 =	sld [smem:$0x0];
	_ =	sdelay $0x2  }
0xb8: {  	s31 =	sshll.u32 s1, $0xD;
	s1 =	sshrl.u32 s1, $0x2  }
0xb9: {  	s3 =	sand.u32 $0x4000, s31;
	s1 =	sadd.s32 s1, s30  }
0xba: {  	s0 =	sor.u32 s3, s0;
	s1 =	sshll.u32 s1, $0x11  }
0xbb: {  	s0 =	sor.u32 s1, s0  }
0xbc: {  	s0 =	sadd.s32 $0x8F2B, s0  }
0xbd: {  	[sflag:s0] =	ssyncadd.remote.s32 $0x1  }
0xbe: {  	_ =	sfence.sel $0xFFFF  }
0xbf: {  	[dreg:$0x0] =	wrdreg $0xFFFFFFFF;
	(pc) =	sbr.abs _section_cstart, $3  }
0xc0: {  	[dreg:$0x1] =	wrdreg $0xFFFFFFFF  }
0xc1: {  	_ =	task.clear_ibuf [dreg:s7], $0x2FFFF;
	_ =	strace $0x9FFFFFFF  }
0xc2: {  	(tm) =	ssettm $0x7FFFFFFF  }
0xc3: {  	_ =	shalt  }
tec
execute0_lowered:
.L_overlay_start_1:
0x0: {  	(tag) =	ssettag $0x1  }
0x1: {  	v0 =	vimm.s32 $0xBE8  }
0x2: {  	vm0 =	vcmask $0x300;
	v2 =	vimm.s32 $0x23222120;
	vm6 =	vcmask $0xF00  }
0x3: {  	vm7 =	vcmask $0x1300;
	v3 =	vimm.s32 $0x20262524;
	v4 =	vimm.s32 $0x14  }
0x4: {  	v5 =	vimm.s32 $0x5040404;
	v7 =	vimm.s32 $0x15141414;
	vm8 =	vcmask $0x2F14  }
0x5: {  	vm9 =	vcmask $0x2710;
	vm10 =	vcmask $0x1F10;
	v9 =	vimm.s32 $0x33323130  }
0x6: {  	v10 =	vimm.s32 $0x25242322;
	v11 =	vimm.s32 $0x35343332;
	v13 =	vimm.s32 $0x30363534  }
0x7: {  	vm11 =	vcmask $0x3324;
	v15 =	vimm.s32 $0x22212026;
	v16 =	vimm.s32 $0x32313036  }
0x8: {  	v17 =	vimm.s32 $0x24232221;
	v18 =	vimm.s32 $0x34333231;
	vm12 =	vcmask $0x3F34  }
0x9: {  	v58 =	vimm.s32 $0x21202622;
	v19 =	vimm.s32 $0x31303632;
	vm13 =	vcmask $0x704  }
0xa: {  	vm14 =	vcmask $0x700;
	v59 =	vimm.s32 $0x130B8;
	v60 =	vimm.s32 $0x16F38  }
0xb: {  	v20 =	vimm.s32 $0x1ADB8;
	vm15 =	vcmask $0xB08;
	vm4 =	vcmask $0xF0C  }
0xc: {  	vm5 =	vcmask $0x1310;
	v12 =	vsel vm0, $0x0, v0;
	v2 =	vunpack.c.0.s8.s32 v2  }
0xd: {  	v4 =	vsel vm7, $0x12, v4;
	v5 =	vunpack.c.0.s8.s32 v5;
	v7 =	vunpack.c.0.s8.s32 v7  }
0xe: {  	v8 =	vunpack.c.0.s8.s32 v3;
	v9 =	vunpack.c.0.s8.s32 v9;
	v10 =	vunpack.c.0.s8.s32 v10  }
0xf: {  	v11 =	vunpack.c.0.s8.s32 v11;
	v13 =	vunpack.c.0.s8.s32 v13;
	v15 =	vunpack.c.0.s8.s32 v15  }
0x10: {  	v16 =	vunpack.c.0.s8.s32 v16;
	v17 =	vunpack.c.0.s8.s32 v17;
	v18 =	vunpack.c.0.s8.s32 v18  }
0x11: {  	v19 =	vunpack.c.0.s8.s32 v19;
	v20 =	vsel vm0, $0x17700, v20;
	v3 =	vsel vm8, $0x13, v4  }
0x12: {  	v12 =	vsel vm13, $0x3F8, v12;
	v62 =	vsel vm13, $0x17708, v20;
	v6 =	vnsel vm6, $0x21, v2  }
0x13: {  	v2 =	vimm.s32 $0x4;
	v4 =	vnsel vm6, $0x6, v5;
	v5 =	vnsel vm6, $0x16, v7  }
0x14: {  	v7 =	vimm.s32 $0x24232225;
	v9 =	vnsel vm6, $0x31, v9;
	v10 =	vnsel vm6, $0x23, v10  }
0x15: {  	v11 =	vnsel vm6, $0x33, v11;
	v14 =	vnsel vm6, $0x35, v13;
	v12 =	vsel vm15, $0x7F0, v12  }
0x16: {  	v2 =	vsel vm7, $0x2, v2;
	v4 =	vsel vm9, $0x5, v4;
	v5 =	vsel vm9, $0x15, v5  }
0x17: {  	v6 =	vsel vm10, v8, v6;
	v7 =	vunpack.c.0.s8.s32 v7;
	v8 =	vnsel vm6, $0x25, v8  }
0x18: {  	v9 =	vsel vm10, v13, v9;
	v10 =	vsel vm10, v15, v10;
	v11 =	vsel vm10, v16, v11  }
0x19: {  	v13 =	vsel vm10, v18, v14;
	v14 =	vimm.s32 $0x34333235;
	v15 =	vimm.s32 $0x26252420  }
0x1a: {  	v16 =	vimm.s32 $0x31303600;
	v18 =	vunpack.c.0.s8.s32 v58;
	vm6 =	vcmask $0x1714  }
0x1b: {  	vm7 =	vcmask $0x1B18;
	vm9 =	vcmask $0x2320;
	v2 =	vsel vm8, $0x3, v2  }
0x1c: {  	v8 =	vsel vm10, v17, v8;
	v14 =	vunpack.c.0.s8.s32 v14;
	v15 =	vunpack.c.0.s8.s32 v15  }
0x1d: {  	v17 =	vimm.s32 $0x36353430;
	v13 =	vsel vm11, v19, v13;
	v19 =	vsel vm0, $0x13880, v60  }
0x1e: {  	vm8 =	vcmask $0x1F1C;
	vm10 =	vcmask $0x2724;
	v6 =	vsel vm11, v7, v6  }
0x1f: {  	v7 =	vimm.s32 $0x21202600;
	v17 =	vunpack.c.0.s8.s32 v17;
	v61 =	vsel vm13, $0x13888, v19  }
0x20: {  	v19 =	vsel vm15, $0x17ED0, v62;
	v7 =	vunpack.c.0.s8.s32 v7;
	v9 =	vsel vm11, v14, v9  }
0x21: {  	v14 =	vunpack.c.0.s8.s32 v16;
	v10 =	vsel vm11, v15, v10;
	v15 =	vsel vm11, v18, v8  }
0x22: {  	v8 =	vimm.s32 $0x23222100;
	v16 =	vimm.s32 $0x35343300;
	v18 =	vsel vm0, $0xFA00, v59  }
0x23: {  	v19 =	vsel vm4, $0x17ED8, v19;
	v11 =	vsel vm11, v17, v11;
	v8 =	vunpack.c.0.s8.s32 v8  }
0x24: {  	v16 =	vunpack.c.0.s8.s32 v16;
	v17 =	vimm.s32 $0x800;
	v19 =	vsel vm5, $0x186A0, v19  }
0x25: {  	vm11 =	vcmask $0x2B28;
	v6 =	vsel vm12, v7, v6;
	v7 =	vsel vm12, v14, v9  }
0x26: {  	v9 =	vimm.s32 $0x33323100;
	v14 =	vimm.s32 $0x25242300;
	v19 =	vsel vm6, $0x186A8, v19  }
0x27: {  	v9 =	vunpack.c.0.s8.s32 v9;
	v14 =	vunpack.c.0.s8.s32 v14;
	v19 =	vsel vm7, $0x18E70, v19  }
0x28: {  	v17 =	vunpack.c.0.s8.s32 v17;
	v8 =	vsel vm12, v8, v10;
	v19 =	vsel vm8, $0x18E78, v19  }
0x29: {  	v9 =	vsel vm12, v9, v11;
	v10 =	vsel vm12, v14, v15;
	v11 =	vsel vm12, v16, v13  }
0x2a: {  	v13 =	vnsel vm14, $0x36B8, v17;
	v14 =	vimm.f32 $1.550000000e+01;
	v15 =	vimm.s32 $0x7538  }
0x2b: {  	v16 =	vimm.s32 $0xB3B8;
	v17 =	vimm.s32 $0xF238;
	v19 =	vsel vm9, $0x19640, v19  }
0x2c: {  	vm12 =	vcmask $0x2F2C;
	vm14 =	vcmask $0x3734;
	v14 =	vsel vm0, $0x3F000000, v14  }
0x2d: {  	v15 =	vsel vm0, $0x3E80, v15;
	v16 =	vsel vm0, $0x7D00, v16;
	v17 =	vsel vm0, $0xBB80, v17  }
0x2e: {  	v13 =	vsel vm15, $0x7D0, v13;
	v19 =	vsel vm10, $0x19648, v19;
	v14 =	vsel vm13, $0x3FC00000, v14  }
0x2f: {  	[tilespmem:$0x1FDF0] =	vst v12;
	v13 =	vsel vm4, $0x7D8, v13;
	v19 =	vsel vm11, $0x19E10, v19;
	v12 =	vsel vm15, $0x40200000, v14  }
0x30: {  	v14 =	vsel vm13, $0x3E88, v15;
	v15 =	vsel vm13, $0x7D08, v16;
	v16 =	vsel vm13, $0xBB88, v17  }
0x31: {  	v17 =	vsel vm13, $0xFA08, v18;
	v18 =	vsel vm15, $0x14050, v61;
	v13 =	vsel vm5, $0xFA0, v13  }
0x32: {  	vm13 =	vcmask $0x3330;
	v19 =	vsel vm12, $0x19E18, v19;
	v12 =	vsel vm4, $0x40600000, v12  }
0x33: {  	v14 =	vsel vm15, $0x4650, v14;
	v15 =	vsel vm15, $0x84D0, v15;
	v16 =	vsel vm15, $0xC350, v16  }
0x34: {  	v17 =	vsel vm15, $0x101D0, v17;
	v18 =	vsel vm4, $0x14058, v18;
	v13 =	vsel vm6, $0xFA8, v13  }
0x35: {  	v19 =	vsel vm13, $0x1A5E0, v19;
	vm15 =	vcmask $0x3B38;
	v12 =	vsel vm5, $0x40900000, v12  }
0x36: {  	v14 =	vsel vm4, $0x4658, v14;
	v15 =	vsel vm4, $0x84D8, v15;
	v16 =	vsel vm4, $0xC358, v16  }
0x37: {  	v17 =	vsel vm4, $0x101D8, v17;
	v18 =	vsel vm5, $0x14820, v18;
	v13 =	vsel vm7, $0x1770, v13  }
0x38: {  	v12 =	vsel vm6, $0x40B00000, v12;
	v14 =	vsel vm5, $0x4E20, v14;
	v15 =	vsel vm5, $0x8CA0, v15  }
0x39: {  	v16 =	vsel vm5, $0xCB20, v16;
	v17 =	vsel vm5, $0x109A0, v17;
	v18 =	vsel vm6, $0x14828, v18  }
0x3a: {  	v13 =	vsel vm8, $0x1778, v13;
	v12 =	vsel vm7, $0x40D00000, v12;
	v14 =	vsel vm6, $0x4E28, v14  }
0x3b: {  	v15 =	vsel vm6, $0x8CA8, v15;
	v16 =	vsel vm6, $0xCB28, v16;
	v17 =	vsel vm6, $0x109A8, v17  }
0x3c: {  	v18 =	vsel vm7, $0x14FF0, v18;
	v13 =	vsel vm9, $0x1F40, v13;
	v12 =	vsel vm8, $0x40F00000, v12  }
0x3d: {  	v14 =	vsel vm7, $0x55F0, v14;
	v15 =	vsel vm7, $0x9470, v15;
	v16 =	vsel vm7, $0xD2F0, v16  }
0x3e: {  	v17 =	vsel vm7, $0x11170, v17;
	v18 =	vsel vm8, $0x14FF8, v18;
	v13 =	vsel vm10, $0x1F48, v13  }
0x3f: {  	v12 =	vsel vm9, $0x41080000, v12;
	v14 =	vsel vm8, $0x55F8, v14;
	v15 =	vsel vm8, $0x9478, v15  }
0x40: {  	v16 =	vsel vm8, $0xD2F8, v16;
	v17 =	vsel vm8, $0x11178, v17;
	v18 =	vsel vm9, $0x157C0, v18  }
0x41: {  	v13 =	vsel vm11, $0x2710, v13;
	v12 =	vsel vm10, $0x41180000, v12;
	v14 =	vsel vm9, $0x5DC0, v14  }
0x42: {  	v15 =	vsel vm9, $0x9C40, v15;
	v16 =	vsel vm9, $0xDAC0, v16;
	v17 =	vsel vm9, $0x11940, v17  }
0x43: {  	v18 =	vsel vm10, $0x157C8, v18;
	v13 =	vsel vm12, $0x2718, v13;
	v12 =	vsel vm11, $0x41280000, v12  }
0x44: {  	v14 =	vsel vm10, $0x5DC8, v14;
	v15 =	vsel vm10, $0x9C48, v15;
	v16 =	vsel vm10, $0xDAC8, v16  }
0x45: {  	v17 =	vsel vm10, $0x11948, v17;
	v18 =	vsel vm11, $0x15F90, v18;
	v13 =	vsel vm13, $0x2EE0, v13  }
0x46: {  	v12 =	vsel vm12, $0x41380000, v12;
	v14 =	vsel vm11, $0x6590, v14;
	v15 =	vsel vm11, $0xA410, v15  }
0x47: {  	v16 =	vsel vm11, $0xE290, v16;
	v17 =	vsel vm11, $0x12110, v17;
	v18 =	vsel vm12, $0x15F98, v18  }
0x48: {  	v63 =	vsel vm14, $0x2EE8, v13;
	v12 =	vsel vm13, $0x41480000, v12;
	v14 =	vsel vm12, $0x6598, v14  }
0x49: {  	v15 =	vsel vm12, $0xA418, v15;
	v16 =	vsel vm12, $0xE298, v16;
	v17 =	vsel vm12, $0x12118, v17  }
0x4a: {  	v18 =	vsel vm13, $0x16760, v18;
	v20 =	vsel vm15, $0x36B0, v63;
	v14 =	vsel vm13, $0x6D60, v14  }
0x4b: {  	v12 =	vsel vm14, $0x41580000, v12;
	v15 =	vsel vm13, $0xABE0, v15;
	v14 =	vsel vm14, $0x6D68, v14  }
0x4c: {  	v16 =	vsel vm13, $0xEA60, v16;
	[tilespmem:$0x1FE00] =	vst v20;
	v21 =	vsel vm14, $0xABE8, v15;
	v14 =	vsel vm15, $0x7530, v14  }
0x4d: {  	v17 =	vsel vm13, $0x128E0, v17;
	v16 =	vsel vm14, $0xEA68, v16;
	[tilespmem:$0x1FE10] =	vst v14;
	v14 =	vsel vm15, $0xB3B0, v21  }
0x4e: {  	v18 =	vsel vm14, $0x16768, v18;
	v17 =	vsel vm14, $0x128E8, v17;
	[tilespmem:$0x1FE20] =	vst v14;
	v14 =	vsel vm15, $0xF230, v16  }
0x4f: {  	v13 =	vsel vm15, $0x41680000, v12;
	v12 =	vlaneseq.u32;
	[tilespmem:$0x1FE30] =	vst v14;
	v14 =	vsel vm15, $0x130B0, v17  }
0x50: {  	v19 =	vsel vm14, $0x1A5E8, v19;
	v15 =	vmul.u32 $0x8, v12;
	[tilespmem:$0x1FE40] =	vst v14;
	v14 =	vsel vm15, $0x16F30, v18  }
0x51: {  	[tilespmem:$0x1FE50] =	vst v14;
	v14 =	vsel vm15, $0x1ADB0, v19  }
0x52: {  	[tilespmem:$0x1FE60] =	vst v14;
	v14 =	vor.u32 $0x4, v15  }
0x53: {  	[tilespmem:$0x1FE70] =	vst v14;
	v14 =	vor.u32 $0x1, v15  }
0x54: {  	[tilespmem:$0x1FE80] =	vst v14;
	v14 =	vor.u32 $0x5, v15  }
0x55: {  	[tilespmem:$0x1FE90] =	vst v14;
	v14 =	vor.u32 $0x2, v15  }
0x56: {  	s0 =	rddreg [dreg:$0x0];
	v12 =	vor.u32 $0x60, v12;
	_ =	strace $0x80000047;
	[tilespmem:$0x1FEA0] =	vst v14  }
0x57: {  	v14 =	vor.u32 $0x6, v15;
	[tilespmem:$0x1FFF0] =	vst v12  }
0x58: {  	[tilespmem:$0x1FEB0] =	vst v14;
	v14 =	vor.u32 $0x3, v15  }
0x59: {  	[tilespmem:$0x1FEC0] =	vst v14;
	v14 =	vor.u32 $0x7, v15  }
0x5a: {  	[tilespmem:$0x1FED0] =	vst v14;
	v14 =	vor.u32 $0x80, v15  }
0x5b: {  	[tilespmem:$0x1FEE0] =	vst v14;
	v14 =	vor.u32 $0x84, v15  }
0x5c: {  	[tilespmem:$0x1FEF0] =	vst v14;
	v14 =	vor.u32 $0x81, v15  }
0x5d: {  	[tilespmem:$0x1FF00] =	vst v14;
	v14 =	vor.u32 $0x85, v15  }
0x5e: {  	[tilespmem:$0x1FF10] =	vst v14;
	v14 =	vor.u32 $0x82, v15  }
0x5f: {  	[tilespmem:$0x1FF20] =	vst v14;
	v14 =	vor.u32 $0x86, v15  }
0x60: {  	[tilespmem:$0x1FF30] =	vst v14;
	v14 =	vor.u32 $0x83, v15  }
0x61: {  	[tilespmem:$0x1FF40] =	vst v14;
	v14 =	vor.u32 $0x87, v15  }
0x62: {  	[tilespmem:$0x1FF50] =	vst v14;
	v14 =	vor.u32 $0x100, v15  }
0x63: {  	s1 =	srdreg.scid;
	s3 =	stileid.u32;
	[tilespmem:$0x1FF60] =	vst v14;
	v14 =	vor.u32 $0x104, v15  }
0x64: {  	s4 =	simm.s32 $0x2;
	s2 =	sadd.s32 $0xA00, s0;
	s25 =	sadd.s32 $0x800, s0;
	[tilespmem:$0x1FF70] =	vst v14;
	v14 =	vor.u32 $0x101, v15  }
0x65: {  	vm1 =	vcmask $0x1B00;
	v1 =	vimm.s32 $0x12;
	s1 =	sand.u32 $0x1, s1;
	s26 =	sadd.s32 $0x600, s0;
	[dreg:$0x3] =	wrdreg s2;
	[tilespmem:$0x1FF80] =	vst v14;
	v14 =	vor.u32 $0x105, v15  }
0x66: {  	vm2 =	vcmask $0x371C;
	v0 =	vimm.s32 $0x2;
	s28 =	sadd.s32 $0x2600, s0;
	s0 =	sadd.s32 $0x2400, s0;
	[dreg:$0x4] =	wrdreg s25;
	[tilespmem:$0x1FF90] =	vst v14;
	v14 =	vor.u32 $0x102, v15  }
0x67: {  	v1 =	vsel vm1, $0x10, v1;
	s31 =	sshll.u32 s3, $0x6;
	v0 =	vsel vm1, $0x0, v0;
	s29 =	ssub.s32 $0x2, s1;
	[dreg:$0x5] =	wrdreg s26;
	[tilespmem:$0x1FFA0] =	vst v14;
	v14 =	vor.u32 $0x106, v15  }
0x68: {  	v1 =	vsel vm2, $0x11, v1;
	s1 =	sshll.u32 s1, $0x5;
	v0 =	vsel vm2, $0x1, v0;
	s30 =	sshrl.u32 s29, $0x1;
	[dreg:$0x6] =	wrdreg s28;
	[tilespmem:$0x1FFB0] =	vst v14;
	v14 =	vor.u32 $0x103, v15  }
0x69: {  	s1 =	sor.u32 s1, s31;
	v52 =	vor.u32 $0x184, v15;
	v53 =	vor.u32 $0x181, v15;
	[dreg:$0x7] =	wrdreg s0;
	s0 =	ssub.s32 s29, s30;
	[tilespmem:$0x1FFC0] =	vst v14;
	v14 =	vor.u32 $0x107, v15  }
0x6a: {  	s19 =	simm.s32 $0x13730;
	v54 =	vor.u32 $0x185, v15;
	v55 =	vor.u32 $0x182, v15;
	[dreg:$0x8] =	wrdreg s1;
	s0 =	smax.u32 s0, $0x1;
	[tilespmem:$0x1FFD0] =	vst v14;
	v14 =	vor.u32 $0x180, v15  }
0x6b: {  	s3 =	simm.s32 $0x1;
	v56 =	vor.u32 $0x186, v15;
	v57 =	vor.u32 $0x183, v15;
	v58 =	vor.u32 $0x187, v15;
	s1 =	simm.s32 $0x0;
	[dreg:$0x9] =	wrdreg s0;
	[tilespmem:$0x1FFE0] =	vst v14  }
.LBB2_1:
0x6c: {  	[dreg:$0xa] =	wrdreg s1  }
0x6d: {  	s0 =	rddreg [dreg:$0x3];
	s23 =	simm.s32 $0x0  }
0x6e: {  	[tilespmem:s23], [sflag:$0x1] =	stream.linear.gather [hbm4b:s0+s23], $0xC400, $0x38;
	[tilespmem:$0x13930] =	vst v63  }
0x6f: {  	s24 =	rddreg [dreg:$0x4];
	s2 =	simm.s32 $0xC400  }
0x70: {  	[tilespmem:s2], [sflag:$0x2] =	stream.linear.gather [hbm4b:s24+s23], $0x3E8, $0x38;
	[tilespmem:$0x13930] =	vst v63  }
0x71: {  	s25 =	rddreg [dreg:$0x5];
	s26 =	simm.s32 $0xC7F8  }
0x72: {  	[tilespmem:s26], [sflag:$0x2] =	stream.linear.gather [hbm4b:s25+s23], $0x3E8, $0x38;
	[tilespmem:$0x13930] =	vst v63  }
0x73: {  	s28 =	rddreg [dreg:$0x6];
	s29 =	simm.s32 $0xCBF0  }
0x74: {  	[tilespmem:s29], [sflag:$0x2] =	stream.linear.gather [hbm4b:s28+s23], $0x3E8, $0x38;
	[tilespmem:$0x13930] =	vst v63  }
0x75: {  	s30 =	rddreg [dreg:$0x7];
	s31 =	simm.s32 $0xCFE8  }
0x76: {  	[tilespmem:s31], [sflag:$0x2] =	stream.linear.gather [hbm4b:s30+s23], $0x3E8, $0x38;
	[tilespmem:$0x13930] =	vst v63  }
0x77: {  	_ =	swait.ge [sflag:s3], $0xC400  }
0x78: {  	[sflag:s3] =	ssyncset.done $0x0  }
0x79: {  	[sflag:s3] =	ssyncadd.s32 $0xFFFF3C00  }
0x7a: {  	_ =	swait.ge [sflag:s4], $0x3E8  }
0x7b: {  	[sflag:s4] =	ssyncset.done $0x0  }
0x7c: {  	[sflag:s4] =	ssyncadd.s32 $0xFFFFFC18  }
0x7d: {  	_ =	swait.ge [sflag:s4], $0x3E8  }
0x7e: {  	[sflag:s4] =	ssyncset.done $0x0  }
0x7f: {  	[sflag:s4] =	ssyncadd.s32 $0xFFFFFC18  }
0x80: {  	_ =	swait.ge [sflag:s4], $0x3E8  }
0x81: {  	[sflag:s4] =	ssyncset.done $0x0  }
0x82: {  	[sflag:s4] =	ssyncadd.s32 $0xFFFFFC18  }
0x83: {  	_ =	swait.ge [sflag:s4], $0x3E8  }
0x84: {  	[sflag:s4] =	ssyncset.done $0x0  }
0x85: {  	s2 =	simm.s32 $0x0;
	[sflag:s4] =	ssyncadd.s32 $0xFFFFFC18  }
.LBB2_2:
0x86: {  	v12 =	vld [tilespmem:$0x1FDF0];
	_ =	sdelay $0x1  }
0x87: {  	s0 =	sshll.u32 s2, $0x1;
	s1 =	rddreg [dreg:$0x8]  }
0x88: {  	s0 =	sadd.s32 s1, s0  }
0x89: {  	[dreg:$0xc] =	wrdreg s0;
	s0 =	smin.u32 s0, $0x3E7  }
0x8a: {  	p0 =	seq.s32 s2, $0x0;
	v12 =	vadd.s32 s0, v12  }
0x8b: {  	[dreg:$0xb] =	wrdreg s2;
	s1 =	simm.s32 @!p0 $0x1  }
0x8c: {  	_ =	swait.ge @!p0 [sflag:s1], $0x3100  }
0x8d: {  	[sflag:s1] =	ssyncset.done @!p0 $0x0  }
0x8e: {  	s21 =	simm.s32 $0xC400;
	[sflag:s1] =	ssyncadd.s32 @!p0 $0xFFFFCF00  }
0x8f: {  	v12 =	vld.idx.msk [tilespmem:v12+s21+$0x0], $0xffff;
	_ =	sdelay $0x4  }
0x90: {  	v14 =	vbroadcast v12, $0x3;
	_ =	sdelay $0x1  }
0x91: {  	v16 =	vbroadcast v12, $0x1;
	v14 =	vmul.f32 v13, v14;
	_ =	sdelay $0x1  }
0x92: {  	v14 =	vadd.f32 v14, v16  }
0x93: {  	v16 =	vbroadcast v12, $0x2  }
0x94: {  	v17 =	vmax.f32 v14, $0.0e+00  }
0x95: {  	v12 =	vbroadcast v12, $0x0;
	v16 =	vmul.f32 v13, v16;
	v17 =	vmin.f32 v17, $1.400000000e+01  }
0x96: {  	v18 =	vtrunc.f32 v17  }
0x97: {  	v12 =	vadd.f32 v16, v12;
	v16 =	vcvt.f32.s32 v18;
	_ =	sdelay $0x1  }
0x98: {  	v18 =	vmax.f32 v12, $0.0e+00;
	vm0 =	vlt.s32 v16, $0xD  }
0x99: {  	v18 =	vmin.f32 v18, $1.400000000e+01;
	v19 =	vnsel vm0, $0xD, v16  }
0x9a: {  	v21 =	vtrunc.f32 v18;
	v20 =	vcvt.s32.f32 v19  }
0x9b: {  	v21 =	vcvt.f32.s32 v21  }
0x9c: {  	v24 =	vimm.f32 $0.0e+00;
	v17 =	vsub.f32 v17, v20  }
0x9d: {  	vm12 =	vge.f32 v14, $-1.000000000e+00;
	vm2 =	vgt.s32 v16, $0xC;
	vm3 =	vlt.s32 v21, $0xD  }
0x9e: {  	vm1 =	vle.f32 v14, $1.400000000e+01;
	v14 =	vsel vm2, $0x0, v17;
	v17 =	vnsel vm3, $0xD, v21  }
0x9f: {  	vm13 =	vge.f32 v12, $-1.000000000e+00;
	v16 =	vsel vm2, $0xC, v16;
	v22 =	vcvt.s32.f32 v17  }
0xa0: {  	vm0 =	vmand vm12, vm1;
	v19 =	vmul.u32 $0xE, v19;
	v16 =	vmul.u32 $0xE, v16  }
0xa1: {  	vm15 =	vle.f32 v12, $1.400000000e+01;
	v23 =	vsel vm0, $0x3F800000, v24;
	v18 =	vsub.f32 v18, v22  }
0xa2: {  	vm0 =	vmand vm13, vm15;
	vm14 =	vgt.s32 v21, $0xC;
	[tilespmem:$0x136B0] =	vst v19;
	v16 =	vadd.s32 $0xE, v16  }
0xa3: {  	v12 =	vsel vm14, $0xC, v21;
	[tilespmem:$0x136C0] =	vst v16;
	v20 =	vsub.f32 $1.000000000e+00, v14;
	v18 =	vsel vm14, $0x0, v18  }
0xa4: {  	v12 =	vadd.s32 $0x1, v12;
	[tilespmem:$0x136D0] =	vst v17;
	v14 =	vmul.f32 v14, v23;
	v16 =	vsub.f32 $1.000000000e+00, v18  }
0xa5: {  	v17 =	vsel vm0, $0x3F800000, v24;
	[tilespmem:$0x136E0] =	vst v12;
	v20 =	vmul.f32 v20, v23  }
0xa6: {  	[tilespmem:$0x13700] =	vst v14;
	v12 =	vmul.f32 v16, v17  }
0xa7: {  	[tilespmem:$0x136F0] =	vst v20;
	v16 =	vmul.f32 v18, v17  }
0xa8: {  	[tilespmem:$0x13710] =	vst v12  }
0xa9: {  	s22 =	simm.s32 $0x136B0;
	[tilespmem:$0x13720] =	vst v16  }
0xaa: {  	v12 =	vld.idx.msk [tilespmem:v0+s22+$0x0], $0xffff  }
0xab: {  	s23 =	simm.s32 $0x136F0;
	v14 =	vld.idx.msk [tilespmem:v6+s22+$0x0], $0xffff  }
0xac: {  	v16 =	vld.idx.msk [tilespmem:v0+s23+$0x0], $0xffff  }
0xad: {  	v17 =	vld.idx.msk [tilespmem:v6+s23+$0x0], $0xffff  }
0xae: {  	v18 =	vld.idx.msk [tilespmem:v7+s22+$0x0], $0xffff  }
0xaf: {  	v19 =	vld.idx.msk [tilespmem:v7+s23+$0x0], $0xffff  }
0xb0: {  	v20 =	vld.idx.msk [tilespmem:v1+s22+$0x0], $0xffff  }
0xb1: {  	v21 =	vld.idx.msk [tilespmem:v1+s23+$0x0], $0xffff;
	v22 =	vadd.s32 v12, v14  }
0xb2: {  	[tilespmem:v15+s19+$0x0] =	vst.idx.msk $0xffff, v22;
	v22 =	vld [tilespmem:$0x1FE70];
	_ =	sdelay $0x5  }
0xb3: {  	v23 =	vmul.f32 v17, v16;
	_ =	sdelay $0x1  }
0xb4: {  	[tilespmem:v22+s19+$0x0] =	vst.idx.msk $0xffff, v23;
	v22 =	vld [tilespmem:$0x1FE80];
	_ =	sdelay $0x6  }
0xb5: {  	v12 =	vadd.s32 v12, v18  }
0xb6: {  	[tilespmem:v22+s19+$0x0] =	vst.idx.msk $0xffff, v12;
	v12 =	vld [tilespmem:$0x1FE90];
	_ =	sdelay $0x5  }
0xb7: {  	v16 =	vmul.f32 v19, v16;
	_ =	sdelay $0x1  }
0xb8: {  	[tilespmem:v12+s19+$0x0] =	vst.idx.msk $0xffff, v16;
	v16 =	vld [tilespmem:$0x1FEA0];
	_ =	sdelay $0x6  }
0xb9: {  	v12 =	vadd.s32 v20, v14  }
0xba: {  	[tilespmem:v16+s19+$0x0] =	vst.idx.msk $0xffff, v12;
	v12 =	vld [tilespmem:$0x1FEB0]  }
0xbb: {  	v16 =	vld [tilespmem:$0x1FEC0];
	_ =	sdelay $0x4  }
0xbc: {  	v14 =	vmul.f32 v17, v21;
	_ =	sdelay $0x1  }
0xbd: {  	[tilespmem:v12+s19+$0x0] =	vst.idx.msk $0xffff, v14;
	v12 =	vadd.s32 v20, v18  }
0xbe: {  	[tilespmem:v16+s19+$0x0] =	vst.idx.msk $0xffff, v12;
	v12 =	vld [tilespmem:$0x1FED0];
	_ =	sdelay $0x5  }
0xbf: {  	v14 =	vmul.f32 v19, v21;
	_ =	sdelay $0x1  }
0xc0: {  	v24 =	vld [tilespmem:$0x1FEE0];
	[tilespmem:v12+s19+$0x0] =	vst.idx.msk $0xffff, v14  }
0xc1: {  	v12 =	vld.idx.msk [tilespmem:v2+s22+$0x0], $0xffff  }
0xc2: {  	v14 =	vld.idx.msk [tilespmem:v8+s22+$0x0], $0xffff  }
0xc3: {  	v16 =	vld.idx.msk [tilespmem:v2+s23+$0x0], $0xffff  }
0xc4: {  	v17 =	vld.idx.msk [tilespmem:v8+s23+$0x0], $0xffff  }
0xc5: {  	v18 =	vld.idx.msk [tilespmem:v9+s22+$0x0], $0xffff  }
0xc6: {  	v19 =	vld.idx.msk [tilespmem:v9+s23+$0x0], $0xffff  }
0xc7: {  	v20 =	vld.idx.msk [tilespmem:v3+s22+$0x0], $0xffff  }
0xc8: {  	v21 =	vld.idx.msk [tilespmem:v3+s23+$0x0], $0xffff;
	v22 =	vadd.s32 v12, v14  }
0xc9: {  	[tilespmem:v24+s19+$0x0] =	vst.idx.msk $0xffff, v22;
	v22 =	vld [tilespmem:$0x1FEF0];
	_ =	sdelay $0x5  }
0xca: {  	v23 =	vmul.f32 v17, v16;
	_ =	sdelay $0x1  }
0xcb: {  	[tilespmem:v22+s19+$0x0] =	vst.idx.msk $0xffff, v23;
	v22 =	vld [tilespmem:$0x1FF00];
	_ =	sdelay $0x6  }
0xcc: {  	v12 =	vadd.s32 v12, v18  }
0xcd: {  	[tilespmem:v22+s19+$0x0] =	vst.idx.msk $0xffff, v12;
	v12 =	vld [tilespmem:$0x1FF10];
	_ =	sdelay $0x5  }
0xce: {  	v16 =	vmul.f32 v19, v16;
	_ =	sdelay $0x1  }
0xcf: {  	[tilespmem:v12+s19+$0x0] =	vst.idx.msk $0xffff, v16;
	v16 =	vld [tilespmem:$0x1FF20];
	_ =	sdelay $0x6  }
0xd0: {  	v12 =	vadd.s32 v20, v14  }
0xd1: {  	[tilespmem:v16+s19+$0x0] =	vst.idx.msk $0xffff, v12;
	v12 =	vld [tilespmem:$0x1FF30]  }
0xd2: {  	v16 =	vld [tilespmem:$0x1FF40];
	_ =	sdelay $0x4  }
0xd3: {  	v14 =	vmul.f32 v17, v21;
	_ =	sdelay $0x1  }
0xd4: {  	[tilespmem:v12+s19+$0x0] =	vst.idx.msk $0xffff, v14;
	v12 =	vadd.s32 v20, v18  }
0xd5: {  	[tilespmem:v16+s19+$0x0] =	vst.idx.msk $0xffff, v12;
	v12 =	vld [tilespmem:$0x1FF50];
	_ =	sdelay $0x5  }
0xd6: {  	v14 =	vmul.f32 v19, v21;
	_ =	sdelay $0x1  }
0xd7: {  	[tilespmem:v12+s19+$0x0] =	vst.idx.msk $0xffff, v14  }
0xd8: {  	v12 =	vld.idx.msk [tilespmem:v4+s22+$0x0], $0xffff  }
0xd9: {  	v24 =	vld [tilespmem:$0x1FF60]  }
0xda: {  	v14 =	vld.idx.msk [tilespmem:v10+s22+$0x0], $0xffff  }
0xdb: {  	v16 =	vld.idx.msk [tilespmem:v4+s23+$0x0], $0xffff  }
0xdc: {  	v17 =	vld.idx.msk [tilespmem:v10+s23+$0x0], $0xffff  }
0xdd: {  	v18 =	vld.idx.msk [tilespmem:v11+s22+$0x0], $0xffff  }
0xde: {  	v19 =	vld.idx.msk [tilespmem:v11+s23+$0x0], $0xffff  }
0xdf: {  	v20 =	vld.idx.msk [tilespmem:v5+s22+$0x0], $0xffff  }
0xe0: {  	v21 =	vld.idx.msk [tilespmem:v5+s23+$0x0], $0xffff;
	v22 =	vadd.s32 v12, v14  }
0xe1: {  	[tilespmem:v24+s19+$0x0] =	vst.idx.msk $0xffff, v22;
	v22 =	vld [tilespmem:$0x1FF70];
	_ =	sdelay $0x5  }
0xe2: {  	v23 =	vmul.f32 v17, v16;
	_ =	sdelay $0x1  }
0xe3: {  	[tilespmem:v22+s19+$0x0] =	vst.idx.msk $0xffff, v23;
	v22 =	vld [tilespmem:$0x1FF80];
	_ =	sdelay $0x6  }
0xe4: {  	v12 =	vadd.s32 v12, v18  }
0xe5: {  	[tilespmem:v22+s19+$0x0] =	vst.idx.msk $0xffff, v12;
	v12 =	vld [tilespmem:$0x1FF90];
	_ =	sdelay $0x5  }
0xe6: {  	v16 =	vmul.f32 v19, v16;
	_ =	sdelay $0x1  }
0xe7: {  	[tilespmem:v12+s19+$0x0] =	vst.idx.msk $0xffff, v16;
	v16 =	vld [tilespmem:$0x1FFA0];
	_ =	sdelay $0x6  }
0xe8: {  	v12 =	vadd.s32 v20, v14  }
0xe9: {  	[tilespmem:v16+s19+$0x0] =	vst.idx.msk $0xffff, v12;
	v12 =	vld [tilespmem:$0x1FFB0]  }
0xea: {  	v16 =	vld [tilespmem:$0x1FFC0];
	_ =	sdelay $0x4  }
0xeb: {  	v14 =	vmul.f32 v17, v21;
	_ =	sdelay $0x1  }
0xec: {  	[tilespmem:v12+s19+$0x0] =	vst.idx.msk $0xffff, v14;
	v12 =	vadd.s32 v20, v18  }
0xed: {  	[tilespmem:v16+s19+$0x0] =	vst.idx.msk $0xffff, v12;
	v12 =	vld [tilespmem:$0x1FFD0];
	_ =	sdelay $0x3  }
0xee: {  	v16 =	vimm.s32 $0x6  }
0xef: {  	v17 =	vimm.s32 $0x26  }
0xf0: {  	v14 =	vmul.f32 v19, v21;
	_ =	sdelay $0x1  }
0xf1: {  	v24 =	vld [tilespmem:$0x1FFE0];
	v19 =	vimm.s32 $0x36;
	[tilespmem:v12+s19+$0x0] =	vst.idx.msk $0xffff, v14  }
0xf2: {  	v12 =	vld.idx.msk [tilespmem:v16+s22+$0x0], $0xffff  }
0xf3: {  	v21 =	vimm.s32 $0x16;
	v14 =	vld.idx.msk [tilespmem:v17+s22+$0x0], $0xffff  }
0xf4: {  	v16 =	vld.idx.msk [tilespmem:v16+s23+$0x0], $0xffff  }
0xf5: {  	v17 =	vld.idx.msk [tilespmem:v17+s23+$0x0], $0xffff  }
0xf6: {  	v18 =	vld.idx.msk [tilespmem:v19+s22+$0x0], $0xffff  }
0xf7: {  	v19 =	vld.idx.msk [tilespmem:v19+s23+$0x0], $0xffff  }
0xf8: {  	v20 =	vld.idx.msk [tilespmem:v21+s22+$0x0], $0xffff  }
0xf9: {  	v21 =	vld.idx.msk [tilespmem:v21+s23+$0x0], $0xffff  }
0xfa: {  	v22 =	vadd.s32 v12, v14;
	v23 =	vmul.f32 v17, v16  }
0xfb: {  	[tilespmem:v24+s19+$0x0] =	vst.idx.msk $0xffff, v22  }
0xfc: {  	v12 =	vadd.s32 v12, v18;
	v16 =	vmul.f32 v19, v16;
	[tilespmem:v52+s19+$0x0] =	vst.idx.msk $0xffff, v23  }
0xfd: {  	[tilespmem:v53+s19+$0x0] =	vst.idx.msk $0xffff, v12  }
0xfe: {  	v12 =	vadd.s32 v20, v14;
	v14 =	vmul.f32 v17, v21;
	[tilespmem:v54+s19+$0x0] =	vst.idx.msk $0xffff, v16  }
0xff: {  	[tilespmem:v55+s19+$0x0] =	vst.idx.msk $0xffff, v12  }
0x100: {  	v12 =	vadd.s32 v20, v18;
	[tilespmem:v56+s19+$0x0] =	vst.idx.msk $0xffff, v14  }
0x101: {  	[tilespmem:v57+s19+$0x0] =	vst.idx.msk $0xffff, v12;
	v12 =	vld [tilespmem:$0x1FE00];
	_ =	sdelay $0x1  }
0x102: {  	s24 =	sshll.u32 s0, $0x1  }
0x103: {  	s0 =	sand.u32 $0x7, s0;
	s1 =	sand.u32 $0x7F0, s24;
	v14 =	vmul.f32 v19, v21  }
0x104: {  	s0 =	sor.u32 s0, s1  }
0x105: {  	[tilespmem:v58+s19+$0x0] =	vst.idx.msk $0xffff, v14;
	v12 =	vadd.s32 s0, v12  }
0x106: {  	[tilespmem:$0x135E0] =	vst v12;
	v12 =	vld [tilespmem:$0x1FE10];
	_ =	sdelay $0x4  }
0x107: {  	v12 =	vadd.s32 s0, v12  }
0x108: {  	[tilespmem:$0x135F0] =	vst v12;
	v12 =	vld [tilespmem:$0x1FE20];
	_ =	sdelay $0x4  }
0x109: {  	v12 =	vadd.s32 s0, v12  }
0x10a: {  	[tilespmem:$0x13600] =	vst v12;
	v12 =	vld [tilespmem:$0x1FE30];
	_ =	sdelay $0x4  }
0x10b: {  	v12 =	vadd.s32 s0, v12  }
0x10c: {  	[tilespmem:$0x13610] =	vst v12;
	v12 =	vld [tilespmem:$0x1FE40];
	_ =	sdelay $0x4  }
0x10d: {  	v12 =	vadd.s32 s0, v12  }
0x10e: {  	[tilespmem:$0x13620] =	vst v12;
	v12 =	vld [tilespmem:$0x1FE50];
	_ =	sdelay $0x3  }
0x10f: {  	v14 =	vld [tilespmem:$0x1FFF0]  }
0x110: {  	v12 =	vadd.s32 s0, v12  }
0x111: {  	[tilespmem:$0x13630] =	vst v12;
	v12 =	vld [tilespmem:$0x1FE60];
	_ =	sdelay $0x4  }
0x112: {  	s25 =	simm.s32 $0x135E0;
	v12 =	vadd.s32 s0, v12  }
0x113: {  	s26 =	simm.s32 $0x13740;
	[tilespmem:v14+s25+$0x0] =	vst.idx.msk $0x3, v12  }
0x114: {  	v12 =	vld [tilespmem:s26+$0x0];
	_ =	sdelay $0x2  }
0x115: {  	v16 =	vld [tilespmem:s26+$0xFFFFFFF0];
	_ =	sdelay $0x1  }
0x116: {  	v14 =	vshll.u32 v12, $0xA  }
0x117: {  	v14 =	vshra.s32 v14, $0x2  }
0x118: {  	(v2sf) =	vpush v14, $0x0  }
0x119: {  	v17 =	vshll.u32 v16, $0xA;
	(v2sf) =	vpush v14, $0x1  }
0x11a: {  	v17 =	vshra.s32 v17, $0x2;
	(v2sf) =	vpush v14, $0x2  }
0x11b: {  	(v2sf) =	vpush v17, $0x0  }
0x11c: {  	(v2sf) =	vpush v17, $0x1  }
0x11d: {  	(v2sf) =	vpush v14, $0x3;
	_ =	sdelay $0x9  }
0x11e: {  	s9 =	spop (v2sf)  }
0x11f: {  	v14 =	vld [tilespmem:s9+$0x0];
	s21 =	spop (v2sf)  }
0x120: {  	v18 =	vld [tilespmem:s21+$0x0];
	s11 =	spop (v2sf)  }
0x121: {  	s0 =	spop (v2sf)  }
0x122: {  	v19 =	vld [tilespmem:s11+$0x0];
	s30 =	spop (v2sf)  }
0x123: {  	v31 =	vbroadcast v12, $0x4;
	v32 =	vbroadcast v12, $0x5;
	s8 =	spop (v2sf)  }
0x124: {  	v30 =	vbroadcast v12, $0x6;
	v20 =	vld [tilespmem:s8+$0x0]  }
0x125: {  	v14 =	vmul.f32 v31, v14;
	v18 =	vmul.f32 v18, v32;
	_ =	sdelay $0x1  }
0x126: {  	v29 =	vbroadcast v12, $0x7;
	v12 =	vadd.f32 v18, v14;
	v14 =	vmul.f32 v19, v30;
	_ =	sdelay $0x1  }
0x127: {  	v12 =	vadd.f32 v14, v12;
	v14 =	vmul.f32 v20, v29;
	_ =	sdelay $0x1  }
0x128: {  	v12 =	vadd.f32 v14, v12  }
0x129: {  	s29 =	simm.s32 $0xD560  }
0x12a: {  	v18 =	vld [tilespmem:s26+$0xFFFFFFF8];
	[tilespmem:s29+$0x80] =	vst v12  }
0x12b: {  	v12 =	vld [tilespmem:s9+$0x10]  }
0x12c: {  	v14 =	vld [tilespmem:s21+$0x10];
	_ =	sdelay $0x1  }
0x12d: {  	v19 =	vld [tilespmem:s11+$0x10];
	_ =	sdelay $0x1  }
0x12e: {  	v20 =	vshll.u32 v18, $0xA;
	v21 =	vld [tilespmem:s8+$0x10]  }
0x12f: {  	v20 =	vshra.s32 v20, $0x2;
	v12 =	vmul.f32 v12, v31;
	v14 =	vmul.f32 v14, v32  }
0x130: {  	(v2sf) =	vpush v20, $0x0  }
0x131: {  	(v2sf) =	vpush v20, $0x1;
	v19 =	vmul.f32 v19, v30;
	v12 =	vadd.f32 v14, v12  }
0x132: {  	(v2sf) =	vpush v17, $0x2  }
0x133: {  	(v2sf) =	vpush v20, $0x2;
	v14 =	vmul.f32 v21, v29;
	v12 =	vadd.f32 v19, v12  }
0x134: {  	(v2sf) =	vpush v17, $0x3  }
0x135: {  	v12 =	vadd.f32 v14, v12  }
0x136: {  	(v2sf) =	vpush v20, $0x3  }
0x137: {  	[tilespmem:s29+$0x90] =	vst v12  }
0x138: {  	v12 =	vld [tilespmem:s9+$0x20]  }
0x139: {  	v14 =	vld [tilespmem:s21+$0x20];
	_ =	sdelay $0x1  }
0x13a: {  	v17 =	vld [tilespmem:s11+$0x20];
	_ =	sdelay $0x1  }
0x13b: {  	v19 =	vld [tilespmem:s8+$0x20]  }
0x13c: {  	v12 =	vmul.f32 v12, v31;
	v14 =	vmul.f32 v14, v32  }
0x13d: {  	v20 =	vld [tilespmem:s0+$0x0];
	s14 =	spop (v2sf)  }
0x13e: {  	v21 =	vld [tilespmem:s30+$0x0];
	s2 =	spop (v2sf);
	v12 =	vadd.f32 v14, v12;
	v14 =	vmul.f32 v17, v30  }
0x13f: {  	s13 =	spop (v2sf);
	v23 =	vld [tilespmem:s2+$0x0]  }
0x140: {  	s6 =	spop (v2sf);
	v22 =	vld [tilespmem:s13+$0x0];
	v19 =	vmul.f32 v19, v29;
	v12 =	vadd.f32 v14, v12  }
0x141: {  	v63 =	vbroadcast v16, $0x5;
	s12 =	spop (v2sf);
	v17 =	vld [tilespmem:s14+$0x0];
	v14 =	vbroadcast v16, $0x4  }
0x142: {  	v61 =	vbroadcast v16, $0x6;
	v24 =	vld [tilespmem:s12+$0x0];
	v19 =	vadd.f32 v19, v12  }
0x143: {  	v21 =	vmul.f32 v21, v63;
	v25 =	vld [tilespmem:s6+$0x0];
	s31 =	spop (v2sf);
	v20 =	vmul.f32 v14, v20  }
0x144: {  	v62 =	vbroadcast v16, $0x7;
	v59 =	vbroadcast v18, $0x4;
	v26 =	vld [tilespmem:s31+$0x0];
	[tilespmem:s29+$0xA0] =	vst v19  }
0x145: {  	v12 =	vbroadcast v18, $0x5;
	v19 =	vadd.f32 v21, v20;
	v20 =	vmul.f32 v22, v61;
	v21 =	vld [tilespmem:s9+$0x30]  }
0x146: {  	v16 =	vbroadcast v18, $0x6;
	v17 =	vmul.f32 v59, v17;
	v22 =	vld [tilespmem:s21+$0x30]  }
0x147: {  	v23 =	vmul.f32 v23, v12;
	v19 =	vadd.f32 v20, v19;
	v20 =	vmul.f32 v24, v62  }
0x148: {  	v60 =	vbroadcast v18, $0x7;
	v18 =	vld [tilespmem:s11+$0x30]  }
0x149: {  	v17 =	vadd.f32 v23, v17;
	v23 =	vmul.f32 v25, v16;
	v19 =	vadd.f32 v20, v19  }
0x14a: {  	v24 =	vld [tilespmem:s8+$0x30];
	v20 =	vmul.f32 v26, v60  }
0x14b: {  	v17 =	vadd.f32 v23, v17;
	[tilespmem:s29+$0xFFFFFE80] =	vst v19;
	v19 =	vmul.f32 v21, v31;
	v21 =	vmul.f32 v22, v32  }
0x14c: {  	v22 =	vld [tilespmem:s0+$0x10]  }
0x14d: {  	v17 =	vadd.f32 v20, v17;
	v18 =	vmul.f32 v18, v30;
	v23 =	vld [tilespmem:s30+$0x10];
	v19 =	vadd.f32 v21, v19  }
0x14e: {  	v20 =	vld [tilespmem:s13+$0x10]  }
0x14f: {  	v21 =	vld [tilespmem:s12+$0x10];
	[tilespmem:s29+$0xFFFFFF80] =	vst v17;
	v17 =	vadd.f32 v18, v19;
	v18 =	vmul.f32 v24, v29  }
0x150: {  	v19 =	vld [tilespmem:s14+$0x10]  }
0x151: {  	v24 =	vld [tilespmem:s2+$0x10];
	v17 =	vadd.f32 v18, v17  }
0x152: {  	v25 =	vld [tilespmem:s31+$0x10];
	v18 =	vmul.f32 v22, v14;
	v22 =	vmul.f32 v23, v63  }
0x153: {  	v23 =	vld [tilespmem:s6+$0x10];
	[tilespmem:s29+$0xB0] =	vst v17  }
0x154: {  	v17 =	vmul.f32 v20, v61;
	v18 =	vadd.f32 v22, v18;
	v20 =	vld [tilespmem:s9+$0x40]  }
0x155: {  	v21 =	vmul.f32 v21, v62;
	v22 =	vld [tilespmem:s21+$0x40]  }
0x156: {  	v17 =	vadd.f32 v17, v18;
	v18 =	vmul.f32 v19, v59;
	v19 =	vmul.f32 v24, v12  }
0x157: {  	v24 =	vld [tilespmem:s11+$0x40]  }
0x158: {  	v17 =	vadd.f32 v21, v17;
	v21 =	vmul.f32 v23, v16;
	v18 =	vadd.f32 v19, v18  }
0x159: {  	v19 =	vmul.f32 v25, v60;
	v23 =	vld [tilespmem:s8+$0x40]  }
0x15a: {  	[tilespmem:s29+$0xFFFFFE90] =	vst v17;
	v17 =	vadd.f32 v21, v18;
	v18 =	vmul.f32 v20, v31;
	v20 =	vmul.f32 v22, v32  }
0x15b: {  	v21 =	vld [tilespmem:s0+$0x20]  }
0x15c: {  	v22 =	vld [tilespmem:s30+$0x20];
	v17 =	vadd.f32 v19, v17;
	v18 =	vadd.f32 v20, v18;
	v19 =	vmul.f32 v24, v30  }
0x15d: {  	v20 =	vld [tilespmem:s13+$0x20]  }
0x15e: {  	v24 =	vld [tilespmem:s12+$0x20];
	[tilespmem:s29+$0xFFFFFF90] =	vst v17;
	v17 =	vadd.f32 v19, v18;
	v18 =	vmul.f32 v23, v29  }
0x15f: {  	v19 =	vld [tilespmem:s14+$0x20]  }
0x160: {  	v23 =	vld [tilespmem:s2+$0x20];
	v17 =	vadd.f32 v18, v17  }
0x161: {  	v25 =	vld [tilespmem:s31+$0x20];
	v18 =	vmul.f32 v21, v14;
	v21 =	vmul.f32 v22, v63  }
0x162: {  	v22 =	vld [tilespmem:s6+$0x20];
	[tilespmem:s29+$0xC0] =	vst v17  }
0x163: {  	v17 =	vmul.f32 v20, v61;
	v18 =	vadd.f32 v21, v18;
	v20 =	vld [tilespmem:s9+$0x50]  }
0x164: {  	v21 =	vmul.f32 v24, v62;
	v24 =	vld [tilespmem:s21+$0x50]  }
0x165: {  	v17 =	vadd.f32 v17, v18;
	v18 =	vmul.f32 v19, v59;
	v19 =	vmul.f32 v23, v12  }
0x166: {  	v23 =	vld [tilespmem:s11+$0x50]  }
0x167: {  	v17 =	vadd.f32 v21, v17;
	v21 =	vmul.f32 v22, v16;
	v18 =	vadd.f32 v19, v18  }
0x168: {  	v19 =	vmul.f32 v25, v60;
	v22 =	vld [tilespmem:s8+$0x50]  }
0x169: {  	[tilespmem:s29+$0xFFFFFEA0] =	vst v17;
	v17 =	vadd.f32 v21, v18;
	v18 =	vmul.f32 v20, v31;
	v20 =	vmul.f32 v24, v32  }
0x16a: {  	v21 =	vld [tilespmem:s0+$0x30]  }
0x16b: {  	v24 =	vld [tilespmem:s30+$0x30];
	v17 =	vadd.f32 v19, v17;
	v18 =	vadd.f32 v20, v18;
	v19 =	vmul.f32 v23, v30  }
0x16c: {  	v20 =	vld [tilespmem:s13+$0x30]  }
0x16d: {  	v23 =	vld [tilespmem:s12+$0x30];
	[tilespmem:s29+$0xFFFFFFA0] =	vst v17;
	v17 =	vadd.f32 v19, v18;
	v18 =	vmul.f32 v22, v29  }
0x16e: {  	v19 =	vld [tilespmem:s14+$0x30]  }
0x16f: {  	v22 =	vld [tilespmem:s2+$0x30];
	v17 =	vadd.f32 v18, v17  }
0x170: {  	v25 =	vld [tilespmem:s31+$0x30];
	v18 =	vmul.f32 v21, v14;
	v21 =	vmul.f32 v24, v63  }
0x171: {  	v24 =	vld [tilespmem:s6+$0x30];
	[tilespmem:s29+$0xD0] =	vst v17  }
0x172: {  	v17 =	vmul.f32 v20, v61;
	v18 =	vadd.f32 v21, v18;
	v20 =	vld [tilespmem:s9+$0x60]  }
0x173: {  	v21 =	vmul.f32 v23, v62;
	v23 =	vld [tilespmem:s21+$0x60]  }
0x174: {  	v17 =	vadd.f32 v17, v18;
	v18 =	vmul.f32 v19, v59;
	v19 =	vmul.f32 v22, v12  }
0x175: {  	v22 =	vld [tilespmem:s11+$0x60]  }
0x176: {  	v17 =	vadd.f32 v21, v17;
	v21 =	vmul.f32 v24, v16;
	v18 =	vadd.f32 v19, v18  }
0x177: {  	v19 =	vmul.f32 v25, v60;
	v24 =	vld [tilespmem:s8+$0x60]  }
0x178: {  	[tilespmem:s29+$0xFFFFFEB0] =	vst v17;
	v17 =	vadd.f32 v21, v18;
	v18 =	vmul.f32 v20, v31;
	v20 =	vmul.f32 v23, v32  }
0x179: {  	v21 =	vld [tilespmem:s0+$0x40]  }
0x17a: {  	v23 =	vld [tilespmem:s30+$0x40];
	v17 =	vadd.f32 v19, v17;
	v18 =	vadd.f32 v20, v18;
	v19 =	vmul.f32 v22, v30  }
0x17b: {  	v20 =	vld [tilespmem:s13+$0x40]  }
0x17c: {  	v22 =	vld [tilespmem:s12+$0x40];
	[tilespmem:s29+$0xFFFFFFB0] =	vst v17;
	v17 =	vadd.f32 v19, v18;
	v18 =	vmul.f32 v24, v29  }
0x17d: {  	v19 =	vld [tilespmem:s14+$0x40]  }
0x17e: {  	v24 =	vld [tilespmem:s2+$0x40];
	v17 =	vadd.f32 v18, v17  }
0x17f: {  	v25 =	vld [tilespmem:s31+$0x40];
	v18 =	vmul.f32 v21, v14;
	v21 =	vmul.f32 v23, v63  }
0x180: {  	v23 =	vld [tilespmem:s6+$0x40];
	[tilespmem:s29+$0xE0] =	vst v17  }
0x181: {  	v17 =	vmul.f32 v20, v61;
	v18 =	vadd.f32 v21, v18;
	v20 =	vld [tilespmem:s9+$0x70]  }
0x182: {  	v21 =	vmul.f32 v22, v62;
	v22 =	vld [tilespmem:s21+$0x70]  }
0x183: {  	v17 =	vadd.f32 v17, v18;
	v18 =	vmul.f32 v19, v59;
	v19 =	vmul.f32 v24, v12  }
0x184: {  	v24 =	vld [tilespmem:s11+$0x70]  }
0x185: {  	v17 =	vadd.f32 v21, v17;
	v21 =	vmul.f32 v23, v16;
	v18 =	vadd.f32 v19, v18  }
0x186: {  	v19 =	vmul.f32 v25, v60;
	v23 =	vld [tilespmem:s8+$0x70]  }
0x187: {  	[tilespmem:s29+$0xFFFFFEC0] =	vst v17;
	v17 =	vadd.f32 v21, v18;
	v18 =	vmul.f32 v20, v31;
	v20 =	vmul.f32 v22, v32  }
0x188: {  	v21 =	vld [tilespmem:s0+$0x50]  }
0x189: {  	v22 =	vld [tilespmem:s30+$0x50];
	v17 =	vadd.f32 v19, v17;
	v18 =	vadd.f32 v20, v18;
	v19 =	vmul.f32 v24, v30  }
0x18a: {  	v20 =	vld [tilespmem:s13+$0x50]  }
0x18b: {  	v24 =	vld [tilespmem:s12+$0x50];
	[tilespmem:s29+$0xFFFFFFC0] =	vst v17;
	v17 =	vadd.f32 v19, v18;
	v18 =	vmul.f32 v23, v29  }
0x18c: {  	v19 =	vld [tilespmem:s14+$0x50]  }
0x18d: {  	v23 =	vld [tilespmem:s2+$0x50];
	v17 =	vadd.f32 v18, v17  }
0x18e: {  	v25 =	vld [tilespmem:s31+$0x50];
	v18 =	vmul.f32 v21, v14;
	v21 =	vmul.f32 v22, v63  }
0x18f: {  	v22 =	vld [tilespmem:s6+$0x50];
	[tilespmem:s29+$0xF0] =	vst v17  }
0x190: {  	v17 =	vmul.f32 v20, v61;
	v18 =	vadd.f32 v21, v18;
	v20 =	vld [tilespmem:s9+$0x80]  }
0x191: {  	v21 =	vmul.f32 v24, v62;
	v24 =	vld [tilespmem:s21+$0x80]  }
0x192: {  	v17 =	vadd.f32 v17, v18;
	v18 =	vmul.f32 v19, v59;
	v19 =	vmul.f32 v23, v12  }
0x193: {  	v23 =	vld [tilespmem:s11+$0x80]  }
0x194: {  	v17 =	vadd.f32 v21, v17;
	v21 =	vmul.f32 v22, v16;
	v18 =	vadd.f32 v19, v18  }
0x195: {  	v19 =	vmul.f32 v25, v60;
	v22 =	vld [tilespmem:s8+$0x80]  }
0x196: {  	[tilespmem:s29+$0xFFFFFED0] =	vst v17;
	v17 =	vadd.f32 v21, v18;
	v18 =	vmul.f32 v20, v31;
	v20 =	vmul.f32 v24, v32  }
0x197: {  	v21 =	vld [tilespmem:s0+$0x60]  }
0x198: {  	v24 =	vld [tilespmem:s30+$0x60];
	v17 =	vadd.f32 v19, v17;
	v18 =	vadd.f32 v20, v18;
	v19 =	vmul.f32 v23, v30  }
0x199: {  	v20 =	vld [tilespmem:s13+$0x60]  }
0x19a: {  	v23 =	vld [tilespmem:s12+$0x60];
	[tilespmem:s29+$0xFFFFFFD0] =	vst v17;
	v17 =	vadd.f32 v19, v18;
	v18 =	vmul.f32 v22, v29  }
0x19b: {  	v19 =	vld [tilespmem:s14+$0x60]  }
0x19c: {  	v22 =	vld [tilespmem:s2+$0x60];
	v17 =	vadd.f32 v18, v17  }
0x19d: {  	v25 =	vld [tilespmem:s31+$0x60];
	v18 =	vmul.f32 v21, v14;
	v21 =	vmul.f32 v24, v63  }
0x19e: {  	v24 =	vld [tilespmem:s6+$0x60];
	[tilespmem:s29+$0x100] =	vst v17  }
0x19f: {  	v17 =	vmul.f32 v20, v61;
	v18 =	vadd.f32 v21, v18;
	v20 =	vld [tilespmem:s9+$0x90]  }
0x1a0: {  	v21 =	vmul.f32 v23, v62;
	v23 =	vld [tilespmem:s21+$0x90]  }
0x1a1: {  	v17 =	vadd.f32 v17, v18;
	v18 =	vmul.f32 v19, v59;
	v19 =	vmul.f32 v22, v12  }
0x1a2: {  	v22 =	vld [tilespmem:s11+$0x90]  }
0x1a3: {  	v17 =	vadd.f32 v21, v17;
	v21 =	vmul.f32 v24, v16;
	v18 =	vadd.f32 v19, v18  }
0x1a4: {  	v19 =	vmul.f32 v25, v60;
	v24 =	vld [tilespmem:s8+$0x90]  }
0x1a5: {  	[tilespmem:s29+$0xFFFFFEE0] =	vst v17;
	v17 =	vadd.f32 v21, v18;
	v18 =	vmul.f32 v20, v31;
	v20 =	vmul.f32 v23, v32  }
0x1a6: {  	v21 =	vld [tilespmem:s0+$0x70]  }
0x1a7: {  	v23 =	vld [tilespmem:s30+$0x70];
	v17 =	vadd.f32 v19, v17;
	v18 =	vadd.f32 v20, v18;
	v19 =	vmul.f32 v22, v30  }
0x1a8: {  	v20 =	vld [tilespmem:s13+$0x70]  }
0x1a9: {  	v22 =	vld [tilespmem:s12+$0x70];
	[tilespmem:s29+$0xFFFFFFE0] =	vst v17;
	v17 =	vadd.f32 v19, v18;
	v18 =	vmul.f32 v24, v29  }
0x1aa: {  	v19 =	vld [tilespmem:s14+$0x70]  }
0x1ab: {  	v24 =	vld [tilespmem:s2+$0x70];
	v17 =	vadd.f32 v18, v17  }
0x1ac: {  	v25 =	vld [tilespmem:s31+$0x70];
	v18 =	vmul.f32 v21, v14;
	v21 =	vmul.f32 v23, v63  }
0x1ad: {  	v23 =	vld [tilespmem:s6+$0x70];
	[tilespmem:s29+$0x110] =	vst v17  }
0x1ae: {  	v17 =	vmul.f32 v20, v61;
	v18 =	vadd.f32 v21, v18;
	v20 =	vld [tilespmem:s9+$0xA0]  }
0x1af: {  	v21 =	vmul.f32 v22, v62;
	v22 =	vld [tilespmem:s21+$0xA0]  }
0x1b0: {  	v17 =	vadd.f32 v17, v18;
	v18 =	vmul.f32 v19, v59;
	v19 =	vmul.f32 v24, v12  }
0x1b1: {  	v24 =	vld [tilespmem:s11+$0xA0]  }
0x1b2: {  	v17 =	vadd.f32 v21, v17;
	v21 =	vmul.f32 v23, v16;
	v18 =	vadd.f32 v19, v18  }
0x1b3: {  	v19 =	vmul.f32 v25, v60;
	v23 =	vld [tilespmem:s8+$0xA0]  }
0x1b4: {  	[tilespmem:s29+$0xFFFFFEF0] =	vst v17;
	v17 =	vadd.f32 v21, v18;
	v18 =	vmul.f32 v20, v31;
	v20 =	vmul.f32 v22, v32  }
0x1b5: {  	v21 =	vld [tilespmem:s0+$0x80]  }
0x1b6: {  	v22 =	vld [tilespmem:s30+$0x80];
	v17 =	vadd.f32 v19, v17;
	v18 =	vadd.f32 v20, v18;
	v19 =	vmul.f32 v24, v30  }
0x1b7: {  	v20 =	vld [tilespmem:s13+$0x80]  }
0x1b8: {  	v24 =	vld [tilespmem:s12+$0x80];
	[tilespmem:s29+$0xFFFFFFF0] =	vst v17;
	v17 =	vadd.f32 v19, v18;
	v18 =	vmul.f32 v23, v29  }
0x1b9: {  	v19 =	vld [tilespmem:s14+$0x80]  }
0x1ba: {  	v23 =	vld [tilespmem:s2+$0x80];
	v17 =	vadd.f32 v18, v17  }
0x1bb: {  	v25 =	vld [tilespmem:s31+$0x80];
	v18 =	vmul.f32 v21, v14;
	v21 =	vmul.f32 v22, v63  }
0x1bc: {  	v22 =	vld [tilespmem:s6+$0x80];
	[tilespmem:s29+$0x120] =	vst v17  }
0x1bd: {  	v17 =	vmul.f32 v20, v61;
	v18 =	vadd.f32 v21, v18;
	v20 =	vld [tilespmem:s9+$0xB0]  }
0x1be: {  	v21 =	vmul.f32 v24, v62;
	v24 =	vld [tilespmem:s21+$0xB0]  }
0x1bf: {  	v17 =	vadd.f32 v17, v18;
	v18 =	vmul.f32 v19, v59;
	v19 =	vmul.f32 v23, v12  }
0x1c0: {  	v23 =	vld [tilespmem:s11+$0xB0]  }
0x1c1: {  	v17 =	vadd.f32 v21, v17;
	v21 =	vmul.f32 v22, v16;
	v18 =	vadd.f32 v19, v18  }
0x1c2: {  	v19 =	vmul.f32 v25, v60;
	v22 =	vld [tilespmem:s8+$0xB0]  }
0x1c3: {  	s28 =	simm.s32 $0x13758;
	[tilespmem:s29+$0xFFFFFF00] =	vst v17;
	v17 =	vadd.f32 v21, v18;
	v18 =	vmul.f32 v20, v31;
	v20 =	vmul.f32 v24, v32  }
0x1c4: {  	v27 =	vld [tilespmem:s28+$0xFFFFFFF0]  }
0x1c5: {  	v21 =	vld [tilespmem:s0+$0x90];
	v17 =	vadd.f32 v19, v17;
	v18 =	vadd.f32 v20, v18;
	v19 =	vmul.f32 v23, v30  }
0x1c6: {  	v24 =	vld [tilespmem:s30+$0x90]  }
0x1c7: {  	v25 =	vld [tilespmem:s28+$0x0];
	[tilespmem:s29+$0x0] =	vst v17;
	v17 =	vadd.f32 v19, v18;
	v18 =	vmul.f32 v22, v29  }
0x1c8: {  	v20 =	vld [tilespmem:s13+$0x90]  }
0x1c9: {  	v23 =	vld [tilespmem:s12+$0x90];
	v17 =	vadd.f32 v18, v17  }
0x1ca: {  	v19 =	vld [tilespmem:s14+$0x90]  }
0x1cb: {  	v22 =	vld [tilespmem:s2+$0x90];
	v21 =	vmul.f32 v21, v14;
	v24 =	vmul.f32 v24, v63;
	[tilespmem:s29+$0x130] =	vst v17  }
0x1cc: {  	v17 =	vld [tilespmem:s9+$0xC0]  }
0x1cd: {  	v20 =	vmul.f32 v20, v61;
	v21 =	vadd.f32 v24, v21;
	v24 =	vld [tilespmem:s21+$0xC0]  }
0x1ce: {  	v18 =	vld [tilespmem:s6+$0x90]  }
0x1cf: {  	v23 =	vmul.f32 v23, v62;
	v20 =	vadd.f32 v20, v21;
	v21 =	vld [tilespmem:s11+$0xC0];
	_ =	sdelay $0x1  }
0x1d0: {  	v33 =	vshll.u32 v27, $0xA;
	v26 =	vld [tilespmem:s8+$0xC0];
	v19 =	vmul.f32 v19, v59;
	v20 =	vadd.f32 v23, v20  }
0x1d1: {  	v23 =	vshll.u32 v25, $0xA;
	v17 =	vmul.f32 v17, v31;
	v24 =	vmul.f32 v24, v32  }
0x1d2: {  	v22 =	vmul.f32 v22, v12;
	v18 =	vmul.f32 v18, v16;
	v23 =	vshra.s32 v23, $0x2;
	[tilespmem:s29+$0xFFFFFF10] =	vst v20;
	v20 =	vld [tilespmem:s31+$0x90]  }
0x1d3: {  	(v2sf) =	vpush v23, $0x0;
	v28 =	vld [tilespmem:s0+$0xA0];
	v21 =	vmul.f32 v21, v30;
	v17 =	vadd.f32 v24, v17  }
0x1d4: {  	v19 =	vadd.f32 v22, v19;
	v22 =	vshra.s32 v33, $0x2;
	(v2sf) =	vpush v23, $0x1;
	v24 =	vld [tilespmem:s30+$0xA0]  }
0x1d5: {  	(v2sf) =	vpush v23, $0x2;
	v17 =	vadd.f32 v21, v17;
	v21 =	vmul.f32 v26, v29  }
0x1d6: {  	v18 =	vadd.f32 v18, v19;
	v48 =	vld [tilespmem:s13+$0xA0];
	(v2sf) =	vpush v22, $0x0  }
0x1d7: {  	v26 =	vld [tilespmem:s28+$0xFFFFFFF8];
	(v2sf) =	vpush v22, $0x1;
	v19 =	vmul.f32 v20, v60;
	v17 =	vadd.f32 v21, v17  }
0x1d8: {  	v20 =	vld [tilespmem:s12+$0xA0];
	(v2sf) =	vpush v23, $0x3  }
0x1d9: {  	v21 =	vmul.f32 v28, v14;
	v23 =	vmul.f32 v24, v63;
	v18 =	vadd.f32 v19, v18;
	[tilespmem:s29+$0x140] =	vst v17  }
0x1da: {  	v17 =	vld [tilespmem:s9+$0xD0]  }
0x1db: {  	v19 =	vmul.f32 v48, v61;
	v21 =	vadd.f32 v23, v21;
	[tilespmem:s29+$0x10] =	vst v18;
	v23 =	vld [tilespmem:s21+$0xD0]  }
0x1dc: {  	v18 =	vshll.u32 v26, $0xA;
	v28 =	vld [tilespmem:s14+$0xA0]  }
0x1dd: {  	v24 =	vshra.s32 v18, $0x2;
	v18 =	vmul.f32 v20, v62;
	v20 =	vld [tilespmem:s11+$0xD0];
	v19 =	vadd.f32 v19, v21  }
0x1de: {  	v49 =	vld [tilespmem:s2+$0xA0];
	(v2sf) =	vpush v24, $0x0  }
0x1df: {  	v34 =	vld [tilespmem:s6+$0xA0];
	(v2sf) =	vpush v24, $0x1;
	v18 =	vadd.f32 v18, v19  }
0x1e0: {  	(v2sf) =	vpush v22, $0x2;
	v19 =	vld [tilespmem:s8+$0xD0]  }
0x1e1: {  	v35 =	vld [tilespmem:s31+$0xA0];
	(v2sf) =	vpush v24, $0x2;
	v17 =	vmul.f32 v17, v31;
	v21 =	vmul.f32 v23, v32;
	[tilespmem:s29+$0xFFFFFF20] =	vst v18  }
0x1e2: {  	(v2sf) =	vpush v22, $0x3;
	v36 =	vld [tilespmem:s0+$0xB0]  }
0x1e3: {  	s3 =	spop (v2sf);
	v18 =	vmul.f32 v20, v30;
	v17 =	vadd.f32 v21, v17;
	v37 =	vld [tilespmem:s30+$0xB0]  }
0x1e4: {  	s4 =	spop (v2sf);
	v21 =	vld [tilespmem:s3+$0x0]  }
0x1e5: {  	s5 =	spop (v2sf);
	v22 =	vld [tilespmem:s4+$0x0];
	v17 =	vadd.f32 v18, v17;
	v18 =	vmul.f32 v19, v29  }
0x1e6: {  	v38 =	vld [tilespmem:s13+$0xB0];
	s15 =	spop (v2sf)  }
0x1e7: {  	v23 =	vld [tilespmem:s5+$0x0];
	s10 =	spop (v2sf);
	v17 =	vadd.f32 v18, v17  }
0x1e8: {  	v20 =	vbroadcast v25, $0x5;
	v45 =	vld [tilespmem:s12+$0xB0];
	v19 =	vbroadcast v25, $0x4;
	s7 =	spop (v2sf)  }
0x1e9: {  	v18 =	vbroadcast v25, $0x6;
	v39 =	vld [tilespmem:s7+$0x0];
	[tilespmem:s29+$0x150] =	vst v17  }
0x1ea: {  	v21 =	vmul.f32 v19, v21;
	v22 =	vmul.f32 v22, v20;
	v40 =	vld [tilespmem:s9+$0xE0]  }
0x1eb: {  	(v2sf) =	vpush v24, $0x3;
	v24 =	vld [tilespmem:s21+$0xE0]  }
0x1ec: {  	v41 =	vld [tilespmem:s15+$0x0];
	v17 =	vbroadcast v25, $0x7;
	v21 =	vadd.f32 v22, v21;
	v22 =	vmul.f32 v23, v18  }
0x1ed: {  	v23 =	vld [tilespmem:s11+$0xE0];
	s23 =	spop (v2sf)  }
0x1ee: {  	v25 =	vld [tilespmem:s10+$0x0];
	v21 =	vadd.f32 v22, v21;
	v39 =	vmul.f32 v39, v17;
	s24 =	spop (v2sf)  }
0x1ef: {  	v28 =	vmul.f32 v28, v59;
	v42 =	vld [tilespmem:s8+$0xE0];
	s22 =	spop (v2sf)  }
0x1f0: {  	v40 =	vmul.f32 v40, v31;
	v44 =	vmul.f32 v24, v32;
	v39 =	vadd.f32 v39, v21;
	s16 =	spop (v2sf);
	v43 =	vld [tilespmem:s22+$0x0]  }
0x1f1: {  	s1 =	simm.s32 $0xD860;
	v22 =	vbroadcast v27, $0x5;
	v24 =	vbroadcast v27, $0x4;
	v51 =	vld [tilespmem:s24+$0x0];
	s25 =	spop (v2sf)  }
0x1f2: {  	v21 =	vbroadcast v27, $0x6;
	v23 =	vmul.f32 v23, v30;
	v40 =	vadd.f32 v44, v40;
	[tilespmem:s1+$0x80] =	vst v39;
	v47 =	vld [tilespmem:s25+$0x0]  }
0x1f3: {  	v25 =	vmul.f32 v25, v22;
	v41 =	vmul.f32 v24, v41;
	v39 =	vld [tilespmem:s3+$0x10]  }
0x1f4: {  	v33 =	vmul.f32 v49, v12;
	v42 =	vmul.f32 v42, v29;
	v50 =	vld [tilespmem:s4+$0x10];
	v40 =	vadd.f32 v23, v40  }
0x1f5: {  	v44 =	vld [tilespmem:s23+$0x0];
	v23 =	vbroadcast v27, $0x7;
	v25 =	vadd.f32 v25, v41;
	v27 =	vmul.f32 v43, v21  }
0x1f6: {  	v34 =	vmul.f32 v34, v16;
	v28 =	vadd.f32 v33, v28;
	v48 =	vld [tilespmem:s5+$0x10];
	v40 =	vadd.f32 v42, v40  }
0x1f7: {  	v35 =	vmul.f32 v35, v60;
	v49 =	vld [tilespmem:s7+$0x10];
	v25 =	vadd.f32 v27, v25;
	v27 =	vmul.f32 v47, v23  }
0x1f8: {  	v34 =	vadd.f32 v34, v28;
	v36 =	vmul.f32 v36, v14;
	v37 =	vmul.f32 v37, v63;
	[tilespmem:s29+$0x160] =	vst v40;
	v40 =	vld [tilespmem:s16+$0x0]  }
0x1f9: {  	v50 =	vmul.f32 v50, v20;
	v33 =	vld [tilespmem:s9+$0xF0];
	v25 =	vadd.f32 v27, v25;
	v27 =	vmul.f32 v39, v19  }
0x1fa: {  	v37 =	vadd.f32 v37, v36;
	s9 =	spop (v2sf);
	v36 =	vld [tilespmem:s8+$0xF0]  }
0x1fb: {  	v34 =	vadd.f32 v35, v34;
	v41 =	vld [tilespmem:s9+$0x0];
	[tilespmem:s1+$0xFFFFFE80] =	vst v25;
	v25 =	vmul.f32 v48, v18;
	v39 =	vadd.f32 v50, v27  }
0x1fc: {  	v28 =	vbroadcast v26, $0x4;
	v42 =	vld [tilespmem:s15+$0x10]  }
0x1fd: {  	[tilespmem:s29+$0x20] =	vst v34;
	v47 =	vmul.f32 v49, v17;
	v27 =	vbroadcast v26, $0x5;
	v35 =	vld [tilespmem:s10+$0x10];
	v39 =	vadd.f32 v25, v39  }
0x1fe: {  	v44 =	vmul.f32 v28, v44;
	v48 =	vld [tilespmem:s2+$0xB0]  }
0x1ff: {  	v46 =	vld [tilespmem:s22+$0x10];
	v25 =	vbroadcast v26, $0x6;
	v43 =	vmul.f32 v51, v27;
	v39 =	vadd.f32 v47, v39  }
0x200: {  	v34 =	vld [tilespmem:s25+$0x10]  }
0x201: {  	v26 =	vbroadcast v26, $0x7;
	v47 =	vld [tilespmem:s14+$0xB0];
	v43 =	vadd.f32 v43, v44;
	v40 =	vmul.f32 v40, v25;
	[tilespmem:s1+$0x90] =	vst v39  }
0x202: {  	v42 =	vmul.f32 v42, v24;
	v35 =	vmul.f32 v35, v22;
	v44 =	vld [tilespmem:s3+$0x20]  }
0x203: {  	v41 =	vmul.f32 v41, v26;
	v40 =	vadd.f32 v40, v43;
	v43 =	vld [tilespmem:s4+$0x20]  }
0x204: {  	v39 =	vld [tilespmem:s6+$0xB0];
	v46 =	vmul.f32 v46, v21;
	v42 =	vadd.f32 v35, v42  }
0x205: {  	v40 =	vadd.f32 v41, v40;
	v41 =	vld [tilespmem:s5+$0x20]  }
0x206: {  	v49 =	vmul.f32 v34, v23;
	v34 =	vld [tilespmem:s11+$0xF0];
	v42 =	vadd.f32 v46, v42  }
0x207: {  	[tilespmem:s1+$0xFFFFFF80] =	vst v40;
	v40 =	vld [tilespmem:s7+$0x20]  }
0x208: {  	v46 =	vld [tilespmem:s23+$0x10];
	v42 =	vadd.f32 v49, v42;
	v44 =	vmul.f32 v44, v19;
	v43 =	vmul.f32 v43, v20  }
0x209: {  	v49 =	vld [tilespmem:s24+$0x10]  }
0x20a: {  	v41 =	vmul.f32 v41, v18;
	[tilespmem:s1+$0xFFFFFE90] =	vst v42;
	v51 =	vadd.f32 v43, v44;
	v43 =	vld [tilespmem:s16+$0x10]  }
0x20b: {  	v44 =	vld [tilespmem:s15+$0x20]  }
0x20c: {  	v40 =	vmul.f32 v40, v17;
	v42 =	vld [tilespmem:s10+$0x20];
	v41 =	vadd.f32 v41, v51  }
0x20d: {  	v38 =	vmul.f32 v38, v61;
	v50 =	vld [tilespmem:s9+$0x10]  }
0x20e: {  	v46 =	vmul.f32 v46, v28;
	v49 =	vmul.f32 v49, v27;
	v40 =	vadd.f32 v40, v41;
	v41 =	vld [tilespmem:s22+$0x20]  }
0x20f: {  	v45 =	vmul.f32 v45, v62;
	v35 =	vld [tilespmem:s21+$0xF0]  }
0x210: {  	v37 =	vadd.f32 v38, v37;
	v38 =	vld [tilespmem:s25+$0x20];
	v43 =	vmul.f32 v43, v25;
	v49 =	vadd.f32 v49, v46;
	[tilespmem:s1+$0xA0] =	vst v40  }
0x211: {  	v44 =	vmul.f32 v44, v24;
	v42 =	vmul.f32 v42, v22;
	v46 =	vld [tilespmem:s3+$0x30]  }
0x212: {  	v37 =	vadd.f32 v45, v37;
	v45 =	vmul.f32 v50, v26;
	v40 =	vadd.f32 v43, v49;
	v43 =	vld [tilespmem:s4+$0x30]  }
0x213: {  	v49 =	vld [tilespmem:s31+$0xB0];
	v42 =	vadd.f32 v42, v44;
	v41 =	vmul.f32 v41, v21  }
0x214: {  	v51 =	vadd.f32 v45, v40;
	v40 =	vld [tilespmem:s5+$0x30]  }
0x215: {  	[tilespmem:s29+$0xFFFFFF30] =	vst v37;
	v38 =	vmul.f32 v38, v23;
	v37 =	vld [tilespmem:s7+$0x30];
	v41 =	vadd.f32 v41, v42  }
0x216: {  	v44 =	vld [tilespmem:s0+$0xC0];
	[tilespmem:s1+$0xFFFFFF90] =	vst v51  }
0x217: {  	v42 =	vld [tilespmem:s23+$0x20];
	v45 =	vmul.f32 v46, v19;
	v43 =	vmul.f32 v43, v20;
	v38 =	vadd.f32 v38, v41  }
0x218: {  	v46 =	vmul.f32 v48, v12;
	v41 =	vmul.f32 v47, v59;
	v47 =	vld [tilespmem:s24+$0x20]  }
0x219: {  	v48 =	vld [tilespmem:s16+$0x20];
	v43 =	vadd.f32 v43, v45;
	v40 =	vmul.f32 v40, v18;
	[tilespmem:s1+$0xFFFFFEA0] =	vst v38  }
0x21a: {  	v45 =	vmul.f32 v39, v16;
	v46 =	vadd.f32 v46, v41;
	v41 =	vld [tilespmem:s15+$0x30]  }
0x21b: {  	v37 =	vmul.f32 v37, v17;
	v40 =	vadd.f32 v40, v43;
	v43 =	vld [tilespmem:s10+$0x30]  }
0x21c: {  	v50 =	vmul.f32 v49, v60;
	v38 =	vadd.f32 v45, v46;
	v45 =	vld [tilespmem:s9+$0x20]  }
0x21d: {  	v42 =	vmul.f32 v42, v28;
	v46 =	vld [tilespmem:s22+$0x30];
	v47 =	vmul.f32 v47, v27;
	v37 =	vadd.f32 v37, v40  }
0x21e: {  	v39 =	vld [tilespmem:s25+$0x30]  }
0x21f: {  	v48 =	vmul.f32 v48, v25;
	v40 =	vld [tilespmem:s30+$0xC0];
	v38 =	vadd.f32 v50, v38;
	v42 =	vadd.f32 v47, v42;
	[tilespmem:s1+$0xB0] =	vst v37  }
0x220: {  	v37 =	vmul.f32 v41, v24;
	v51 =	vld [tilespmem:s3+$0x40];
	v43 =	vmul.f32 v43, v22  }
0x221: {  	[tilespmem:s29+$0x30] =	vst v38;
	v50 =	vld [tilespmem:s4+$0x40];
	v49 =	vmul.f32 v45, v26;
	v42 =	vadd.f32 v48, v42  }
0x222: {  	v47 =	vld [tilespmem:s14+$0xC0];
	v46 =	vmul.f32 v46, v21;
	v37 =	vadd.f32 v43, v37  }
0x223: {  	v38 =	vadd.f32 v49, v42;
	v42 =	vld [tilespmem:s5+$0x40]  }
0x224: {  	v39 =	vmul.f32 v39, v23;
	v43 =	vld [tilespmem:s2+$0xC0];
	v37 =	vadd.f32 v46, v37  }
0x225: {  	[tilespmem:s1+$0xFFFFFFA0] =	vst v38;
	v38 =	vld [tilespmem:s7+$0x40]  }
0x226: {  	v41 =	vmul.f32 v51, v19;
	v45 =	vmul.f32 v50, v20;
	v46 =	vld [tilespmem:s23+$0x30];
	v37 =	vadd.f32 v39, v37  }
0x227: {  	v39 =	vld [tilespmem:s24+$0x30]  }
0x228: {  	v48 =	vld [tilespmem:s16+$0x30];
	v41 =	vadd.f32 v45, v41;
	v42 =	vmul.f32 v42, v18;
	[tilespmem:s1+$0xFFFFFEB0] =	vst v37  }
0x229: {  	v37 =	vld [tilespmem:s15+$0x40]  }
0x22a: {  	v41 =	vadd.f32 v42, v41;
	v38 =	vmul.f32 v38, v17;
	v42 =	vld [tilespmem:s10+$0x40]  }
0x22b: {  	v45 =	vld [tilespmem:s9+$0x30]  }
0x22c: {  	v49 =	vld [tilespmem:s22+$0x40];
	v46 =	vmul.f32 v46, v28;
	v39 =	vmul.f32 v39, v27;
	v38 =	vadd.f32 v38, v41  }
0x22d: {  	v50 =	vld [tilespmem:s25+$0x40]  }
0x22e: {  	v48 =	vmul.f32 v48, v25;
	v41 =	vld [tilespmem:s13+$0xC0];
	v39 =	vadd.f32 v39, v46;
	[tilespmem:s1+$0xC0] =	vst v38  }
0x22f: {  	v37 =	vmul.f32 v37, v24;
	v38 =	vld [tilespmem:s3+$0x50];
	v42 =	vmul.f32 v42, v22  }
0x230: {  	v45 =	vmul.f32 v45, v26;
	v39 =	vadd.f32 v48, v39;
	v46 =	vld [tilespmem:s4+$0x50]  }
0x231: {  	v49 =	vmul.f32 v49, v21;
	v48 =	vld [tilespmem:s6+$0xC0];
	v37 =	vadd.f32 v42, v37  }
0x232: {  	v39 =	vadd.f32 v45, v39;
	v42 =	vld [tilespmem:s5+$0x50]  }
0x233: {  	v50 =	vmul.f32 v50, v23;
	v45 =	vld [tilespmem:s12+$0xC0];
	v37 =	vadd.f32 v49, v37  }
0x234: {  	[tilespmem:s1+$0xFFFFFFB0] =	vst v39;
	v39 =	vld [tilespmem:s7+$0x50]  }
0x235: {  	v49 =	vld [tilespmem:s23+$0x40];
	v38 =	vmul.f32 v38, v19;
	v46 =	vmul.f32 v46, v20;
	v37 =	vadd.f32 v50, v37  }
0x236: {  	v44 =	vmul.f32 v44, v14;
	v40 =	vmul.f32 v40, v63;
	v50 =	vld [tilespmem:s24+$0x40]  }
0x237: {  	v38 =	vadd.f32 v46, v38;
	v46 =	vld [tilespmem:s16+$0x40];
	v42 =	vmul.f32 v42, v18;
	[tilespmem:s1+$0xFFFFFEC0] =	vst v37  }
0x238: {  	v51 =	vmul.f32 v41, v61;
	v37 =	vadd.f32 v40, v44;
	v41 =	vld [tilespmem:s15+$0x50]  }
0x239: {  	v38 =	vadd.f32 v42, v38;
	v39 =	vmul.f32 v39, v17;
	v42 =	vld [tilespmem:s10+$0x50]  }
0x23a: {  	v40 =	vmul.f32 v45, v62;
	v44 =	vld [tilespmem:s9+$0x40];
	v37 =	vadd.f32 v51, v37  }
0x23b: {  	v45 =	vmul.f32 v49, v28;
	v49 =	vld [tilespmem:s22+$0x50];
	v50 =	vmul.f32 v50, v27;
	v38 =	vadd.f32 v39, v38  }
0x23c: {  	v39 =	vld [tilespmem:s31+$0xC0]  }
0x23d: {  	v37 =	vadd.f32 v40, v37;
	v40 =	vld [tilespmem:s25+$0x50];
	v46 =	vmul.f32 v46, v25;
	v45 =	vadd.f32 v50, v45;
	[tilespmem:s1+$0xD0] =	vst v38  }
0x23e: {  	v38 =	vmul.f32 v41, v24;
	v41 =	vld [tilespmem:s3+$0x60];
	v42 =	vmul.f32 v42, v22  }
0x23f: {  	[tilespmem:s29+$0xFFFFFF40] =	vst v37;
	v37 =	vmul.f32 v44, v26;
	v44 =	vadd.f32 v46, v45;
	v45 =	vld [tilespmem:s4+$0x60]  }
0x240: {  	v46 =	vld [tilespmem:s0+$0xD0];
	v49 =	vmul.f32 v49, v21;
	v38 =	vadd.f32 v42, v38  }
0x241: {  	v43 =	vmul.f32 v43, v12;
	v51 =	vmul.f32 v47, v59;
	v37 =	vadd.f32 v37, v44;
	v44 =	vld [tilespmem:s5+$0x60]  }
0x242: {  	v47 =	vld [tilespmem:s30+$0xD0];
	v40 =	vmul.f32 v40, v23;
	v38 =	vadd.f32 v49, v38  }
0x243: {  	v42 =	vadd.f32 v43, v51;
	v43 =	vmul.f32 v48, v16;
	[tilespmem:s1+$0xFFFFFFC0] =	vst v37;
	v37 =	vld [tilespmem:s7+$0x60]  }
0x244: {  	v41 =	vmul.f32 v41, v19;
	v48 =	vld [tilespmem:s23+$0x50];
	v45 =	vmul.f32 v45, v20;
	v38 =	vadd.f32 v40, v38  }
0x245: {  	v39 =	vmul.f32 v39, v60;
	v50 =	vld [tilespmem:s24+$0x50]  }
0x246: {  	v49 =	vadd.f32 v43, v42;
	v43 =	vld [tilespmem:s16+$0x50];
	v41 =	vadd.f32 v45, v41;
	v44 =	vmul.f32 v44, v18;
	[tilespmem:s1+$0xFFFFFED0] =	vst v38  }
0x247: {  	v38 =	vld [tilespmem:s15+$0x60]  }
0x248: {  	v39 =	vadd.f32 v39, v49;
	v51 =	vadd.f32 v44, v41;
	v37 =	vmul.f32 v37, v17;
	v41 =	vld [tilespmem:s10+$0x60]  }
0x249: {  	v44 =	vld [tilespmem:s9+$0x50]  }
0x24a: {  	[tilespmem:s29+$0x40] =	vst v39;
	v45 =	vld [tilespmem:s22+$0x60];
	v39 =	vmul.f32 v48, v28;
	v42 =	vmul.f32 v50, v27;
	v37 =	vadd.f32 v37, v51  }
0x24b: {  	v40 =	vld [tilespmem:s14+$0xD0]  }
0x24c: {  	v48 =	vld [tilespmem:s25+$0x60];
	v43 =	vmul.f32 v43, v25;
	v39 =	vadd.f32 v42, v39;
	[tilespmem:s1+$0xE0] =	vst v37  }
0x24d: {  	v49 =	vmul.f32 v38, v24;
	v38 =	vld [tilespmem:s3+$0x70];
	v41 =	vmul.f32 v41, v22  }
0x24e: {  	v50 =	vmul.f32 v44, v26;
	v39 =	vadd.f32 v43, v39;
	v43 =	vld [tilespmem:s4+$0x70]  }
0x24f: {  	v42 =	vld [tilespmem:s13+$0xD0];
	v45 =	vmul.f32 v45, v21;
	v37 =	vadd.f32 v41, v49  }
0x250: {  	v39 =	vadd.f32 v50, v39;
	v41 =	vld [tilespmem:s5+$0x70]  }
0x251: {  	v44 =	vld [tilespmem:s2+$0xD0];
	v48 =	vmul.f32 v48, v23;
	v37 =	vadd.f32 v45, v37  }
0x252: {  	[tilespmem:s1+$0xFFFFFFD0] =	vst v39;
	v39 =	vld [tilespmem:s7+$0x70]  }
0x253: {  	v45 =	vld [tilespmem:s23+$0x60];
	v38 =	vmul.f32 v38, v19;
	v43 =	vmul.f32 v43, v20;
	v37 =	vadd.f32 v48, v37  }
0x254: {  	v48 =	vld [tilespmem:s24+$0x60]  }
0x255: {  	v49 =	vld [tilespmem:s16+$0x60];
	v38 =	vadd.f32 v43, v38;
	v41 =	vmul.f32 v41, v18;
	[tilespmem:s1+$0xFFFFFEE0] =	vst v37  }
0x256: {  	v37 =	vld [tilespmem:s15+$0x70]  }
0x257: {  	v38 =	vadd.f32 v41, v38;
	v39 =	vmul.f32 v39, v17;
	v41 =	vld [tilespmem:s10+$0x70]  }
0x258: {  	v43 =	vld [tilespmem:s9+$0x60]  }
0x259: {  	v50 =	vld [tilespmem:s22+$0x70];
	v45 =	vmul.f32 v45, v28;
	v48 =	vmul.f32 v48, v27;
	v38 =	vadd.f32 v39, v38  }
0x25a: {  	v39 =	vld [tilespmem:s6+$0xD0]  }
0x25b: {  	v49 =	vmul.f32 v49, v25;
	v45 =	vadd.f32 v48, v45;
	v48 =	vld [tilespmem:s25+$0x70];
	[tilespmem:s1+$0xF0] =	vst v38  }
0x25c: {  	v37 =	vmul.f32 v37, v24;
	v38 =	vld [tilespmem:s3+$0x80];
	v41 =	vmul.f32 v41, v22  }
0x25d: {  	v43 =	vmul.f32 v43, v26;
	v45 =	vadd.f32 v49, v45;
	v49 =	vld [tilespmem:s4+$0x80]  }
0x25e: {  	v50 =	vmul.f32 v50, v21;
	v37 =	vadd.f32 v41, v37;
	v41 =	vld [tilespmem:s12+$0xD0]  }
0x25f: {  	v43 =	vadd.f32 v43, v45;
	v45 =	vld [tilespmem:s5+$0x80]  }
0x260: {  	v37 =	vadd.f32 v50, v37;
	v50 =	vld [tilespmem:s31+$0xD0];
	v48 =	vmul.f32 v48, v23  }
0x261: {  	v46 =	vmul.f32 v46, v14;
	v47 =	vmul.f32 v47, v63;
	[tilespmem:s1+$0xFFFFFFE0] =	vst v43;
	v43 =	vld [tilespmem:s7+$0x80]  }
0x262: {  	v38 =	vmul.f32 v38, v19;
	v37 =	vadd.f32 v48, v37;
	v48 =	vld [tilespmem:s23+$0x70];
	v49 =	vmul.f32 v49, v20  }
0x263: {  	v46 =	vadd.f32 v47, v46;
	v42 =	vmul.f32 v42, v61;
	v51 =	vld [tilespmem:s24+$0x70]  }
0x264: {  	v40 =	vmul.f32 v40, v59;
	v38 =	vadd.f32 v49, v38;
	[tilespmem:s1+$0xFFFFFEF0] =	vst v37;
	v37 =	vld [tilespmem:s16+$0x70];
	v45 =	vmul.f32 v45, v18  }
0x265: {  	v44 =	vmul.f32 v44, v12;
	v42 =	vadd.f32 v42, v46;
	v41 =	vmul.f32 v41, v62;
	v46 =	vld [tilespmem:s15+$0x80]  }
0x266: {  	v38 =	vadd.f32 v45, v38;
	v43 =	vmul.f32 v43, v17;
	v45 =	vld [tilespmem:s10+$0x80]  }
0x267: {  	v40 =	vadd.f32 v44, v40;
	v39 =	vmul.f32 v39, v16;
	v41 =	vadd.f32 v41, v42;
	v42 =	vld [tilespmem:s9+$0x70]  }
0x268: {  	v49 =	vld [tilespmem:s22+$0x80];
	v48 =	vmul.f32 v48, v28;
	v47 =	vmul.f32 v51, v27;
	v38 =	vadd.f32 v43, v38  }
0x269: {  	v39 =	vadd.f32 v39, v40;
	v40 =	vld [tilespmem:s25+$0x80];
	[tilespmem:s29+$0xFFFFFF50] =	vst v41  }
0x26a: {  	v51 =	vmul.f32 v50, v60;
	v37 =	vmul.f32 v37, v25;
	v44 =	vadd.f32 v47, v48;
	[tilespmem:s1+$0x100] =	vst v38;
	v38 =	vld [tilespmem:s0+$0xE0]  }
0x26b: {  	v46 =	vmul.f32 v46, v24;
	v47 =	vld [tilespmem:s3+$0x90];
	v45 =	vmul.f32 v45, v22  }
0x26c: {  	v48 =	vmul.f32 v42, v26;
	v37 =	vadd.f32 v37, v44;
	v42 =	vld [tilespmem:s4+$0x90]  }
0x26d: {  	v39 =	vadd.f32 v51, v39;
	v43 =	vmul.f32 v49, v21;
	v44 =	vld [tilespmem:s30+$0xE0];
	v45 =	vadd.f32 v45, v46  }
0x26e: {  	v49 =	vld [tilespmem:s5+$0x90];
	v37 =	vadd.f32 v48, v37  }
0x26f: {  	v40 =	vmul.f32 v40, v23;
	[tilespmem:s29+$0x50] =	vst v39;
	v50 =	vld [tilespmem:s7+$0x90];
	v43 =	vadd.f32 v43, v45  }
0x270: {  	v41 =	vld [tilespmem:s14+$0xE0];
	[tilespmem:s1+$0xFFFFFFF0] =	vst v37  }
0x271: {  	v51 =	vld [tilespmem:s23+$0x80];
	v48 =	vmul.f32 v47, v19;
	v42 =	vmul.f32 v42, v20;
	v40 =	vadd.f32 v40, v43  }
0x272: {  	v43 =	vld [tilespmem:s24+$0x80]  }
0x273: {  	v47 =	vld [tilespmem:s16+$0x80];
	v39 =	vmul.f32 v49, v18;
	v42 =	vadd.f32 v42, v48;
	[tilespmem:s1+$0xFFFFFF00] =	vst v40  }
0x274: {  	v40 =	vld [tilespmem:s15+$0x90]  }
0x275: {  	v37 =	vmul.f32 v50, v17;
	v39 =	vadd.f32 v39, v42;
	v42 =	vld [tilespmem:s10+$0x90]  }
0x276: {  	v46 =	vld [tilespmem:s9+$0x80]  }
0x277: {  	v48 =	vld [tilespmem:s22+$0x90];
	v45 =	vmul.f32 v51, v28;
	v43 =	vmul.f32 v43, v27;
	v37 =	vadd.f32 v37, v39  }
0x278: {  	v39 =	vld [tilespmem:s25+$0x90]  }
0x279: {  	v47 =	vmul.f32 v47, v25;
	v43 =	vadd.f32 v43, v45;
	[tilespmem:s1+$0x110] =	vst v37;
	v37 =	vld [tilespmem:s2+$0xE0]  }
0x27a: {  	v40 =	vmul.f32 v40, v24;
	v45 =	vld [tilespmem:s3+$0xA0];
	v42 =	vmul.f32 v42, v22  }
0x27b: {  	v46 =	vmul.f32 v46, v26;
	v43 =	vadd.f32 v47, v43;
	v47 =	vld [tilespmem:s4+$0xA0]  }
0x27c: {  	v31 =	vmul.f32 v33, v31;
	v48 =	vmul.f32 v48, v21;
	v33 =	vld [tilespmem:s7+$0xA0];
	v40 =	vadd.f32 v42, v40  }
0x27d: {  	v32 =	vmul.f32 v35, v32;
	v43 =	vadd.f32 v46, v43;
	v46 =	vld [tilespmem:s5+$0xA0]  }
0x27e: {  	v42 =	vld [tilespmem:s13+$0xE0];
	v39 =	vmul.f32 v39, v23;
	v40 =	vadd.f32 v48, v40  }
0x27f: {  	v30 =	vmul.f32 v34, v30;
	v31 =	vadd.f32 v32, v31;
	v48 =	vld [tilespmem:s6+$0xE0];
	[tilespmem:s1+$0x0] =	vst v43  }
0x280: {  	v50 =	vmul.f32 v45, v19;
	v49 =	vadd.f32 v39, v40;
	v39 =	vld [tilespmem:s23+$0x90];
	v51 =	vmul.f32 v47, v20  }
0x281: {  	v29 =	vmul.f32 v36, v29;
	v32 =	vld [tilespmem:s24+$0x90]  }
0x282: {  	v30 =	vadd.f32 v30, v31;
	v35 =	vld [tilespmem:s16+$0x90];
	v45 =	vadd.f32 v51, v50;
	v47 =	vmul.f32 v46, v18  }
0x283: {  	v33 =	vmul.f32 v33, v17;
	[tilespmem:s1+$0xFFFFFF10] =	vst v49;
	v51 =	vld [tilespmem:s9+$0x90]  }
0x284: {  	v40 =	vadd.f32 v29, v30;
	v29 =	vmul.f32 v44, v63;
	v31 =	vld [tilespmem:s15+$0xA0];
	v34 =	vadd.f32 v47, v45  }
0x285: {  	v30 =	vmul.f32 v41, v59;
	v49 =	vmul.f32 v38, v14;
	v50 =	vld [tilespmem:s10+$0xA0]  }
0x286: {  	v43 =	vld [tilespmem:s22+$0xA0];
	v39 =	vmul.f32 v39, v28;
	v32 =	vmul.f32 v32, v27;
	v33 =	vadd.f32 v33, v34  }
0x287: {  	v46 =	vmul.f32 v42, v61;
	v45 =	vmul.f32 v37, v12;
	v47 =	vld [tilespmem:s25+$0xA0]  }
0x288: {  	v48 =	vmul.f32 v48, v16;
	v35 =	vmul.f32 v35, v25;
	v39 =	vadd.f32 v32, v39;
	v32 =	vld [tilespmem:s12+$0xE0];
	[tilespmem:s1+$0x120] =	vst v33  }
0x289: {  	v29 =	vadd.f32 v29, v49;
	v49 =	vadd.f32 v45, v30;
	v31 =	vmul.f32 v31, v24;
	v34 =	vld [tilespmem:s3+$0xB0]  }
0x28a: {  	v38 =	vmul.f32 v50, v22;
	v50 =	vmul.f32 v51, v26;
	v51 =	vadd.f32 v35, v39;
	v35 =	vld [tilespmem:s4+$0xB0]  }
0x28b: {  	v30 =	vadd.f32 v46, v29;
	v29 =	vadd.f32 v48, v49;
	v33 =	vld [tilespmem:s31+$0xE0];
	v39 =	vmul.f32 v43, v21  }
0x28c: {  	s8 =	simm.s32 $0xD860;
	s11 =	simm.s32 $0x13770;
	s21 =	simm.s32 $0x3;
	[tilespmem:s29+$0x170] =	vst v40;
	v37 =	vmul.f32 v47, v23;
	v36 =	vld [tilespmem:s5+$0xB0];
	v38 =	vadd.f32 v38, v31;
	v40 =	vadd.f32 v50, v51  }
.LBB2_3:
0x28d: {  	v31 =	vld [tilespmem:s11+$0x0];
	v32 =	vmul.f32 v32, v62  }
0x28e: {  	v38 =	vadd.f32 v39, v38;
	[tilespmem:s1+$0x10] =	vst v40;
	v39 =	vld [tilespmem:s7+$0xB0]  }
0x28f: {  	v34 =	vmul.f32 v34, v19;
	v40 =	vld [tilespmem:s11+$0xFFFFFFF8];
	v35 =	vmul.f32 v35, v20;
	v30 =	vadd.f32 v32, v30  }
0x290: {  	v32 =	vld [tilespmem:s11+$0xFFFFFFF0];
	v37 =	vadd.f32 v37, v38;
	v33 =	vmul.f32 v33, v60  }
0x291: {  	v38 =	vld [tilespmem:s23+$0xA0];
	v34 =	vadd.f32 v35, v34;
	v35 =	vmul.f32 v36, v18;
	[tilespmem:s29+$0xFFFFFF60] =	vst v30  }
0x292: {  	v30 =	vshll.u32 v31, $0xA;
	[tilespmem:s1+$0xFFFFFF20] =	vst v37;
	v36 =	vld [tilespmem:s24+$0xA0];
	v29 =	vadd.f32 v33, v29  }
0x293: {  	v30 =	vshra.s32 v30, $0x2;
	v33 =	vld [tilespmem:s16+$0xA0];
	v34 =	vadd.f32 v35, v34;
	v35 =	vmul.f32 v39, v17  }
0x294: {  	v37 =	vbroadcast v40, $0x4;
	v39 =	vshll.u32 v40, $0xA;
	(v2sf) =	vpush v30, $0x0;
	v41 =	vld [tilespmem:s9+$0xA0];
	[tilespmem:s29+$0x60] =	vst v29  }
0x295: {  	v29 =	vshll.u32 v32, $0xA;
	(v2sf) =	vpush v30, $0x1;
	v42 =	vld [tilespmem:s15+$0xB0];
	v34 =	vadd.f32 v35, v34  }
0x296: {  	v39 =	vshra.s32 v39, $0x2;
	v35 =	vshra.s32 v29, $0x2;
	(v2sf) =	vpush v30, $0x2;
	v43 =	vld [tilespmem:s10+$0xB0]  }
0x297: {  	v44 =	vbroadcast v32, $0x4;
	v45 =	vbroadcast v32, $0x5;
	(v2sf) =	vpush v35, $0x0;
	v46 =	vld [tilespmem:s22+$0xB0];
	[tilespmem:s1+$0x130] =	vst v34  }
0x298: {  	v47 =	vbroadcast v40, $0x5;
	v34 =	vbroadcast v32, $0x6;
	(v2sf) =	vpush v35, $0x1;
	v48 =	vld [tilespmem:s3+$0xC0]  }
0x299: {  	v49 =	vbroadcast v32, $0x7;
	v32 =	vbroadcast v40, $0x6;
	(v2sf) =	vpush v30, $0x3;
	v30 =	vld [tilespmem:s4+$0xC0]  }
0x29a: {  	v29 =	vbroadcast v40, $0x7;
	v38 =	vmul.f32 v38, v28;
	(v2sf) =	vpush v39, $0x0;
	v40 =	vld [tilespmem:s25+$0xB0]  }
0x29b: {  	v36 =	vmul.f32 v36, v27;
	v33 =	vmul.f32 v33, v25;
	(v2sf) =	vpush v39, $0x1;
	v50 =	vld [tilespmem:s5+$0xC0]  }
0x29c: {  	v41 =	vmul.f32 v41, v26;
	v42 =	vmul.f32 v42, v24;
	(v2sf) =	vpush v35, $0x2;
	v51 =	vld [tilespmem:s0+$0xF0];
	s0 =	smov.u32 s15  }
0x29d: {  	v36 =	vadd.f32 v36, v38;
	v43 =	vmul.f32 v43, v22;
	(v2sf) =	vpush v39, $0x2;
	v38 =	vld [tilespmem:s7+$0xC0]  }
0x29e: {  	(v2sf) =	vpush v35, $0x3;
	v35 =	vmul.f32 v48, v19;
	v30 =	vmul.f32 v30, v20;
	v48 =	vld [tilespmem:s30+$0xF0];
	s30 =	smov.u32 s10  }
0x29f: {  	v33 =	vadd.f32 v33, v36;
	(v2sf) =	vpush v39, $0x3;
	v39 =	vmul.f32 v46, v21;
	v36 =	vld [tilespmem:s14+$0xF0];
	s14 =	smov.u32 s23  }
0x2a0: {  	s21 =	sadd.s32 $0x3, s21;
	v42 =	vadd.f32 v43, v42;
	v30 =	vadd.f32 v30, v35;
	v35 =	vmul.f32 v50, v18;
	v43 =	vld [tilespmem:s2+$0xF0];
	s2 =	smov.u32 s24  }
0x2a1: {  	p1 =	slt.u32 s21, $0x2D;
	v33 =	vadd.f32 v41, v33;
	v40 =	vmul.f32 v40, v23;
	v41 =	vmul.f32 v51, v14;
	v46 =	vld [tilespmem:s13+$0xF0];
	v14 =	vmovc v24;
	s13 =	smov.u32 s22  }
0x2a2: {  	v39 =	vadd.f32 v39, v42;
	v24 =	vmovc v44;
	v30 =	vadd.f32 v35, v30;
	v35 =	vmul.f32 v38, v17;
	v38 =	vld [tilespmem:s6+$0xF0];
	s6 =	smov.u32 s16  }
0x2a3: {  	s28 =	spop (v2sf);
	[tilespmem:s1+$0x20] =	vst v33;
	v33 =	vmul.f32 v48, v63;
	v42 =	vld [tilespmem:s12+$0xF0];
	v63 =	vmov v22;
	v22 =	vmov v45;
	s12 =	smov.u32 s25  }
0x2a4: {  	v39 =	vadd.f32 v40, v39;
	v44 =	vld [tilespmem:s28+$0x0];
	s17 =	spop (v2sf);
	v30 =	vadd.f32 v35, v30;
	v35 =	vmul.f32 v36, v59;
	v59 =	vmovc v28  }
0x2a5: {  	v28 =	vmovc v37;
	v36 =	vld [tilespmem:s17+$0x0];
	s26 =	spop (v2sf);
	v40 =	vadd.f32 v33, v41;
	v33 =	vmul.f32 v43, v12;
	v12 =	vmovc v27;
	v27 =	vmov v47  }
0x2a6: {  	v37 =	vld [tilespmem:s26+$0x0];
	s15 =	spop (v2sf);
	[tilespmem:s1+$0x140] =	vst v30;
	v30 =	vmul.f32 v46, v61;
	v61 =	vmov v21;
	v21 =	vmov v34  }
0x2a7: {  	s10 =	spop (v2sf);
	[tilespmem:s1+$0xFFFFFF30] =	vst v39;
	v39 =	vld [tilespmem:s3+$0xD0];
	v35 =	vadd.f32 v33, v35;
	v38 =	vmul.f32 v38, v16;
	v16 =	vmovc v25;
	v25 =	vmov v32  }
0x2a8: {  	v34 =	vbroadcast v31, $0x5;
	v33 =	vbroadcast v31, $0x4;
	s18 =	spop (v2sf);
	v41 =	vld [tilespmem:s4+$0xD0];
	v40 =	vadd.f32 v30, v40  }
0x2a9: {  	v32 =	vbroadcast v31, $0x6;
	v42 =	vmul.f32 v42, v62;
	v62 =	vmovc v23;
	v23 =	vmovc v49;
	v43 =	vld [tilespmem:s18+$0x0];
	s23 =	spop (v2sf);
	v30 =	vadd.f32 v38, v35  }
0x2aa: {  	v35 =	vmul.f32 v33, v44;
	v36 =	vmul.f32 v36, v34;
	s24 =	spop (v2sf);
	v38 =	vld [tilespmem:s5+$0xD0]  }
0x2ab: {  	v40 =	vadd.f32 v42, v40;
	v44 =	vld [tilespmem:s15+$0x0];
	s22 =	spop (v2sf)  }
0x2ac: {  	v31 =	vbroadcast v31, $0x7;
	v35 =	vadd.f32 v36, v35;
	v36 =	vmul.f32 v37, v32;
	s16 =	spop (v2sf);
	v37 =	vld [tilespmem:s7+$0xD0]  }
0x2ad: {  	v39 =	vmul.f32 v39, v19;
	v42 =	vld [tilespmem:s10+$0x0];
	s25 =	spop (v2sf);
	v41 =	vmul.f32 v41, v20;
	[tilespmem:s29+$0xFFFFFF70] =	vst v40  }
0x2ae: {  	v40 =	vld [tilespmem:s23+$0x0];
	v35 =	vadd.f32 v36, v35;
	v36 =	vmul.f32 v43, v31;
	s20 =	spop (v2sf)  }
0x2af: {  	v43 =	vld [tilespmem:s24+$0x0];
	v39 =	vadd.f32 v41, v39;
	v38 =	vmul.f32 v38, v18  }
0x2b0: {  	v41 =	vmul.f32 v24, v44;
	v44 =	vld [tilespmem:s22+$0x0];
	v35 =	vadd.f32 v36, v35  }
0x2b1: {  	s1 =	sadd.s32 $0x300, s1;
	v36 =	vld [tilespmem:s16+$0x0];
	v38 =	vadd.f32 v38, v39;
	v37 =	vmul.f32 v37, v17  }
0x2b2: {  	v39 =	vmul.f32 v42, v22;
	v42 =	vld [tilespmem:s25+$0x0];
	[tilespmem:s1+$0x80] =	vst v35  }
0x2b3: {  	v35 =	vmul.f32 v28, v40;
	v40 =	vld [tilespmem:s26+$0x10];
	v37 =	vadd.f32 v37, v38  }
0x2b4: {  	v38 =	vadd.f32 v39, v41;
	v39 =	vmul.f32 v43, v27;
	v41 =	vld [tilespmem:s28+$0x10]  }
0x2b5: {  	v43 =	vmul.f32 v44, v21;
	v44 =	vld [tilespmem:s17+$0x10];
	[tilespmem:s8+$0x150] =	vst v37  }
0x2b6: {  	v35 =	vadd.f32 v39, v35;
	v36 =	vmul.f32 v36, v25;
	v37 =	vld [tilespmem:s3+$0xE0]  }
0x2b7: {  	v38 =	vadd.f32 v43, v38;
	v39 =	vmul.f32 v42, v23;
	v42 =	vld [tilespmem:s4+$0xE0]  }
0x2b8: {  	v35 =	vadd.f32 v36, v35;
	v36 =	vld [tilespmem:s18+$0x10]  }
0x2b9: {  	v38 =	vadd.f32 v39, v38;
	v39 =	vld [tilespmem:s5+$0xE0]  }
0x2ba: {  	v41 =	vmul.f32 v41, v33;
	v43 =	vld [tilespmem:s20+$0x0];
	v44 =	vmul.f32 v44, v34  }
0x2bb: {  	[tilespmem:s1+$0xFFFFFE80] =	vst v38;
	v38 =	vmul.f32 v40, v32;
	v40 =	vld [tilespmem:s7+$0xE0]  }
0x2bc: {  	v37 =	vmul.f32 v37, v19;
	v45 =	vld [tilespmem:s15+$0x10];
	v41 =	vadd.f32 v44, v41;
	v42 =	vmul.f32 v42, v20  }
0x2bd: {  	v44 =	vld [tilespmem:s10+$0x10];
	v36 =	vmul.f32 v36, v31  }
0x2be: {  	v46 =	vld [tilespmem:s22+$0x10];
	v38 =	vadd.f32 v38, v41;
	v37 =	vadd.f32 v42, v37;
	v39 =	vmul.f32 v39, v18  }
0x2bf: {  	v41 =	vld [tilespmem:s25+$0x10];
	v42 =	vmul.f32 v43, v29  }
0x2c0: {  	v36 =	vadd.f32 v36, v38;
	v38 =	vld [tilespmem:s14+$0xB0];
	v37 =	vadd.f32 v39, v37;
	v39 =	vmul.f32 v40, v17  }
0x2c1: {  	v40 =	vmul.f32 v45, v24;
	v35 =	vadd.f32 v42, v35;
	v42 =	vld [tilespmem:s2+$0xB0]  }
0x2c2: {  	v43 =	vmul.f32 v44, v22;
	[tilespmem:s1+$0x90] =	vst v36;
	v36 =	vld [tilespmem:s6+$0xB0];
	v37 =	vadd.f32 v39, v37  }
0x2c3: {  	v39 =	vmul.f32 v46, v21;
	[tilespmem:s1+$0xFFFFFF80] =	vst v35;
	v35 =	vld [tilespmem:s28+$0x20]  }
0x2c4: {  	v40 =	vadd.f32 v43, v40;
	v41 =	vmul.f32 v41, v23;
	v43 =	vld [tilespmem:s17+$0x20];
	[tilespmem:s8+$0x160] =	vst v37  }
0x2c5: {  	v37 =	vmul.f32 v38, v59;
	v38 =	vld [tilespmem:s3+$0xF0];
	s3 =	smov.u32 s28  }
0x2c6: {  	v39 =	vadd.f32 v39, v40;
	v40 =	vmul.f32 v42, v12;
	v42 =	vld [tilespmem:s4+$0xF0];
	s4 =	smov.u32 s17  }
0x2c7: {  	v44 =	vld [tilespmem:s26+$0x20];
	v36 =	vmul.f32 v36, v16  }
0x2c8: {  	v39 =	vadd.f32 v41, v39;
	v37 =	vadd.f32 v40, v37;
	v40 =	vld [tilespmem:s5+$0xF0];
	s5 =	smov.u32 s26  }
0x2c9: {  	v41 =	vld [tilespmem:s18+$0x20]  }
0x2ca: {  	v35 =	vmul.f32 v35, v33;
	[tilespmem:s1+$0xFFFFFE90] =	vst v39;
	v39 =	vmul.f32 v43, v34;
	v36 =	vadd.f32 v36, v37;
	v37 =	vld [tilespmem:s7+$0xF0];
	s7 =	smov.u32 s18  }
0x2cb: {  	v38 =	vmul.f32 v38, v19;
	v19 =	vmovc v33;
	v43 =	vld [tilespmem:s23+$0x10];
	v42 =	vmul.f32 v42, v20;
	v20 =	vmov v34  }
0x2cc: {  	v33 =	vld [tilespmem:s24+$0x10];
	v34 =	vadd.f32 v39, v35;
	v35 =	vmul.f32 v44, v32  }
0x2cd: {  	v39 =	vld [tilespmem:s16+$0x10];
	v38 =	vadd.f32 v42, v38;
	v40 =	vmul.f32 v40, v18;
	v18 =	vmov v32  }
0x2ce: {  	v32 =	vld [tilespmem:s20+$0x10];
	v34 =	vadd.f32 v35, v34;
	v35 =	vmul.f32 v41, v31  }
0x2cf: {  	v41 =	vld [tilespmem:s15+$0x20];
	v38 =	vadd.f32 v40, v38;
	v37 =	vmul.f32 v37, v17;
	v17 =	vmov v31  }
0x2d0: {  	v31 =	vld [tilespmem:s10+$0x20];
	v40 =	vmul.f32 v43, v28;
	v34 =	vadd.f32 v35, v34  }
0x2d1: {  	v35 =	vld [tilespmem:s22+$0x20];
	v33 =	vmul.f32 v33, v27;
	v37 =	vadd.f32 v37, v38  }
0x2d2: {  	v38 =	vld [tilespmem:s25+$0x20];
	v39 =	vmul.f32 v39, v25;
	[tilespmem:s1+$0xA0] =	vst v34  }
0x2d3: {  	v33 =	vadd.f32 v33, v40;
	v32 =	vmul.f32 v32, v29;
	v34 =	vld [tilespmem:s9+$0xB0];
	[tilespmem:s8+$0x170] =	vst v37  }
0x2d4: {  	v37 =	vmul.f32 v41, v24;
	v40 =	vld [tilespmem:s3+$0x30]  }
0x2d5: {  	v31 =	vmul.f32 v31, v22;
	v33 =	vadd.f32 v39, v33;
	v39 =	vld [tilespmem:s4+$0x30]  }
0x2d6: {  	v35 =	vmul.f32 v35, v21;
	v41 =	vld [tilespmem:s0+$0xC0]  }
0x2d7: {  	v31 =	vadd.f32 v31, v37;
	v37 =	vmul.f32 v38, v23;
	v32 =	vadd.f32 v32, v33;
	v33 =	vld [tilespmem:s5+$0x30]  }
0x2d8: {  	v38 =	vld [tilespmem:s30+$0xC0];
	v34 =	vmul.f32 v34, v26  }
0x2d9: {  	v31 =	vadd.f32 v35, v31;
	[tilespmem:s1+$0xFFFFFF90] =	vst v32;
	v32 =	vld [tilespmem:s7+$0x30]  }
0x2da: {  	v40 =	vmul.f32 v40, v19;
	v35 =	vld [tilespmem:s23+$0x20];
	v39 =	vmul.f32 v39, v20;
	v34 =	vadd.f32 v34, v36  }
0x2db: {  	v31 =	vadd.f32 v37, v31;
	v36 =	vld [tilespmem:s24+$0x20];
	v37 =	vmul.f32 v41, v14  }
0x2dc: {  	v41 =	vld [tilespmem:s16+$0x20];
	v39 =	vadd.f32 v39, v40;
	v33 =	vmul.f32 v33, v18;
	[tilespmem:s8+$0x30] =	vst v34  }
0x2dd: {  	[tilespmem:s1+$0xFFFFFEA0] =	vst v31;
	v31 =	vld [tilespmem:s20+$0x20];
	v34 =	vmul.f32 v38, v63  }
0x2de: {  	v38 =	vld [tilespmem:s15+$0x30];
	v33 =	vadd.f32 v33, v39;
	v32 =	vmul.f32 v32, v17  }
0x2df: {  	v39 =	vld [tilespmem:s10+$0x30];
	v35 =	vmul.f32 v35, v28;
	v34 =	vadd.f32 v34, v37  }
0x2e0: {  	v37 =	vld [tilespmem:s22+$0x30];
	v36 =	vmul.f32 v36, v27;
	v32 =	vadd.f32 v32, v33  }
0x2e1: {  	v33 =	vld [tilespmem:s25+$0x30];
	v40 =	vmul.f32 v41, v25  }
0x2e2: {  	v35 =	vadd.f32 v36, v35;
	v31 =	vmul.f32 v31, v29;
	[tilespmem:s1+$0xB0] =	vst v32;
	v32 =	vld [tilespmem:s14+$0xC0]  }
0x2e3: {  	v36 =	vmul.f32 v38, v24;
	v38 =	vld [tilespmem:s3+$0x40]  }
0x2e4: {  	v39 =	vmul.f32 v39, v22;
	v35 =	vadd.f32 v40, v35;
	v40 =	vld [tilespmem:s4+$0x40]  }
0x2e5: {  	v37 =	vmul.f32 v37, v21;
	v41 =	vld [tilespmem:s2+$0xC0]  }
0x2e6: {  	v36 =	vadd.f32 v39, v36;
	v33 =	vmul.f32 v33, v23;
	v31 =	vadd.f32 v31, v35;
	v35 =	vld [tilespmem:s5+$0x40]  }
0x2e7: {  	v39 =	vld [tilespmem:s13+$0xC0];
	v32 =	vmul.f32 v32, v59  }
0x2e8: {  	v36 =	vadd.f32 v37, v36;
	[tilespmem:s1+$0xFFFFFFA0] =	vst v31;
	v31 =	vld [tilespmem:s7+$0x40]  }
0x2e9: {  	v38 =	vmul.f32 v38, v19;
	v37 =	vld [tilespmem:s23+$0x30];
	v40 =	vmul.f32 v40, v20  }
0x2ea: {  	v33 =	vadd.f32 v33, v36;
	v36 =	vld [tilespmem:s24+$0x30];
	v41 =	vmul.f32 v41, v12  }
0x2eb: {  	v42 =	vld [tilespmem:s16+$0x30];
	v38 =	vadd.f32 v40, v38;
	v35 =	vmul.f32 v35, v18  }
0x2ec: {  	[tilespmem:s1+$0xFFFFFEB0] =	vst v33;
	v33 =	vld [tilespmem:s20+$0x30];
	v39 =	vmul.f32 v39, v61;
	v32 =	vadd.f32 v41, v32  }
0x2ed: {  	v40 =	vld [tilespmem:s15+$0x40];
	v35 =	vadd.f32 v35, v38;
	v31 =	vmul.f32 v31, v17  }
0x2ee: {  	v38 =	vld [tilespmem:s10+$0x40];
	v37 =	vmul.f32 v37, v28;
	v34 =	vadd.f32 v39, v34  }
0x2ef: {  	v39 =	vld [tilespmem:s22+$0x40];
	v36 =	vmul.f32 v36, v27;
	v31 =	vadd.f32 v31, v35  }
0x2f0: {  	v35 =	vld [tilespmem:s25+$0x40];
	v41 =	vmul.f32 v42, v25  }
0x2f1: {  	v36 =	vadd.f32 v36, v37;
	v33 =	vmul.f32 v33, v29;
	[tilespmem:s1+$0xC0] =	vst v31;
	v31 =	vld [tilespmem:s6+$0xC0]  }
0x2f2: {  	v37 =	vmul.f32 v40, v24;
	v40 =	vld [tilespmem:s3+$0x50]  }
0x2f3: {  	v38 =	vmul.f32 v38, v22;
	v36 =	vadd.f32 v41, v36;
	v41 =	vld [tilespmem:s4+$0x50]  }
0x2f4: {  	v39 =	vmul.f32 v39, v21;
	v42 =	vld [tilespmem:s12+$0xC0]  }
0x2f5: {  	v37 =	vadd.f32 v38, v37;
	v35 =	vmul.f32 v35, v23;
	v33 =	vadd.f32 v33, v36;
	v36 =	vld [tilespmem:s5+$0x50]  }
0x2f6: {  	v31 =	vmul.f32 v31, v16;
	v38 =	vld [tilespmem:s9+$0xC0]  }
0x2f7: {  	v37 =	vadd.f32 v39, v37;
	[tilespmem:s1+$0xFFFFFFB0] =	vst v33;
	v33 =	vld [tilespmem:s7+$0x50]  }
0x2f8: {  	v40 =	vmul.f32 v40, v19;
	v39 =	vld [tilespmem:s23+$0x40];
	v41 =	vmul.f32 v41, v20;
	v31 =	vadd.f32 v31, v32  }
0x2f9: {  	v32 =	vadd.f32 v35, v37;
	v35 =	vld [tilespmem:s24+$0x40];
	v37 =	vmul.f32 v42, v62  }
0x2fa: {  	v42 =	vld [tilespmem:s16+$0x40];
	v40 =	vadd.f32 v41, v40;
	v36 =	vmul.f32 v36, v18  }
0x2fb: {  	[tilespmem:s1+$0xFFFFFEC0] =	vst v32;
	v32 =	vld [tilespmem:s20+$0x40];
	v34 =	vadd.f32 v37, v34;
	v37 =	vmul.f32 v38, v26  }
0x2fc: {  	v38 =	vld [tilespmem:s15+$0x50];
	v36 =	vadd.f32 v36, v40;
	v33 =	vmul.f32 v33, v17  }
0x2fd: {  	v40 =	vld [tilespmem:s10+$0x50];
	v39 =	vmul.f32 v39, v28;
	[tilespmem:s8+$0xFFFFFF40] =	vst v34;
	v31 =	vadd.f32 v37, v31  }
0x2fe: {  	v34 =	vld [tilespmem:s22+$0x50];
	v35 =	vmul.f32 v35, v27;
	v33 =	vadd.f32 v33, v36  }
0x2ff: {  	v36 =	vld [tilespmem:s25+$0x50];
	v37 =	vmul.f32 v42, v25;
	[tilespmem:s8+$0x40] =	vst v31  }
0x300: {  	v31 =	vadd.f32 v35, v39;
	v32 =	vmul.f32 v32, v29;
	[tilespmem:s1+$0xD0] =	vst v33;
	v33 =	vld [tilespmem:s0+$0xD0]  }
0x301: {  	v35 =	vmul.f32 v38, v24;
	v38 =	vld [tilespmem:s3+$0x60]  }
0x302: {  	v39 =	vmul.f32 v40, v22;
	v31 =	vadd.f32 v37, v31;
	v37 =	vld [tilespmem:s4+$0x60]  }
0x303: {  	v34 =	vmul.f32 v34, v21;
	v40 =	vld [tilespmem:s30+$0xD0]  }
0x304: {  	v35 =	vadd.f32 v39, v35;
	v36 =	vmul.f32 v36, v23;
	v31 =	vadd.f32 v32, v31;
	v32 =	vld [tilespmem:s5+$0x60]  }
0x305: {  	v33 =	vmul.f32 v33, v14;
	v39 =	vld [tilespmem:s14+$0xD0]  }
0x306: {  	v34 =	vadd.f32 v34, v35;
	[tilespmem:s1+$0xFFFFFFC0] =	vst v31;
	v31 =	vld [tilespmem:s7+$0x60]  }
0x307: {  	v38 =	vmul.f32 v38, v19;
	v35 =	vld [tilespmem:s23+$0x50];
	v37 =	vmul.f32 v37, v20  }
0x308: {  	v34 =	vadd.f32 v36, v34;
	v36 =	vld [tilespmem:s24+$0x50];
	v40 =	vmul.f32 v40, v63  }
0x309: {  	v41 =	vld [tilespmem:s16+$0x50];
	v37 =	vadd.f32 v37, v38;
	v32 =	vmul.f32 v32, v18  }
0x30a: {  	[tilespmem:s1+$0xFFFFFED0] =	vst v34;
	v34 =	vld [tilespmem:s20+$0x50];
	v33 =	vadd.f32 v40, v33;
	v38 =	vmul.f32 v39, v59  }
0x30b: {  	v39 =	vld [tilespmem:s15+$0x60];
	v32 =	vadd.f32 v32, v37;
	v31 =	vmul.f32 v31, v17  }
0x30c: {  	v37 =	vld [tilespmem:s10+$0x60];
	v35 =	vmul.f32 v35, v28  }
0x30d: {  	v40 =	vld [tilespmem:s22+$0x60];
	v36 =	vmul.f32 v36, v27;
	v31 =	vadd.f32 v31, v32  }
0x30e: {  	v32 =	vld [tilespmem:s25+$0x60];
	v41 =	vmul.f32 v41, v25  }
0x30f: {  	v35 =	vadd.f32 v36, v35;
	v34 =	vmul.f32 v34, v29;
	[tilespmem:s1+$0xE0] =	vst v31;
	v31 =	vld [tilespmem:s2+$0xD0]  }
0x310: {  	v36 =	vmul.f32 v39, v24;
	v39 =	vld [tilespmem:s3+$0x70]  }
0x311: {  	v37 =	vmul.f32 v37, v22;
	v35 =	vadd.f32 v41, v35;
	v41 =	vld [tilespmem:s4+$0x70]  }
0x312: {  	v40 =	vmul.f32 v40, v21;
	v42 =	vld [tilespmem:s13+$0xD0]  }
0x313: {  	v36 =	vadd.f32 v37, v36;
	v32 =	vmul.f32 v32, v23;
	v34 =	vadd.f32 v34, v35;
	v35 =	vld [tilespmem:s5+$0x70]  }
0x314: {  	v31 =	vmul.f32 v31, v12;
	v37 =	vld [tilespmem:s6+$0xD0]  }
0x315: {  	v36 =	vadd.f32 v40, v36;
	[tilespmem:s1+$0xFFFFFFD0] =	vst v34;
	v34 =	vld [tilespmem:s7+$0x70]  }
0x316: {  	v39 =	vmul.f32 v39, v19;
	v40 =	vld [tilespmem:s23+$0x60];
	v41 =	vmul.f32 v41, v20;
	v31 =	vadd.f32 v31, v38  }
0x317: {  	v32 =	vadd.f32 v32, v36;
	v36 =	vld [tilespmem:s24+$0x60];
	v38 =	vmul.f32 v42, v61  }
0x318: {  	v42 =	vld [tilespmem:s16+$0x60];
	v39 =	vadd.f32 v41, v39;
	v35 =	vmul.f32 v35, v18  }
0x319: {  	[tilespmem:s1+$0xFFFFFEE0] =	vst v32;
	v32 =	vld [tilespmem:s20+$0x60];
	v33 =	vadd.f32 v38, v33;
	v37 =	vmul.f32 v37, v16  }
0x31a: {  	v38 =	vld [tilespmem:s15+$0x70];
	v35 =	vadd.f32 v35, v39;
	v34 =	vmul.f32 v34, v17  }
0x31b: {  	v39 =	vld [tilespmem:s10+$0x70];
	v40 =	vmul.f32 v40, v28;
	v31 =	vadd.f32 v37, v31  }
0x31c: {  	v37 =	vld [tilespmem:s22+$0x70];
	v36 =	vmul.f32 v36, v27;
	v34 =	vadd.f32 v34, v35  }
0x31d: {  	v35 =	vld [tilespmem:s25+$0x70];
	v41 =	vmul.f32 v42, v25  }
0x31e: {  	v36 =	vadd.f32 v36, v40;
	v32 =	vmul.f32 v32, v29;
	[tilespmem:s1+$0xF0] =	vst v34;
	v34 =	vld [tilespmem:s12+$0xD0]  }
0x31f: {  	v38 =	vmul.f32 v38, v24;
	v40 =	vld [tilespmem:s3+$0x80]  }
0x320: {  	v39 =	vmul.f32 v39, v22;
	v36 =	vadd.f32 v41, v36;
	v41 =	vld [tilespmem:s4+$0x80]  }
0x321: {  	v37 =	vmul.f32 v37, v21;
	v42 =	vld [tilespmem:s9+$0xD0]  }
0x322: {  	v38 =	vadd.f32 v39, v38;
	v35 =	vmul.f32 v35, v23;
	v32 =	vadd.f32 v32, v36;
	v36 =	vld [tilespmem:s5+$0x80]  }
0x323: {  	v34 =	vmul.f32 v34, v62;
	v39 =	vld [tilespmem:s31+$0xF0];
	s31 =	smov.u32 s9;
	s9 =	smov.u32 s20  }
0x324: {  	v37 =	vadd.f32 v37, v38;
	[tilespmem:s1+$0xFFFFFFE0] =	vst v32;
	v32 =	vld [tilespmem:s7+$0x80]  }
0x325: {  	v40 =	vmul.f32 v40, v19;
	v38 =	vld [tilespmem:s23+$0x70];
	v41 =	vmul.f32 v41, v20;
	v33 =	vadd.f32 v34, v33  }
0x326: {  	v34 =	vadd.f32 v35, v37;
	v35 =	vld [tilespmem:s24+$0x70];
	v37 =	vmul.f32 v42, v26  }
0x327: {  	v42 =	vld [tilespmem:s16+$0x70];
	v40 =	vadd.f32 v41, v40;
	v36 =	vmul.f32 v36, v18;
	[tilespmem:s8+$0xFFFFFF50] =	vst v33  }
0x328: {  	[tilespmem:s1+$0xFFFFFEF0] =	vst v34;
	v33 =	vld [tilespmem:s9+$0x70];
	v31 =	vadd.f32 v37, v31;
	v34 =	vmul.f32 v39, v60;
	v60 =	vmovc v26;
	v26 =	vmov v29  }
0x329: {  	v29 =	vld [tilespmem:s15+$0x80];
	v36 =	vadd.f32 v36, v40;
	v32 =	vmul.f32 v32, v17  }
0x32a: {  	v37 =	vld [tilespmem:s10+$0x80];
	v38 =	vmul.f32 v38, v28;
	[tilespmem:s8+$0x50] =	vst v31;
	v30 =	vadd.f32 v34, v30  }
0x32b: {  	v31 =	vld [tilespmem:s22+$0x80];
	v34 =	vmul.f32 v35, v27;
	v32 =	vadd.f32 v32, v36  }
0x32c: {  	v35 =	vld [tilespmem:s25+$0x80];
	v36 =	vmul.f32 v42, v25;
	[tilespmem:s29+$0x70] =	vst v30;
	s29 =	smov.u32 s8;
	s8 =	smov.u32 s1  }
0x32d: {  	v30 =	vadd.f32 v34, v38;
	v33 =	vmul.f32 v33, v26;
	[tilespmem:s1+$0x100] =	vst v32;
	v32 =	vld [tilespmem:s0+$0xE0]  }
0x32e: {  	v29 =	vmul.f32 v29, v24;
	v34 =	vld [tilespmem:s3+$0x90]  }
0x32f: {  	v37 =	vmul.f32 v37, v22;
	v30 =	vadd.f32 v36, v30;
	v36 =	vld [tilespmem:s4+$0x90]  }
0x330: {  	v31 =	vmul.f32 v31, v21;
	v38 =	vld [tilespmem:s30+$0xE0]  }
0x331: {  	v29 =	vadd.f32 v37, v29;
	v35 =	vmul.f32 v35, v23;
	v30 =	vadd.f32 v33, v30;
	v33 =	vld [tilespmem:s5+$0x90]  }
0x332: {  	v32 =	vmul.f32 v32, v14;
	v37 =	vld [tilespmem:s14+$0xE0]  }
0x333: {  	v29 =	vadd.f32 v31, v29;
	[tilespmem:s1+$0xFFFFFFF0] =	vst v30;
	v30 =	vld [tilespmem:s7+$0x90]  }
0x334: {  	v34 =	vmul.f32 v34, v19;
	v31 =	vld [tilespmem:s23+$0x80];
	v36 =	vmul.f32 v36, v20  }
0x335: {  	v29 =	vadd.f32 v35, v29;
	v35 =	vld [tilespmem:s24+$0x80];
	v38 =	vmul.f32 v38, v63  }
0x336: {  	v39 =	vld [tilespmem:s16+$0x80];
	v34 =	vadd.f32 v36, v34;
	v33 =	vmul.f32 v33, v18  }
0x337: {  	[tilespmem:s1+$0xFFFFFF00] =	vst v29;
	v29 =	vld [tilespmem:s9+$0x80];
	v32 =	vadd.f32 v38, v32;
	v36 =	vmul.f32 v37, v59  }
0x338: {  	v37 =	vld [tilespmem:s15+$0x90];
	v33 =	vadd.f32 v33, v34;
	v30 =	vmul.f32 v30, v17  }
0x339: {  	v34 =	vld [tilespmem:s10+$0x90];
	v31 =	vmul.f32 v31, v28  }
0x33a: {  	v38 =	vld [tilespmem:s22+$0x90];
	v35 =	vmul.f32 v35, v27;
	v30 =	vadd.f32 v30, v33  }
0x33b: {  	v33 =	vld [tilespmem:s25+$0x90];
	v39 =	vmul.f32 v39, v25  }
0x33c: {  	v31 =	vadd.f32 v35, v31;
	v29 =	vmul.f32 v29, v26;
	[tilespmem:s1+$0x110] =	vst v30;
	v30 =	vld [tilespmem:s2+$0xE0]  }
0x33d: {  	v35 =	vmul.f32 v37, v24;
	v37 =	vld [tilespmem:s3+$0xA0]  }
0x33e: {  	v34 =	vmul.f32 v34, v22;
	v31 =	vadd.f32 v39, v31;
	v39 =	vld [tilespmem:s4+$0xA0]  }
0x33f: {  	v38 =	vmul.f32 v38, v21;
	v40 =	vld [tilespmem:s13+$0xE0]  }
0x340: {  	v34 =	vadd.f32 v34, v35;
	v33 =	vmul.f32 v33, v23;
	v29 =	vadd.f32 v29, v31;
	v31 =	vld [tilespmem:s5+$0xA0]  }
0x341: {  	v30 =	vmul.f32 v30, v12;
	v35 =	vld [tilespmem:s6+$0xE0]  }
0x342: {  	v34 =	vadd.f32 v38, v34;
	[tilespmem:s1+$0x0] =	vst v29;
	v29 =	vld [tilespmem:s7+$0xA0]  }
0x343: {  	v37 =	vmul.f32 v37, v19;
	v38 =	vld [tilespmem:s23+$0x90];
	v39 =	vmul.f32 v39, v20;
	v36 =	vadd.f32 v30, v36  }
0x344: {  	v30 =	vadd.f32 v33, v34;
	v33 =	vld [tilespmem:s24+$0x90];
	v34 =	vmul.f32 v40, v61  }
0x345: {  	v40 =	vld [tilespmem:s16+$0x90];
	v37 =	vadd.f32 v39, v37;
	v31 =	vmul.f32 v31, v18  }
0x346: {  	[tilespmem:s1+$0xFFFFFF10] =	vst v30;
	v39 =	vld [tilespmem:s9+$0x90];
	v30 =	vadd.f32 v34, v32;
	v32 =	vmul.f32 v35, v16  }
0x347: {  	v34 =	vld [tilespmem:s15+$0xA0];
	v31 =	vadd.f32 v31, v37;
	v35 =	vmul.f32 v29, v17  }
0x348: {  	v37 =	vld [tilespmem:s10+$0xA0];
	v38 =	vmul.f32 v38, v28;
	v29 =	vadd.f32 v32, v36  }
0x349: {  	v36 =	vld [tilespmem:s22+$0xA0];
	v32 =	vmul.f32 v33, v27;
	v31 =	vadd.f32 v35, v31  }
0x34a: {  	v41 =	vld [tilespmem:s25+$0xA0];
	v33 =	vmul.f32 v40, v25  }
.Ltmp0:
0x34b: {  	v35 =	vadd.f32 v32, v38;
	v40 =	vmul.f32 v39, v26;
	[tilespmem:s1+$0x120] =	vst v31;
	v32 =	vld [tilespmem:s12+$0xE0];
	(pc) =	sbr.rel @p1 .LBB2_3-.Ltmp0, $4  }
0x34c: {  	v31 =	vmul.f32 v34, v24;
	v34 =	vld [tilespmem:s3+$0xB0]  }
0x34d: {  	v37 =	vmul.f32 v37, v22;
	v42 =	vadd.f32 v33, v35;
	v35 =	vld [tilespmem:s4+$0xB0]  }
0x34e: {  	v39 =	vmul.f32 v36, v21;
	v33 =	vld [tilespmem:s31+$0xE0]  }
0x34f: {  	s11 =	sadd.s32 $0x18, s11;
	v38 =	vadd.f32 v37, v31;
	v37 =	vmul.f32 v41, v23;
	v40 =	vadd.f32 v40, v42;
	v36 =	vld [tilespmem:s5+$0xB0]  }
0x350: {  	_ = 	snop  }
0x351: {  	[tilespmem:s1+$0x10] =	vst v40  }
0x352: {  	v31 =	vld [tilespmem:s23+$0xA0]  }
0x353: {  	v40 =	vld [tilespmem:s24+$0xA0];
	_ =	sdelay $0x1  }
0x354: {  	v41 =	vld [tilespmem:s16+$0xA0];
	_ =	sdelay $0x1  }
0x355: {  	v42 =	vld [tilespmem:s9+$0xA0]  }
0x356: {  	v31 =	vmul.f32 v31, v28;
	v40 =	vmul.f32 v40, v27  }
0x357: {  	v38 =	vadd.f32 v39, v38  }
0x358: {  	v48 =	vmul.f32 v41, v25;
	v31 =	vadd.f32 v40, v31  }
0x359: {  	v37 =	vadd.f32 v37, v38  }
0x35a: {  	v49 =	vmul.f32 v42, v26;
	v31 =	vadd.f32 v48, v31  }
0x35b: {  	v50 =	vld [tilespmem:s7+$0xB0];
	[tilespmem:s1+$0xFFFFFF20] =	vst v37  }
0x35c: {  	v37 =	vld [tilespmem:s15+$0xB0];
	v31 =	vadd.f32 v49, v31  }
0x35d: {  	v51 =	vld [tilespmem:s10+$0xB0]  }
0x35e: {  	v34 =	vmul.f32 v34, v19;
	v35 =	vmul.f32 v35, v20;
	v44 =	vld [tilespmem:s22+$0xB0];
	[tilespmem:s1+$0x20] =	vst v31  }
0x35f: {  	v31 =	vld [tilespmem:s23+$0xB0]  }
0x360: {  	v34 =	vadd.f32 v35, v34;
	v45 =	vmul.f32 v36, v18;
	v46 =	vld [tilespmem:s24+$0xB0]  }
0x361: {  	v47 =	vld [tilespmem:s25+$0xB0];
	v48 =	vmul.f32 v50, v17  }
0x362: {  	v34 =	vadd.f32 v45, v34;
	v37 =	vmul.f32 v37, v24;
	v38 =	vmul.f32 v51, v22;
	v49 =	vld [tilespmem:s16+$0xB0];
	_ =	sdelay $0x1  }
0x363: {  	v50 =	vmul.f32 v44, v21;
	v34 =	vadd.f32 v48, v34;
	v37 =	vadd.f32 v38, v37;
	v51 =	vld [tilespmem:s9+$0xB0]  }
0x364: {  	v31 =	vmul.f32 v31, v28;
	v36 =	vmul.f32 v46, v27  }
0x365: {  	v43 =	vmul.f32 v47, v23;
	[tilespmem:s1+$0x130] =	vst v34;
	v44 =	vadd.f32 v50, v37  }
0x366: {  	v47 =	vld [tilespmem:s4+$0xC0];
	v45 =	vmul.f32 v49, v25;
	v31 =	vadd.f32 v36, v31  }
0x367: {  	v34 =	vadd.f32 v43, v44;
	v46 =	vld [tilespmem:s3+$0xC0]  }
0x368: {  	v50 =	vld [tilespmem:s7+$0xC0];
	v48 =	vmul.f32 v51, v26;
	v31 =	vadd.f32 v45, v31  }
0x369: {  	[tilespmem:s1+$0xFFFFFF30] =	vst v34;
	v49 =	vld [tilespmem:s5+$0xC0]  }
0x36a: {  	v34 =	vld [tilespmem:s15+$0xC0];
	v31 =	vadd.f32 v48, v31  }
0x36b: {  	v51 =	vld [tilespmem:s10+$0xC0]  }
0x36c: {  	v37 =	vmul.f32 v47, v20;
	v36 =	vmul.f32 v46, v19;
	v46 =	vld [tilespmem:s22+$0xC0];
	[tilespmem:s8+$0x30] =	vst v31  }
0x36d: {  	v31 =	vld [tilespmem:s23+$0xC0]  }
0x36e: {  	v47 =	vmul.f32 v49, v18;
	v36 =	vadd.f32 v37, v36;
	v45 =	vld [tilespmem:s24+$0xC0]  }
0x36f: {  	v39 =	vmul.f32 v50, v17;
	v49 =	vld [tilespmem:s25+$0xC0]  }
0x370: {  	v34 =	vmul.f32 v34, v24;
	v35 =	vmul.f32 v51, v22;
	v48 =	vld [tilespmem:s16+$0xC0];
	v36 =	vadd.f32 v47, v36;
	_ =	sdelay $0x1  }
0x371: {  	v34 =	vadd.f32 v35, v34;
	v51 =	vld [tilespmem:s9+$0xC0];
	v44 =	vmul.f32 v46, v21;
	v36 =	vadd.f32 v39, v36  }
0x372: {  	v31 =	vmul.f32 v31, v28;
	v50 =	vmul.f32 v45, v27  }
0x373: {  	v46 =	vmul.f32 v49, v23;
	v34 =	vadd.f32 v44, v34;
	[tilespmem:s1+$0x140] =	vst v36  }
0x374: {  	v45 =	vmul.f32 v48, v25;
	v47 =	vld [tilespmem:s3+$0xD0];
	v31 =	vadd.f32 v50, v31  }
0x375: {  	v48 =	vld [tilespmem:s4+$0xD0];
	v34 =	vadd.f32 v46, v34  }
0x376: {  	v49 =	vmul.f32 v51, v26;
	v51 =	vld [tilespmem:s7+$0xD0];
	v31 =	vadd.f32 v45, v31  }
0x377: {  	v50 =	vld [tilespmem:s5+$0xD0];
	[tilespmem:s8+$0xFFFFFF40] =	vst v34  }
0x378: {  	v34 =	vld [tilespmem:s15+$0xD0];
	v31 =	vadd.f32 v49, v31  }
0x379: {  	v37 =	vmul.f32 v47, v19;
	v47 =	vld [tilespmem:s22+$0xD0]  }
0x37a: {  	v32 =	vmul.f32 v32, v62;
	v38 =	vmul.f32 v48, v20;
	[tilespmem:s8+$0x40] =	vst v31;
	v31 =	vld [tilespmem:s10+$0xD0]  }
0x37b: {  	v44 =	vld [tilespmem:s23+$0xD0]  }
0x37c: {  	v30 =	vadd.f32 v32, v30;
	v37 =	vadd.f32 v38, v37;
	v36 =	vmul.f32 v50, v18;
	v45 =	vld [tilespmem:s24+$0xD0]  }
0x37d: {  	v49 =	vld [tilespmem:s25+$0xD0]  }
0x37e: {  	[tilespmem:s29+$0xFFFFFF60] =	vst v30;
	v46 =	vmul.f32 v33, v60;
	v30 =	vmul.f32 v51, v17;
	v48 =	vld [tilespmem:s16+$0xD0];
	v36 =	vadd.f32 v36, v37  }
0x37f: {  	v42 =	vld [tilespmem:s13+$0xF0];
	v34 =	vmul.f32 v34, v24;
	v31 =	vmul.f32 v31, v22  }
0x380: {  	v29 =	vadd.f32 v46, v29;
	v51 =	vld [tilespmem:s9+$0xD0];
	v33 =	vmul.f32 v47, v21;
	v30 =	vadd.f32 v30, v36  }
0x381: {  	v39 =	vld [tilespmem:s0+$0xF0];
	v35 =	vmul.f32 v44, v28;
	v50 =	vmul.f32 v45, v27;
	v31 =	vadd.f32 v31, v34  }
0x382: {  	[tilespmem:s29+$0x60] =	vst v29;
	v29 =	vld [tilespmem:s30+$0xF0];
	v32 =	vmul.f32 v49, v23  }
0x383: {  	v36 =	vld [tilespmem:s2+$0xF0];
	[tilespmem:s8+$0x150] =	vst v30;
	v35 =	vadd.f32 v50, v35;
	v30 =	vadd.f32 v33, v31;
	v31 =	vmul.f32 v48, v25  }
0x384: {  	v43 =	vld [tilespmem:s3+$0xE0]  }
0x385: {  	v44 =	vld [tilespmem:s4+$0xE0];
	v45 =	vmul.f32 v51, v26;
	v31 =	vadd.f32 v31, v35;
	v30 =	vadd.f32 v32, v30  }
0x386: {  	v46 =	vld [tilespmem:s5+$0xE0]  }
0x387: {  	v47 =	vld [tilespmem:s7+$0xE0];
	[tilespmem:s8+$0xFFFFFF50] =	vst v30;
	v30 =	vadd.f32 v45, v31  }
0x388: {  	v31 =	vld [tilespmem:s15+$0xE0]  }
0x389: {  	[tilespmem:s8+$0x50] =	vst v30;
	v30 =	vld [tilespmem:s10+$0xE0]  }
0x38a: {  	v48 =	vmul.f32 v43, v19;
	v49 =	vmul.f32 v44, v20;
	v50 =	vld [tilespmem:s23+$0xE0]  }
0x38b: {  	v51 =	vld [tilespmem:s24+$0xE0]  }
0x38c: {  	v44 =	vmul.f32 v46, v18;
	v32 =	vadd.f32 v49, v48;
	v45 =	vld [tilespmem:s22+$0xE0]  }
0x38d: {  	v48 =	vld [tilespmem:s25+$0xE0]  }
0x38e: {  	v47 =	vmul.f32 v47, v17;
	v32 =	vadd.f32 v44, v32;
	v46 =	vld [tilespmem:s16+$0xE0]  }
0x38f: {  	v34 =	vld [tilespmem:s14+$0xF0];
	v31 =	vmul.f32 v31, v24;
	v30 =	vmul.f32 v30, v22  }
0x390: {  	v32 =	vadd.f32 v47, v32;
	v49 =	vmul.f32 v50, v28;
	v50 =	vmul.f32 v51, v27;
	v51 =	vld [tilespmem:s9+$0xE0]  }
0x391: {  	v43 =	vld [tilespmem:s6+$0xF0];
	v30 =	vadd.f32 v30, v31;
	v31 =	vmul.f32 v45, v21  }
0x392: {  	v35 =	vld [tilespmem:s12+$0xF0];
	[tilespmem:s8+$0x160] =	vst v32;
	v44 =	vadd.f32 v50, v49  }
0x393: {  	v47 =	vld [tilespmem:s4+$0xF0];
	v30 =	vadd.f32 v31, v30;
	v31 =	vmul.f32 v46, v25;
	v46 =	vmul.f32 v48, v23  }
0x394: {  	v45 =	vld [tilespmem:s3+$0xF0]  }
0x395: {  	v50 =	vld [tilespmem:s7+$0xF0];
	v31 =	vadd.f32 v31, v44;
	v30 =	vadd.f32 v46, v30;
	v49 =	vmul.f32 v51, v26  }
0x396: {  	v48 =	vld [tilespmem:s5+$0xF0]  }
0x397: {  	v51 =	vld [tilespmem:s31+$0xF0];
	[tilespmem:s8+$0xFFFFFF60] =	vst v30;
	v30 =	vadd.f32 v49, v31  }
0x398: {  	v31 =	vld [tilespmem:s15+$0xF0]  }
0x399: {  	v14 =	vmul.f32 v39, v14;
	v29 =	vmul.f32 v29, v63;
	[tilespmem:s8+$0x60] =	vst v30;
	v30 =	vld [tilespmem:s10+$0xF0]  }
0x39a: {  	v12 =	vmul.f32 v36, v12;
	v59 =	vmul.f32 v34, v59;
	v63 =	vld [tilespmem:s23+$0xF0]  }
0x39b: {  	v14 =	vadd.f32 v29, v14;
	v29 =	vmul.f32 v42, v61;
	v16 =	vmul.f32 v43, v16;
	v44 =	vld [tilespmem:s24+$0xF0]  }
0x39c: {  	v12 =	vadd.f32 v12, v59;
	v20 =	vmul.f32 v47, v20;
	v19 =	vmul.f32 v45, v19;
	v45 =	vld [tilespmem:s22+$0xF0]  }
0x39d: {  	v14 =	vadd.f32 v29, v14;
	v29 =	vmul.f32 v35, v62;
	v46 =	vld [tilespmem:s16+$0xF0]  }
0x39e: {  	v12 =	vadd.f32 v16, v12;
	v16 =	vadd.f32 v20, v19;
	v18 =	vmul.f32 v48, v18;
	v19 =	vld [tilespmem:s25+$0xF0]  }
0x39f: {  	v14 =	vadd.f32 v29, v14;
	v20 =	vmul.f32 v31, v24;
	v24 =	vld [tilespmem:s9+$0xF0];
	v22 =	vmul.f32 v30, v22  }
0x3a0: {  	v16 =	vadd.f32 v18, v16;
	v18 =	vmul.f32 v63, v28;
	v27 =	vmul.f32 v44, v27  }
0x3a1: {  	v17 =	vmul.f32 v50, v17;
	v21 =	vmul.f32 v45, v21;
	v20 =	vadd.f32 v22, v20  }
0x3a2: {  	v25 =	vmul.f32 v46, v25;
	v22 =	vmul.f32 v51, v60;
	v18 =	vadd.f32 v27, v18  }
0x3a3: {  	v16 =	vadd.f32 v17, v16;
	v19 =	vmul.f32 v19, v23;
	v17 =	vadd.f32 v21, v20  }
0x3a4: {  	[tilespmem:s29+$0xFFFFFF70] =	vst v14;
	v12 =	vadd.f32 v22, v12;
	v14 =	vadd.f32 v25, v18;
	v18 =	vmul.f32 v24, v26  }
0x3a5: {  	[tilespmem:s8+$0x170] =	vst v16;
	v16 =	vadd.f32 v19, v17  }
0x3a6: {  	[tilespmem:s29+$0x70] =	vst v12;
	v12 =	vadd.f32 v18, v14  }
0x3a7: {  	[tilespmem:s8+$0xFFFFFF70] =	vst v16  }
0x3a8: {  	[tilespmem:s8+$0x70] =	vst v12  }
0x3a9: {  	v17 =	vld [tilespmem:$0x138B0];
	_ =	sdelay $0x4  }
0x3aa: {  	v12 =	vshll.u32 v17, $0xA  }
0x3ab: {  	v12 =	vshra.s32 v12, $0x2  }
0x3ac: {  	(v2sf) =	vpush v12, $0x0  }
0x3ad: {  	(v2sf) =	vpush v12, $0x1;
	_ =	sdelay $0x1  }
0x3ae: {  	(v2sf) =	vpush v12, $0x2;
	_ =	sdelay $0x1  }
0x3af: {  	(v2sf) =	vpush v12, $0x3;
	_ =	sdelay $0x9  }
0x3b0: {  	s5 =	spop (v2sf)  }
0x3b1: {  	v18 =	vld [tilespmem:s5+$0x0];
	s6 =	spop (v2sf)  }
0x3b2: {  	v19 =	vld [tilespmem:s6+$0x0]  }
0x3b3: {  	s7 =	spop (v2sf)  }
0x3b4: {  	v20 =	vld [tilespmem:s7+$0x0]  }
0x3b5: {  	v14 =	vbroadcast v17, $0x5;
	v12 =	vbroadcast v17, $0x4;
	s8 =	spop (v2sf)  }
0x3b6: {  	v16 =	vbroadcast v17, $0x6;
	v21 =	vld [tilespmem:s8+$0x0]  }
0x3b7: {  	v18 =	vmul.f32 v12, v18;
	v19 =	vmul.f32 v19, v14;
	_ =	sdelay $0x1  }
0x3b8: {  	v17 =	vbroadcast v17, $0x7;
	v18 =	vadd.f32 v19, v18;
	v19 =	vmul.f32 v20, v16;
	_ =	sdelay $0x1  }
0x3b9: {  	v18 =	vadd.f32 v19, v18;
	v19 =	vmul.f32 v21, v17;
	_ =	sdelay $0x1  }
0x3ba: {  	v18 =	vadd.f32 v19, v18;
	_ =	sdelay $0x1  }
0x3bb: {  	[tilespmem:$0x103E0] =	vst v18  }
0x3bc: {  	v18 =	vld [tilespmem:s5+$0x10]  }
0x3bd: {  	v19 =	vld [tilespmem:s6+$0x10];
	_ =	sdelay $0x1  }
0x3be: {  	v20 =	vld [tilespmem:s7+$0x10];
	_ =	sdelay $0x1  }
0x3bf: {  	v21 =	vld [tilespmem:s8+$0x10]  }
0x3c0: {  	v18 =	vmul.f32 v18, v12;
	v19 =	vmul.f32 v19, v14;
	_ =	sdelay $0x1  }
0x3c1: {  	v18 =	vadd.f32 v19, v18;
	v19 =	vmul.f32 v20, v16;
	_ =	sdelay $0x1  }
0x3c2: {  	v18 =	vadd.f32 v19, v18;
	v19 =	vmul.f32 v21, v17;
	_ =	sdelay $0x1  }
0x3c3: {  	v18 =	vadd.f32 v19, v18;
	_ =	sdelay $0x1  }
0x3c4: {  	[tilespmem:$0x103F0] =	vst v18  }
0x3c5: {  	v18 =	vld [tilespmem:s5+$0x20]  }
0x3c6: {  	v19 =	vld [tilespmem:s6+$0x20];
	_ =	sdelay $0x1  }
0x3c7: {  	v20 =	vld [tilespmem:s7+$0x20];
	_ =	sdelay $0x1  }
0x3c8: {  	v21 =	vld [tilespmem:s8+$0x20]  }
0x3c9: {  	v18 =	vmul.f32 v18, v12;
	v19 =	vmul.f32 v19, v14;
	_ =	sdelay $0x1  }
0x3ca: {  	v18 =	vadd.f32 v19, v18;
	v19 =	vmul.f32 v20, v16;
	_ =	sdelay $0x1  }
0x3cb: {  	v18 =	vadd.f32 v19, v18;
	v19 =	vmul.f32 v21, v17;
	_ =	sdelay $0x1  }
0x3cc: {  	v18 =	vadd.f32 v19, v18;
	_ =	sdelay $0x1  }
0x3cd: {  	[tilespmem:$0x10400] =	vst v18  }
0x3ce: {  	v18 =	vld [tilespmem:s5+$0x30]  }
0x3cf: {  	v19 =	vld [tilespmem:s6+$0x30];
	_ =	sdelay $0x1  }
0x3d0: {  	v20 =	vld [tilespmem:s7+$0x30];
	_ =	sdelay $0x1  }
0x3d1: {  	v21 =	vld [tilespmem:s8+$0x30]  }
0x3d2: {  	v18 =	vmul.f32 v18, v12;
	v19 =	vmul.f32 v19, v14;
	_ =	sdelay $0x1  }
0x3d3: {  	v18 =	vadd.f32 v19, v18;
	v19 =	vmul.f32 v20, v16;
	_ =	sdelay $0x1  }
0x3d4: {  	v18 =	vadd.f32 v19, v18;
	v19 =	vmul.f32 v21, v17;
	_ =	sdelay $0x1  }
0x3d5: {  	v18 =	vadd.f32 v19, v18;
	_ =	sdelay $0x1  }
0x3d6: {  	[tilespmem:$0x10410] =	vst v18  }
0x3d7: {  	v18 =	vld [tilespmem:s5+$0x40]  }
0x3d8: {  	v19 =	vld [tilespmem:s6+$0x40];
	_ =	sdelay $0x1  }
0x3d9: {  	v20 =	vld [tilespmem:s7+$0x40];
	_ =	sdelay $0x1  }
0x3da: {  	v21 =	vld [tilespmem:s8+$0x40]  }
0x3db: {  	v18 =	vmul.f32 v18, v12;
	v19 =	vmul.f32 v19, v14;
	_ =	sdelay $0x1  }
0x3dc: {  	v18 =	vadd.f32 v19, v18;
	v19 =	vmul.f32 v20, v16;
	_ =	sdelay $0x1  }
0x3dd: {  	v18 =	vadd.f32 v19, v18;
	v19 =	vmul.f32 v21, v17;
	_ =	sdelay $0x1  }
0x3de: {  	v18 =	vadd.f32 v19, v18;
	_ =	sdelay $0x1  }
0x3df: {  	[tilespmem:$0x10420] =	vst v18  }
0x3e0: {  	v18 =	vld [tilespmem:s5+$0x50]  }
0x3e1: {  	v19 =	vld [tilespmem:s6+$0x50];
	_ =	sdelay $0x1  }
0x3e2: {  	v20 =	vld [tilespmem:s7+$0x50];
	_ =	sdelay $0x1  }
0x3e3: {  	v21 =	vld [tilespmem:s8+$0x50]  }
0x3e4: {  	v18 =	vmul.f32 v18, v12;
	v19 =	vmul.f32 v19, v14;
	_ =	sdelay $0x1  }
0x3e5: {  	v18 =	vadd.f32 v19, v18;
	v19 =	vmul.f32 v20, v16;
	_ =	sdelay $0x1  }
0x3e6: {  	v18 =	vadd.f32 v19, v18;
	v19 =	vmul.f32 v21, v17;
	_ =	sdelay $0x1  }
0x3e7: {  	v18 =	vadd.f32 v19, v18;
	_ =	sdelay $0x1  }
0x3e8: {  	[tilespmem:$0x10430] =	vst v18  }
0x3e9: {  	v18 =	vld [tilespmem:s5+$0x60]  }
0x3ea: {  	v19 =	vld [tilespmem:s6+$0x60];
	_ =	sdelay $0x1  }
0x3eb: {  	v20 =	vld [tilespmem:s7+$0x60];
	_ =	sdelay $0x1  }
0x3ec: {  	v21 =	vld [tilespmem:s8+$0x60]  }
0x3ed: {  	v18 =	vmul.f32 v18, v12;
	v19 =	vmul.f32 v19, v14;
	_ =	sdelay $0x1  }
0x3ee: {  	v18 =	vadd.f32 v19, v18;
	v19 =	vmul.f32 v20, v16;
	_ =	sdelay $0x1  }
0x3ef: {  	v18 =	vadd.f32 v19, v18;
	v19 =	vmul.f32 v21, v17;
	_ =	sdelay $0x1  }
0x3f0: {  	v18 =	vadd.f32 v19, v18;
	_ =	sdelay $0x1  }
0x3f1: {  	[tilespmem:$0x10440] =	vst v18  }
0x3f2: {  	v18 =	vld [tilespmem:s5+$0x70]  }
0x3f3: {  	v19 =	vld [tilespmem:s6+$0x70];
	_ =	sdelay $0x1  }
0x3f4: {  	v20 =	vld [tilespmem:s7+$0x70];
	_ =	sdelay $0x1  }
0x3f5: {  	v21 =	vld [tilespmem:s8+$0x70]  }
0x3f6: {  	v18 =	vmul.f32 v18, v12;
	v19 =	vmul.f32 v19, v14;
	_ =	sdelay $0x1  }
0x3f7: {  	v18 =	vadd.f32 v19, v18;
	v19 =	vmul.f32 v20, v16;
	_ =	sdelay $0x1  }
0x3f8: {  	v18 =	vadd.f32 v19, v18;
	v19 =	vmul.f32 v21, v17;
	_ =	sdelay $0x1  }
0x3f9: {  	v18 =	vadd.f32 v19, v18;
	_ =	sdelay $0x1  }
0x3fa: {  	[tilespmem:$0x10450] =	vst v18  }
0x3fb: {  	v18 =	vld [tilespmem:s5+$0x80]  }
0x3fc: {  	v19 =	vld [tilespmem:s6+$0x80];
	_ =	sdelay $0x1  }
0x3fd: {  	v20 =	vld [tilespmem:s7+$0x80];
	_ =	sdelay $0x1  }
0x3fe: {  	v21 =	vld [tilespmem:s8+$0x80]  }
0x3ff: {  	v18 =	vmul.f32 v18, v12;
	v19 =	vmul.f32 v19, v14;
	_ =	sdelay $0x1  }
0x400: {  	v18 =	vadd.f32 v19, v18;
	v19 =	vmul.f32 v20, v16;
	_ =	sdelay $0x1  }
0x401: {  	v18 =	vadd.f32 v19, v18;
	v19 =	vmul.f32 v21, v17;
	_ =	sdelay $0x1  }
0x402: {  	v18 =	vadd.f32 v19, v18;
	_ =	sdelay $0x1  }
0x403: {  	[tilespmem:$0x10460] =	vst v18  }
0x404: {  	v18 =	vld [tilespmem:s5+$0x90]  }
0x405: {  	v19 =	vld [tilespmem:s6+$0x90];
	_ =	sdelay $0x1  }
0x406: {  	v20 =	vld [tilespmem:s7+$0x90];
	_ =	sdelay $0x1  }
0x407: {  	v21 =	vld [tilespmem:s8+$0x90]  }
0x408: {  	v18 =	vmul.f32 v18, v12;
	v19 =	vmul.f32 v19, v14;
	_ =	sdelay $0x1  }
0x409: {  	v18 =	vadd.f32 v19, v18;
	v19 =	vmul.f32 v20, v16;
	_ =	sdelay $0x1  }
0x40a: {  	v18 =	vadd.f32 v19, v18;
	v19 =	vmul.f32 v21, v17;
	_ =	sdelay $0x1  }
0x40b: {  	v18 =	vadd.f32 v19, v18;
	_ =	sdelay $0x1  }
0x40c: {  	[tilespmem:$0x10470] =	vst v18  }
0x40d: {  	v18 =	vld [tilespmem:s5+$0xA0]  }
0x40e: {  	v19 =	vld [tilespmem:s6+$0xA0];
	_ =	sdelay $0x1  }
0x40f: {  	v20 =	vld [tilespmem:s7+$0xA0];
	_ =	sdelay $0x1  }
0x410: {  	v21 =	vld [tilespmem:s8+$0xA0]  }
0x411: {  	v18 =	vmul.f32 v18, v12;
	v19 =	vmul.f32 v19, v14;
	_ =	sdelay $0x1  }
0x412: {  	v18 =	vadd.f32 v19, v18;
	v19 =	vmul.f32 v20, v16;
	_ =	sdelay $0x1  }
0x413: {  	v18 =	vadd.f32 v19, v18;
	v19 =	vmul.f32 v21, v17;
	_ =	sdelay $0x1  }
0x414: {  	v18 =	vadd.f32 v19, v18;
	_ =	sdelay $0x1  }
0x415: {  	[tilespmem:$0x10480] =	vst v18  }
0x416: {  	v18 =	vld [tilespmem:s5+$0xB0]  }
0x417: {  	v19 =	vld [tilespmem:s6+$0xB0];
	_ =	sdelay $0x1  }
0x418: {  	v20 =	vld [tilespmem:s7+$0xB0];
	_ =	sdelay $0x1  }
0x419: {  	v21 =	vld [tilespmem:s8+$0xB0]  }
0x41a: {  	v18 =	vmul.f32 v18, v12;
	v19 =	vmul.f32 v19, v14;
	_ =	sdelay $0x1  }
0x41b: {  	v18 =	vadd.f32 v19, v18;
	v19 =	vmul.f32 v20, v16;
	_ =	sdelay $0x1  }
0x41c: {  	v18 =	vadd.f32 v19, v18;
	v19 =	vmul.f32 v21, v17;
	_ =	sdelay $0x1  }
0x41d: {  	v18 =	vadd.f32 v19, v18;
	_ =	sdelay $0x1  }
0x41e: {  	[tilespmem:$0x10490] =	vst v18  }
0x41f: {  	v18 =	vld [tilespmem:s5+$0xC0]  }
0x420: {  	v19 =	vld [tilespmem:s6+$0xC0];
	_ =	sdelay $0x1  }
0x421: {  	v20 =	vld [tilespmem:s7+$0xC0];
	_ =	sdelay $0x1  }
0x422: {  	v21 =	vld [tilespmem:s8+$0xC0]  }
0x423: {  	v18 =	vmul.f32 v18, v12;
	v19 =	vmul.f32 v19, v14;
	_ =	sdelay $0x1  }
0x424: {  	v18 =	vadd.f32 v19, v18;
	v19 =	vmul.f32 v20, v16;
	_ =	sdelay $0x1  }
0x425: {  	v18 =	vadd.f32 v19, v18;
	v19 =	vmul.f32 v21, v17;
	_ =	sdelay $0x1  }
0x426: {  	v18 =	vadd.f32 v19, v18;
	_ =	sdelay $0x1  }
0x427: {  	[tilespmem:$0x104A0] =	vst v18  }
0x428: {  	v18 =	vld [tilespmem:s5+$0xD0]  }
0x429: {  	v19 =	vld [tilespmem:s6+$0xD0];
	_ =	sdelay $0x1  }
0x42a: {  	v20 =	vld [tilespmem:s7+$0xD0];
	_ =	sdelay $0x1  }
0x42b: {  	v21 =	vld [tilespmem:s8+$0xD0]  }
0x42c: {  	v18 =	vmul.f32 v18, v12;
	v19 =	vmul.f32 v19, v14;
	_ =	sdelay $0x1  }
0x42d: {  	v18 =	vadd.f32 v19, v18;
	v19 =	vmul.f32 v20, v16;
	_ =	sdelay $0x1  }
0x42e: {  	v18 =	vadd.f32 v19, v18;
	v19 =	vmul.f32 v21, v17;
	_ =	sdelay $0x1  }
0x42f: {  	v18 =	vadd.f32 v19, v18;
	_ =	sdelay $0x1  }
0x430: {  	[tilespmem:$0x104B0] =	vst v18  }
0x431: {  	v18 =	vld [tilespmem:s5+$0xE0]  }
0x432: {  	v19 =	vld [tilespmem:s6+$0xE0];
	_ =	sdelay $0x1  }
0x433: {  	v20 =	vld [tilespmem:s7+$0xE0];
	_ =	sdelay $0x1  }
0x434: {  	v21 =	vld [tilespmem:s8+$0xE0]  }
0x435: {  	v18 =	vmul.f32 v18, v12;
	v19 =	vmul.f32 v19, v14;
	_ =	sdelay $0x1  }
0x436: {  	v18 =	vadd.f32 v19, v18;
	v19 =	vmul.f32 v20, v16;
	_ =	sdelay $0x1  }
0x437: {  	v18 =	vadd.f32 v19, v18;
	v19 =	vmul.f32 v21, v17;
	_ =	sdelay $0x1  }
0x438: {  	v18 =	vadd.f32 v19, v18;
	_ =	sdelay $0x1  }
0x439: {  	[tilespmem:$0x104C0] =	vst v18  }
0x43a: {  	v18 =	vld [tilespmem:s5+$0xF0]  }
0x43b: {  	v19 =	vld [tilespmem:s6+$0xF0];
	_ =	sdelay $0x1  }
0x43c: {  	v20 =	vld [tilespmem:s7+$0xF0];
	_ =	sdelay $0x1  }
0x43d: {  	v21 =	vld [tilespmem:s8+$0xF0]  }
0x43e: {  	v12 =	vmul.f32 v18, v12;
	v14 =	vmul.f32 v19, v14;
	_ =	sdelay $0x1  }
0x43f: {  	v12 =	vadd.f32 v14, v12;
	v14 =	vmul.f32 v20, v16;
	_ =	sdelay $0x1  }
0x440: {  	v12 =	vadd.f32 v14, v12;
	v14 =	vmul.f32 v21, v17;
	_ =	sdelay $0x1  }
0x441: {  	v12 =	vadd.f32 v14, v12;
	_ =	sdelay $0x1  }
0x442: {  	[tilespmem:$0x104D0] =	vst v12;
	v12 =	vld [tilespmem:$0x1FDF0];
	_ =	sdelay $0x1  }
0x443: {  	s9 =	rddreg [dreg:$0xc]  }
0x444: {  	s0 =	sor.u32 $0x1, s9  }
0x445: {  	s11 =	simm.s32 $0x135E0;
	s13 =	simm.s32 $0xD3E0;
	s0 =	smin.u32 s0, $0x3E7  }
0x446: {  	s1 =	simm.s32 @!p0 $0x2;
	s12 =	simm.s32 $0x62;
	s10 =	rddreg [dreg:$0x1];
	v12 =	vadd.s32 s0, v12  }
0x447: {  	[hbm4b:s10+s12] =	stream.indirect.scatter [tilespmem:s13], [sflag:$0x1], $0x80, s11, s12, $0xb8;
	[tilespmem:$0x13930] =	vst v63  }
0x448: {  	_ =	swait.ge @!p0 [sflag:s1], $0x3100  }
0x449: {  	[sflag:s1] =	ssyncset.done @!p0 $0x0  }
0x44a: {  	s14 =	simm.s32 $0xC400;
	[sflag:s1] =	ssyncadd.s32 @!p0 $0xFFFFCF00  }
0x44b: {  	v12 =	vld.idx.msk [tilespmem:v12+s14+$0x0], $0xffff;
	_ =	sdelay $0x4  }
0x44c: {  	v14 =	vbroadcast v12, $0x3;
	_ =	sdelay $0x1  }
0x44d: {  	v16 =	vbroadcast v12, $0x1;
	v14 =	vmul.f32 v13, v14;
	_ =	sdelay $0x1  }
0x44e: {  	v14 =	vadd.f32 v14, v16  }
0x44f: {  	v16 =	vbroadcast v12, $0x2  }
0x450: {  	v17 =	vmax.f32 v14, $0.0e+00  }
0x451: {  	v12 =	vbroadcast v12, $0x0;
	v16 =	vmul.f32 v13, v16;
	v17 =	vmin.f32 v17, $1.400000000e+01  }
0x452: {  	v18 =	vtrunc.f32 v17  }
0x453: {  	v12 =	vadd.f32 v16, v12;
	v16 =	vcvt.f32.s32 v18;
	_ =	sdelay $0x1  }
0x454: {  	v18 =	vmax.f32 v12, $0.0e+00;
	vm0 =	vlt.s32 v16, $0xD  }
0x455: {  	v18 =	vmin.f32 v18, $1.400000000e+01;
	v19 =	vnsel vm0, $0xD, v16  }
0x456: {  	v21 =	vtrunc.f32 v18;
	v20 =	vcvt.s32.f32 v19  }
0x457: {  	v21 =	vcvt.f32.s32 v21  }
0x458: {  	v24 =	vimm.f32 $0.0e+00;
	v17 =	vsub.f32 v17, v20  }
0x459: {  	vm12 =	vge.f32 v14, $-1.000000000e+00;
	vm2 =	vgt.s32 v16, $0xC;
	vm3 =	vlt.s32 v21, $0xD  }
0x45a: {  	vm1 =	vle.f32 v14, $1.400000000e+01;
	v14 =	vsel vm2, $0x0, v17;
	v17 =	vnsel vm3, $0xD, v21  }
0x45b: {  	vm13 =	vge.f32 v12, $-1.000000000e+00;
	v16 =	vsel vm2, $0xC, v16;
	v22 =	vcvt.s32.f32 v17  }
0x45c: {  	vm0 =	vmand vm12, vm1;
	v19 =	vmul.u32 $0xE, v19;
	v16 =	vmul.u32 $0xE, v16  }
0x45d: {  	vm15 =	vle.f32 v12, $1.400000000e+01;
	v23 =	vsel vm0, $0x3F800000, v24;
	v18 =	vsub.f32 v18, v22  }
0x45e: {  	vm0 =	vmand vm13, vm15;
	vm14 =	vgt.s32 v21, $0xC;
	[tilespmem:$0x136B0] =	vst v19;
	v16 =	vadd.s32 $0xE, v16  }
0x45f: {  	v12 =	vsel vm14, $0xC, v21;
	[tilespmem:$0x136C0] =	vst v16;
	v20 =	vsub.f32 $1.000000000e+00, v14;
	v18 =	vsel vm14, $0x0, v18  }
0x460: {  	v12 =	vadd.s32 $0x1, v12;
	[tilespmem:$0x136D0] =	vst v17;
	v14 =	vmul.f32 v14, v23;
	v16 =	vsub.f32 $1.000000000e+00, v18  }
0x461: {  	v17 =	vsel vm0, $0x3F800000, v24;
	[tilespmem:$0x136E0] =	vst v12;
	v20 =	vmul.f32 v20, v23  }
0x462: {  	[tilespmem:$0x13700] =	vst v14;
	v12 =	vmul.f32 v16, v17  }
0x463: {  	[tilespmem:$0x136F0] =	vst v20;
	v16 =	vmul.f32 v18, v17  }
0x464: {  	[tilespmem:$0x13710] =	vst v12  }
0x465: {  	s15 =	simm.s32 $0x136B0;
	[tilespmem:$0x13720] =	vst v16  }
0x466: {  	v12 =	vld.idx.msk [tilespmem:v0+s15+$0x0], $0xffff  }
0x467: {  	s16 =	simm.s32 $0x136F0;
	v14 =	vld.idx.msk [tilespmem:v6+s15+$0x0], $0xffff  }
0x468: {  	v16 =	vld.idx.msk [tilespmem:v0+s16+$0x0], $0xffff  }
0x469: {  	v17 =	vld.idx.msk [tilespmem:v6+s16+$0x0], $0xffff  }
0x46a: {  	v18 =	vld.idx.msk [tilespmem:v7+s15+$0x0], $0xffff  }
0x46b: {  	v19 =	vld.idx.msk [tilespmem:v7+s16+$0x0], $0xffff  }
0x46c: {  	v20 =	vld.idx.msk [tilespmem:v1+s15+$0x0], $0xffff  }
0x46d: {  	v21 =	vld.idx.msk [tilespmem:v1+s16+$0x0], $0xffff;
	v22 =	vadd.s32 v12, v14  }
0x46e: {  	[tilespmem:v15+s19+$0x0] =	vst.idx.msk $0xffff, v22;
	v22 =	vld [tilespmem:$0x1FE70];
	_ =	sdelay $0x5  }
0x46f: {  	v23 =	vmul.f32 v17, v16;
	_ =	sdelay $0x1  }
0x470: {  	[tilespmem:v22+s19+$0x0] =	vst.idx.msk $0xffff, v23;
	v22 =	vld [tilespmem:$0x1FE80];
	_ =	sdelay $0x6  }
0x471: {  	v12 =	vadd.s32 v12, v18  }
0x472: {  	[tilespmem:v22+s19+$0x0] =	vst.idx.msk $0xffff, v12;
	v12 =	vld [tilespmem:$0x1FE90];
	_ =	sdelay $0x5  }
0x473: {  	v16 =	vmul.f32 v19, v16;
	_ =	sdelay $0x1  }
0x474: {  	[tilespmem:v12+s19+$0x0] =	vst.idx.msk $0xffff, v16;
	v16 =	vld [tilespmem:$0x1FEA0];
	_ =	sdelay $0x6  }
0x475: {  	v12 =	vadd.s32 v20, v14  }
0x476: {  	[tilespmem:v16+s19+$0x0] =	vst.idx.msk $0xffff, v12;
	v12 =	vld [tilespmem:$0x1FEB0]  }
0x477: {  	v16 =	vld [tilespmem:$0x1FEC0];
	_ =	sdelay $0x4  }
0x478: {  	v14 =	vmul.f32 v17, v21;
	_ =	sdelay $0x1  }
0x479: {  	[tilespmem:v12+s19+$0x0] =	vst.idx.msk $0xffff, v14;
	v12 =	vadd.s32 v20, v18  }
0x47a: {  	[tilespmem:v16+s19+$0x0] =	vst.idx.msk $0xffff, v12;
	v12 =	vld [tilespmem:$0x1FED0];
	_ =	sdelay $0x5  }
0x47b: {  	v14 =	vmul.f32 v19, v21;
	_ =	sdelay $0x1  }
0x47c: {  	v24 =	vld [tilespmem:$0x1FEE0];
	[tilespmem:v12+s19+$0x0] =	vst.idx.msk $0xffff, v14  }
0x47d: {  	v12 =	vld.idx.msk [tilespmem:v2+s15+$0x0], $0xffff  }
0x47e: {  	v14 =	vld.idx.msk [tilespmem:v8+s15+$0x0], $0xffff  }
0x47f: {  	v16 =	vld.idx.msk [tilespmem:v2+s16+$0x0], $0xffff  }
0x480: {  	v17 =	vld.idx.msk [tilespmem:v8+s16+$0x0], $0xffff  }
0x481: {  	v18 =	vld.idx.msk [tilespmem:v9+s15+$0x0], $0xffff  }
0x482: {  	v19 =	vld.idx.msk [tilespmem:v9+s16+$0x0], $0xffff  }
0x483: {  	v20 =	vld.idx.msk [tilespmem:v3+s15+$0x0], $0xffff  }
0x484: {  	v21 =	vld.idx.msk [tilespmem:v3+s16+$0x0], $0xffff;
	v22 =	vadd.s32 v12, v14  }
0x485: {  	[tilespmem:v24+s19+$0x0] =	vst.idx.msk $0xffff, v22;
	v22 =	vld [tilespmem:$0x1FEF0];
	_ =	sdelay $0x5  }
0x486: {  	v23 =	vmul.f32 v17, v16;
	_ =	sdelay $0x1  }
0x487: {  	[tilespmem:v22+s19+$0x0] =	vst.idx.msk $0xffff, v23;
	v22 =	vld [tilespmem:$0x1FF00];
	_ =	sdelay $0x6  }
0x488: {  	v12 =	vadd.s32 v12, v18  }
0x489: {  	[tilespmem:v22+s19+$0x0] =	vst.idx.msk $0xffff, v12;
	v12 =	vld [tilespmem:$0x1FF10];
	_ =	sdelay $0x5  }
0x48a: {  	v16 =	vmul.f32 v19, v16;
	_ =	sdelay $0x1  }
0x48b: {  	[tilespmem:v12+s19+$0x0] =	vst.idx.msk $0xffff, v16;
	v16 =	vld [tilespmem:$0x1FF20];
	_ =	sdelay $0x6  }
0x48c: {  	v12 =	vadd.s32 v20, v14  }
0x48d: {  	[tilespmem:v16+s19+$0x0] =	vst.idx.msk $0xffff, v12;
	v12 =	vld [tilespmem:$0x1FF30]  }
0x48e: {  	v16 =	vld [tilespmem:$0x1FF40];
	_ =	sdelay $0x4  }
0x48f: {  	v14 =	vmul.f32 v17, v21;
	_ =	sdelay $0x1  }
0x490: {  	[tilespmem:v12+s19+$0x0] =	vst.idx.msk $0xffff, v14;
	v12 =	vadd.s32 v20, v18  }
0x491: {  	[tilespmem:v16+s19+$0x0] =	vst.idx.msk $0xffff, v12  }
0x492: {  	v12 =	vld [tilespmem:$0x1FF50];
	_ =	sdelay $0x5  }
0x493: {  	v14 =	vmul.f32 v19, v21;
	_ =	sdelay $0x1  }
0x494: {  	v24 =	vld [tilespmem:$0x1FF60];
	[tilespmem:v12+s19+$0x0] =	vst.idx.msk $0xffff, v14  }
0x495: {  	v12 =	vld.idx.msk [tilespmem:v4+s15+$0x0], $0xffff  }
0x496: {  	v14 =	vld.idx.msk [tilespmem:v10+s15+$0x0], $0xffff  }
0x497: {  	v16 =	vld.idx.msk [tilespmem:v4+s16+$0x0], $0xffff  }
0x498: {  	v17 =	vld.idx.msk [tilespmem:v10+s16+$0x0], $0xffff  }
0x499: {  	v18 =	vld.idx.msk [tilespmem:v11+s15+$0x0], $0xffff  }
0x49a: {  	v19 =	vld.idx.msk [tilespmem:v11+s16+$0x0], $0xffff  }
0x49b: {  	v20 =	vld.idx.msk [tilespmem:v5+s15+$0x0], $0xffff  }
0x49c: {  	v21 =	vld.idx.msk [tilespmem:v5+s16+$0x0], $0xffff;
	v22 =	vadd.s32 v12, v14  }
0x49d: {  	[tilespmem:v24+s19+$0x0] =	vst.idx.msk $0xffff, v22;
	v22 =	vld [tilespmem:$0x1FF70];
	_ =	sdelay $0x5  }
0x49e: {  	v23 =	vmul.f32 v17, v16;
	_ =	sdelay $0x1  }
0x49f: {  	[tilespmem:v22+s19+$0x0] =	vst.idx.msk $0xffff, v23;
	v22 =	vld [tilespmem:$0x1FF80];
	_ =	sdelay $0x6  }
0x4a0: {  	v12 =	vadd.s32 v12, v18  }
0x4a1: {  	[tilespmem:v22+s19+$0x0] =	vst.idx.msk $0xffff, v12;
	v12 =	vld [tilespmem:$0x1FF90];
	_ =	sdelay $0x5  }
0x4a2: {  	v16 =	vmul.f32 v19, v16;
	_ =	sdelay $0x1  }
0x4a3: {  	[tilespmem:v12+s19+$0x0] =	vst.idx.msk $0xffff, v16;
	v16 =	vld [tilespmem:$0x1FFA0];
	_ =	sdelay $0x6  }
0x4a4: {  	v12 =	vadd.s32 v20, v14  }
0x4a5: {  	[tilespmem:v16+s19+$0x0] =	vst.idx.msk $0xffff, v12;
	v12 =	vld [tilespmem:$0x1FFB0]  }
0x4a6: {  	v16 =	vld [tilespmem:$0x1FFC0];
	_ =	sdelay $0x4  }
0x4a7: {  	v14 =	vmul.f32 v17, v21;
	_ =	sdelay $0x1  }
0x4a8: {  	[tilespmem:v12+s19+$0x0] =	vst.idx.msk $0xffff, v14;
	v12 =	vadd.s32 v20, v18  }
0x4a9: {  	[tilespmem:v16+s19+$0x0] =	vst.idx.msk $0xffff, v12;
	v12 =	vld [tilespmem:$0x1FFD0];
	_ =	sdelay $0x3  }
0x4aa: {  	v16 =	vimm.s32 $0x6  }
0x4ab: {  	v17 =	vimm.s32 $0x26  }
0x4ac: {  	v14 =	vmul.f32 v19, v21;
	_ =	sdelay $0x1  }
0x4ad: {  	v24 =	vld [tilespmem:$0x1FFE0];
	v19 =	vimm.s32 $0x36;
	[tilespmem:v12+s19+$0x0] =	vst.idx.msk $0xffff, v14  }
0x4ae: {  	v12 =	vld.idx.msk [tilespmem:v16+s15+$0x0], $0xffff  }
0x4af: {  	v21 =	vimm.s32 $0x16;
	v14 =	vld.idx.msk [tilespmem:v17+s15+$0x0], $0xffff  }
0x4b0: {  	v16 =	vld.idx.msk [tilespmem:v16+s16+$0x0], $0xffff  }
0x4b1: {  	v17 =	vld.idx.msk [tilespmem:v17+s16+$0x0], $0xffff  }
0x4b2: {  	v18 =	vld.idx.msk [tilespmem:v19+s15+$0x0], $0xffff  }
0x4b3: {  	v19 =	vld.idx.msk [tilespmem:v19+s16+$0x0], $0xffff  }
0x4b4: {  	v20 =	vld.idx.msk [tilespmem:v21+s15+$0x0], $0xffff  }
0x4b5: {  	v21 =	vld.idx.msk [tilespmem:v21+s16+$0x0], $0xffff  }
0x4b6: {  	v22 =	vadd.s32 v12, v14;
	v23 =	vmul.f32 v17, v16  }
0x4b7: {  	[tilespmem:v24+s19+$0x0] =	vst.idx.msk $0xffff, v22  }
0x4b8: {  	v12 =	vadd.s32 v12, v18;
	v16 =	vmul.f32 v19, v16;
	[tilespmem:v52+s19+$0x0] =	vst.idx.msk $0xffff, v23  }
0x4b9: {  	[tilespmem:v53+s19+$0x0] =	vst.idx.msk $0xffff, v12  }
0x4ba: {  	v12 =	vadd.s32 v20, v14;
	v14 =	vmul.f32 v17, v21;
	[tilespmem:v54+s19+$0x0] =	vst.idx.msk $0xffff, v16  }
0x4bb: {  	[tilespmem:v55+s19+$0x0] =	vst.idx.msk $0xffff, v12  }
0x4bc: {  	v12 =	vadd.s32 v20, v18;
	[tilespmem:v56+s19+$0x0] =	vst.idx.msk $0xffff, v14  }
0x4bd: {  	[tilespmem:v57+s19+$0x0] =	vst.idx.msk $0xffff, v12;
	v12 =	vld [tilespmem:$0x1FE00];
	_ =	sdelay $0x1  }
0x4be: {  	s17 =	sshll.u32 s0, $0x1  }
0x4bf: {  	s1 =	sand.u32 $0x7F0, s17;
	s0 =	sand.u32 $0x7, s0;
	v14 =	vmul.f32 v19, v21  }
0x4c0: {  	s0 =	sor.u32 s0, s1  }
0x4c1: {  	[tilespmem:v58+s19+$0x0] =	vst.idx.msk $0xffff, v14;
	v12 =	vadd.s32 s0, v12  }
0x4c2: {  	[tilespmem:$0x13648] =	vst v12;
	v12 =	vld [tilespmem:$0x1FE10];
	_ =	sdelay $0x4  }
0x4c3: {  	v12 =	vadd.s32 s0, v12  }
0x4c4: {  	[tilespmem:$0x13658] =	vst v12;
	v12 =	vld [tilespmem:$0x1FE20];
	_ =	sdelay $0x4  }
0x4c5: {  	v12 =	vadd.s32 s0, v12  }
0x4c6: {  	[tilespmem:$0x13668] =	vst v12;
	v12 =	vld [tilespmem:$0x1FE30];
	_ =	sdelay $0x4  }
0x4c7: {  	v12 =	vadd.s32 s0, v12  }
0x4c8: {  	[tilespmem:$0x13678] =	vst v12;
	v12 =	vld [tilespmem:$0x1FE40];
	_ =	sdelay $0x4  }
0x4c9: {  	v12 =	vadd.s32 s0, v12  }
0x4ca: {  	[tilespmem:$0x13688] =	vst v12;
	v12 =	vld [tilespmem:$0x1FE50];
	_ =	sdelay $0x4  }
0x4cb: {  	v12 =	vadd.s32 s0, v12  }
0x4cc: {  	v14 =	vlaneseq.u32;
	[tilespmem:$0x13698] =	vst v12;
	v12 =	vld [tilespmem:$0x1FE60]  }
0x4cd: {  	v14 =	vadd.s32 $0xC8, v14;
	_ =	sdelay $0x3  }
0x4ce: {  	v12 =	vadd.s32 s0, v12  }
0x4cf: {  	s18 =	simm.s32 $0x13740;
	[tilespmem:v14+s11+$0x0] =	vst.idx.msk $0x3, v12  }
0x4d0: {  	v12 =	vld [tilespmem:s18+$0x0];
	_ =	sdelay $0x2  }
0x4d1: {  	v16 =	vld [tilespmem:s18+$0xFFFFFFF0];
	_ =	sdelay $0x1  }
0x4d2: {  	v14 =	vshll.u32 v12, $0xA  }
0x4d3: {  	v14 =	vshra.s32 v14, $0x2  }
0x4d4: {  	(v2sf) =	vpush v14, $0x0  }
0x4d5: {  	v17 =	vshll.u32 v16, $0xA;
	(v2sf) =	vpush v14, $0x1  }
0x4d6: {  	v17 =	vshra.s32 v17, $0x2;
	(v2sf) =	vpush v14, $0x2  }
0x4d7: {  	(v2sf) =	vpush v17, $0x0  }
0x4d8: {  	(v2sf) =	vpush v17, $0x1  }
0x4d9: {  	(v2sf) =	vpush v14, $0x3;
	_ =	sdelay $0x9  }
0x4da: {  	s20 =	spop (v2sf)  }
0x4db: {  	v14 =	vld [tilespmem:s20+$0x0];
	s21 =	spop (v2sf)  }
0x4dc: {  	v18 =	vld [tilespmem:s21+$0x0];
	s11 =	spop (v2sf)  }
0x4dd: {  	s0 =	spop (v2sf)  }
0x4de: {  	v19 =	vld [tilespmem:s11+$0x0];
	s29 =	spop (v2sf)  }
0x4df: {  	v31 =	vbroadcast v12, $0x4;
	v32 =	vbroadcast v12, $0x5;
	s26 =	spop (v2sf)  }
0x4e0: {  	v30 =	vbroadcast v12, $0x6;
	v20 =	vld [tilespmem:s26+$0x0]  }
0x4e1: {  	v14 =	vmul.f32 v31, v14;
	v18 =	vmul.f32 v18, v32;
	_ =	sdelay $0x1  }
0x4e2: {  	v29 =	vbroadcast v12, $0x7;
	v12 =	vadd.f32 v18, v14;
	v14 =	vmul.f32 v19, v30;
	_ =	sdelay $0x1  }
0x4e3: {  	v12 =	vadd.f32 v14, v12;
	v14 =	vmul.f32 v20, v29;
	_ =	sdelay $0x1  }
0x4e4: {  	v12 =	vadd.f32 v14, v12  }
0x4e5: {  	s28 =	simm.s32 $0x107D0  }
0x4e6: {  	v18 =	vld [tilespmem:s18+$0xFFFFFFF8];
	[tilespmem:s28+$0xFFFFFF10] =	vst v12  }
0x4e7: {  	v12 =	vld [tilespmem:s20+$0x10]  }
0x4e8: {  	v14 =	vld [tilespmem:s21+$0x10];
	_ =	sdelay $0x1  }
0x4e9: {  	v19 =	vld [tilespmem:s11+$0x10];
	_ =	sdelay $0x1  }
0x4ea: {  	v20 =	vshll.u32 v18, $0xA;
	v21 =	vld [tilespmem:s26+$0x10]  }
0x4eb: {  	v20 =	vshra.s32 v20, $0x2;
	v12 =	vmul.f32 v12, v31;
	v14 =	vmul.f32 v14, v32  }
0x4ec: {  	(v2sf) =	vpush v20, $0x0  }
0x4ed: {  	(v2sf) =	vpush v20, $0x1;
	v19 =	vmul.f32 v19, v30;
	v12 =	vadd.f32 v14, v12  }
0x4ee: {  	(v2sf) =	vpush v17, $0x2  }
0x4ef: {  	(v2sf) =	vpush v20, $0x2;
	v14 =	vmul.f32 v21, v29;
	v12 =	vadd.f32 v19, v12  }
0x4f0: {  	(v2sf) =	vpush v17, $0x3  }
0x4f1: {  	v12 =	vadd.f32 v14, v12  }
0x4f2: {  	(v2sf) =	vpush v20, $0x3  }
0x4f3: {  	[tilespmem:s28+$0xFFFFFF20] =	vst v12  }
0x4f4: {  	v12 =	vld [tilespmem:s20+$0x20]  }
0x4f5: {  	v14 =	vld [tilespmem:s21+$0x20];
	_ =	sdelay $0x1  }
0x4f6: {  	v17 =	vld [tilespmem:s11+$0x20];
	_ =	sdelay $0x1  }
0x4f7: {  	v19 =	vld [tilespmem:s26+$0x20]  }
0x4f8: {  	v12 =	vmul.f32 v12, v31;
	v14 =	vmul.f32 v14, v32  }
0x4f9: {  	v20 =	vld [tilespmem:s0+$0x0];
	s2 =	spop (v2sf)  }
0x4fa: {  	v21 =	vld [tilespmem:s29+$0x0];
	s14 =	spop (v2sf);
	v12 =	vadd.f32 v14, v12;
	v14 =	vmul.f32 v17, v30  }
0x4fb: {  	s13 =	spop (v2sf);
	v23 =	vld [tilespmem:s14+$0x0]  }
0x4fc: {  	s6 =	spop (v2sf);
	v22 =	vld [tilespmem:s13+$0x0];
	v19 =	vmul.f32 v19, v29;
	v12 =	vadd.f32 v14, v12  }
0x4fd: {  	v63 =	vbroadcast v16, $0x4;
	s12 =	spop (v2sf);
	v17 =	vld [tilespmem:s2+$0x0];
	v14 =	vbroadcast v16, $0x5  }
0x4fe: {  	v61 =	vbroadcast v16, $0x6;
	v24 =	vld [tilespmem:s12+$0x0];
	v19 =	vadd.f32 v19, v12  }
0x4ff: {  	v20 =	vmul.f32 v63, v20;
	v25 =	vld [tilespmem:s6+$0x0];
	s30 =	spop (v2sf);
	v21 =	vmul.f32 v21, v14  }
0x500: {  	v62 =	vbroadcast v16, $0x7;
	v59 =	vbroadcast v18, $0x4;
	v26 =	vld [tilespmem:s30+$0x0];
	[tilespmem:s28+$0xFFFFFF30] =	vst v19  }
0x501: {  	v12 =	vbroadcast v18, $0x5;
	v19 =	vadd.f32 v21, v20;
	v20 =	vmul.f32 v22, v61;
	v21 =	vld [tilespmem:s20+$0x30]  }
0x502: {  	v16 =	vbroadcast v18, $0x6;
	v17 =	vmul.f32 v59, v17;
	v22 =	vld [tilespmem:s21+$0x30]  }
0x503: {  	v23 =	vmul.f32 v23, v12;
	v19 =	vadd.f32 v20, v19;
	v20 =	vmul.f32 v24, v62  }
0x504: {  	v60 =	vbroadcast v18, $0x7;
	v18 =	vld [tilespmem:s11+$0x30]  }
0x505: {  	v17 =	vadd.f32 v23, v17;
	v23 =	vmul.f32 v25, v16;
	v19 =	vadd.f32 v20, v19  }
0x506: {  	v24 =	vld [tilespmem:s26+$0x30];
	v20 =	vmul.f32 v26, v60  }
0x507: {  	v17 =	vadd.f32 v23, v17;
	[tilespmem:s28+$0xFFFFFD10] =	vst v19;
	v19 =	vmul.f32 v21, v31;
	v21 =	vmul.f32 v22, v32  }
0x508: {  	v22 =	vld [tilespmem:s0+$0x10]  }
0x509: {  	v17 =	vadd.f32 v20, v17;
	v18 =	vmul.f32 v18, v30;
	v23 =	vld [tilespmem:s29+$0x10];
	v19 =	vadd.f32 v21, v19  }
0x50a: {  	v20 =	vld [tilespmem:s13+$0x10]  }
0x50b: {  	v21 =	vld [tilespmem:s12+$0x10];
	[tilespmem:s28+$0xFFFFFE10] =	vst v17;
	v17 =	vadd.f32 v18, v19;
	v18 =	vmul.f32 v24, v29  }
0x50c: {  	v19 =	vld [tilespmem:s2+$0x10]  }
0x50d: {  	v24 =	vld [tilespmem:s14+$0x10];
	v17 =	vadd.f32 v18, v17  }
0x50e: {  	v25 =	vld [tilespmem:s30+$0x10];
	v18 =	vmul.f32 v22, v63;
	v22 =	vmul.f32 v23, v14  }
0x50f: {  	v23 =	vld [tilespmem:s6+$0x10];
	[tilespmem:s28+$0xFFFFFF40] =	vst v17  }
0x510: {  	v17 =	vmul.f32 v20, v61;
	v18 =	vadd.f32 v22, v18;
	v20 =	vld [tilespmem:s20+$0x40]  }
0x511: {  	v21 =	vmul.f32 v21, v62;
	v22 =	vld [tilespmem:s21+$0x40]  }
0x512: {  	v17 =	vadd.f32 v17, v18;
	v18 =	vmul.f32 v19, v59;
	v19 =	vmul.f32 v24, v12  }
0x513: {  	v24 =	vld [tilespmem:s11+$0x40]  }
0x514: {  	v17 =	vadd.f32 v21, v17;
	v21 =	vmul.f32 v23, v16;
	v18 =	vadd.f32 v19, v18  }
0x515: {  	v19 =	vmul.f32 v25, v60;
	v23 =	vld [tilespmem:s26+$0x40]  }
0x516: {  	[tilespmem:s28+$0xFFFFFD20] =	vst v17;
	v17 =	vadd.f32 v21, v18;
	v18 =	vmul.f32 v20, v31;
	v20 =	vmul.f32 v22, v32  }
0x517: {  	v21 =	vld [tilespmem:s0+$0x20]  }
0x518: {  	v22 =	vld [tilespmem:s29+$0x20];
	v17 =	vadd.f32 v19, v17;
	v18 =	vadd.f32 v20, v18;
	v19 =	vmul.f32 v24, v30  }
0x519: {  	v20 =	vld [tilespmem:s13+$0x20]  }
0x51a: {  	v24 =	vld [tilespmem:s12+$0x20];
	[tilespmem:s28+$0xFFFFFE20] =	vst v17;
	v17 =	vadd.f32 v19, v18;
	v18 =	vmul.f32 v23, v29  }
0x51b: {  	v19 =	vld [tilespmem:s2+$0x20]  }
0x51c: {  	v23 =	vld [tilespmem:s14+$0x20];
	v17 =	vadd.f32 v18, v17  }
0x51d: {  	v25 =	vld [tilespmem:s30+$0x20];
	v18 =	vmul.f32 v21, v63;
	v21 =	vmul.f32 v22, v14  }
0x51e: {  	v22 =	vld [tilespmem:s6+$0x20];
	[tilespmem:s28+$0xFFFFFF50] =	vst v17  }
0x51f: {  	v17 =	vmul.f32 v20, v61;
	v18 =	vadd.f32 v21, v18;
	v20 =	vld [tilespmem:s20+$0x50]  }
0x520: {  	v21 =	vmul.f32 v24, v62;
	v24 =	vld [tilespmem:s21+$0x50]  }
0x521: {  	v17 =	vadd.f32 v17, v18;
	v18 =	vmul.f32 v19, v59;
	v19 =	vmul.f32 v23, v12  }
0x522: {  	v23 =	vld [tilespmem:s11+$0x50]  }
0x523: {  	v17 =	vadd.f32 v21, v17;
	v21 =	vmul.f32 v22, v16;
	v18 =	vadd.f32 v19, v18  }
0x524: {  	v19 =	vmul.f32 v25, v60;
	v22 =	vld [tilespmem:s26+$0x50]  }
0x525: {  	[tilespmem:s28+$0xFFFFFD30] =	vst v17;
	v17 =	vadd.f32 v21, v18;
	v18 =	vmul.f32 v20, v31;
	v20 =	vmul.f32 v24, v32  }
0x526: {  	v21 =	vld [tilespmem:s0+$0x30]  }
0x527: {  	v24 =	vld [tilespmem:s29+$0x30];
	v17 =	vadd.f32 v19, v17;
	v18 =	vadd.f32 v20, v18;
	v19 =	vmul.f32 v23, v30  }
0x528: {  	v20 =	vld [tilespmem:s13+$0x30]  }
0x529: {  	v23 =	vld [tilespmem:s12+$0x30];
	[tilespmem:s28+$0xFFFFFE30] =	vst v17;
	v17 =	vadd.f32 v19, v18;
	v18 =	vmul.f32 v22, v29  }
0x52a: {  	v19 =	vld [tilespmem:s2+$0x30]  }
0x52b: {  	v22 =	vld [tilespmem:s14+$0x30];
	v17 =	vadd.f32 v18, v17  }
0x52c: {  	v25 =	vld [tilespmem:s30+$0x30];
	v18 =	vmul.f32 v21, v63;
	v21 =	vmul.f32 v24, v14  }
0x52d: {  	v24 =	vld [tilespmem:s6+$0x30];
	[tilespmem:s28+$0xFFFFFF60] =	vst v17  }
0x52e: {  	v17 =	vmul.f32 v20, v61;
	v18 =	vadd.f32 v21, v18;
	v20 =	vld [tilespmem:s20+$0x60]  }
0x52f: {  	v21 =	vmul.f32 v23, v62;
	v23 =	vld [tilespmem:s21+$0x60]  }
0x530: {  	v17 =	vadd.f32 v17, v18;
	v18 =	vmul.f32 v19, v59;
	v19 =	vmul.f32 v22, v12  }
0x531: {  	v22 =	vld [tilespmem:s11+$0x60]  }
0x532: {  	v17 =	vadd.f32 v21, v17;
	v21 =	vmul.f32 v24, v16;
	v18 =	vadd.f32 v19, v18  }
0x533: {  	v19 =	vmul.f32 v25, v60;
	v24 =	vld [tilespmem:s26+$0x60]  }
0x534: {  	[tilespmem:s28+$0xFFFFFD40] =	vst v17;
	v17 =	vadd.f32 v21, v18;
	v18 =	vmul.f32 v20, v31;
	v20 =	vmul.f32 v23, v32  }
0x535: {  	v21 =	vld [tilespmem:s0+$0x40]  }
0x536: {  	v23 =	vld [tilespmem:s29+$0x40];
	v17 =	vadd.f32 v19, v17;
	v18 =	vadd.f32 v20, v18;
	v19 =	vmul.f32 v22, v30  }
0x537: {  	v20 =	vld [tilespmem:s13+$0x40]  }
0x538: {  	v22 =	vld [tilespmem:s12+$0x40];
	[tilespmem:s28+$0xFFFFFE40] =	vst v17;
	v17 =	vadd.f32 v19, v18;
	v18 =	vmul.f32 v24, v29  }
0x539: {  	v19 =	vld [tilespmem:s2+$0x40]  }
0x53a: {  	v24 =	vld [tilespmem:s14+$0x40];
	v17 =	vadd.f32 v18, v17  }
0x53b: {  	v25 =	vld [tilespmem:s30+$0x40];
	v18 =	vmul.f32 v21, v63;
	v21 =	vmul.f32 v23, v14  }
0x53c: {  	v23 =	vld [tilespmem:s6+$0x40];
	[tilespmem:s28+$0xFFFFFF70] =	vst v17  }
0x53d: {  	v17 =	vmul.f32 v20, v61;
	v18 =	vadd.f32 v21, v18;
	v20 =	vld [tilespmem:s20+$0x70]  }
0x53e: {  	v21 =	vmul.f32 v22, v62;
	v22 =	vld [tilespmem:s21+$0x70]  }
0x53f: {  	v17 =	vadd.f32 v17, v18;
	v18 =	vmul.f32 v19, v59;
	v19 =	vmul.f32 v24, v12  }
0x540: {  	v24 =	vld [tilespmem:s11+$0x70]  }
0x541: {  	v17 =	vadd.f32 v21, v17;
	v21 =	vmul.f32 v23, v16;
	v18 =	vadd.f32 v19, v18  }
0x542: {  	v19 =	vmul.f32 v25, v60;
	v23 =	vld [tilespmem:s26+$0x70]  }
0x543: {  	[tilespmem:s28+$0xFFFFFD50] =	vst v17;
	v17 =	vadd.f32 v21, v18;
	v18 =	vmul.f32 v20, v31;
	v20 =	vmul.f32 v22, v32  }
0x544: {  	v21 =	vld [tilespmem:s0+$0x50]  }
0x545: {  	v22 =	vld [tilespmem:s29+$0x50];
	v17 =	vadd.f32 v19, v17;
	v18 =	vadd.f32 v20, v18;
	v19 =	vmul.f32 v24, v30  }
0x546: {  	v20 =	vld [tilespmem:s13+$0x50]  }
0x547: {  	v24 =	vld [tilespmem:s12+$0x50];
	[tilespmem:s28+$0xFFFFFE50] =	vst v17;
	v17 =	vadd.f32 v19, v18;
	v18 =	vmul.f32 v23, v29  }
0x548: {  	v19 =	vld [tilespmem:s2+$0x50]  }
0x549: {  	v23 =	vld [tilespmem:s14+$0x50];
	v17 =	vadd.f32 v18, v17  }
0x54a: {  	v25 =	vld [tilespmem:s30+$0x50];
	v18 =	vmul.f32 v21, v63;
	v21 =	vmul.f32 v22, v14  }
0x54b: {  	v22 =	vld [tilespmem:s6+$0x50];
	[tilespmem:s28+$0xFFFFFF80] =	vst v17  }
0x54c: {  	v17 =	vmul.f32 v20, v61;
	v18 =	vadd.f32 v21, v18;
	v20 =	vld [tilespmem:s20+$0x80]  }
0x54d: {  	v21 =	vmul.f32 v24, v62;
	v24 =	vld [tilespmem:s21+$0x80]  }
0x54e: {  	v17 =	vadd.f32 v17, v18;
	v18 =	vmul.f32 v19, v59;
	v19 =	vmul.f32 v23, v12  }
0x54f: {  	v23 =	vld [tilespmem:s11+$0x80]  }
0x550: {  	v17 =	vadd.f32 v21, v17;
	v21 =	vmul.f32 v22, v16;
	v18 =	vadd.f32 v19, v18  }
0x551: {  	v19 =	vmul.f32 v25, v60;
	v22 =	vld [tilespmem:s26+$0x80]  }
0x552: {  	[tilespmem:s28+$0xFFFFFD60] =	vst v17;
	v17 =	vadd.f32 v21, v18;
	v18 =	vmul.f32 v20, v31;
	v20 =	vmul.f32 v24, v32  }
0x553: {  	v21 =	vld [tilespmem:s0+$0x60]  }
0x554: {  	v24 =	vld [tilespmem:s29+$0x60];
	v17 =	vadd.f32 v19, v17;
	v18 =	vadd.f32 v20, v18;
	v19 =	vmul.f32 v23, v30  }
0x555: {  	v20 =	vld [tilespmem:s13+$0x60]  }
0x556: {  	v23 =	vld [tilespmem:s12+$0x60];
	[tilespmem:s28+$0xFFFFFE60] =	vst v17;
	v17 =	vadd.f32 v19, v18;
	v18 =	vmul.f32 v22, v29  }
0x557: {  	v19 =	vld [tilespmem:s2+$0x60]  }
0x558: {  	v22 =	vld [tilespmem:s14+$0x60];
	v17 =	vadd.f32 v18, v17  }
0x559: {  	v25 =	vld [tilespmem:s30+$0x60];
	v18 =	vmul.f32 v21, v63;
	v21 =	vmul.f32 v24, v14  }
0x55a: {  	v24 =	vld [tilespmem:s6+$0x60];
	[tilespmem:s28+$0xFFFFFF90] =	vst v17  }
0x55b: {  	v17 =	vmul.f32 v20, v61;
	v18 =	vadd.f32 v21, v18;
	v20 =	vld [tilespmem:s20+$0x90]  }
0x55c: {  	v21 =	vmul.f32 v23, v62;
	v23 =	vld [tilespmem:s21+$0x90]  }
0x55d: {  	v17 =	vadd.f32 v17, v18;
	v18 =	vmul.f32 v19, v59;
	v19 =	vmul.f32 v22, v12  }
0x55e: {  	v22 =	vld [tilespmem:s11+$0x90]  }
0x55f: {  	v17 =	vadd.f32 v21, v17;
	v21 =	vmul.f32 v24, v16;
	v18 =	vadd.f32 v19, v18  }
0x560: {  	v19 =	vmul.f32 v25, v60;
	v24 =	vld [tilespmem:s26+$0x90]  }
0x561: {  	[tilespmem:s28+$0xFFFFFD70] =	vst v17;
	v17 =	vadd.f32 v21, v18;
	v18 =	vmul.f32 v20, v31;
	v20 =	vmul.f32 v23, v32  }
0x562: {  	v21 =	vld [tilespmem:s0+$0x70]  }
0x563: {  	v23 =	vld [tilespmem:s29+$0x70];
	v17 =	vadd.f32 v19, v17;
	v18 =	vadd.f32 v20, v18;
	v19 =	vmul.f32 v22, v30  }
0x564: {  	v20 =	vld [tilespmem:s13+$0x70]  }
0x565: {  	v22 =	vld [tilespmem:s12+$0x70];
	[tilespmem:s28+$0xFFFFFE70] =	vst v17;
	v17 =	vadd.f32 v19, v18;
	v18 =	vmul.f32 v24, v29  }
0x566: {  	v19 =	vld [tilespmem:s2+$0x70]  }
0x567: {  	v24 =	vld [tilespmem:s14+$0x70];
	v17 =	vadd.f32 v18, v17  }
0x568: {  	v25 =	vld [tilespmem:s30+$0x70];
	v18 =	vmul.f32 v21, v63;
	v21 =	vmul.f32 v23, v14  }
0x569: {  	v23 =	vld [tilespmem:s6+$0x70];
	[tilespmem:s28+$0xFFFFFFA0] =	vst v17  }
0x56a: {  	v17 =	vmul.f32 v20, v61;
	v18 =	vadd.f32 v21, v18;
	v20 =	vld [tilespmem:s20+$0xA0]  }
0x56b: {  	v21 =	vmul.f32 v22, v62;
	v22 =	vld [tilespmem:s21+$0xA0]  }
0x56c: {  	v17 =	vadd.f32 v17, v18;
	v18 =	vmul.f32 v19, v59;
	v19 =	vmul.f32 v24, v12  }
0x56d: {  	v24 =	vld [tilespmem:s11+$0xA0]  }
0x56e: {  	v17 =	vadd.f32 v21, v17;
	v21 =	vmul.f32 v23, v16;
	v18 =	vadd.f32 v19, v18  }
0x56f: {  	v19 =	vmul.f32 v25, v60;
	v23 =	vld [tilespmem:s26+$0xA0]  }
0x570: {  	[tilespmem:s28+$0xFFFFFD80] =	vst v17;
	v17 =	vadd.f32 v21, v18;
	v18 =	vmul.f32 v20, v31;
	v20 =	vmul.f32 v22, v32  }
0x571: {  	v21 =	vld [tilespmem:s0+$0x80]  }
0x572: {  	v22 =	vld [tilespmem:s29+$0x80];
	v17 =	vadd.f32 v19, v17;
	v18 =	vadd.f32 v20, v18;
	v19 =	vmul.f32 v24, v30  }
0x573: {  	v20 =	vld [tilespmem:s13+$0x80]  }
0x574: {  	v24 =	vld [tilespmem:s12+$0x80];
	[tilespmem:s28+$0xFFFFFE80] =	vst v17;
	v17 =	vadd.f32 v19, v18;
	v18 =	vmul.f32 v23, v29  }
0x575: {  	v19 =	vld [tilespmem:s2+$0x80]  }
0x576: {  	v23 =	vld [tilespmem:s14+$0x80];
	v17 =	vadd.f32 v18, v17  }
0x577: {  	v25 =	vld [tilespmem:s30+$0x80];
	v18 =	vmul.f32 v21, v63;
	v21 =	vmul.f32 v22, v14  }
0x578: {  	v22 =	vld [tilespmem:s6+$0x80];
	[tilespmem:s28+$0xFFFFFFB0] =	vst v17  }
0x579: {  	v17 =	vmul.f32 v20, v61;
	v18 =	vadd.f32 v21, v18;
	v20 =	vld [tilespmem:s20+$0xB0]  }
0x57a: {  	v21 =	vmul.f32 v24, v62;
	v24 =	vld [tilespmem:s21+$0xB0]  }
0x57b: {  	v17 =	vadd.f32 v17, v18;
	v18 =	vmul.f32 v19, v59;
	v19 =	vmul.f32 v23, v12  }
0x57c: {  	v23 =	vld [tilespmem:s11+$0xB0]  }
0x57d: {  	v17 =	vadd.f32 v21, v17;
	v21 =	vmul.f32 v22, v16;
	v18 =	vadd.f32 v19, v18  }
0x57e: {  	v19 =	vmul.f32 v25, v60;
	v22 =	vld [tilespmem:s26+$0xB0]  }
0x57f: {  	s31 =	simm.s32 $0x13758;
	[tilespmem:s28+$0xFFFFFD90] =	vst v17;
	v17 =	vadd.f32 v21, v18;
	v18 =	vmul.f32 v20, v31;
	v20 =	vmul.f32 v24, v32  }
0x580: {  	v27 =	vld [tilespmem:s31+$0xFFFFFFF0]  }
0x581: {  	v21 =	vld [tilespmem:s0+$0x90];
	v17 =	vadd.f32 v19, v17;
	v18 =	vadd.f32 v20, v18;
	v19 =	vmul.f32 v23, v30  }
0x582: {  	v24 =	vld [tilespmem:s29+$0x90]  }
0x583: {  	v25 =	vld [tilespmem:s31+$0x0];
	[tilespmem:s28+$0xFFFFFE90] =	vst v17;
	v17 =	vadd.f32 v19, v18;
	v18 =	vmul.f32 v22, v29  }
0x584: {  	v20 =	vld [tilespmem:s13+$0x90]  }
0x585: {  	v23 =	vld [tilespmem:s12+$0x90];
	v17 =	vadd.f32 v18, v17  }
0x586: {  	v19 =	vld [tilespmem:s2+$0x90]  }
0x587: {  	v22 =	vld [tilespmem:s14+$0x90];
	v21 =	vmul.f32 v21, v63;
	v24 =	vmul.f32 v24, v14;
	[tilespmem:s28+$0xFFFFFFC0] =	vst v17  }
0x588: {  	v17 =	vld [tilespmem:s20+$0xC0]  }
0x589: {  	v20 =	vmul.f32 v20, v61;
	v21 =	vadd.f32 v24, v21;
	v24 =	vld [tilespmem:s21+$0xC0]  }
0x58a: {  	v18 =	vld [tilespmem:s6+$0x90]  }
0x58b: {  	v23 =	vmul.f32 v23, v62;
	v20 =	vadd.f32 v20, v21;
	v21 =	vld [tilespmem:s11+$0xC0];
	_ =	sdelay $0x1  }
0x58c: {  	v47 =	vshll.u32 v27, $0xA;
	v26 =	vld [tilespmem:s26+$0xC0];
	v19 =	vmul.f32 v19, v59;
	v20 =	vadd.f32 v23, v20  }
0x58d: {  	v23 =	vshll.u32 v25, $0xA;
	v17 =	vmul.f32 v17, v31;
	v24 =	vmul.f32 v24, v32  }
0x58e: {  	v22 =	vmul.f32 v22, v12;
	v18 =	vmul.f32 v18, v16;
	v23 =	vshra.s32 v23, $0x2;
	[tilespmem:s28+$0xFFFFFDA0] =	vst v20;
	v20 =	vld [tilespmem:s30+$0x90]  }
0x58f: {  	(v2sf) =	vpush v23, $0x0;
	v28 =	vld [tilespmem:s0+$0xA0];
	v21 =	vmul.f32 v21, v30;
	v17 =	vadd.f32 v24, v17  }
0x590: {  	v19 =	vadd.f32 v22, v19;
	v22 =	vshra.s32 v47, $0x2;
	(v2sf) =	vpush v23, $0x1;
	v24 =	vld [tilespmem:s29+$0xA0]  }
0x591: {  	(v2sf) =	vpush v23, $0x2;
	v17 =	vadd.f32 v21, v17;
	v21 =	vmul.f32 v26, v29  }
0x592: {  	v18 =	vadd.f32 v18, v19;
	v48 =	vld [tilespmem:s13+$0xA0];
	(v2sf) =	vpush v22, $0x0  }
0x593: {  	v26 =	vld [tilespmem:s31+$0xFFFFFFF8];
	(v2sf) =	vpush v22, $0x1;
	v19 =	vmul.f32 v20, v60;
	v17 =	vadd.f32 v21, v17  }
0x594: {  	v20 =	vld [tilespmem:s12+$0xA0];
	(v2sf) =	vpush v23, $0x3  }
0x595: {  	v21 =	vmul.f32 v28, v63;
	v23 =	vmul.f32 v24, v14;
	v18 =	vadd.f32 v19, v18;
	[tilespmem:s28+$0xFFFFFFD0] =	vst v17  }
0x596: {  	v17 =	vld [tilespmem:s20+$0xD0]  }
0x597: {  	v19 =	vmul.f32 v48, v61;
	v21 =	vadd.f32 v23, v21;
	[tilespmem:s28+$0xFFFFFEA0] =	vst v18;
	v23 =	vld [tilespmem:s21+$0xD0]  }
0x598: {  	v18 =	vshll.u32 v26, $0xA;
	v28 =	vld [tilespmem:s2+$0xA0]  }
0x599: {  	v24 =	vshra.s32 v18, $0x2;
	v18 =	vmul.f32 v20, v62;
	v20 =	vld [tilespmem:s11+$0xD0];
	v19 =	vadd.f32 v19, v21  }
0x59a: {  	v33 =	vld [tilespmem:s14+$0xA0];
	(v2sf) =	vpush v24, $0x0  }
0x59b: {  	(v2sf) =	vpush v24, $0x1;
	v18 =	vadd.f32 v18, v19;
	v19 =	vld [tilespmem:s26+$0xD0]  }
0x59c: {  	v34 =	vld [tilespmem:s6+$0xA0];
	(v2sf) =	vpush v22, $0x2;
	v17 =	vmul.f32 v17, v31;
	v21 =	vmul.f32 v23, v32  }
0x59d: {  	v35 =	vld [tilespmem:s30+$0xA0];
	(v2sf) =	vpush v24, $0x2;
	[tilespmem:s28+$0xFFFFFDB0] =	vst v18  }
0x59e: {  	(v2sf) =	vpush v22, $0x3;
	s3 =	spop (v2sf);
	v18 =	vmul.f32 v20, v30;
	v36 =	vld [tilespmem:s0+$0xB0];
	v17 =	vadd.f32 v21, v17  }
0x59f: {  	v37 =	vld [tilespmem:s29+$0xB0];
	s4 =	spop (v2sf)  }
0x5a0: {  	v21 =	vld [tilespmem:s3+$0x0];
	s5 =	spop (v2sf);
	v17 =	vadd.f32 v18, v17;
	v18 =	vmul.f32 v19, v29  }
0x5a1: {  	v22 =	vld [tilespmem:s4+$0x0];
	s15 =	spop (v2sf)  }
0x5a2: {  	v38 =	vld [tilespmem:s13+$0xB0];
	s10 =	spop (v2sf);
	v17 =	vadd.f32 v18, v17  }
0x5a3: {  	(v2sf) =	vpush v24, $0x3;
	v23 =	vld [tilespmem:s5+$0x0];
	s7 =	spop (v2sf)  }
0x5a4: {  	v20 =	vbroadcast v25, $0x5;
	v19 =	vbroadcast v25, $0x4;
	v49 =	vld [tilespmem:s7+$0x0];
	[tilespmem:s28+$0xFFFFFFE0] =	vst v17  }
0x5a5: {  	v18 =	vbroadcast v25, $0x6;
	v50 =	vld [tilespmem:s20+$0xE0]  }
0x5a6: {  	v21 =	vmul.f32 v19, v21;
	v22 =	vmul.f32 v22, v20;
	v24 =	vld [tilespmem:s21+$0xE0]  }
0x5a7: {  	v45 =	vld [tilespmem:s12+$0xB0]  }
0x5a8: {  	v51 =	vld [tilespmem:s15+$0x0];
	v17 =	vbroadcast v25, $0x7;
	v21 =	vadd.f32 v22, v21;
	v22 =	vmul.f32 v23, v18  }
0x5a9: {  	v23 =	vld [tilespmem:s11+$0xE0];
	s23 =	spop (v2sf)  }
0x5aa: {  	v25 =	vld [tilespmem:s10+$0x0];
	v21 =	vadd.f32 v22, v21;
	v39 =	vmul.f32 v49, v17;
	s24 =	spop (v2sf)  }
0x5ab: {  	v48 =	vld [tilespmem:s26+$0xE0];
	s22 =	spop (v2sf);
	v40 =	vmul.f32 v50, v31;
	v44 =	vmul.f32 v24, v32  }
0x5ac: {  	v28 =	vmul.f32 v28, v59;
	v39 =	vadd.f32 v39, v21;
	s16 =	spop (v2sf);
	v49 =	vld [tilespmem:s22+$0x0]  }
0x5ad: {  	s1 =	simm.s32 $0x10AD0;
	v22 =	vbroadcast v27, $0x5;
	v24 =	vbroadcast v27, $0x4;
	s25 =	spop (v2sf);
	v40 =	vadd.f32 v44, v40;
	v44 =	vld [tilespmem:s23+$0x0]  }
0x5ae: {  	v21 =	vbroadcast v27, $0x6;
	v23 =	vmul.f32 v23, v30;
	[tilespmem:s1+$0xFFFFFF10] =	vst v39;
	v46 =	vld [tilespmem:s25+$0x0]  }
0x5af: {  	v25 =	vmul.f32 v25, v22;
	v41 =	vmul.f32 v24, v51;
	v39 =	vld [tilespmem:s3+$0x10]  }
0x5b0: {  	v33 =	vmul.f32 v33, v12;
	v42 =	vmul.f32 v48, v29;
	v50 =	vld [tilespmem:s4+$0x10];
	v40 =	vadd.f32 v23, v40  }
0x5b1: {  	v51 =	vld [tilespmem:s24+$0x0];
	v23 =	vbroadcast v27, $0x7;
	v25 =	vadd.f32 v25, v41;
	v27 =	vmul.f32 v49, v21  }
0x5b2: {  	v34 =	vmul.f32 v34, v16;
	v35 =	vmul.f32 v35, v60;
	v28 =	vadd.f32 v33, v28;
	v48 =	vld [tilespmem:s5+$0x10];
	s9 =	spop (v2sf)  }
0x5b3: {  	v41 =	vld [tilespmem:s9+$0x0];
	v40 =	vadd.f32 v42, v40;
	v25 =	vadd.f32 v27, v25;
	v27 =	vmul.f32 v46, v23  }
0x5b4: {  	v34 =	vadd.f32 v34, v28;
	v36 =	vmul.f32 v36, v63;
	v37 =	vmul.f32 v37, v14;
	v49 =	vld [tilespmem:s7+$0x10]  }
0x5b5: {  	[tilespmem:s28+$0xFFFFFFF0] =	vst v40;
	v40 =	vld [tilespmem:s16+$0x0];
	v50 =	vmul.f32 v50, v20;
	v25 =	vadd.f32 v27, v25;
	v27 =	vmul.f32 v39, v19  }
0x5b6: {  	v34 =	vadd.f32 v35, v34;
	v33 =	vld [tilespmem:s20+$0xF0]  }
0x5b7: {  	v37 =	vadd.f32 v37, v36;
	v36 =	vld [tilespmem:s26+$0xF0];
	[tilespmem:s1+$0xFFFFFD10] =	vst v25;
	v25 =	vmul.f32 v48, v18;
	v39 =	vadd.f32 v50, v27  }
0x5b8: {  	v28 =	vbroadcast v26, $0x4;
	v42 =	vld [tilespmem:s15+$0x10]  }
0x5b9: {  	[tilespmem:s28+$0xFFFFFEB0] =	vst v34;
	v46 =	vmul.f32 v49, v17;
	v27 =	vbroadcast v26, $0x5;
	v35 =	vld [tilespmem:s10+$0x10];
	v39 =	vadd.f32 v25, v39  }
0x5ba: {  	v44 =	vmul.f32 v28, v44;
	v48 =	vld [tilespmem:s14+$0xB0]  }
0x5bb: {  	v47 =	vld [tilespmem:s22+$0x10];
	v25 =	vbroadcast v26, $0x6;
	v43 =	vmul.f32 v51, v27;
	v39 =	vadd.f32 v46, v39  }
0x5bc: {  	v34 =	vld [tilespmem:s25+$0x10]  }
0x5bd: {  	v26 =	vbroadcast v26, $0x7;
	v46 =	vld [tilespmem:s2+$0xB0];
	v43 =	vadd.f32 v43, v44;
	v40 =	vmul.f32 v40, v25;
	[tilespmem:s1+$0xFFFFFF20] =	vst v39  }
0x5be: {  	v42 =	vmul.f32 v42, v24;
	v35 =	vmul.f32 v35, v22;
	v44 =	vld [tilespmem:s3+$0x20]  }
0x5bf: {  	v41 =	vmul.f32 v41, v26;
	v40 =	vadd.f32 v40, v43;
	v43 =	vld [tilespmem:s4+$0x20]  }
0x5c0: {  	v39 =	vld [tilespmem:s6+$0xB0];
	v47 =	vmul.f32 v47, v21;
	v42 =	vadd.f32 v35, v42  }
0x5c1: {  	v40 =	vadd.f32 v41, v40;
	v41 =	vld [tilespmem:s5+$0x20]  }
0x5c2: {  	v49 =	vmul.f32 v34, v23;
	v34 =	vld [tilespmem:s11+$0xF0];
	v42 =	vadd.f32 v47, v42  }
0x5c3: {  	[tilespmem:s1+$0xFFFFFE10] =	vst v40;
	v40 =	vld [tilespmem:s7+$0x20]  }
0x5c4: {  	v47 =	vld [tilespmem:s23+$0x10];
	v42 =	vadd.f32 v49, v42;
	v44 =	vmul.f32 v44, v19;
	v43 =	vmul.f32 v43, v20  }
0x5c5: {  	v49 =	vld [tilespmem:s24+$0x10]  }
0x5c6: {  	v41 =	vmul.f32 v41, v18;
	[tilespmem:s1+$0xFFFFFD20] =	vst v42;
	v51 =	vadd.f32 v43, v44;
	v43 =	vld [tilespmem:s16+$0x10]  }
0x5c7: {  	v44 =	vld [tilespmem:s15+$0x20]  }
0x5c8: {  	v40 =	vmul.f32 v40, v17;
	v42 =	vld [tilespmem:s10+$0x20];
	v41 =	vadd.f32 v41, v51  }
0x5c9: {  	v38 =	vmul.f32 v38, v61;
	v50 =	vld [tilespmem:s9+$0x10]  }
0x5ca: {  	v47 =	vmul.f32 v47, v28;
	v49 =	vmul.f32 v49, v27;
	v40 =	vadd.f32 v40, v41;
	v41 =	vld [tilespmem:s22+$0x20]  }
0x5cb: {  	v45 =	vmul.f32 v45, v62;
	v35 =	vld [tilespmem:s21+$0xF0]  }
0x5cc: {  	v37 =	vadd.f32 v38, v37;
	v38 =	vld [tilespmem:s25+$0x20];
	v43 =	vmul.f32 v43, v25;
	v49 =	vadd.f32 v49, v47;
	[tilespmem:s1+$0xFFFFFF30] =	vst v40  }
0x5cd: {  	v44 =	vmul.f32 v44, v24;
	v42 =	vmul.f32 v42, v22;
	v47 =	vld [tilespmem:s3+$0x30]  }
0x5ce: {  	v37 =	vadd.f32 v45, v37;
	v45 =	vmul.f32 v50, v26;
	v40 =	vadd.f32 v43, v49;
	v43 =	vld [tilespmem:s4+$0x30]  }
0x5cf: {  	v49 =	vld [tilespmem:s30+$0xB0];
	v42 =	vadd.f32 v42, v44;
	v41 =	vmul.f32 v41, v21  }
0x5d0: {  	v51 =	vadd.f32 v45, v40;
	v40 =	vld [tilespmem:s5+$0x30]  }
0x5d1: {  	[tilespmem:s28+$0xFFFFFDC0] =	vst v37;
	v38 =	vmul.f32 v38, v23;
	v37 =	vld [tilespmem:s7+$0x30];
	v41 =	vadd.f32 v41, v42  }
0x5d2: {  	v44 =	vld [tilespmem:s0+$0xC0];
	[tilespmem:s1+$0xFFFFFE20] =	vst v51  }
0x5d3: {  	v42 =	vld [tilespmem:s23+$0x20];
	v45 =	vmul.f32 v47, v19;
	v43 =	vmul.f32 v43, v20;
	v38 =	vadd.f32 v38, v41  }
0x5d4: {  	v47 =	vld [tilespmem:s24+$0x20];
	v41 =	vmul.f32 v46, v59;
	v46 =	vmul.f32 v48, v12  }
0x5d5: {  	v48 =	vld [tilespmem:s16+$0x20];
	v43 =	vadd.f32 v43, v45;
	v40 =	vmul.f32 v40, v18;
	[tilespmem:s1+$0xFFFFFD30] =	vst v38  }
0x5d6: {  	v45 =	vmul.f32 v39, v16;
	v46 =	vadd.f32 v46, v41;
	v41 =	vld [tilespmem:s15+$0x30]  }
0x5d7: {  	v37 =	vmul.f32 v37, v17;
	v40 =	vadd.f32 v40, v43;
	v43 =	vld [tilespmem:s10+$0x30]  }
0x5d8: {  	v50 =	vmul.f32 v49, v60;
	v38 =	vadd.f32 v45, v46;
	v45 =	vld [tilespmem:s9+$0x20]  }
0x5d9: {  	v42 =	vmul.f32 v42, v28;
	v46 =	vld [tilespmem:s22+$0x30];
	v47 =	vmul.f32 v47, v27;
	v37 =	vadd.f32 v37, v40  }
0x5da: {  	v39 =	vld [tilespmem:s25+$0x30]  }
0x5db: {  	v40 =	vld [tilespmem:s29+$0xC0];
	v48 =	vmul.f32 v48, v25;
	v38 =	vadd.f32 v50, v38;
	v42 =	vadd.f32 v47, v42;
	[tilespmem:s1+$0xFFFFFF40] =	vst v37  }
0x5dc: {  	v37 =	vmul.f32 v41, v24;
	v51 =	vld [tilespmem:s3+$0x40];
	v43 =	vmul.f32 v43, v22  }
0x5dd: {  	[tilespmem:s28+$0xFFFFFEC0] =	vst v38;
	v42 =	vadd.f32 v48, v42;
	v50 =	vld [tilespmem:s4+$0x40];
	v49 =	vmul.f32 v45, v26  }
0x5de: {  	v47 =	vld [tilespmem:s2+$0xC0];
	v46 =	vmul.f32 v46, v21;
	v37 =	vadd.f32 v43, v37  }
0x5df: {  	v38 =	vadd.f32 v49, v42;
	v42 =	vld [tilespmem:s5+$0x40]  }
0x5e0: {  	v39 =	vmul.f32 v39, v23;
	v43 =	vld [tilespmem:s14+$0xC0];
	v37 =	vadd.f32 v46, v37  }
0x5e1: {  	[tilespmem:s1+$0xFFFFFE30] =	vst v38;
	v38 =	vld [tilespmem:s7+$0x40]  }
0x5e2: {  	v41 =	vmul.f32 v51, v19;
	v45 =	vmul.f32 v50, v20;
	v46 =	vld [tilespmem:s23+$0x30];
	v37 =	vadd.f32 v39, v37  }
0x5e3: {  	v39 =	vld [tilespmem:s24+$0x30]  }
0x5e4: {  	v48 =	vld [tilespmem:s16+$0x30];
	v41 =	vadd.f32 v45, v41;
	v42 =	vmul.f32 v42, v18;
	[tilespmem:s1+$0xFFFFFD40] =	vst v37  }
0x5e5: {  	v37 =	vld [tilespmem:s15+$0x40]  }
0x5e6: {  	v41 =	vadd.f32 v42, v41;
	v38 =	vmul.f32 v38, v17;
	v42 =	vld [tilespmem:s10+$0x40]  }
0x5e7: {  	v45 =	vld [tilespmem:s9+$0x30]  }
0x5e8: {  	v49 =	vld [tilespmem:s22+$0x40];
	v46 =	vmul.f32 v46, v28;
	v39 =	vmul.f32 v39, v27;
	v38 =	vadd.f32 v38, v41  }
0x5e9: {  	v50 =	vld [tilespmem:s25+$0x40]  }
0x5ea: {  	v48 =	vmul.f32 v48, v25;
	v41 =	vld [tilespmem:s13+$0xC0];
	v39 =	vadd.f32 v39, v46;
	[tilespmem:s1+$0xFFFFFF50] =	vst v38  }
0x5eb: {  	v37 =	vmul.f32 v37, v24;
	v38 =	vld [tilespmem:s3+$0x50];
	v42 =	vmul.f32 v42, v22  }
0x5ec: {  	v45 =	vmul.f32 v45, v26;
	v39 =	vadd.f32 v48, v39;
	v46 =	vld [tilespmem:s4+$0x50]  }
0x5ed: {  	v49 =	vmul.f32 v49, v21;
	v48 =	vld [tilespmem:s6+$0xC0];
	v37 =	vadd.f32 v42, v37  }
0x5ee: {  	v39 =	vadd.f32 v45, v39;
	v42 =	vld [tilespmem:s5+$0x50]  }
0x5ef: {  	v50 =	vmul.f32 v50, v23;
	v45 =	vld [tilespmem:s12+$0xC0];
	v37 =	vadd.f32 v49, v37  }
0x5f0: {  	[tilespmem:s1+$0xFFFFFE40] =	vst v39;
	v39 =	vld [tilespmem:s7+$0x50]  }
0x5f1: {  	v49 =	vld [tilespmem:s23+$0x40];
	v38 =	vmul.f32 v38, v19;
	v46 =	vmul.f32 v46, v20;
	v37 =	vadd.f32 v50, v37  }
0x5f2: {  	v44 =	vmul.f32 v44, v63;
	v40 =	vmul.f32 v40, v14;
	v50 =	vld [tilespmem:s24+$0x40]  }
0x5f3: {  	v38 =	vadd.f32 v46, v38;
	v46 =	vld [tilespmem:s16+$0x40];
	v42 =	vmul.f32 v42, v18;
	[tilespmem:s1+$0xFFFFFD50] =	vst v37  }
0x5f4: {  	v51 =	vmul.f32 v41, v61;
	v37 =	vadd.f32 v40, v44;
	v41 =	vld [tilespmem:s15+$0x50]  }
0x5f5: {  	v38 =	vadd.f32 v42, v38;
	v39 =	vmul.f32 v39, v17;
	v42 =	vld [tilespmem:s10+$0x50]  }
0x5f6: {  	v40 =	vmul.f32 v45, v62;
	v44 =	vld [tilespmem:s9+$0x40];
	v37 =	vadd.f32 v51, v37  }
0x5f7: {  	v45 =	vmul.f32 v49, v28;
	v49 =	vld [tilespmem:s22+$0x50];
	v50 =	vmul.f32 v50, v27;
	v38 =	vadd.f32 v39, v38  }
0x5f8: {  	v39 =	vld [tilespmem:s30+$0xC0]  }
0x5f9: {  	v37 =	vadd.f32 v40, v37;
	v40 =	vld [tilespmem:s25+$0x50];
	v46 =	vmul.f32 v46, v25;
	v45 =	vadd.f32 v50, v45;
	[tilespmem:s1+$0xFFFFFF60] =	vst v38  }
0x5fa: {  	v38 =	vmul.f32 v41, v24;
	v41 =	vld [tilespmem:s3+$0x60];
	v42 =	vmul.f32 v42, v22  }
0x5fb: {  	[tilespmem:s28+$0xFFFFFDD0] =	vst v37;
	v37 =	vmul.f32 v44, v26;
	v44 =	vadd.f32 v46, v45;
	v45 =	vld [tilespmem:s4+$0x60]  }
0x5fc: {  	v46 =	vld [tilespmem:s0+$0xD0];
	v49 =	vmul.f32 v49, v21;
	v38 =	vadd.f32 v42, v38  }
0x5fd: {  	v43 =	vmul.f32 v43, v12;
	v51 =	vmul.f32 v47, v59;
	v37 =	vadd.f32 v37, v44;
	v44 =	vld [tilespmem:s5+$0x60]  }
0x5fe: {  	v47 =	vld [tilespmem:s29+$0xD0];
	v40 =	vmul.f32 v40, v23;
	v38 =	vadd.f32 v49, v38  }
0x5ff: {  	v42 =	vadd.f32 v43, v51;
	v43 =	vmul.f32 v48, v16;
	[tilespmem:s1+$0xFFFFFE50] =	vst v37;
	v37 =	vld [tilespmem:s7+$0x60]  }
0x600: {  	v41 =	vmul.f32 v41, v19;
	v48 =	vld [tilespmem:s23+$0x50];
	v45 =	vmul.f32 v45, v20;
	v38 =	vadd.f32 v40, v38  }
0x601: {  	v39 =	vmul.f32 v39, v60;
	v50 =	vld [tilespmem:s24+$0x50]  }
0x602: {  	v49 =	vadd.f32 v43, v42;
	v43 =	vld [tilespmem:s16+$0x50];
	v41 =	vadd.f32 v45, v41;
	v44 =	vmul.f32 v44, v18;
	[tilespmem:s1+$0xFFFFFD60] =	vst v38  }
0x603: {  	v38 =	vld [tilespmem:s15+$0x60]  }
0x604: {  	v39 =	vadd.f32 v39, v49;
	v51 =	vadd.f32 v44, v41;
	v37 =	vmul.f32 v37, v17;
	v41 =	vld [tilespmem:s10+$0x60]  }
0x605: {  	v44 =	vld [tilespmem:s9+$0x50]  }
0x606: {  	[tilespmem:s28+$0xFFFFFED0] =	vst v39;
	v45 =	vld [tilespmem:s22+$0x60];
	v39 =	vmul.f32 v48, v28;
	v42 =	vmul.f32 v50, v27;
	v37 =	vadd.f32 v37, v51  }
0x607: {  	v40 =	vld [tilespmem:s2+$0xD0]  }
0x608: {  	v48 =	vld [tilespmem:s25+$0x60];
	v43 =	vmul.f32 v43, v25;
	v39 =	vadd.f32 v42, v39;
	[tilespmem:s1+$0xFFFFFF70] =	vst v37  }
0x609: {  	v49 =	vmul.f32 v38, v24;
	v38 =	vld [tilespmem:s3+$0x70];
	v41 =	vmul.f32 v41, v22  }
0x60a: {  	v50 =	vmul.f32 v44, v26;
	v39 =	vadd.f32 v43, v39;
	v43 =	vld [tilespmem:s4+$0x70]  }
0x60b: {  	v42 =	vld [tilespmem:s13+$0xD0];
	v45 =	vmul.f32 v45, v21;
	v37 =	vadd.f32 v41, v49  }
0x60c: {  	v39 =	vadd.f32 v50, v39;
	v41 =	vld [tilespmem:s5+$0x70]  }
0x60d: {  	v44 =	vld [tilespmem:s14+$0xD0];
	v48 =	vmul.f32 v48, v23;
	v37 =	vadd.f32 v45, v37  }
0x60e: {  	[tilespmem:s1+$0xFFFFFE60] =	vst v39;
	v39 =	vld [tilespmem:s7+$0x70]  }
0x60f: {  	v45 =	vld [tilespmem:s23+$0x60];
	v38 =	vmul.f32 v38, v19;
	v43 =	vmul.f32 v43, v20;
	v37 =	vadd.f32 v48, v37  }
0x610: {  	v48 =	vld [tilespmem:s24+$0x60]  }
0x611: {  	v49 =	vld [tilespmem:s16+$0x60];
	v38 =	vadd.f32 v43, v38;
	v41 =	vmul.f32 v41, v18;
	[tilespmem:s1+$0xFFFFFD70] =	vst v37  }
0x612: {  	v37 =	vld [tilespmem:s15+$0x70]  }
0x613: {  	v38 =	vadd.f32 v41, v38;
	v39 =	vmul.f32 v39, v17;
	v41 =	vld [tilespmem:s10+$0x70]  }
0x614: {  	v43 =	vld [tilespmem:s9+$0x60]  }
0x615: {  	v50 =	vld [tilespmem:s22+$0x70];
	v45 =	vmul.f32 v45, v28;
	v48 =	vmul.f32 v48, v27;
	v38 =	vadd.f32 v39, v38  }
0x616: {  	v39 =	vld [tilespmem:s6+$0xD0]  }
0x617: {  	v49 =	vmul.f32 v49, v25;
	v45 =	vadd.f32 v48, v45;
	v48 =	vld [tilespmem:s25+$0x70];
	[tilespmem:s1+$0xFFFFFF80] =	vst v38  }
0x618: {  	v37 =	vmul.f32 v37, v24;
	v38 =	vld [tilespmem:s3+$0x80];
	v41 =	vmul.f32 v41, v22  }
0x619: {  	v43 =	vmul.f32 v43, v26;
	v45 =	vadd.f32 v49, v45;
	v49 =	vld [tilespmem:s4+$0x80]  }
0x61a: {  	v50 =	vmul.f32 v50, v21;
	v37 =	vadd.f32 v41, v37;
	v41 =	vld [tilespmem:s12+$0xD0]  }
0x61b: {  	v43 =	vadd.f32 v43, v45;
	v45 =	vld [tilespmem:s5+$0x80]  }
0x61c: {  	v37 =	vadd.f32 v50, v37;
	v50 =	vld [tilespmem:s30+$0xD0];
	v48 =	vmul.f32 v48, v23  }
0x61d: {  	v46 =	vmul.f32 v46, v63;
	v47 =	vmul.f32 v47, v14;
	[tilespmem:s1+$0xFFFFFE70] =	vst v43;
	v43 =	vld [tilespmem:s7+$0x80]  }
0x61e: {  	v38 =	vmul.f32 v38, v19;
	v37 =	vadd.f32 v48, v37;
	v48 =	vld [tilespmem:s23+$0x70];
	v49 =	vmul.f32 v49, v20  }
0x61f: {  	v46 =	vadd.f32 v47, v46;
	v42 =	vmul.f32 v42, v61;
	v51 =	vld [tilespmem:s24+$0x70]  }
0x620: {  	v40 =	vmul.f32 v40, v59;
	v38 =	vadd.f32 v49, v38;
	[tilespmem:s1+$0xFFFFFD80] =	vst v37;
	v37 =	vld [tilespmem:s16+$0x70];
	v45 =	vmul.f32 v45, v18  }
0x621: {  	v44 =	vmul.f32 v44, v12;
	v42 =	vadd.f32 v42, v46;
	v41 =	vmul.f32 v41, v62;
	v46 =	vld [tilespmem:s15+$0x80]  }
0x622: {  	v38 =	vadd.f32 v45, v38;
	v43 =	vmul.f32 v43, v17;
	v45 =	vld [tilespmem:s10+$0x80]  }
0x623: {  	v40 =	vadd.f32 v44, v40;
	v39 =	vmul.f32 v39, v16;
	v41 =	vadd.f32 v41, v42;
	v42 =	vld [tilespmem:s9+$0x70]  }
0x624: {  	v49 =	vld [tilespmem:s22+$0x80];
	v48 =	vmul.f32 v48, v28;
	v47 =	vmul.f32 v51, v27;
	v38 =	vadd.f32 v43, v38  }
0x625: {  	v39 =	vadd.f32 v39, v40;
	v40 =	vld [tilespmem:s25+$0x80];
	[tilespmem:s28+$0xFFFFFDE0] =	vst v41  }
0x626: {  	v51 =	vmul.f32 v50, v60;
	v37 =	vmul.f32 v37, v25;
	v44 =	vadd.f32 v47, v48;
	[tilespmem:s1+$0xFFFFFF90] =	vst v38;
	v38 =	vld [tilespmem:s0+$0xE0]  }
0x627: {  	v46 =	vmul.f32 v46, v24;
	v47 =	vld [tilespmem:s3+$0x90];
	v45 =	vmul.f32 v45, v22  }
0x628: {  	v48 =	vmul.f32 v42, v26;
	v37 =	vadd.f32 v37, v44;
	v42 =	vld [tilespmem:s4+$0x90]  }
0x629: {  	v39 =	vadd.f32 v51, v39;
	v43 =	vmul.f32 v49, v21;
	v44 =	vld [tilespmem:s29+$0xE0];
	v45 =	vadd.f32 v45, v46  }
0x62a: {  	v49 =	vld [tilespmem:s5+$0x90];
	v37 =	vadd.f32 v48, v37  }
0x62b: {  	v40 =	vmul.f32 v40, v23;
	[tilespmem:s28+$0xFFFFFEE0] =	vst v39;
	v50 =	vld [tilespmem:s7+$0x90];
	v43 =	vadd.f32 v43, v45  }
0x62c: {  	v41 =	vld [tilespmem:s2+$0xE0];
	[tilespmem:s1+$0xFFFFFE80] =	vst v37  }
0x62d: {  	v51 =	vld [tilespmem:s23+$0x80];
	v48 =	vmul.f32 v47, v19;
	v42 =	vmul.f32 v42, v20;
	v40 =	vadd.f32 v40, v43  }
0x62e: {  	v43 =	vld [tilespmem:s24+$0x80]  }
0x62f: {  	v47 =	vld [tilespmem:s16+$0x80];
	v39 =	vmul.f32 v49, v18;
	v42 =	vadd.f32 v42, v48;
	[tilespmem:s1+$0xFFFFFD90] =	vst v40  }
0x630: {  	v40 =	vld [tilespmem:s15+$0x90]  }
0x631: {  	v37 =	vmul.f32 v50, v17;
	v39 =	vadd.f32 v39, v42;
	v42 =	vld [tilespmem:s10+$0x90]  }
0x632: {  	v46 =	vld [tilespmem:s9+$0x80]  }
0x633: {  	v48 =	vld [tilespmem:s22+$0x90];
	v45 =	vmul.f32 v51, v28;
	v43 =	vmul.f32 v43, v27;
	v37 =	vadd.f32 v37, v39  }
0x634: {  	v39 =	vld [tilespmem:s25+$0x90]  }
0x635: {  	v47 =	vmul.f32 v47, v25;
	v43 =	vadd.f32 v43, v45;
	[tilespmem:s1+$0xFFFFFFA0] =	vst v37;
	v37 =	vld [tilespmem:s14+$0xE0]  }
0x636: {  	v40 =	vmul.f32 v40, v24;
	v45 =	vld [tilespmem:s3+$0xA0];
	v42 =	vmul.f32 v42, v22  }
0x637: {  	v46 =	vmul.f32 v46, v26;
	v43 =	vadd.f32 v47, v43;
	v47 =	vld [tilespmem:s4+$0xA0]  }
0x638: {  	v31 =	vmul.f32 v33, v31;
	v48 =	vmul.f32 v48, v21;
	v33 =	vld [tilespmem:s7+$0xA0];
	v40 =	vadd.f32 v42, v40  }
0x639: {  	v32 =	vmul.f32 v35, v32;
	v43 =	vadd.f32 v46, v43;
	v46 =	vld [tilespmem:s5+$0xA0]  }
0x63a: {  	v42 =	vld [tilespmem:s13+$0xE0];
	v39 =	vmul.f32 v39, v23;
	v40 =	vadd.f32 v48, v40  }
0x63b: {  	v30 =	vmul.f32 v34, v30;
	v31 =	vadd.f32 v32, v31;
	v48 =	vld [tilespmem:s6+$0xE0];
	[tilespmem:s1+$0xFFFFFE90] =	vst v43  }
0x63c: {  	v50 =	vmul.f32 v45, v19;
	v49 =	vadd.f32 v39, v40;
	v39 =	vld [tilespmem:s23+$0x90];
	v51 =	vmul.f32 v47, v20  }
0x63d: {  	v29 =	vmul.f32 v36, v29;
	v32 =	vld [tilespmem:s24+$0x90]  }
0x63e: {  	v30 =	vadd.f32 v30, v31;
	v35 =	vld [tilespmem:s16+$0x90];
	v45 =	vadd.f32 v51, v50;
	v47 =	vmul.f32 v46, v18  }
0x63f: {  	v33 =	vmul.f32 v33, v17;
	[tilespmem:s1+$0xFFFFFDA0] =	vst v49;
	v51 =	vld [tilespmem:s9+$0x90]  }
0x640: {  	v40 =	vadd.f32 v29, v30;
	v29 =	vmul.f32 v44, v14;
	v31 =	vld [tilespmem:s15+$0xA0];
	v34 =	vadd.f32 v47, v45  }
0x641: {  	v30 =	vmul.f32 v41, v59;
	v49 =	vmul.f32 v38, v63;
	v50 =	vld [tilespmem:s10+$0xA0]  }
0x642: {  	v43 =	vld [tilespmem:s22+$0xA0];
	v39 =	vmul.f32 v39, v28;
	v32 =	vmul.f32 v32, v27;
	v33 =	vadd.f32 v33, v34  }
0x643: {  	v46 =	vmul.f32 v42, v61;
	v45 =	vmul.f32 v37, v12;
	v47 =	vld [tilespmem:s25+$0xA0]  }
0x644: {  	v48 =	vmul.f32 v48, v16;
	v35 =	vmul.f32 v35, v25;
	v39 =	vadd.f32 v32, v39;
	v32 =	vld [tilespmem:s12+$0xE0];
	[tilespmem:s1+$0xFFFFFFB0] =	vst v33  }
0x645: {  	v29 =	vadd.f32 v29, v49;
	v49 =	vadd.f32 v45, v30;
	v31 =	vmul.f32 v31, v24;
	v34 =	vld [tilespmem:s3+$0xB0]  }
0x646: {  	v38 =	vmul.f32 v50, v22;
	v50 =	vmul.f32 v51, v26;
	v51 =	vadd.f32 v35, v39;
	v35 =	vld [tilespmem:s4+$0xB0]  }
0x647: {  	v30 =	vadd.f32 v46, v29;
	v29 =	vadd.f32 v48, v49;
	v33 =	vld [tilespmem:s30+$0xE0];
	v39 =	vmul.f32 v43, v21  }
0x648: {  	s8 =	simm.s32 $0x10AD0;
	s11 =	simm.s32 $0x13770;
	s21 =	simm.s32 $0x3;
	[tilespmem:s28+$0x0] =	vst v40;
	v37 =	vmul.f32 v47, v23;
	v36 =	vld [tilespmem:s5+$0xB0];
	v38 =	vadd.f32 v38, v31;
	v40 =	vadd.f32 v50, v51  }
.LBB2_5:
0x649: {  	v31 =	vld [tilespmem:s11+$0x0];
	v32 =	vmul.f32 v32, v62  }
0x64a: {  	v38 =	vadd.f32 v39, v38;
	[tilespmem:s1+$0xFFFFFEA0] =	vst v40;
	v39 =	vld [tilespmem:s7+$0xB0]  }
0x64b: {  	v34 =	vmul.f32 v34, v19;
	v40 =	vld [tilespmem:s11+$0xFFFFFFF8];
	v35 =	vmul.f32 v35, v20;
	v30 =	vadd.f32 v32, v30  }
0x64c: {  	v32 =	vld [tilespmem:s11+$0xFFFFFFF0];
	v37 =	vadd.f32 v37, v38;
	v33 =	vmul.f32 v33, v60  }
0x64d: {  	v38 =	vld [tilespmem:s23+$0xA0];
	v34 =	vadd.f32 v35, v34;
	v35 =	vmul.f32 v36, v18;
	[tilespmem:s28+$0xFFFFFDF0] =	vst v30  }
0x64e: {  	v30 =	vshll.u32 v31, $0xA;
	[tilespmem:s1+$0xFFFFFDB0] =	vst v37;
	v36 =	vld [tilespmem:s24+$0xA0];
	v29 =	vadd.f32 v33, v29  }
0x64f: {  	v30 =	vshra.s32 v30, $0x2;
	v33 =	vld [tilespmem:s16+$0xA0];
	v34 =	vadd.f32 v35, v34;
	v35 =	vmul.f32 v39, v17  }
0x650: {  	v37 =	vbroadcast v40, $0x4;
	v39 =	vshll.u32 v40, $0xA;
	(v2sf) =	vpush v30, $0x0;
	v41 =	vld [tilespmem:s9+$0xA0];
	[tilespmem:s28+$0xFFFFFEF0] =	vst v29  }
0x651: {  	v29 =	vshll.u32 v32, $0xA;
	(v2sf) =	vpush v30, $0x1;
	v42 =	vld [tilespmem:s15+$0xB0];
	v34 =	vadd.f32 v35, v34  }
0x652: {  	v39 =	vshra.s32 v39, $0x2;
	v35 =	vshra.s32 v29, $0x2;
	(v2sf) =	vpush v30, $0x2;
	v43 =	vld [tilespmem:s10+$0xB0]  }
0x653: {  	v44 =	vbroadcast v32, $0x4;
	v45 =	vbroadcast v32, $0x5;
	(v2sf) =	vpush v35, $0x0;
	v46 =	vld [tilespmem:s22+$0xB0];
	[tilespmem:s1+$0xFFFFFFC0] =	vst v34  }
0x654: {  	v47 =	vbroadcast v40, $0x5;
	v34 =	vbroadcast v32, $0x6;
	(v2sf) =	vpush v35, $0x1;
	v48 =	vld [tilespmem:s3+$0xC0]  }
0x655: {  	v49 =	vbroadcast v32, $0x7;
	v32 =	vbroadcast v40, $0x6;
	(v2sf) =	vpush v30, $0x3;
	v30 =	vld [tilespmem:s4+$0xC0]  }
0x656: {  	v29 =	vbroadcast v40, $0x7;
	v38 =	vmul.f32 v38, v28;
	(v2sf) =	vpush v39, $0x0;
	v40 =	vld [tilespmem:s25+$0xB0]  }
0x657: {  	v36 =	vmul.f32 v36, v27;
	v33 =	vmul.f32 v33, v25;
	(v2sf) =	vpush v39, $0x1;
	v50 =	vld [tilespmem:s5+$0xC0]  }
0x658: {  	v41 =	vmul.f32 v41, v26;
	v42 =	vmul.f32 v42, v24;
	(v2sf) =	vpush v35, $0x2;
	v51 =	vld [tilespmem:s0+$0xF0];
	s0 =	smov.u32 s15  }
0x659: {  	v36 =	vadd.f32 v36, v38;
	v43 =	vmul.f32 v43, v22;
	(v2sf) =	vpush v39, $0x2;
	v38 =	vld [tilespmem:s7+$0xC0]  }
0x65a: {  	(v2sf) =	vpush v35, $0x3;
	v35 =	vmul.f32 v48, v19;
	v30 =	vmul.f32 v30, v20;
	v48 =	vld [tilespmem:s29+$0xF0];
	s29 =	smov.u32 s10  }
0x65b: {  	v33 =	vadd.f32 v33, v36;
	(v2sf) =	vpush v39, $0x3;
	v39 =	vmul.f32 v46, v21;
	v36 =	vld [tilespmem:s2+$0xF0];
	s2 =	smov.u32 s23  }
0x65c: {  	s21 =	sadd.s32 $0x3, s21;
	v42 =	vadd.f32 v43, v42;
	v30 =	vadd.f32 v30, v35;
	v35 =	vmul.f32 v50, v18;
	v43 =	vld [tilespmem:s14+$0xF0];
	s14 =	smov.u32 s24  }
0x65d: {  	p0 =	slt.u32 s21, $0x2D;
	v33 =	vadd.f32 v41, v33;
	v40 =	vmul.f32 v40, v23;
	v41 =	vmul.f32 v51, v63;
	v46 =	vld [tilespmem:s13+$0xF0];
	v63 =	vmovc v24;
	s13 =	smov.u32 s22  }
0x65e: {  	v39 =	vadd.f32 v39, v42;
	v24 =	vmovc v44;
	v30 =	vadd.f32 v35, v30;
	v35 =	vmul.f32 v38, v17;
	v38 =	vld [tilespmem:s6+$0xF0];
	s6 =	smov.u32 s16  }
0x65f: {  	s31 =	spop (v2sf);
	[tilespmem:s1+$0xFFFFFEB0] =	vst v33;
	v33 =	vmul.f32 v48, v14;
	v42 =	vld [tilespmem:s12+$0xF0];
	v14 =	vmov v22;
	v22 =	vmov v45;
	s12 =	smov.u32 s25  }
0x660: {  	v39 =	vadd.f32 v40, v39;
	v44 =	vld [tilespmem:s31+$0x0];
	s17 =	spop (v2sf);
	v30 =	vadd.f32 v35, v30;
	v35 =	vmul.f32 v36, v59;
	v59 =	vmovc v28  }
0x661: {  	v28 =	vmovc v37;
	v36 =	vld [tilespmem:s17+$0x0];
	s26 =	spop (v2sf);
	v40 =	vadd.f32 v33, v41;
	v33 =	vmul.f32 v43, v12;
	v12 =	vmovc v27;
	v27 =	vmov v47  }
0x662: {  	v37 =	vld [tilespmem:s26+$0x0];
	s15 =	spop (v2sf);
	[tilespmem:s1+$0xFFFFFFD0] =	vst v30;
	v30 =	vmul.f32 v46, v61;
	v61 =	vmov v21;
	v21 =	vmov v34  }
0x663: {  	s10 =	spop (v2sf);
	[tilespmem:s1+$0xFFFFFDC0] =	vst v39;
	v39 =	vld [tilespmem:s3+$0xD0];
	v35 =	vadd.f32 v33, v35;
	v38 =	vmul.f32 v38, v16;
	v16 =	vmovc v25;
	v25 =	vmov v32  }
0x664: {  	v34 =	vbroadcast v31, $0x5;
	v33 =	vbroadcast v31, $0x4;
	s18 =	spop (v2sf);
	v41 =	vld [tilespmem:s4+$0xD0];
	v40 =	vadd.f32 v30, v40  }
0x665: {  	v32 =	vbroadcast v31, $0x6;
	v42 =	vmul.f32 v42, v62;
	v62 =	vmovc v23;
	v23 =	vmovc v49;
	v43 =	vld [tilespmem:s18+$0x0];
	s23 =	spop (v2sf);
	v30 =	vadd.f32 v38, v35  }
0x666: {  	v35 =	vmul.f32 v33, v44;
	v36 =	vmul.f32 v36, v34;
	s24 =	spop (v2sf);
	v38 =	vld [tilespmem:s5+$0xD0]  }
0x667: {  	v40 =	vadd.f32 v42, v40;
	v44 =	vld [tilespmem:s15+$0x0];
	s22 =	spop (v2sf)  }
0x668: {  	v31 =	vbroadcast v31, $0x7;
	v35 =	vadd.f32 v36, v35;
	v36 =	vmul.f32 v37, v32;
	s16 =	spop (v2sf);
	v37 =	vld [tilespmem:s7+$0xD0]  }
0x669: {  	v39 =	vmul.f32 v39, v19;
	v42 =	vld [tilespmem:s10+$0x0];
	s25 =	spop (v2sf);
	v41 =	vmul.f32 v41, v20;
	[tilespmem:s28+$0xFFFFFE00] =	vst v40  }
0x66a: {  	v40 =	vld [tilespmem:s23+$0x0];
	v35 =	vadd.f32 v36, v35;
	v36 =	vmul.f32 v43, v31;
	s20 =	spop (v2sf)  }
0x66b: {  	v43 =	vld [tilespmem:s24+$0x0];
	v39 =	vadd.f32 v41, v39;
	v38 =	vmul.f32 v38, v18  }
0x66c: {  	v41 =	vmul.f32 v24, v44;
	v44 =	vld [tilespmem:s22+$0x0];
	v35 =	vadd.f32 v36, v35  }
0x66d: {  	s1 =	sadd.s32 $0x300, s1;
	v36 =	vld [tilespmem:s16+$0x0];
	v38 =	vadd.f32 v38, v39;
	v37 =	vmul.f32 v37, v17  }
0x66e: {  	v39 =	vmul.f32 v42, v22;
	v42 =	vld [tilespmem:s25+$0x0];
	[tilespmem:s1+$0xFFFFFF10] =	vst v35  }
0x66f: {  	v35 =	vmul.f32 v28, v40;
	v40 =	vld [tilespmem:s26+$0x10];
	v37 =	vadd.f32 v37, v38  }
0x670: {  	v38 =	vadd.f32 v39, v41;
	v39 =	vmul.f32 v43, v27;
	v41 =	vld [tilespmem:s31+$0x10]  }
0x671: {  	v43 =	vmul.f32 v44, v21;
	v44 =	vld [tilespmem:s17+$0x10];
	[tilespmem:s8+$0xFFFFFFE0] =	vst v37  }
0x672: {  	v35 =	vadd.f32 v39, v35;
	v36 =	vmul.f32 v36, v25;
	v37 =	vld [tilespmem:s3+$0xE0]  }
0x673: {  	v38 =	vadd.f32 v43, v38;
	v39 =	vmul.f32 v42, v23;
	v42 =	vld [tilespmem:s4+$0xE0]  }
0x674: {  	v35 =	vadd.f32 v36, v35;
	v36 =	vld [tilespmem:s18+$0x10]  }
0x675: {  	v38 =	vadd.f32 v39, v38;
	v39 =	vld [tilespmem:s5+$0xE0]  }
0x676: {  	v41 =	vmul.f32 v41, v33;
	v43 =	vld [tilespmem:s20+$0x0];
	v44 =	vmul.f32 v44, v34  }
0x677: {  	[tilespmem:s1+$0xFFFFFD10] =	vst v38;
	v38 =	vmul.f32 v40, v32;
	v40 =	vld [tilespmem:s7+$0xE0]  }
0x678: {  	v37 =	vmul.f32 v37, v19;
	v45 =	vld [tilespmem:s15+$0x10];
	v41 =	vadd.f32 v44, v41;
	v42 =	vmul.f32 v42, v20  }
0x679: {  	v44 =	vld [tilespmem:s10+$0x10];
	v36 =	vmul.f32 v36, v31  }
0x67a: {  	v46 =	vld [tilespmem:s22+$0x10];
	v38 =	vadd.f32 v38, v41;
	v37 =	vadd.f32 v42, v37;
	v39 =	vmul.f32 v39, v18  }
0x67b: {  	v41 =	vld [tilespmem:s25+$0x10];
	v42 =	vmul.f32 v43, v29  }
0x67c: {  	v36 =	vadd.f32 v36, v38;
	v38 =	vld [tilespmem:s2+$0xB0];
	v37 =	vadd.f32 v39, v37;
	v39 =	vmul.f32 v40, v17  }
0x67d: {  	v40 =	vmul.f32 v45, v24;
	v35 =	vadd.f32 v42, v35;
	v42 =	vld [tilespmem:s14+$0xB0]  }
0x67e: {  	v43 =	vmul.f32 v44, v22;
	[tilespmem:s1+$0xFFFFFF20] =	vst v36;
	v36 =	vld [tilespmem:s6+$0xB0];
	v37 =	vadd.f32 v39, v37  }
0x67f: {  	v39 =	vmul.f32 v46, v21;
	[tilespmem:s1+$0xFFFFFE10] =	vst v35;
	v35 =	vld [tilespmem:s31+$0x20]  }
0x680: {  	v40 =	vadd.f32 v43, v40;
	v41 =	vmul.f32 v41, v23;
	v43 =	vld [tilespmem:s17+$0x20];
	[tilespmem:s8+$0xFFFFFFF0] =	vst v37  }
0x681: {  	v37 =	vmul.f32 v38, v59;
	v38 =	vld [tilespmem:s3+$0xF0];
	s3 =	smov.u32 s31  }
0x682: {  	v39 =	vadd.f32 v39, v40;
	v40 =	vmul.f32 v42, v12;
	v42 =	vld [tilespmem:s4+$0xF0];
	s4 =	smov.u32 s17  }
0x683: {  	v44 =	vld [tilespmem:s26+$0x20];
	v36 =	vmul.f32 v36, v16  }
0x684: {  	v39 =	vadd.f32 v41, v39;
	v37 =	vadd.f32 v40, v37;
	v40 =	vld [tilespmem:s5+$0xF0];
	s5 =	smov.u32 s26  }
0x685: {  	v41 =	vld [tilespmem:s18+$0x20]  }
0x686: {  	v35 =	vmul.f32 v35, v33;
	[tilespmem:s1+$0xFFFFFD20] =	vst v39;
	v39 =	vmul.f32 v43, v34;
	v36 =	vadd.f32 v36, v37;
	v37 =	vld [tilespmem:s7+$0xF0];
	s7 =	smov.u32 s18  }
0x687: {  	v38 =	vmul.f32 v38, v19;
	v19 =	vmovc v33;
	v43 =	vld [tilespmem:s23+$0x10];
	v42 =	vmul.f32 v42, v20;
	v20 =	vmov v34  }
0x688: {  	v33 =	vld [tilespmem:s24+$0x10];
	v34 =	vadd.f32 v39, v35;
	v35 =	vmul.f32 v44, v32  }
0x689: {  	v39 =	vld [tilespmem:s16+$0x10];
	v38 =	vadd.f32 v42, v38;
	v40 =	vmul.f32 v40, v18;
	v18 =	vmov v32  }
0x68a: {  	v32 =	vld [tilespmem:s20+$0x10];
	v34 =	vadd.f32 v35, v34;
	v35 =	vmul.f32 v41, v31  }
0x68b: {  	v41 =	vld [tilespmem:s15+$0x20];
	v38 =	vadd.f32 v40, v38;
	v37 =	vmul.f32 v37, v17;
	v17 =	vmov v31  }
0x68c: {  	v31 =	vld [tilespmem:s10+$0x20];
	v40 =	vmul.f32 v43, v28;
	v34 =	vadd.f32 v35, v34  }
0x68d: {  	v35 =	vld [tilespmem:s22+$0x20];
	v33 =	vmul.f32 v33, v27;
	v37 =	vadd.f32 v37, v38  }
0x68e: {  	v38 =	vld [tilespmem:s25+$0x20];
	v39 =	vmul.f32 v39, v25;
	[tilespmem:s1+$0xFFFFFF30] =	vst v34  }
0x68f: {  	v33 =	vadd.f32 v33, v40;
	v32 =	vmul.f32 v32, v29;
	v34 =	vld [tilespmem:s9+$0xB0];
	[tilespmem:s8+$0x0] =	vst v37  }
0x690: {  	v37 =	vmul.f32 v41, v24;
	v40 =	vld [tilespmem:s3+$0x30]  }
0x691: {  	v31 =	vmul.f32 v31, v22;
	v33 =	vadd.f32 v39, v33;
	v39 =	vld [tilespmem:s4+$0x30]  }
0x692: {  	v35 =	vmul.f32 v35, v21;
	v41 =	vld [tilespmem:s0+$0xC0]  }
0x693: {  	v31 =	vadd.f32 v31, v37;
	v37 =	vmul.f32 v38, v23;
	v32 =	vadd.f32 v32, v33;
	v33 =	vld [tilespmem:s5+$0x30]  }
0x694: {  	v38 =	vld [tilespmem:s29+$0xC0];
	v34 =	vmul.f32 v34, v26  }
0x695: {  	v31 =	vadd.f32 v35, v31;
	[tilespmem:s1+$0xFFFFFE20] =	vst v32;
	v32 =	vld [tilespmem:s7+$0x30]  }
0x696: {  	v40 =	vmul.f32 v40, v19;
	v35 =	vld [tilespmem:s23+$0x20];
	v39 =	vmul.f32 v39, v20;
	v34 =	vadd.f32 v34, v36  }
0x697: {  	v31 =	vadd.f32 v37, v31;
	v36 =	vld [tilespmem:s24+$0x20];
	v37 =	vmul.f32 v41, v63  }
0x698: {  	v41 =	vld [tilespmem:s16+$0x20];
	v39 =	vadd.f32 v39, v40;
	v33 =	vmul.f32 v33, v18;
	[tilespmem:s8+$0xFFFFFEC0] =	vst v34  }
0x699: {  	[tilespmem:s1+$0xFFFFFD30] =	vst v31;
	v31 =	vld [tilespmem:s20+$0x20];
	v34 =	vmul.f32 v38, v14  }
0x69a: {  	v38 =	vld [tilespmem:s15+$0x30];
	v33 =	vadd.f32 v33, v39;
	v32 =	vmul.f32 v32, v17  }
0x69b: {  	v39 =	vld [tilespmem:s10+$0x30];
	v35 =	vmul.f32 v35, v28;
	v34 =	vadd.f32 v34, v37  }
0x69c: {  	v37 =	vld [tilespmem:s22+$0x30];
	v36 =	vmul.f32 v36, v27;
	v32 =	vadd.f32 v32, v33  }
0x69d: {  	v33 =	vld [tilespmem:s25+$0x30];
	v40 =	vmul.f32 v41, v25  }
0x69e: {  	v35 =	vadd.f32 v36, v35;
	v31 =	vmul.f32 v31, v29;
	[tilespmem:s1+$0xFFFFFF40] =	vst v32;
	v32 =	vld [tilespmem:s2+$0xC0]  }
0x69f: {  	v36 =	vmul.f32 v38, v24;
	v38 =	vld [tilespmem:s3+$0x40]  }
0x6a0: {  	v39 =	vmul.f32 v39, v22;
	v35 =	vadd.f32 v40, v35;
	v40 =	vld [tilespmem:s4+$0x40]  }
0x6a1: {  	v37 =	vmul.f32 v37, v21;
	v41 =	vld [tilespmem:s14+$0xC0]  }
0x6a2: {  	v36 =	vadd.f32 v39, v36;
	v33 =	vmul.f32 v33, v23;
	v31 =	vadd.f32 v31, v35;
	v35 =	vld [tilespmem:s5+$0x40]  }
0x6a3: {  	v39 =	vld [tilespmem:s13+$0xC0];
	v32 =	vmul.f32 v32, v59  }
0x6a4: {  	v36 =	vadd.f32 v37, v36;
	[tilespmem:s1+$0xFFFFFE30] =	vst v31;
	v31 =	vld [tilespmem:s7+$0x40]  }
0x6a5: {  	v38 =	vmul.f32 v38, v19;
	v37 =	vld [tilespmem:s23+$0x30];
	v40 =	vmul.f32 v40, v20  }
0x6a6: {  	v33 =	vadd.f32 v33, v36;
	v36 =	vld [tilespmem:s24+$0x30];
	v41 =	vmul.f32 v41, v12  }
0x6a7: {  	v42 =	vld [tilespmem:s16+$0x30];
	v38 =	vadd.f32 v40, v38;
	v35 =	vmul.f32 v35, v18  }
0x6a8: {  	[tilespmem:s1+$0xFFFFFD40] =	vst v33;
	v33 =	vld [tilespmem:s20+$0x30];
	v39 =	vmul.f32 v39, v61;
	v32 =	vadd.f32 v41, v32  }
0x6a9: {  	v40 =	vld [tilespmem:s15+$0x40];
	v35 =	vadd.f32 v35, v38;
	v31 =	vmul.f32 v31, v17  }
0x6aa: {  	v38 =	vld [tilespmem:s10+$0x40];
	v37 =	vmul.f32 v37, v28;
	v34 =	vadd.f32 v39, v34  }
0x6ab: {  	v39 =	vld [tilespmem:s22+$0x40];
	v36 =	vmul.f32 v36, v27;
	v31 =	vadd.f32 v31, v35  }
0x6ac: {  	v35 =	vld [tilespmem:s25+$0x40];
	v41 =	vmul.f32 v42, v25  }
0x6ad: {  	v36 =	vadd.f32 v36, v37;
	v33 =	vmul.f32 v33, v29;
	[tilespmem:s1+$0xFFFFFF50] =	vst v31;
	v31 =	vld [tilespmem:s6+$0xC0]  }
0x6ae: {  	v37 =	vmul.f32 v40, v24;
	v40 =	vld [tilespmem:s3+$0x50]  }
0x6af: {  	v38 =	vmul.f32 v38, v22;
	v36 =	vadd.f32 v41, v36;
	v41 =	vld [tilespmem:s4+$0x50]  }
0x6b0: {  	v39 =	vmul.f32 v39, v21;
	v42 =	vld [tilespmem:s12+$0xC0]  }
0x6b1: {  	v37 =	vadd.f32 v38, v37;
	v35 =	vmul.f32 v35, v23;
	v33 =	vadd.f32 v33, v36;
	v36 =	vld [tilespmem:s5+$0x50]  }
0x6b2: {  	v31 =	vmul.f32 v31, v16;
	v38 =	vld [tilespmem:s9+$0xC0]  }
0x6b3: {  	v37 =	vadd.f32 v39, v37;
	[tilespmem:s1+$0xFFFFFE40] =	vst v33;
	v33 =	vld [tilespmem:s7+$0x50]  }
0x6b4: {  	v40 =	vmul.f32 v40, v19;
	v39 =	vld [tilespmem:s23+$0x40];
	v41 =	vmul.f32 v41, v20;
	v31 =	vadd.f32 v31, v32  }
0x6b5: {  	v32 =	vadd.f32 v35, v37;
	v35 =	vld [tilespmem:s24+$0x40];
	v37 =	vmul.f32 v42, v62  }
0x6b6: {  	v42 =	vld [tilespmem:s16+$0x40];
	v40 =	vadd.f32 v41, v40;
	v36 =	vmul.f32 v36, v18  }
0x6b7: {  	[tilespmem:s1+$0xFFFFFD50] =	vst v32;
	v32 =	vld [tilespmem:s20+$0x40];
	v34 =	vadd.f32 v37, v34;
	v37 =	vmul.f32 v38, v26  }
0x6b8: {  	v38 =	vld [tilespmem:s15+$0x50];
	v36 =	vadd.f32 v36, v40;
	v33 =	vmul.f32 v33, v17  }
0x6b9: {  	v40 =	vld [tilespmem:s10+$0x50];
	v39 =	vmul.f32 v39, v28;
	[tilespmem:s8+$0xFFFFFDD0] =	vst v34;
	v31 =	vadd.f32 v37, v31  }
0x6ba: {  	v34 =	vld [tilespmem:s22+$0x50];
	v35 =	vmul.f32 v35, v27;
	v33 =	vadd.f32 v33, v36  }
0x6bb: {  	v36 =	vld [tilespmem:s25+$0x50];
	v37 =	vmul.f32 v42, v25;
	[tilespmem:s8+$0xFFFFFED0] =	vst v31  }
0x6bc: {  	v31 =	vadd.f32 v35, v39;
	v32 =	vmul.f32 v32, v29;
	[tilespmem:s1+$0xFFFFFF60] =	vst v33;
	v33 =	vld [tilespmem:s0+$0xD0]  }
0x6bd: {  	v35 =	vmul.f32 v38, v24;
	v38 =	vld [tilespmem:s3+$0x60]  }
0x6be: {  	v39 =	vmul.f32 v40, v22;
	v31 =	vadd.f32 v37, v31;
	v37 =	vld [tilespmem:s4+$0x60]  }
0x6bf: {  	v34 =	vmul.f32 v34, v21;
	v40 =	vld [tilespmem:s29+$0xD0]  }
0x6c0: {  	v35 =	vadd.f32 v39, v35;
	v36 =	vmul.f32 v36, v23;
	v31 =	vadd.f32 v32, v31;
	v32 =	vld [tilespmem:s5+$0x60]  }
0x6c1: {  	v33 =	vmul.f32 v33, v63;
	v39 =	vld [tilespmem:s2+$0xD0]  }
0x6c2: {  	v34 =	vadd.f32 v34, v35;
	[tilespmem:s1+$0xFFFFFE50] =	vst v31;
	v31 =	vld [tilespmem:s7+$0x60]  }
0x6c3: {  	v38 =	vmul.f32 v38, v19;
	v35 =	vld [tilespmem:s23+$0x50];
	v37 =	vmul.f32 v37, v20  }
0x6c4: {  	v34 =	vadd.f32 v36, v34;
	v36 =	vld [tilespmem:s24+$0x50];
	v40 =	vmul.f32 v40, v14  }
0x6c5: {  	v41 =	vld [tilespmem:s16+$0x50];
	v37 =	vadd.f32 v37, v38;
	v32 =	vmul.f32 v32, v18  }
0x6c6: {  	[tilespmem:s1+$0xFFFFFD60] =	vst v34;
	v34 =	vld [tilespmem:s20+$0x50];
	v33 =	vadd.f32 v40, v33;
	v38 =	vmul.f32 v39, v59  }
0x6c7: {  	v39 =	vld [tilespmem:s15+$0x60];
	v32 =	vadd.f32 v32, v37;
	v31 =	vmul.f32 v31, v17  }
0x6c8: {  	v37 =	vld [tilespmem:s10+$0x60];
	v35 =	vmul.f32 v35, v28  }
0x6c9: {  	v40 =	vld [tilespmem:s22+$0x60];
	v36 =	vmul.f32 v36, v27;
	v31 =	vadd.f32 v31, v32  }
0x6ca: {  	v32 =	vld [tilespmem:s25+$0x60];
	v41 =	vmul.f32 v41, v25  }
0x6cb: {  	v35 =	vadd.f32 v36, v35;
	v34 =	vmul.f32 v34, v29;
	[tilespmem:s1+$0xFFFFFF70] =	vst v31;
	v31 =	vld [tilespmem:s14+$0xD0]  }
0x6cc: {  	v36 =	vmul.f32 v39, v24;
	v39 =	vld [tilespmem:s3+$0x70]  }
0x6cd: {  	v37 =	vmul.f32 v37, v22;
	v35 =	vadd.f32 v41, v35;
	v41 =	vld [tilespmem:s4+$0x70]  }
0x6ce: {  	v40 =	vmul.f32 v40, v21;
	v42 =	vld [tilespmem:s13+$0xD0]  }
0x6cf: {  	v36 =	vadd.f32 v37, v36;
	v32 =	vmul.f32 v32, v23;
	v34 =	vadd.f32 v34, v35;
	v35 =	vld [tilespmem:s5+$0x70]  }
0x6d0: {  	v31 =	vmul.f32 v31, v12;
	v37 =	vld [tilespmem:s6+$0xD0]  }
0x6d1: {  	v36 =	vadd.f32 v40, v36;
	[tilespmem:s1+$0xFFFFFE60] =	vst v34;
	v34 =	vld [tilespmem:s7+$0x70]  }
0x6d2: {  	v39 =	vmul.f32 v39, v19;
	v40 =	vld [tilespmem:s23+$0x60];
	v41 =	vmul.f32 v41, v20;
	v31 =	vadd.f32 v31, v38  }
0x6d3: {  	v32 =	vadd.f32 v32, v36;
	v36 =	vld [tilespmem:s24+$0x60];
	v38 =	vmul.f32 v42, v61  }
0x6d4: {  	v42 =	vld [tilespmem:s16+$0x60];
	v39 =	vadd.f32 v41, v39;
	v35 =	vmul.f32 v35, v18  }
0x6d5: {  	[tilespmem:s1+$0xFFFFFD70] =	vst v32;
	v32 =	vld [tilespmem:s20+$0x60];
	v33 =	vadd.f32 v38, v33;
	v37 =	vmul.f32 v37, v16  }
0x6d6: {  	v38 =	vld [tilespmem:s15+$0x70];
	v35 =	vadd.f32 v35, v39;
	v34 =	vmul.f32 v34, v17  }
0x6d7: {  	v39 =	vld [tilespmem:s10+$0x70];
	v40 =	vmul.f32 v40, v28;
	v31 =	vadd.f32 v37, v31  }
0x6d8: {  	v37 =	vld [tilespmem:s22+$0x70];
	v36 =	vmul.f32 v36, v27;
	v34 =	vadd.f32 v34, v35  }
0x6d9: {  	v35 =	vld [tilespmem:s25+$0x70];
	v41 =	vmul.f32 v42, v25  }
0x6da: {  	v36 =	vadd.f32 v36, v40;
	v32 =	vmul.f32 v32, v29;
	[tilespmem:s1+$0xFFFFFF80] =	vst v34;
	v34 =	vld [tilespmem:s12+$0xD0]  }
0x6db: {  	v38 =	vmul.f32 v38, v24;
	v40 =	vld [tilespmem:s3+$0x80]  }
0x6dc: {  	v39 =	vmul.f32 v39, v22;
	v36 =	vadd.f32 v41, v36;
	v41 =	vld [tilespmem:s4+$0x80]  }
0x6dd: {  	v37 =	vmul.f32 v37, v21;
	v42 =	vld [tilespmem:s9+$0xD0]  }
0x6de: {  	v38 =	vadd.f32 v39, v38;
	v35 =	vmul.f32 v35, v23;
	v32 =	vadd.f32 v32, v36;
	v36 =	vld [tilespmem:s5+$0x80]  }
0x6df: {  	v34 =	vmul.f32 v34, v62;
	v39 =	vld [tilespmem:s30+$0xF0];
	s30 =	smov.u32 s9;
	s9 =	smov.u32 s20  }
0x6e0: {  	v37 =	vadd.f32 v37, v38;
	[tilespmem:s1+$0xFFFFFE70] =	vst v32;
	v32 =	vld [tilespmem:s7+$0x80]  }
0x6e1: {  	v40 =	vmul.f32 v40, v19;
	v38 =	vld [tilespmem:s23+$0x70];
	v41 =	vmul.f32 v41, v20;
	v33 =	vadd.f32 v34, v33  }
0x6e2: {  	v34 =	vadd.f32 v35, v37;
	v35 =	vld [tilespmem:s24+$0x70];
	v37 =	vmul.f32 v42, v26  }
0x6e3: {  	v42 =	vld [tilespmem:s16+$0x70];
	v40 =	vadd.f32 v41, v40;
	v36 =	vmul.f32 v36, v18;
	[tilespmem:s8+$0xFFFFFDE0] =	vst v33  }
0x6e4: {  	[tilespmem:s1+$0xFFFFFD80] =	vst v34;
	v33 =	vld [tilespmem:s9+$0x70];
	v31 =	vadd.f32 v37, v31;
	v34 =	vmul.f32 v39, v60;
	v60 =	vmovc v26;
	v26 =	vmov v29  }
0x6e5: {  	v29 =	vld [tilespmem:s15+$0x80];
	v36 =	vadd.f32 v36, v40;
	v32 =	vmul.f32 v32, v17  }
0x6e6: {  	v37 =	vld [tilespmem:s10+$0x80];
	v38 =	vmul.f32 v38, v28;
	[tilespmem:s8+$0xFFFFFEE0] =	vst v31;
	v30 =	vadd.f32 v34, v30  }
0x6e7: {  	v31 =	vld [tilespmem:s22+$0x80];
	v34 =	vmul.f32 v35, v27;
	v32 =	vadd.f32 v32, v36  }
0x6e8: {  	v35 =	vld [tilespmem:s25+$0x80];
	v36 =	vmul.f32 v42, v25;
	[tilespmem:s28+$0xFFFFFF00] =	vst v30;
	s28 =	smov.u32 s8;
	s8 =	smov.u32 s1  }
0x6e9: {  	v30 =	vadd.f32 v34, v38;
	v33 =	vmul.f32 v33, v26;
	[tilespmem:s1+$0xFFFFFF90] =	vst v32;
	v32 =	vld [tilespmem:s0+$0xE0]  }
0x6ea: {  	v29 =	vmul.f32 v29, v24;
	v34 =	vld [tilespmem:s3+$0x90]  }
0x6eb: {  	v37 =	vmul.f32 v37, v22;
	v30 =	vadd.f32 v36, v30;
	v36 =	vld [tilespmem:s4+$0x90]  }
0x6ec: {  	v31 =	vmul.f32 v31, v21;
	v38 =	vld [tilespmem:s29+$0xE0]  }
0x6ed: {  	v29 =	vadd.f32 v37, v29;
	v35 =	vmul.f32 v35, v23;
	v30 =	vadd.f32 v33, v30;
	v33 =	vld [tilespmem:s5+$0x90]  }
0x6ee: {  	v32 =	vmul.f32 v32, v63;
	v37 =	vld [tilespmem:s2+$0xE0]  }
0x6ef: {  	v29 =	vadd.f32 v31, v29;
	[tilespmem:s1+$0xFFFFFE80] =	vst v30;
	v30 =	vld [tilespmem:s7+$0x90]  }
0x6f0: {  	v34 =	vmul.f32 v34, v19;
	v31 =	vld [tilespmem:s23+$0x80];
	v36 =	vmul.f32 v36, v20  }
0x6f1: {  	v29 =	vadd.f32 v35, v29;
	v35 =	vld [tilespmem:s24+$0x80];
	v38 =	vmul.f32 v38, v14  }
0x6f2: {  	v39 =	vld [tilespmem:s16+$0x80];
	v34 =	vadd.f32 v36, v34;
	v33 =	vmul.f32 v33, v18  }
0x6f3: {  	[tilespmem:s1+$0xFFFFFD90] =	vst v29;
	v29 =	vld [tilespmem:s9+$0x80];
	v32 =	vadd.f32 v38, v32;
	v36 =	vmul.f32 v37, v59  }
0x6f4: {  	v37 =	vld [tilespmem:s15+$0x90];
	v33 =	vadd.f32 v33, v34;
	v30 =	vmul.f32 v30, v17  }
0x6f5: {  	v34 =	vld [tilespmem:s10+$0x90];
	v31 =	vmul.f32 v31, v28  }
0x6f6: {  	v38 =	vld [tilespmem:s22+$0x90];
	v35 =	vmul.f32 v35, v27;
	v30 =	vadd.f32 v30, v33  }
0x6f7: {  	v33 =	vld [tilespmem:s25+$0x90];
	v39 =	vmul.f32 v39, v25  }
0x6f8: {  	v31 =	vadd.f32 v35, v31;
	v29 =	vmul.f32 v29, v26;
	[tilespmem:s1+$0xFFFFFFA0] =	vst v30;
	v30 =	vld [tilespmem:s14+$0xE0]  }
0x6f9: {  	v35 =	vmul.f32 v37, v24;
	v37 =	vld [tilespmem:s3+$0xA0]  }
0x6fa: {  	v34 =	vmul.f32 v34, v22;
	v31 =	vadd.f32 v39, v31;
	v39 =	vld [tilespmem:s4+$0xA0]  }
0x6fb: {  	v38 =	vmul.f32 v38, v21;
	v40 =	vld [tilespmem:s13+$0xE0]  }
0x6fc: {  	v34 =	vadd.f32 v34, v35;
	v33 =	vmul.f32 v33, v23;
	v29 =	vadd.f32 v29, v31;
	v31 =	vld [tilespmem:s5+$0xA0]  }
0x6fd: {  	v30 =	vmul.f32 v30, v12;
	v35 =	vld [tilespmem:s6+$0xE0]  }
0x6fe: {  	v34 =	vadd.f32 v38, v34;
	[tilespmem:s1+$0xFFFFFE90] =	vst v29;
	v29 =	vld [tilespmem:s7+$0xA0]  }
0x6ff: {  	v37 =	vmul.f32 v37, v19;
	v38 =	vld [tilespmem:s23+$0x90];
	v39 =	vmul.f32 v39, v20;
	v36 =	vadd.f32 v30, v36  }
0x700: {  	v30 =	vadd.f32 v33, v34;
	v33 =	vld [tilespmem:s24+$0x90];
	v34 =	vmul.f32 v40, v61  }
0x701: {  	v40 =	vld [tilespmem:s16+$0x90];
	v37 =	vadd.f32 v39, v37;
	v31 =	vmul.f32 v31, v18  }
0x702: {  	[tilespmem:s1+$0xFFFFFDA0] =	vst v30;
	v39 =	vld [tilespmem:s9+$0x90];
	v30 =	vadd.f32 v34, v32;
	v32 =	vmul.f32 v35, v16  }
0x703: {  	v34 =	vld [tilespmem:s15+$0xA0];
	v31 =	vadd.f32 v31, v37;
	v35 =	vmul.f32 v29, v17  }
0x704: {  	v37 =	vld [tilespmem:s10+$0xA0];
	v38 =	vmul.f32 v38, v28;
	v29 =	vadd.f32 v32, v36  }
0x705: {  	v36 =	vld [tilespmem:s22+$0xA0];
	v32 =	vmul.f32 v33, v27;
	v31 =	vadd.f32 v35, v31  }
0x706: {  	v41 =	vld [tilespmem:s25+$0xA0];
	v33 =	vmul.f32 v40, v25  }
.Ltmp1:
0x707: {  	v35 =	vadd.f32 v32, v38;
	v40 =	vmul.f32 v39, v26;
	[tilespmem:s1+$0xFFFFFFB0] =	vst v31;
	v32 =	vld [tilespmem:s12+$0xE0];
	(pc) =	sbr.rel @p0 .LBB2_5-.Ltmp1, $4  }
0x708: {  	v31 =	vmul.f32 v34, v24;
	v34 =	vld [tilespmem:s3+$0xB0]  }
0x709: {  	v37 =	vmul.f32 v37, v22;
	v42 =	vadd.f32 v33, v35;
	v35 =	vld [tilespmem:s4+$0xB0]  }
0x70a: {  	v39 =	vmul.f32 v36, v21;
	v33 =	vld [tilespmem:s30+$0xE0]  }
0x70b: {  	s11 =	sadd.s32 $0x18, s11;
	v38 =	vadd.f32 v37, v31;
	v37 =	vmul.f32 v41, v23;
	v40 =	vadd.f32 v40, v42;
	v36 =	vld [tilespmem:s5+$0xB0]  }
0x70c: {  	_ = 	snop  }
0x70d: {  	[tilespmem:s1+$0xFFFFFEA0] =	vst v40  }
0x70e: {  	v31 =	vld [tilespmem:s23+$0xA0]  }
0x70f: {  	v40 =	vld [tilespmem:s24+$0xA0];
	_ =	sdelay $0x1  }
0x710: {  	v41 =	vld [tilespmem:s16+$0xA0];
	_ =	sdelay $0x1  }
0x711: {  	v42 =	vld [tilespmem:s9+$0xA0]  }
0x712: {  	v38 =	vadd.f32 v39, v38;
	v31 =	vmul.f32 v31, v28;
	v40 =	vmul.f32 v40, v27;
	_ =	sdelay $0x1  }
0x713: {  	v37 =	vadd.f32 v37, v38;
	v48 =	vmul.f32 v41, v25;
	v31 =	vadd.f32 v40, v31;
	_ =	sdelay $0x1  }
0x714: {  	v50 =	vld [tilespmem:s7+$0xB0];
	[tilespmem:s1+$0xFFFFFDB0] =	vst v37;
	v49 =	vmul.f32 v42, v26;
	v31 =	vadd.f32 v48, v31  }
0x715: {  	v37 =	vld [tilespmem:s15+$0xB0]  }
0x716: {  	v51 =	vld [tilespmem:s10+$0xB0];
	v31 =	vadd.f32 v49, v31  }
0x717: {  	v44 =	vld [tilespmem:s22+$0xB0]  }
0x718: {  	v34 =	vmul.f32 v34, v19;
	v35 =	vmul.f32 v35, v20;
	v47 =	vld [tilespmem:s25+$0xB0];
	[tilespmem:s1+$0xFFFFFEB0] =	vst v31  }
0x719: {  	v31 =	vld [tilespmem:s23+$0xB0]  }
0x71a: {  	v34 =	vadd.f32 v35, v34;
	v45 =	vmul.f32 v36, v18;
	v46 =	vld [tilespmem:s24+$0xB0]  }
0x71b: {  	v37 =	vmul.f32 v37, v24;
	v38 =	vmul.f32 v51, v22  }
0x71c: {  	v34 =	vadd.f32 v45, v34;
	v48 =	vmul.f32 v50, v17;
	v49 =	vld [tilespmem:s16+$0xB0]  }
0x71d: {  	v50 =	vmul.f32 v44, v21;
	v37 =	vadd.f32 v38, v37  }
0x71e: {  	v41 =	vmul.f32 v47, v23;
	v34 =	vadd.f32 v48, v34;
	v51 =	vld [tilespmem:s9+$0xB0]  }
0x71f: {  	v42 =	vadd.f32 v50, v37;
	v31 =	vmul.f32 v31, v28;
	v36 =	vmul.f32 v46, v27  }
0x720: {  	[tilespmem:s1+$0xFFFFFFC0] =	vst v34  }
0x721: {  	v44 =	vld [tilespmem:s3+$0xC0];
	v34 =	vadd.f32 v41, v42;
	v43 =	vmul.f32 v49, v25;
	v31 =	vadd.f32 v36, v31  }
0x722: {  	v45 =	vld [tilespmem:s4+$0xC0]  }
0x723: {  	v47 =	vld [tilespmem:s5+$0xC0];
	[tilespmem:s1+$0xFFFFFDC0] =	vst v34;
	v46 =	vmul.f32 v51, v26;
	v31 =	vadd.f32 v43, v31  }
0x724: {  	v34 =	vld [tilespmem:s15+$0xC0]  }
0x725: {  	v49 =	vld [tilespmem:s10+$0xC0];
	v31 =	vadd.f32 v46, v31  }
0x726: {  	v48 =	vld [tilespmem:s7+$0xC0]  }
0x727: {  	v37 =	vmul.f32 v45, v20;
	v51 =	vld [tilespmem:s22+$0xC0];
	v36 =	vmul.f32 v44, v19;
	[tilespmem:s8+$0xFFFFFEC0] =	vst v31  }
0x728: {  	v50 =	vld [tilespmem:s24+$0xC0]  }
0x729: {  	v45 =	vmul.f32 v47, v18;
	v36 =	vadd.f32 v37, v36;
	v31 =	vld [tilespmem:s23+$0xC0]  }
0x72a: {  	v47 =	vld [tilespmem:s25+$0xC0];
	v34 =	vmul.f32 v34, v24;
	v35 =	vmul.f32 v49, v22  }
0x72b: {  	v39 =	vmul.f32 v48, v17;
	v36 =	vadd.f32 v45, v36;
	v46 =	vld [tilespmem:s16+$0xC0]  }
0x72c: {  	v34 =	vadd.f32 v35, v34  }
0x72d: {  	v36 =	vadd.f32 v39, v36;
	v49 =	vld [tilespmem:s9+$0xC0];
	v48 =	vmul.f32 v50, v27;
	v50 =	vmul.f32 v51, v21  }
0x72e: {  	v31 =	vmul.f32 v31, v28  }
0x72f: {  	v41 =	vmul.f32 v47, v23;
	[tilespmem:s1+$0xFFFFFFD0] =	vst v36;
	v34 =	vadd.f32 v50, v34  }
0x730: {  	v42 =	vld [tilespmem:s3+$0xD0];
	v51 =	vmul.f32 v46, v25;
	v31 =	vadd.f32 v48, v31  }
0x731: {  	v43 =	vld [tilespmem:s4+$0xD0];
	v34 =	vadd.f32 v41, v34  }
0x732: {  	v45 =	vld [tilespmem:s5+$0xD0];
	v44 =	vmul.f32 v49, v26;
	v31 =	vadd.f32 v51, v31  }
0x733: {  	v46 =	vld [tilespmem:s7+$0xD0];
	[tilespmem:s8+$0xFFFFFDD0] =	vst v34  }
0x734: {  	v31 =	vadd.f32 v44, v31;
	v34 =	vld [tilespmem:s15+$0xD0]  }
0x735: {  	v47 =	vld [tilespmem:s10+$0xD0]  }
0x736: {  	v32 =	vmul.f32 v32, v62;
	v51 =	vld [tilespmem:s22+$0xD0];
	[tilespmem:s8+$0xFFFFFED0] =	vst v31  }
0x737: {  	v37 =	vmul.f32 v42, v19;
	v38 =	vmul.f32 v43, v20;
	v48 =	vld [tilespmem:s23+$0xD0]  }
0x738: {  	v30 =	vadd.f32 v32, v30;
	v50 =	vmul.f32 v33, v60;
	v49 =	vld [tilespmem:s24+$0xD0]  }
0x739: {  	v36 =	vmul.f32 v45, v18;
	v37 =	vadd.f32 v38, v37;
	v38 =	vld [tilespmem:s16+$0xD0]  }
0x73a: {  	[tilespmem:s28+$0xFFFFFDF0] =	vst v30;
	v29 =	vadd.f32 v50, v29;
	v44 =	vmul.f32 v46, v17;
	v45 =	vld [tilespmem:s25+$0xD0]  }
0x73b: {  	v39 =	vld [tilespmem:s0+$0xF0];
	v36 =	vadd.f32 v36, v37;
	v34 =	vmul.f32 v34, v24;
	v31 =	vmul.f32 v47, v22  }
0x73c: {  	v47 =	vld [tilespmem:s9+$0xD0];
	v50 =	vmul.f32 v51, v21;
	v35 =	vmul.f32 v48, v28  }
0x73d: {  	v41 =	vld [tilespmem:s29+$0xF0];
	[tilespmem:s28+$0xFFFFFEF0] =	vst v29;
	v46 =	vmul.f32 v49, v27;
	v48 =	vadd.f32 v44, v36;
	v49 =	vadd.f32 v31, v34  }
0x73e: {  	v33 =	vld [tilespmem:s2+$0xF0];
	v43 =	vmul.f32 v38, v25  }
0x73f: {  	v44 =	vmul.f32 v45, v23;
	v34 =	vld [tilespmem:s12+$0xF0];
	v51 =	vadd.f32 v46, v35;
	[tilespmem:s8+$0xFFFFFFE0] =	vst v48;
	v42 =	vadd.f32 v50, v49  }
0x740: {  	v45 =	vld [tilespmem:s3+$0xE0]  }
0x741: {  	v46 =	vld [tilespmem:s4+$0xE0];
	v47 =	vmul.f32 v47, v26;
	v30 =	vadd.f32 v43, v51;
	v29 =	vadd.f32 v44, v42  }
0x742: {  	v48 =	vld [tilespmem:s5+$0xE0]  }
0x743: {  	v49 =	vld [tilespmem:s7+$0xE0];
	[tilespmem:s8+$0xFFFFFDE0] =	vst v29;
	v50 =	vadd.f32 v47, v30  }
0x744: {  	v30 =	vld [tilespmem:s15+$0xE0]  }
0x745: {  	v51 =	vld [tilespmem:s10+$0xE0];
	[tilespmem:s8+$0xFFFFFEE0] =	vst v50  }
0x746: {  	v43 =	vmul.f32 v45, v19;
	v45 =	vld [tilespmem:s23+$0xE0]  }
0x747: {  	v44 =	vmul.f32 v46, v20;
	v46 =	vld [tilespmem:s24+$0xE0]  }
0x748: {  	v47 =	vmul.f32 v48, v18;
	v48 =	vld [tilespmem:s22+$0xE0]  }
0x749: {  	v50 =	vld [tilespmem:s25+$0xE0];
	v31 =	vadd.f32 v44, v43  }
0x74a: {  	v49 =	vmul.f32 v49, v17;
	v40 =	vld [tilespmem:s16+$0xE0]  }
0x74b: {  	v38 =	vld [tilespmem:s30+$0xF0];
	v31 =	vadd.f32 v47, v31;
	v30 =	vmul.f32 v30, v24;
	v29 =	vmul.f32 v51, v22  }
0x74c: {  	v51 =	vmul.f32 v45, v28;
	v45 =	vmul.f32 v46, v27;
	v46 =	vld [tilespmem:s9+$0xE0]  }
0x74d: {  	v35 =	vld [tilespmem:s14+$0xF0];
	v47 =	vmul.f32 v48, v21;
	v31 =	vadd.f32 v49, v31;
	v29 =	vadd.f32 v29, v30  }
0x74e: {  	v42 =	vld [tilespmem:s13+$0xF0];
	v50 =	vmul.f32 v50, v23  }
0x74f: {  	v43 =	vld [tilespmem:s6+$0xF0];
	v49 =	vmul.f32 v40, v25;
	[tilespmem:s8+$0xFFFFFFF0] =	vst v31;
	v48 =	vadd.f32 v45, v51;
	v29 =	vadd.f32 v47, v29  }
0x750: {  	v32 =	vld [tilespmem:s3+$0xF0]  }
0x751: {  	v37 =	vld [tilespmem:s4+$0xF0];
	v30 =	vadd.f32 v49, v48;
	v29 =	vadd.f32 v50, v29;
	v51 =	vmul.f32 v46, v26  }
0x752: {  	v40 =	vld [tilespmem:s5+$0xF0]  }
0x753: {  	v44 =	vld [tilespmem:s7+$0xF0];
	[tilespmem:s8+$0xFFFFFDF0] =	vst v29;
	v45 =	vadd.f32 v51, v30  }
0x754: {  	v46 =	vld [tilespmem:s15+$0xF0]  }
0x755: {  	v33 =	vmul.f32 v33, v59;
	v12 =	vmul.f32 v35, v12;
	v47 =	vld [tilespmem:s10+$0xF0];
	[tilespmem:s8+$0xFFFFFEF0] =	vst v45  }
0x756: {  	v39 =	vmul.f32 v39, v63;
	v14 =	vmul.f32 v41, v14;
	v29 =	vld [tilespmem:s23+$0xF0]  }
0x757: {  	v12 =	vadd.f32 v12, v33;
	v16 =	vmul.f32 v43, v16;
	v48 =	vld [tilespmem:s24+$0xF0]  }
0x758: {  	v14 =	vadd.f32 v14, v39;
	v62 =	vmul.f32 v34, v62;
	v49 =	vmul.f32 v42, v61;
	v50 =	vld [tilespmem:s22+$0xF0]  }
0x759: {  	v12 =	vadd.f32 v16, v12;
	v51 =	vmul.f32 v32, v19;
	v59 =	vmul.f32 v37, v20;
	v61 =	vld [tilespmem:s16+$0xF0]  }
0x75a: {  	v14 =	vadd.f32 v49, v14;
	v34 =	vld [tilespmem:s25+$0xF0];
	v63 =	vmul.f32 v40, v18;
	v17 =	vmul.f32 v44, v17  }
0x75b: {  	v16 =	vadd.f32 v59, v51;
	v40 =	vld [tilespmem:s9+$0xF0];
	v37 =	vmul.f32 v46, v24;
	v39 =	vmul.f32 v47, v22  }
0x75c: {  	v14 =	vadd.f32 v62, v14;
	v42 =	vmul.f32 v29, v28;
	v43 =	vmul.f32 v48, v27  }
0x75d: {  	v16 =	vadd.f32 v63, v16;
	v44 =	vmul.f32 v50, v21;
	v20 =	vadd.f32 v39, v37  }
0x75e: {  	v45 =	vmul.f32 v38, v60;
	v46 =	vmul.f32 v61, v25;
	v18 =	vadd.f32 v43, v42  }
0x75f: {  	v19 =	vmul.f32 v34, v23;
	v16 =	vadd.f32 v17, v16;
	v17 =	vadd.f32 v44, v20  }
0x760: {  	[tilespmem:s28+$0xFFFFFE00] =	vst v14;
	v12 =	vadd.f32 v45, v12;
	v47 =	vmul.f32 v40, v26;
	v14 =	vadd.f32 v46, v18  }
0x761: {  	[tilespmem:s8+$0x0] =	vst v16;
	v16 =	vadd.f32 v19, v17  }
0x762: {  	[tilespmem:s28+$0xFFFFFF00] =	vst v12;
	v12 =	vadd.f32 v47, v14  }
0x763: {  	[tilespmem:s8+$0xFFFFFE00] =	vst v16  }
0x764: {  	[tilespmem:s8+$0xFFFFFF00] =	vst v12  }
0x765: {  	v17 =	vld [tilespmem:$0x138B0];
	_ =	sdelay $0x4  }
0x766: {  	v12 =	vshll.u32 v17, $0xA  }
0x767: {  	v12 =	vshra.s32 v12, $0x2  }
0x768: {  	(v2sf) =	vpush v12, $0x0  }
0x769: {  	(v2sf) =	vpush v12, $0x1;
	_ =	sdelay $0x1  }
0x76a: {  	(v2sf) =	vpush v12, $0x2;
	_ =	sdelay $0x1  }
0x76b: {  	(v2sf) =	vpush v12, $0x3;
	_ =	sdelay $0x9  }
0x76c: {  	s22 =	spop (v2sf)  }
0x76d: {  	s23 =	spop (v2sf);
	v48 =	vld [tilespmem:s22+$0x0]  }
0x76e: {  	v49 =	vld [tilespmem:s23+$0x0]  }
0x76f: {  	s24 =	spop (v2sf)  }
0x770: {  	v50 =	vld [tilespmem:s24+$0x0]  }
0x771: {  	v14 =	vbroadcast v17, $0x5;
	v12 =	vbroadcast v17, $0x4;
	s25 =	spop (v2sf)  }
0x772: {  	v16 =	vbroadcast v17, $0x6;
	v51 =	vld [tilespmem:s25+$0x0]  }
0x773: {  	v18 =	vmul.f32 v12, v48;
	v19 =	vmul.f32 v49, v14;
	_ =	sdelay $0x1  }
0x774: {  	v17 =	vbroadcast v17, $0x7;
	v59 =	vmul.f32 v50, v16;
	v18 =	vadd.f32 v19, v18;
	_ =	sdelay $0x1  }
0x775: {  	v60 =	vmul.f32 v51, v17;
	v18 =	vadd.f32 v59, v18;
	_ =	sdelay $0x1  }
0x776: {  	v18 =	vadd.f32 v60, v18;
	_ =	sdelay $0x1  }
0x777: {  	[tilespmem:$0x134E0] =	vst v18  }
0x778: {  	v18 =	vld [tilespmem:s22+$0x10]  }
0x779: {  	v61 =	vld [tilespmem:s23+$0x10];
	_ =	sdelay $0x1  }
0x77a: {  	v62 =	vld [tilespmem:s24+$0x10];
	_ =	sdelay $0x1  }
0x77b: {  	v63 =	vld [tilespmem:s25+$0x10]  }
0x77c: {  	v18 =	vmul.f32 v18, v12;
	v19 =	vmul.f32 v61, v14;
	_ =	sdelay $0x1  }
0x77d: {  	v22 =	vmul.f32 v62, v16;
	v18 =	vadd.f32 v19, v18;
	_ =	sdelay $0x1  }
0x77e: {  	v23 =	vmul.f32 v63, v17;
	v18 =	vadd.f32 v22, v18;
	_ =	sdelay $0x1  }
0x77f: {  	v18 =	vadd.f32 v23, v18;
	_ =	sdelay $0x1  }
0x780: {  	[tilespmem:$0x134F0] =	vst v18  }
0x781: {  	v18 =	vld [tilespmem:s22+$0x20]  }
0x782: {  	v24 =	vld [tilespmem:s23+$0x20];
	_ =	sdelay $0x1  }
0x783: {  	v25 =	vld [tilespmem:s24+$0x20];
	_ =	sdelay $0x1  }
0x784: {  	v26 =	vld [tilespmem:s25+$0x20]  }
0x785: {  	v18 =	vmul.f32 v18, v12;
	v19 =	vmul.f32 v24, v14;
	_ =	sdelay $0x1  }
0x786: {  	v27 =	vmul.f32 v25, v16;
	v18 =	vadd.f32 v19, v18;
	_ =	sdelay $0x1  }
0x787: {  	v28 =	vmul.f32 v26, v17;
	v18 =	vadd.f32 v27, v18;
	_ =	sdelay $0x1  }
0x788: {  	v18 =	vadd.f32 v28, v18;
	_ =	sdelay $0x1  }
0x789: {  	[tilespmem:$0x13500] =	vst v18  }
0x78a: {  	v18 =	vld [tilespmem:s22+$0x30]  }
0x78b: {  	v29 =	vld [tilespmem:s23+$0x30];
	_ =	sdelay $0x1  }
0x78c: {  	v30 =	vld [tilespmem:s24+$0x30];
	_ =	sdelay $0x1  }
0x78d: {  	v31 =	vld [tilespmem:s25+$0x30]  }
0x78e: {  	v18 =	vmul.f32 v18, v12;
	v19 =	vmul.f32 v29, v14;
	_ =	sdelay $0x1  }
0x78f: {  	v32 =	vmul.f32 v30, v16;
	v18 =	vadd.f32 v19, v18;
	_ =	sdelay $0x1  }
0x790: {  	v33 =	vmul.f32 v31, v17;
	v18 =	vadd.f32 v32, v18;
	_ =	sdelay $0x1  }
0x791: {  	v18 =	vadd.f32 v33, v18;
	_ =	sdelay $0x1  }
0x792: {  	[tilespmem:$0x13510] =	vst v18  }
0x793: {  	v18 =	vld [tilespmem:s22+$0x40]  }
0x794: {  	v34 =	vld [tilespmem:s23+$0x40];
	_ =	sdelay $0x1  }
0x795: {  	v35 =	vld [tilespmem:s24+$0x40];
	_ =	sdelay $0x1  }
0x796: {  	v36 =	vld [tilespmem:s25+$0x40]  }
0x797: {  	v18 =	vmul.f32 v18, v12;
	v19 =	vmul.f32 v34, v14;
	_ =	sdelay $0x1  }
0x798: {  	v37 =	vmul.f32 v35, v16;
	v18 =	vadd.f32 v19, v18;
	_ =	sdelay $0x1  }
0x799: {  	v38 =	vmul.f32 v36, v17;
	v18 =	vadd.f32 v37, v18;
	_ =	sdelay $0x1  }
0x79a: {  	v18 =	vadd.f32 v38, v18;
	_ =	sdelay $0x1  }
0x79b: {  	[tilespmem:$0x13520] =	vst v18  }
0x79c: {  	v18 =	vld [tilespmem:s22+$0x50]  }
0x79d: {  	v39 =	vld [tilespmem:s23+$0x50];
	_ =	sdelay $0x1  }
0x79e: {  	v40 =	vld [tilespmem:s24+$0x50];
	_ =	sdelay $0x1  }
0x79f: {  	v41 =	vld [tilespmem:s25+$0x50]  }
0x7a0: {  	v18 =	vmul.f32 v18, v12;
	v19 =	vmul.f32 v39, v14;
	_ =	sdelay $0x1  }
0x7a1: {  	v42 =	vmul.f32 v40, v16;
	v18 =	vadd.f32 v19, v18;
	_ =	sdelay $0x1  }
0x7a2: {  	v43 =	vmul.f32 v41, v17;
	v18 =	vadd.f32 v42, v18;
	_ =	sdelay $0x1  }
0x7a3: {  	v18 =	vadd.f32 v43, v18;
	_ =	sdelay $0x1  }
0x7a4: {  	[tilespmem:$0x13530] =	vst v18  }
0x7a5: {  	v18 =	vld [tilespmem:s22+$0x60]  }
0x7a6: {  	v44 =	vld [tilespmem:s23+$0x60];
	_ =	sdelay $0x1  }
0x7a7: {  	v45 =	vld [tilespmem:s24+$0x60];
	_ =	sdelay $0x1  }
0x7a8: {  	v46 =	vld [tilespmem:s25+$0x60]  }
0x7a9: {  	v18 =	vmul.f32 v18, v12;
	v19 =	vmul.f32 v44, v14;
	_ =	sdelay $0x1  }
0x7aa: {  	v47 =	vmul.f32 v45, v16;
	v18 =	vadd.f32 v19, v18;
	_ =	sdelay $0x1  }
0x7ab: {  	v48 =	vmul.f32 v46, v17;
	v18 =	vadd.f32 v47, v18;
	_ =	sdelay $0x1  }
0x7ac: {  	v18 =	vadd.f32 v48, v18;
	_ =	sdelay $0x1  }
0x7ad: {  	[tilespmem:$0x13540] =	vst v18  }
0x7ae: {  	v18 =	vld [tilespmem:s22+$0x70]  }
0x7af: {  	v49 =	vld [tilespmem:s23+$0x70];
	_ =	sdelay $0x1  }
0x7b0: {  	v50 =	vld [tilespmem:s24+$0x70];
	_ =	sdelay $0x1  }
0x7b1: {  	v51 =	vld [tilespmem:s25+$0x70]  }
0x7b2: {  	v18 =	vmul.f32 v18, v12;
	v19 =	vmul.f32 v49, v14;
	_ =	sdelay $0x1  }
0x7b3: {  	v59 =	vmul.f32 v50, v16;
	v18 =	vadd.f32 v19, v18;
	_ =	sdelay $0x1  }
0x7b4: {  	v60 =	vmul.f32 v51, v17;
	v18 =	vadd.f32 v59, v18;
	_ =	sdelay $0x1  }
0x7b5: {  	v18 =	vadd.f32 v60, v18;
	_ =	sdelay $0x1  }
0x7b6: {  	[tilespmem:$0x13550] =	vst v18  }
0x7b7: {  	v18 =	vld [tilespmem:s22+$0x80]  }
0x7b8: {  	v61 =	vld [tilespmem:s23+$0x80];
	_ =	sdelay $0x1  }
0x7b9: {  	v62 =	vld [tilespmem:s24+$0x80];
	_ =	sdelay $0x1  }
0x7ba: {  	v63 =	vld [tilespmem:s25+$0x80]  }
0x7bb: {  	v18 =	vmul.f32 v18, v12;
	v19 =	vmul.f32 v61, v14;
	_ =	sdelay $0x1  }
0x7bc: {  	v22 =	vmul.f32 v62, v16;
	v18 =	vadd.f32 v19, v18;
	_ =	sdelay $0x1  }
0x7bd: {  	v23 =	vmul.f32 v63, v17;
	v18 =	vadd.f32 v22, v18;
	_ =	sdelay $0x1  }
0x7be: {  	v18 =	vadd.f32 v23, v18;
	_ =	sdelay $0x1  }
0x7bf: {  	[tilespmem:$0x13560] =	vst v18  }
0x7c0: {  	v18 =	vld [tilespmem:s22+$0x90]  }
0x7c1: {  	v24 =	vld [tilespmem:s23+$0x90];
	_ =	sdelay $0x1  }
0x7c2: {  	v25 =	vld [tilespmem:s24+$0x90];
	_ =	sdelay $0x1  }
0x7c3: {  	v26 =	vld [tilespmem:s25+$0x90]  }
0x7c4: {  	v18 =	vmul.f32 v18, v12;
	v19 =	vmul.f32 v24, v14;
	_ =	sdelay $0x1  }
0x7c5: {  	v27 =	vmul.f32 v25, v16;
	v18 =	vadd.f32 v19, v18;
	_ =	sdelay $0x1  }
0x7c6: {  	v28 =	vmul.f32 v26, v17;
	v18 =	vadd.f32 v27, v18;
	_ =	sdelay $0x1  }
0x7c7: {  	v18 =	vadd.f32 v28, v18;
	_ =	sdelay $0x1  }
0x7c8: {  	[tilespmem:$0x13570] =	vst v18  }
0x7c9: {  	v18 =	vld [tilespmem:s22+$0xA0]  }
0x7ca: {  	v29 =	vld [tilespmem:s23+$0xA0];
	_ =	sdelay $0x1  }
0x7cb: {  	v30 =	vld [tilespmem:s24+$0xA0];
	_ =	sdelay $0x1  }
0x7cc: {  	v31 =	vld [tilespmem:s25+$0xA0]  }
0x7cd: {  	v18 =	vmul.f32 v18, v12;
	v19 =	vmul.f32 v29, v14;
	_ =	sdelay $0x1  }
0x7ce: {  	v32 =	vmul.f32 v30, v16;
	v18 =	vadd.f32 v19, v18;
	_ =	sdelay $0x1  }
0x7cf: {  	v33 =	vmul.f32 v31, v17;
	v18 =	vadd.f32 v32, v18;
	_ =	sdelay $0x1  }
0x7d0: {  	v18 =	vadd.f32 v33, v18;
	_ =	sdelay $0x1  }
0x7d1: {  	[tilespmem:$0x13580] =	vst v18  }
0x7d2: {  	v18 =	vld [tilespmem:s22+$0xB0]  }
0x7d3: {  	v34 =	vld [tilespmem:s23+$0xB0];
	_ =	sdelay $0x1  }
0x7d4: {  	v35 =	vld [tilespmem:s24+$0xB0];
	_ =	sdelay $0x1  }
0x7d5: {  	v36 =	vld [tilespmem:s25+$0xB0]  }
0x7d6: {  	v18 =	vmul.f32 v18, v12;
	v19 =	vmul.f32 v34, v14;
	_ =	sdelay $0x1  }
0x7d7: {  	v37 =	vmul.f32 v35, v16;
	v18 =	vadd.f32 v19, v18;
	_ =	sdelay $0x1  }
0x7d8: {  	v38 =	vmul.f32 v36, v17;
	v18 =	vadd.f32 v37, v18;
	_ =	sdelay $0x1  }
0x7d9: {  	v18 =	vadd.f32 v38, v18;
	_ =	sdelay $0x1  }
0x7da: {  	[tilespmem:$0x13590] =	vst v18  }
0x7db: {  	v18 =	vld [tilespmem:s22+$0xC0]  }
0x7dc: {  	v39 =	vld [tilespmem:s23+$0xC0];
	_ =	sdelay $0x1  }
0x7dd: {  	v40 =	vld [tilespmem:s24+$0xC0];
	_ =	sdelay $0x1  }
0x7de: {  	v41 =	vld [tilespmem:s25+$0xC0]  }
0x7df: {  	v18 =	vmul.f32 v18, v12;
	v19 =	vmul.f32 v39, v14;
	_ =	sdelay $0x1  }
0x7e0: {  	v42 =	vmul.f32 v40, v16;
	v18 =	vadd.f32 v19, v18;
	_ =	sdelay $0x1  }
0x7e1: {  	v43 =	vmul.f32 v41, v17;
	v18 =	vadd.f32 v42, v18;
	_ =	sdelay $0x1  }
0x7e2: {  	v18 =	vadd.f32 v43, v18;
	_ =	sdelay $0x1  }
0x7e3: {  	[tilespmem:$0x135A0] =	vst v18  }
0x7e4: {  	v18 =	vld [tilespmem:s22+$0xD0]  }
0x7e5: {  	v44 =	vld [tilespmem:s23+$0xD0];
	_ =	sdelay $0x1  }
0x7e6: {  	v45 =	vld [tilespmem:s24+$0xD0];
	_ =	sdelay $0x1  }
0x7e7: {  	v46 =	vld [tilespmem:s25+$0xD0]  }
0x7e8: {  	v18 =	vmul.f32 v18, v12;
	v19 =	vmul.f32 v44, v14;
	_ =	sdelay $0x1  }
0x7e9: {  	v47 =	vmul.f32 v45, v16;
	v18 =	vadd.f32 v19, v18;
	_ =	sdelay $0x1  }
0x7ea: {  	v48 =	vmul.f32 v46, v17;
	v18 =	vadd.f32 v47, v18;
	_ =	sdelay $0x1  }
0x7eb: {  	v18 =	vadd.f32 v48, v18;
	_ =	sdelay $0x1  }
0x7ec: {  	[tilespmem:$0x135B0] =	vst v18  }
0x7ed: {  	v18 =	vld [tilespmem:s22+$0xE0]  }
0x7ee: {  	v49 =	vld [tilespmem:s23+$0xE0];
	_ =	sdelay $0x1  }
0x7ef: {  	v50 =	vld [tilespmem:s24+$0xE0];
	_ =	sdelay $0x1  }
0x7f0: {  	v51 =	vld [tilespmem:s25+$0xE0]  }
0x7f1: {  	v18 =	vmul.f32 v18, v12;
	v19 =	vmul.f32 v49, v14;
	_ =	sdelay $0x1  }
0x7f2: {  	v59 =	vmul.f32 v50, v16;
	v18 =	vadd.f32 v19, v18;
	_ =	sdelay $0x1  }
0x7f3: {  	v60 =	vmul.f32 v51, v17;
	v18 =	vadd.f32 v59, v18;
	_ =	sdelay $0x1  }
0x7f4: {  	v18 =	vadd.f32 v60, v18;
	_ =	sdelay $0x1  }
0x7f5: {  	[tilespmem:$0x135C0] =	vst v18  }
0x7f6: {  	v18 =	vld [tilespmem:s22+$0xF0]  }
0x7f7: {  	v61 =	vld [tilespmem:s23+$0xF0];
	_ =	sdelay $0x1  }
0x7f8: {  	v62 =	vld [tilespmem:s24+$0xF0];
	_ =	sdelay $0x1  }
0x7f9: {  	v63 =	vld [tilespmem:s25+$0xF0]  }
0x7fa: {  	v12 =	vmul.f32 v18, v12;
	v14 =	vmul.f32 v61, v14;
	_ =	sdelay $0x1  }
0x7fb: {  	s31 =	rddreg [dreg:$0xb];
	v12 =	vadd.f32 v14, v12;
	v14 =	vmul.f32 v62, v16  }
0x7fc: {  	s2 =	sadd.s32 $0x1, s31  }
0x7fd: {  	p0 =	sne.s32 s2, $0x10;
	v12 =	vadd.f32 v14, v12;
	v14 =	vmul.f32 v63, v17  }
.Ltmp2:
0x7fe: {  	_ = 	snop;
	(pc) =	sbr.rel @p0 .LBB2_2-.Ltmp2, $4  }
0x7ff: {  	v12 =	vadd.f32 v14, v12  }
0x800: {  	s26 =	rddreg [dreg:$0x1]  }
0x801: {  	s29 =	simm.s32 $0x13648;
	s30 =	simm.s32 $0x104E0;
	s28 =	simm.s32 $0x62;
	[tilespmem:$0x135D0] =	vst v12  }
0x802: {  	[hbm4b:s26+s28] =	stream.indirect.scatter [tilespmem:s30], [sflag:$0x2], $0x80, s29, s28, $0xb8;
	[tilespmem:$0x13930] =	vst v63  }
0x803: {  	s3 =	simm.s32 $0x1  }
0x804: {  	_ =	swait.ge [sflag:s3], $0x3100  }
0x805: {  	[sflag:s3] =	ssyncset.done $0x0  }
0x806: {  	s4 =	simm.s32 $0x2;
	[sflag:s3] =	ssyncadd.s32 $0xFFFFCF00  }
0x807: {  	_ =	swait.ge [sflag:s4], $0x3100  }
0x808: {  	s1 =	rddreg [dreg:$0xa]  }
0x809: {  	s0 =	rddreg [dreg:$0x9];
	s1 =	sadd.s32 $0x1, s1  }
0x80a: {  	p0 =	sne.s32 s1, s0  }
.Ltmp3:
0x80b: {  	_ = 	snop;
	(pc) =	sbr.rel @p0 .LBB2_1-.Ltmp3, $3  }
0x80c: {  	_ =	sdelay $0x1  }
0x80d: {  	[sflag:s4] =	ssyncset.done $0x0  }
0x80e: {  	[sflag:s4] =	ssyncadd.s32 $0xFFFFCF00  }
0x80f: {  	_ =	sfence.sel $0x180000  }
0x810: {  	[bflag:$0x0] =	sbarrier.arrive $0xFFFF  }
0x811: {  	_ =	strace $0x90000047  }
0x812: {  	s0 =	stileid.u32;
	[bflag:$0x2] =	sbarrier.arrive $0xFFFF  }
0x813: {  	p0 =	sne.s32 s0, $0x0;
	s0 =	rddreg [dreg:$0x2]  }
0x814: {  	s0 =	sadd.s32 @!p0 $0x100000, s0  }
0x815: {  	[sflag:s0] =	ssyncadd.tile.s32 @!p0 $0x1;
	_ =	shalt  }
.Lfunc_end2:
_tile_overlayer_lowered:
.L_overlay_start_2:
0x816: {  	(tag) =	ssettag $0x2  }
0x817: {  	s0 =	rddreg [dreg:$0x0];
	s2 =	stileid.u32  }
0x818: {  	s1 =	rddreg [dreg:$0x1];
	p0 =	sne.s32 s2, $0x0  }
0x819: {  	s3 =	rddreg [dreg:$0x2];
	[bflag:$0x3] =	sbarrier.arrive $0xFFFF;
	s2 =	simm.s32 @!p0 $0x1C03  }
0x81a: {  	[timem:s3], [sflag:s2] =	dma.local @!p0 [hbm:s0], s1  }
0x81b: {  	s0 =	simm.s32 @!p0 $0x3  }
0x81c: {  	_ =	swait.ge @!p0 [sflag:s0], s1  }
0x81d: {  	s1 =	ssub.s32 @!p0 $0x0, s1;
	[sflag:s0] =	ssyncset.done @!p0 $0x0  }
0x81e: {  	[sflag:s0] =	ssyncadd.s32 @!p0 s1  }
0x81f: {  	[bflag:$0x3] =	sbarrier.arrive $0xFFFF  }
0x820: {  	_ =	shalt  }

</sc_bundles>
